<compile_context>
chip_gen: v7x
topology: tpu7x:2x2x1
jax: 0.10.2.dev20260603
libtpu: 0.0.44.dev20260713+nightly
codegen_flags: <defaults>
</compile_context>

<pallas_src>
import functools

import jax
import jax.numpy as jnp
from jax import lax
from jax.experimental import pallas as pl
from jax.experimental.pallas import tpu as pltpu
from jax.experimental.pallas import tpu_sc as plsc

D_MIN = 0.001
BIG = 3e38

B = 4
NX = 256
IMG = 224
NSUB = 16
WPB = 8
ROWS = IMG // WPB
VPR = IMG // 16
BINS = 272
CPAD = 528
NCELL = 1024
RLO = NCELL + 32


def _chamfer_body(cu_hbm, tp_hbm, out_hbm, cu_all, cu_v, cs_v, cpad_v, rlo_v,
                  y_v, hi_v, lo_v, buf_v, below_v, st_v, sml_v, out_v,
                  sem, val_sh, rnk_sh, hi_sh, lo_sh, st_sh):
    c = lax.axis_index("c")
    s = lax.axis_index("s")
    batch = c * 2 + s // WPB
    chunk = s % WPB

    g3 = 24 + jnp.bitwise_and(chunk, 3)
    dmas = [
        pltpu.async_copy(
            tp_hbm.at[batch, pl.ds(g * 8, 8), :],
            y_v.at[pl.ds(i * 8, 8), :], sem)
        for i, g in enumerate((chunk, chunk + 8, chunk + 16, g3))
    ]
    pltpu.sync_copy(cu_hbm, cu_all)

    lane = lax.iota(jnp.int32, 16)
    zeros_i = jnp.zeros((16,), jnp.int32)
    zeros_f = jnp.zeros((16,), jnp.float32)
    ones_i = jnp.full((16,), 1, jnp.int32)
    neg_big = jnp.full((16,), -BIG, jnp.float32)
    pos_big = jnp.full((16,), BIG, jnp.float32)

    for ch in range(NX // 16):
        cu_v[pl.ds(ch * 16, 16)] = cu_all[batch, pl.ds(ch * 16, 16)]

    g0_idx = chunk * 32 + lane
    g1_idx = g0_idx + 16
    a0 = plsc.load_gather(cu_v, [g0_idx])
    a1 = plsc.load_gather(cu_v, [g1_idx])

    def rank_step(t, carry):
        r0, r1 = carry
        for d in range(0, NX, NX // 4):
            i0 = jnp.bitwise_and(g0_idx + (t + d), NX - 1)
            i1 = jnp.bitwise_and(g1_idx + (t + d), NX - 1)
            w0 = plsc.load_gather(cu_v, [i0])
            w1 = plsc.load_gather(cu_v, [i1])
            c0 = jnp.logical_or(w0 < a0,
                                jnp.logical_and(w0 == a0, i0 < g0_idx))
            c1 = jnp.logical_or(w1 < a1,
                                jnp.logical_and(w1 == a1, i1 < g1_idx))
            r0 = r0 + jnp.where(c0, ones_i, zeros_i)
            r1 = r1 + jnp.where(c1, ones_i, zeros_i)
        return r0, r1

    r0, r1 = lax.fori_loop(1, NX // 4 + 1, rank_step, (zeros_i, zeros_i))

    sml_v[pl.ds(0, 16)] = a0
    sml_v[pl.ds(16, 16)] = a1
    pltpu.sync_copy(sml_v.at[pl.ds(0, 32)], val_sh.at[pl.ds(s * 32, 32)])
    sml_v[pl.ds(0, 16)] = plsc.bitcast(r0, jnp.float32)
    sml_v[pl.ds(16, 16)] = plsc.bitcast(r1, jnp.float32)
    pltpu.sync_copy(sml_v.at[pl.ds(0, 32)], rnk_sh.at[pl.ds(s * 32, 32)])
    plsc.subcore_barrier()

    grp = (s // WPB) * WPB * 32
    pltpu.sync_copy(val_sh.at[pl.ds(grp, NX)], buf_v.at[pl.ds(0, NX)])
    pltpu.sync_copy(rnk_sh.at[pl.ds(grp, NX)], buf_v.at[pl.ds(NX, NX)])
    for ch in range(NX // 16):
        vals = buf_v[pl.ds(ch * 16, 16)]
        rnks = plsc.bitcast(buf_v[pl.ds(NX + ch * 16, 16)], jnp.int32)
        plsc.store_scatter(cs_v, [rnks], vals)

    def build_cpad(i, _):
        gidx = i * 16 + lane
        src = jnp.minimum(jnp.maximum(gidx - 1, 0), NX - 1)
        g = plsc.load_gather(cs_v, [src])
        v = jnp.where(gidx == 0, neg_big, jnp.where(gidx >= NX + 1, pos_big, g))
        cpad_v[pl.ds(pl.multiple_of(i * 16, 16), 16)] = v
        return 0

    lax.fori_loop(0, CPAD // 16, build_cpad, 0)

    def zero_rlo(i, _):
        rlo_v[pl.ds(pl.multiple_of(i * 16, 16), 16)] = zeros_i
        return 0

    lax.fori_loop(0, RLO // 16, zero_rlo, 0)
    for ch in range(NX // 16):
        cc = cs_v[pl.ds(ch * 16, 16)]
        q = jnp.minimum(jnp.maximum(
            (cc * float(NCELL)).astype(jnp.int32), 0), NCELL - 1)
        plsc.addupdate_scatter(rlo_v, [q], ones_i)
    last_idx = jnp.full((16,), 15, jnp.int32)

    def psum_step(i, st):
        carry, m = st
        h = rlo_v[pl.ds(pl.multiple_of(i * 16, 16), 16)]
        incl = plsc.cumsum(h)
        rlo_v[pl.ds(pl.multiple_of(i * 16, 16), 16)] = incl - h + carry
        last = incl.at[last_idx].get(mode="promise_in_bounds")
        return carry + last, jnp.maximum(m, h)

    _, maxh = lax.fori_loop(0, RLO // 16, psum_step, (zeros_i, zeros_i))
    maxh_s = lax.reduce_max(maxh, axes=(0,))

    k_start = lax.while_loop(
        lambda k: k < maxh_s + 1, lambda k: k * 2, jnp.int32(1)) // 2
    kvecs = [jnp.full((16,), kc, jnp.int32) for kc in (4, 2, 1)]

    def init_bins(i, _):
        for u in range(16):
            off = pl.multiple_of(i * 256 + u * 16, 16)
            hi_v[pl.ds(off, 16)] = neg_big
            lo_v[pl.ds(off, 16)] = pos_big
        return 0

    lax.fori_loop(0, NSUB * BINS // 256, init_bins, 0)

    row_base = lane * BINS
    for d in dmas:
        d.wait()

    def point_pass(j, carry):
        acc, cnt = carry
        row = j + jnp.where(jnp.logical_and(j >= 24, chunk >= 4), 4, 0)
        ys = [y_v[row, pl.ds(t * 16, 16)] for t in range(VPR)]
        cells = [(y * float(NCELL)).astype(jnp.int32) for y in ys]
        rs = [plsc.load_gather(rlo_v, [cell]) for cell in cells]

        def search_head(state):
            k, r_list = state
            kv = jnp.broadcast_to(k, (16,))
            new_r = []
            for t in range(VPR):
                probe = plsc.load_gather(cpad_v, [r_list[t] + kv])
                new_r.append(
                    r_list[t] + jnp.where(probe <= ys[t], kv, zeros_i))
            return k // 2, tuple(new_r)

        k_head, rs = lax.while_loop(lambda st: st[0] >= 8, search_head,
                                    (k_start, tuple(rs)))
        rs = list(rs)

        for kv in kvecs:
            for t in range(VPR):
                probe = plsc.load_gather(cpad_v, [rs[t] + kv])
                take = probe <= ys[t]
                rs[t] = rs[t] + jnp.where(take, kv, zeros_i)

        for t in range(VPR):
            y, r = ys[t], rs[t]
            below = plsc.load_gather(cpad_v, [r])
            above = plsc.load_gather(cpad_v, [r + 1])
            valid = y >= D_MIN
            d = jnp.minimum(y - below, above - y)
            acc = acc + jnp.where(valid, d * d, zeros_f)
            cnt = cnt + jnp.where(valid, 1.0, zeros_f)
            hi_idx = row_base + r
            cur_hi = plsc.load_gather(hi_v, [hi_idx])
            plsc.store_scatter(hi_v, [hi_idx], jnp.maximum(cur_hi, y),
                               mask=valid)
            cur_lo = plsc.load_gather(lo_v, [hi_idx])
            plsc.store_scatter(lo_v, [hi_idx], jnp.minimum(cur_lo, y),
                               mask=valid)
        return acc, cnt

    acc, cnt = lax.fori_loop(0, ROWS, point_pass, (zeros_f, zeros_f))

    def fold_rows(ch, _):
        base = pl.multiple_of(ch * 16, 16)
        h = hi_v[pl.ds(base, 16)]
        l = lo_v[pl.ds(base, 16)]
        for w in range(1, NSUB):
            off = pl.multiple_of(w * BINS + ch * 16, 16)
            h = jnp.maximum(h, hi_v[pl.ds(off, 16)])
            l = jnp.minimum(l, lo_v[pl.ds(off, 16)])
        hi_v[pl.ds(base, 16)] = h
        lo_v[pl.ds(base, 16)] = l
        return 0

    lax.fori_loop(0, BINS // 16, fold_rows, 0)

    st_v[pl.ds(0, 16)] = acc
    st_v[pl.ds(16, 16)] = cnt

    pltpu.sync_copy(hi_v.at[pl.ds(0, BINS)], hi_sh.at[pl.ds(s * BINS, BINS)])
    pltpu.sync_copy(lo_v.at[pl.ds(0, BINS)], lo_sh.at[pl.ds(s * BINS, BINS)])
    pltpu.sync_copy(st_v, st_sh.at[pl.ds(s * 32, 32)])
    plsc.subcore_barrier()

    @pl.when(jnp.logical_or(s == 0, s == WPB))
    def _finalize():
        g0 = s
        pltpu.sync_copy(hi_sh.at[pl.ds(g0 * BINS, WPB * BINS)], buf_v)

        def fold_hi(ch, _):
            base = pl.multiple_of(ch * 16, 16)
            h = buf_v[pl.ds(base, 16)]
            for w in range(1, WPB):
                h = jnp.maximum(
                    h, buf_v[pl.ds(pl.multiple_of(w * BINS, 16) + base, 16)])
            hi_v[pl.ds(base, 16)] = h
            return 0

        lax.fori_loop(0, BINS // 16, fold_hi, 0)
        pltpu.sync_copy(lo_sh.at[pl.ds(g0 * BINS, WPB * BINS)], buf_v)

        def fold_lo(ch, _):
            base = pl.multiple_of(ch * 16, 16)
            l = buf_v[pl.ds(base, 16)]
            for w in range(1, WPB):
                l = jnp.minimum(
                    l, buf_v[pl.ds(pl.multiple_of(w * BINS, 16) + base, 16)])
            lo_v[pl.ds(base, 16)] = l
            return 0

        lax.fori_loop(0, BINS // 16, fold_lo, 0)
        pltpu.sync_copy(st_sh.at[pl.ds(g0 * 32, WPB * 32)],
                        buf_v.at[pl.ds(0, WPB * 32)])
        sv_acc = buf_v[pl.ds(0, 16)]
        sv_cnt = buf_v[pl.ds(16, 16)]
        for w in range(1, WPB):
            sv_acc = sv_acc + buf_v[pl.ds(w * 32, 16)]
            sv_cnt = sv_cnt + buf_v[pl.ds(w * 32 + 16, 16)]

        def prefix_step(ch, carry):
            v = hi_v[pl.ds(pl.multiple_of(ch * 16, 16), 16)]
            pm = jnp.maximum(plsc.cummax(v), carry)
            below_v[pl.ds(pl.multiple_of(ch * 16, 16), 16)] = pm
            return jnp.broadcast_to(lax.reduce_max(pm, axes=(0,)), (16,))

        lax.fori_loop(0, NX // 16, prefix_step, neg_big)

        def suffix_step(i, carry):
            accx, sufc = carry
            ch = NX // 16 - 1 - i
            base = pl.multiple_of(ch * 16, 16)
            v = lo_v[pl.ds(base + 1, 16)]
            rcm = plsc.cummax(-lax.rev(v, (0,)))
            suf = jnp.minimum(-lax.rev(rcm, (0,)), sufc)
            cvec = cs_v[pl.ds(base, 16)]
            bvec = below_v[pl.ds(base, 16)]
            dx = jnp.minimum(cvec - bvec, suf - cvec)
            accx = accx + dx * dx
            sufc = jnp.broadcast_to(lax.reduce_min(suf, axes=(0,)), (16,))
            return accx, sufc

        accx, _ = lax.fori_loop(0, NX // 16, suffix_step, (zeros_f, pos_big))

        chamx = jnp.broadcast_to(lax.reduce_sum(accx, axes=(0,)), (16,))
        chamy = jnp.broadcast_to(lax.reduce_sum(sv_acc, axes=(0,)), (16,))
        ycnt = jnp.broadcast_to(lax.reduce_sum(sv_cnt, axes=(0,)), (16,))
        val = (chamx * (1.0 / NX) + chamy / ycnt) * (1.0 / B)
        out_v[...] = jnp.where(lane == 0, val, zeros_f)
        pltpu.sync_copy(out_v, out_hbm.at[pl.ds(batch * 16, 16)])


@functools.partial(
    pl.kernel,
    out_type=jax.ShapeDtypeStruct((B * 16,), jnp.float32),
    mesh=plsc.VectorSubcoreMesh(core_axis_name="c", subcore_axis_name="s"),
    compiler_params=pltpu.CompilerParams(needs_layout_passes=False),
    scratch_types=dict(
        cu_all=pltpu.VMEM((B, NX), jnp.float32),
        cu_v=pltpu.VMEM((NX,), jnp.float32),
        cs_v=pltpu.VMEM((NX,), jnp.float32),
        cpad_v=pltpu.VMEM((CPAD,), jnp.float32),
        rlo_v=pltpu.VMEM((RLO,), jnp.int32),
        y_v=pltpu.VMEM((32, IMG), jnp.float32),
        hi_v=pltpu.VMEM((NSUB * BINS,), jnp.float32),
        lo_v=pltpu.VMEM((NSUB * BINS,), jnp.float32),
        buf_v=pltpu.VMEM((WPB * BINS,), jnp.float32),
        below_v=pltpu.VMEM((NX,), jnp.float32),
        st_v=pltpu.VMEM((32,), jnp.float32),
        sml_v=pltpu.VMEM((32,), jnp.float32),
        out_v=pltpu.VMEM((16,), jnp.float32),
        sem=pltpu.SemaphoreType.DMA,
        val_sh=pltpu.VMEM_SHARED((NSUB * 32,), jnp.float32),
        rnk_sh=pltpu.VMEM_SHARED((NSUB * 32,), jnp.float32),
        hi_sh=pltpu.VMEM_SHARED((NSUB * BINS,), jnp.float32),
        lo_sh=pltpu.VMEM_SHARED((NSUB * BINS,), jnp.float32),
        st_sh=pltpu.VMEM_SHARED((NSUB * 32,), jnp.float32),
    ),
)
def _chamfer_sc(cu_hbm, tp_hbm, out_hbm, *, cu_all, cu_v, cs_v, cpad_v, rlo_v,
                y_v, hi_v, lo_v, buf_v, below_v, st_v, sml_v, out_v,
                sem, val_sh, rnk_sh, hi_sh, lo_sh, st_sh):
    _chamfer_body(cu_hbm, tp_hbm, out_hbm, cu_all, cu_v, cs_v, cpad_v, rlo_v,
                  y_v, hi_v, lo_v, buf_v, below_v, st_v, sml_v, out_v,
                  sem, val_sh, rnk_sh, hi_sh, lo_sh, st_sh)


def kernel(bin_centers, target):
    if bin_centers.ndim == 1:
        bin_centers = bin_centers[None, :]
    cu = bin_centers.astype(jnp.float32)
    tp = target.astype(jnp.float32)
    out = _chamfer_sc(cu, tp)
    return jnp.sum(out)

# --- scband reference (transcript-rebuilt; emitter-appended) ---
"""Pipeline reference for scband-bins-chamfer-loss-4389456577345 (READ-ONLY COPY).

The authoritative reference and input builder live on the scoring server;
editing this copy changes nothing except your own understanding.
"""

import jax, jax.numpy as jnp
import numpy as np

D_MIN = 0.001

def setup_inputs(seed: int = 0) -> dict:
    key = jax.random.key(seed)
    k1, k2 = jax.random.split(key)
    bin_centers = jax.random.uniform(k1, (4, 256), dtype=jnp.float32)
    target = jax.random.uniform(k2, (4, 224, 224), dtype=jnp.float32)
    return {"bin_centers": bin_centers, "target": target}

def reference(bin_centers, target):
    # bin_centers: [B, Nx] -> points [B, Nx, 1]
    if bin_centers.ndim == 1:
        x = bin_centers[None, :, None]
    else:
        x = bin_centers[:, :, None]
    B = target.shape[0]
    tp = target.reshape(B, -1).astype(jnp.float32)  # [B, Ny]
    mask = tp >= D_MIN  # valid target points (equivalent to ragged compaction + y_lengths)
    y = tp[:, :, None]  # [B, Ny, 1]
    # squared pairwise distances [B, Nx, Ny]
    d2 = (x - jnp.swapaxes(y, 1, 2)) ** 2
    inf = jnp.asarray(jnp.inf, dtype=jnp.float32)
    # cham_x: for each bin center, nearest VALID target point
    d2_masked = jnp.where(mask[:, None, :], d2, inf)
    cham_x = jnp.min(d2_masked, axis=2)  # [B, Nx]
    # cham_y: for each target point, nearest bin center (mask invalid later)
    cham_y = jnp.min(d2, axis=1)  # [B, Ny]
    y_lengths = jnp.sum(mask, axis=1).astype(jnp.float32)  # [B]
    Nx = x.shape[1]
    # pytorch3d chamfer_distance: point_reduction='mean', batch_reduction='mean'
    cham_x_b = jnp.sum(cham_x, axis=1) / jnp.float32(Nx)
    cham_y_b = jnp.sum(jnp.where(mask, cham_y, 0.0), axis=1) / y_lengths
    loss = jnp.mean(cham_x_b) + jnp.mean(cham_y_b)
    return loss

if __name__ == "__main__":
    import jax
    _d = setup_inputs()
    print(jax.jit(kernel)(*tuple(_d.values())))

</pallas_src>

<mosaic_0001>
#map = affine_map<(d0, d1) -> (0, 0)>
#map1 = affine_map<(d0, d1) -> (0, 0, 0)>
#map2 = affine_map<(d0, d1) -> (0)>
module attributes {stable_mosaic.version = 14 : i64} {
  func.func @_chamfer_sc(%arg0: i32, %arg1: i32, %arg2: memref<4x256xf32, #tpu.memory_space<hbm>>, %arg3: memref<4x224x224xf32, #tpu.memory_space<hbm>>, %arg4: memref<64xf32, #tpu.memory_space<hbm>>, %arg5: memref<256xf32, #tpu.memory_space<vmem>>, %arg6: memref<2176xf32, #tpu.memory_space<vmem>>, %arg7: memref<528xf32, #tpu.memory_space<vmem>>, %arg8: memref<256xf32, #tpu.memory_space<vmem>>, %arg9: memref<4x256xf32, #tpu.memory_space<vmem>>, %arg10: memref<256xf32, #tpu.memory_space<vmem>>, %arg11: memref<4352xf32, #tpu.memory_space<vmem_shared>>, %arg12: memref<4352xf32, #tpu.memory_space<vmem>>, %arg13: memref<4352xf32, #tpu.memory_space<vmem_shared>>, %arg14: memref<4352xf32, #tpu.memory_space<vmem>>, %arg15: memref<16xf32, #tpu.memory_space<vmem>>, %arg16: memref<1056xi32, #tpu.memory_space<vmem>>, %arg17: memref<512xf32, #tpu.memory_space<vmem_shared>>, %arg18: memref<!tpu.dma_semaphore, #tpu.memory_space<semaphore_mem>>, %arg19: memref<32xf32, #tpu.memory_space<vmem>>, %arg20: memref<512xf32, #tpu.memory_space<vmem_shared>>, %arg21: memref<32xf32, #tpu.memory_space<vmem>>, %arg22: memref<512xf32, #tpu.memory_space<vmem_shared>>, %arg23: memref<32x224xf32, #tpu.memory_space<vmem>>) attributes {dimension_semantics = [#tpu.dimension_semantics<core_parallel>, #tpu.dimension_semantics<subcore_parallel>], iteration_bounds = array<i64: 2, 16>, scalar_prefetch = 0 : i64, scratch_operands = 19 : i64, tpu.core_type = #tpu.core_type<sc_vector_subcore>, window_params = [{transform_indices = #map}, {transform_indices = #map1}, {transform_indices = #map2}]} {
    %mul3A = arith.constant 2 : i32
    %mul3A_0 = arith.muli %arg0, %mul3A : i32
    %jit3A = arith.constant 8 : i32
    %div3A = arith.divsi %arg1, %jit3A : i32
    %sign3A = arith.constant 0 : i32
    %sign3A_1 = arith.cmpi sgt, %arg1, %sign3A : i32
    %sign3A_2 = arith.extui %sign3A_1 : i1 to i32
    %sign3A_3 = arith.constant 0 : i32
    %sign3A_4 = arith.cmpi slt, %arg1, %sign3A_3 : i32
    %sign3A_5 = arith.extui %sign3A_4 : i1 to i32
    %sign3A_6 = arith.subi %sign3A_2, %sign3A_5 : i32
    %sign3A_7 = arith.constant 0 : i32
    %sign3A_8 = arith.cmpi sgt, %jit3A, %sign3A_7 : i32
    %sign3A_9 = arith.extui %sign3A_8 : i1 to i32
    %sign3A_10 = arith.constant 0 : i32
    %sign3A_11 = arith.cmpi slt, %jit3A, %sign3A_10 : i32
    %sign3A_12 = arith.extui %sign3A_11 : i1 to i32
    %sign3A_13 = arith.subi %sign3A_9, %sign3A_12 : i32
    %ne3A = arith.cmpi ne, %sign3A_6, %sign3A_13 : i32
    %rem3A = arith.remsi %arg1, %jit3A : i32
    %ne3A_14 = arith.constant 0 : i32
    %ne3A_15 = arith.cmpi ne, %rem3A, %ne3A_14 : i32
    %and3A = arith.andi %ne3A, %ne3A_15 : i1
    %sub3A = arith.constant 1 : i32
    %sub3A_16 = arith.subi %div3A, %sub3A : i32
    %select_n3A = arith.select %and3A, %sub3A_16, %div3A : i32
    %add3A = arith.addi %mul3A_0, %select_n3A : i32
    %jit3A_17 = arith.constant 8 : i32
    %eq3A = arith.constant 0 : i32
    %eq3A_18 = arith.cmpi eq, %jit3A_17, %eq3A : i32
    %jit3A_19 = arith.constant 1 : i32
    %select_n3A_20 = arith.select %eq3A_18, %jit3A_19, %jit3A_17 : i32
    %rem3A_21 = arith.remsi %arg1, %select_n3A_20 : i32
    %ne3A_22 = arith.constant 0 : i32
    %ne3A_23 = arith.cmpi ne, %rem3A_21, %ne3A_22 : i32
    %lt3A = arith.constant 0 : i32
    %lt3A_24 = arith.cmpi slt, %rem3A_21, %lt3A : i32
    %lt3A_25 = arith.constant 0 : i32
    %lt3A_26 = arith.cmpi slt, %select_n3A_20, %lt3A_25 : i32
    %ne3A_27 = arith.xori %lt3A_24, %lt3A_26 : i1
    %and3A_28 = arith.andi %ne3A_27, %ne3A_23 : i1
    %add3A_29 = arith.addi %rem3A_21, %select_n3A_20 : i32
    %select_n3A_30 = arith.select %and3A_28, %add3A_29, %rem3A_21 : i32
    %and3A_31 = arith.constant 3 : i32
    %and3A_32 = arith.andi %select_n3A_30, %and3A_31 : i32
    %add3A_33 = arith.constant 24 : i32
    %add3A_34 = arith.addi %add3A_33, %and3A_32 : i32
    %add3A_35 = arith.constant 8 : i32
    %add3A_36 = arith.addi %select_n3A_30, %add3A_35 : i32
    %add3A_37 = arith.constant 16 : i32
    %add3A_38 = arith.addi %select_n3A_30, %add3A_37 : i32
    %mul3A_39 = arith.constant 8 : i32
    %mul3A_40 = arith.muli %select_n3A_30, %mul3A_39 : i32
    %dma_start3A = arith.constant 0 : i32
    %dma_start3A_41 = arith.constant 0 : i32
    %dma_start3A_42 = tpu.memref_slice %arg23[%dma_start3A, %dma_start3A_41] : memref<32x224xf32, #tpu.memory_space<vmem>> -> memref<8x224xf32, #tpu.memory_space<vmem>>
    %dma_start3A_43 = arith.constant 0 : i32
    %dma_start3A_44 = tpu.memref_slice %arg3[%add3A, %mul3A_40, %dma_start3A_43] : memref<4x224x224xf32, #tpu.memory_space<hbm>> -> memref<1x8x224xf32, #tpu.memory_space<hbm>>
    %dma_start3A_45 = tpu.memref_squeeze %dma_start3A_44 : memref<1x8x224xf32, #tpu.memory_space<hbm>> -> memref<8x224xf32, #tpu.memory_space<hbm>>
    %dma_start3A_46 = arith.constant 0 : i32
    %dma_start3A_47 = arith.constant 0 : i32
    %dma_start3A_48 = tpu.memref_slice %arg23[%dma_start3A_46, %dma_start3A_47] : memref<32x224xf32, #tpu.memory_space<vmem>> -> memref<8x224xf32, #tpu.memory_space<vmem>>
    %dma_start3A_49 = arith.constant 0 : i32
    %dma_start3A_50 = tpu.memref_slice %arg3[%add3A, %mul3A_40, %dma_start3A_49] : memref<4x224x224xf32, #tpu.memory_space<hbm>> -> memref<1x8x224xf32, #tpu.memory_space<hbm>>
    %dma_start3A_51 = tpu.memref_squeeze %dma_start3A_50 : memref<1x8x224xf32, #tpu.memory_space<hbm>> -> memref<8x224xf32, #tpu.memory_space<hbm>>
    tpu.enqueue_dma source(%dma_start3A_51 : memref<8x224xf32, #tpu.memory_space<hbm>>) target(%dma_start3A_48 : memref<8x224xf32, #tpu.memory_space<vmem>>) target_semaphore(%arg18 : memref<!tpu.dma_semaphore, #tpu.memory_space<semaphore_mem>>)
    %mul3A_52 = arith.constant 8 : i32
    %mul3A_53 = arith.muli %add3A_36, %mul3A_52 : i32
    %dma_start3A_54 = arith.constant 8 : i32
    %dma_start3A_55 = arith.constant 0 : i32
    %dma_start3A_56 = tpu.memref_slice %arg23[%dma_start3A_54, %dma_start3A_55] : memref<32x224xf32, #tpu.memory_space<vmem>> -> memref<8x224xf32, #tpu.memory_space<vmem>>
    %dma_start3A_57 = arith.constant 0 : i32
    %dma_start3A_58 = tpu.memref_slice %arg3[%add3A, %mul3A_53, %dma_start3A_57] : memref<4x224x224xf32, #tpu.memory_space<hbm>> -> memref<1x8x224xf32, #tpu.memory_space<hbm>>
    %dma_start3A_59 = tpu.memref_squeeze %dma_start3A_58 : memref<1x8x224xf32, #tpu.memory_space<hbm>> -> memref<8x224xf32, #tpu.memory_space<hbm>>
    %dma_start3A_60 = arith.constant 8 : i32
    %dma_start3A_61 = arith.constant 0 : i32
    %dma_start3A_62 = tpu.memref_slice %arg23[%dma_start3A_60, %dma_start3A_61] : memref<32x224xf32, #tpu.memory_space<vmem>> -> memref<8x224xf32, #tpu.memory_space<vmem>>
    %dma_start3A_63 = arith.constant 0 : i32
    %dma_start3A_64 = tpu.memref_slice %arg3[%add3A, %mul3A_53, %dma_start3A_63] : memref<4x224x224xf32, #tpu.memory_space<hbm>> -> memref<1x8x224xf32, #tpu.memory_space<hbm>>
    %dma_start3A_65 = tpu.memref_squeeze %dma_start3A_64 : memref<1x8x224xf32, #tpu.memory_space<hbm>> -> memref<8x224xf32, #tpu.memory_space<hbm>>
    tpu.enqueue_dma source(%dma_start3A_65 : memref<8x224xf32, #tpu.memory_space<hbm>>) target(%dma_start3A_62 : memref<8x224xf32, #tpu.memory_space<vmem>>) target_semaphore(%arg18 : memref<!tpu.dma_semaphore, #tpu.memory_space<semaphore_mem>>)
    %mul3A_66 = arith.constant 8 : i32
    %mul3A_67 = arith.muli %add3A_38, %mul3A_66 : i32
    %dma_start3A_68 = arith.constant 16 : i32
    %dma_start3A_69 = arith.constant 0 : i32
    %dma_start3A_70 = tpu.memref_slice %arg23[%dma_start3A_68, %dma_start3A_69] : memref<32x224xf32, #tpu.memory_space<vmem>> -> memref<8x224xf32, #tpu.memory_space<vmem>>
    %dma_start3A_71 = arith.constant 0 : i32
    %dma_start3A_72 = tpu.memref_slice %arg3[%add3A, %mul3A_67, %dma_start3A_71] : memref<4x224x224xf32, #tpu.memory_space<hbm>> -> memref<1x8x224xf32, #tpu.memory_space<hbm>>
    %dma_start3A_73 = tpu.memref_squeeze %dma_start3A_72 : memref<1x8x224xf32, #tpu.memory_space<hbm>> -> memref<8x224xf32, #tpu.memory_space<hbm>>
    %dma_start3A_74 = arith.constant 16 : i32
    %dma_start3A_75 = arith.constant 0 : i32
    %dma_start3A_76 = tpu.memref_slice %arg23[%dma_start3A_74, %dma_start3A_75] : memref<32x224xf32, #tpu.memory_space<vmem>> -> memref<8x224xf32, #tpu.memory_space<vmem>>
    %dma_start3A_77 = arith.constant 0 : i32
    %dma_start3A_78 = tpu.memref_slice %arg3[%add3A, %mul3A_67, %dma_start3A_77] : memref<4x224x224xf32, #tpu.memory_space<hbm>> -> memref<1x8x224xf32, #tpu.memory_space<hbm>>
    %dma_start3A_79 = tpu.memref_squeeze %dma_start3A_78 : memref<1x8x224xf32, #tpu.memory_space<hbm>> -> memref<8x224xf32, #tpu.memory_space<hbm>>
    tpu.enqueue_dma source(%dma_start3A_79 : memref<8x224xf32, #tpu.memory_space<hbm>>) target(%dma_start3A_76 : memref<8x224xf32, #tpu.memory_space<vmem>>) target_semaphore(%arg18 : memref<!tpu.dma_semaphore, #tpu.memory_space<semaphore_mem>>)
    %mul3A_80 = arith.constant 8 : i32
    %mul3A_81 = arith.muli %add3A_34, %mul3A_80 : i32
    %dma_start3A_82 = arith.constant 24 : i32
    %dma_start3A_83 = arith.constant 0 : i32
    %dma_start3A_84 = tpu.memref_slice %arg23[%dma_start3A_82, %dma_start3A_83] : memref<32x224xf32, #tpu.memory_space<vmem>> -> memref<8x224xf32, #tpu.memory_space<vmem>>
    %dma_start3A_85 = arith.constant 0 : i32
    %dma_start3A_86 = tpu.memref_slice %arg3[%add3A, %mul3A_81, %dma_start3A_85] : memref<4x224x224xf32, #tpu.memory_space<hbm>> -> memref<1x8x224xf32, #tpu.memory_space<hbm>>
    %dma_start3A_87 = tpu.memref_squeeze %dma_start3A_86 : memref<1x8x224xf32, #tpu.memory_space<hbm>> -> memref<8x224xf32, #tpu.memory_space<hbm>>
    %dma_start3A_88 = arith.constant 24 : i32
    %dma_start3A_89 = arith.constant 0 : i32
    %dma_start3A_90 = tpu.memref_slice %arg23[%dma_start3A_88, %dma_start3A_89] : memref<32x224xf32, #tpu.memory_space<vmem>> -> memref<8x224xf32, #tpu.memory_space<vmem>>
    %dma_start3A_91 = arith.constant 0 : i32
    %dma_start3A_92 = tpu.memref_slice %arg3[%add3A, %mul3A_81, %dma_start3A_91] : memref<4x224x224xf32, #tpu.memory_space<hbm>> -> memref<1x8x224xf32, #tpu.memory_space<hbm>>
    %dma_start3A_93 = tpu.memref_squeeze %dma_start3A_92 : memref<1x8x224xf32, #tpu.memory_space<hbm>> -> memref<8x224xf32, #tpu.memory_space<hbm>>
    tpu.enqueue_dma source(%dma_start3A_93 : memref<8x224xf32, #tpu.memory_space<hbm>>) target(%dma_start3A_90 : memref<8x224xf32, #tpu.memory_space<vmem>>) target_semaphore(%arg18 : memref<!tpu.dma_semaphore, #tpu.memory_space<semaphore_mem>>)
    "tpu.region"() ({
      %run_scoped3A = tpu.sem_alloc : memref<!tpu.dma_semaphore, #tpu.memory_space<semaphore_mem>>
      tpu.enqueue_dma source(%arg2 : memref<4x256xf32, #tpu.memory_space<hbm>>) target(%arg9 : memref<4x256xf32, #tpu.memory_space<vmem>>) target_semaphore(%run_scoped3A : memref<!tpu.dma_semaphore, #tpu.memory_space<semaphore_mem>>)
      tpu.wait_dma2 semaphore(%run_scoped3A : memref<!tpu.dma_semaphore, #tpu.memory_space<semaphore_mem>>) src(%arg2 : memref<4x256xf32, #tpu.memory_space<hbm>>) dst(%arg9 : memref<4x256xf32, #tpu.memory_space<vmem>>)
      tpu.yield
    }) : () -> ()
    %iota3A = tpu.iota {dimensions = array<i32: 0>} : vector<16xi32>
    %broadcast_in_dim3A = arith.constant 0 : i32
    %broadcast_in_dim3A_94 = vector.broadcast %broadcast_in_dim3A : i32 to vector<16xi32>
    %broadcast_in_dim3A_95 = arith.constant 0.000000e+00 : f32
    %broadcast_in_dim3A_96 = vector.broadcast %broadcast_in_dim3A_95 : f32 to vector<16xf32>
    %broadcast_in_dim3A_97 = arith.constant 1 : i32
    %broadcast_in_dim3A_98 = vector.broadcast %broadcast_in_dim3A_97 : i32 to vector<16xi32>
    %broadcast_in_dim3A_99 = arith.constant -3.000000e+38 : f32
    %broadcast_in_dim3A_100 = vector.broadcast %broadcast_in_dim3A_99 : f32 to vector<16xf32>
    %broadcast_in_dim3A_101 = arith.constant 3.000000e+38 : f32
    %broadcast_in_dim3A_102 = vector.broadcast %broadcast_in_dim3A_101 : f32 to vector<16xf32>
    %get3A = arith.index_cast %add3A : i32 to index
    %get3A_103 = arith.constant 0 : index
    %get3A_104 = tpu.vector_load %arg9[%get3A, %get3A_103] {strides = array<i32>} : memref<4x256xf32, #tpu.memory_space<vmem>>, vector<16xf32>,
    %swap3A = arith.constant 0 : index
    %swap3A_105 = tpu.vector_load %arg10[%swap3A] {strides = array<i32>} : memref<256xf32, #tpu.memory_space<vmem>>, vector<16xf32>,
    tpu.vector_store %arg10[%swap3A], %get3A_104 {strides = array<i32>} : memref<256xf32, #tpu.memory_space<vmem>>, vector<16xf32>,
    %get3A_106 = arith.index_cast %add3A : i32 to index
    %get3A_107 = arith.constant 16 : index
    %get3A_108 = tpu.vector_load %arg9[%get3A_106, %get3A_107] {strides = array<i32>} : memref<4x256xf32, #tpu.memory_space<vmem>>, vector<16xf32>,
    %swap3A_109 = arith.constant 16 : index
    %swap3A_110 = tpu.vector_load %arg10[%swap3A_109] {strides = array<i32>} : memref<256xf32, #tpu.memory_space<vmem>>, vector<16xf32>,
    tpu.vector_store %arg10[%swap3A_109], %get3A_108 {strides = array<i32>} : memref<256xf32, #tpu.memory_space<vmem>>, vector<16xf32>,
    %get3A_111 = arith.index_cast %add3A : i32 to index
    %get3A_112 = arith.constant 32 : index
    %get3A_113 = tpu.vector_load %arg9[%get3A_111, %get3A_112] {strides = array<i32>} : memref<4x256xf32, #tpu.memory_space<vmem>>, vector<16xf32>,
    %swap3A_114 = arith.constant 32 : index
    %swap3A_115 = tpu.vector_load %arg10[%swap3A_114] {strides = array<i32>} : memref<256xf32, #tpu.memory_space<vmem>>, vector<16xf32>,
    tpu.vector_store %arg10[%swap3A_114], %get3A_113 {strides = array<i32>} : memref<256xf32, #tpu.memory_space<vmem>>, vector<16xf32>,
    %get3A_116 = arith.index_cast %add3A : i32 to index
    %get3A_117 = arith.constant 48 : index
    %get3A_118 = tpu.vector_load %arg9[%get3A_116, %get3A_117] {strides = array<i32>} : memref<4x256xf32, #tpu.memory_space<vmem>>, vector<16xf32>,
    %swap3A_119 = arith.constant 48 : index
    %swap3A_120 = tpu.vector_load %arg10[%swap3A_119] {strides = array<i32>} : memref<256xf32, #tpu.memory_space<vmem>>, vector<16xf32>,
    tpu.vector_store %arg10[%swap3A_119], %get3A_118 {strides = array<i32>} : memref<256xf32, #tpu.memory_space<vmem>>, vector<16xf32>,
    %get3A_121 = arith.index_cast %add3A : i32 to index
    %get3A_122 = arith.constant 64 : index
    %get3A_123 = tpu.vector_load %arg9[%get3A_121, %get3A_122] {strides = array<i32>} : memref<4x256xf32, #tpu.memory_space<vmem>>, vector<16xf32>,
    %swap3A_124 = arith.constant 64 : index
    %swap3A_125 = tpu.vector_load %arg10[%swap3A_124] {strides = array<i32>} : memref<256xf32, #tpu.memory_space<vmem>>, vector<16xf32>,
    tpu.vector_store %arg10[%swap3A_124], %get3A_123 {strides = array<i32>} : memref<256xf32, #tpu.memory_space<vmem>>, vector<16xf32>,
    %get3A_126 = arith.index_cast %add3A : i32 to index
    %get3A_127 = arith.constant 80 : index
    %get3A_128 = tpu.vector_load %arg9[%get3A_126, %get3A_127] {strides = array<i32>} : memref<4x256xf32, #tpu.memory_space<vmem>>, vector<16xf32>,
    %swap3A_129 = arith.constant 80 : index
    %swap3A_130 = tpu.vector_load %arg10[%swap3A_129] {strides = array<i32>} : memref<256xf32, #tpu.memory_space<vmem>>, vector<16xf32>,
    tpu.vector_store %arg10[%swap3A_129], %get3A_128 {strides = array<i32>} : memref<256xf32, #tpu.memory_space<vmem>>, vector<16xf32>,
    %get3A_131 = arith.index_cast %add3A : i32 to index
    %get3A_132 = arith.constant 96 : index
    %get3A_133 = tpu.vector_load %arg9[%get3A_131, %get3A_132] {strides = array<i32>} : memref<4x256xf32, #tpu.memory_space<vmem>>, vector<16xf32>,
    %swap3A_134 = arith.constant 96 : index
    %swap3A_135 = tpu.vector_load %arg10[%swap3A_134] {strides = array<i32>} : memref<256xf32, #tpu.memory_space<vmem>>, vector<16xf32>,
    tpu.vector_store %arg10[%swap3A_134], %get3A_133 {strides = array<i32>} : memref<256xf32, #tpu.memory_space<vmem>>, vector<16xf32>,
    %get3A_136 = arith.index_cast %add3A : i32 to index
    %get3A_137 = arith.constant 112 : index
    %get3A_138 = tpu.vector_load %arg9[%get3A_136, %get3A_137] {strides = array<i32>} : memref<4x256xf32, #tpu.memory_space<vmem>>, vector<16xf32>,
    %swap3A_139 = arith.constant 112 : index
    %swap3A_140 = tpu.vector_load %arg10[%swap3A_139] {strides = array<i32>} : memref<256xf32, #tpu.memory_space<vmem>>, vector<16xf32>,
    tpu.vector_store %arg10[%swap3A_139], %get3A_138 {strides = array<i32>} : memref<256xf32, #tpu.memory_space<vmem>>, vector<16xf32>,
    %get3A_141 = arith.index_cast %add3A : i32 to index
    %get3A_142 = arith.constant 128 : index
    %get3A_143 = tpu.vector_load %arg9[%get3A_141, %get3A_142] {strides = array<i32>} : memref<4x256xf32, #tpu.memory_space<vmem>>, vector<16xf32>,
    %swap3A_144 = arith.constant 128 : index
    %swap3A_145 = tpu.vector_load %arg10[%swap3A_144] {strides = array<i32>} : memref<256xf32, #tpu.memory_space<vmem>>, vector<16xf32>,
    tpu.vector_store %arg10[%swap3A_144], %get3A_143 {strides = array<i32>} : memref<256xf32, #tpu.memory_space<vmem>>, vector<16xf32>,
    %get3A_146 = arith.index_cast %add3A : i32 to index
    %get3A_147 = arith.constant 144 : index
    %get3A_148 = tpu.vector_load %arg9[%get3A_146, %get3A_147] {strides = array<i32>} : memref<4x256xf32, #tpu.memory_space<vmem>>, vector<16xf32>,
    %swap3A_149 = arith.constant 144 : index
    %swap3A_150 = tpu.vector_load %arg10[%swap3A_149] {strides = array<i32>} : memref<256xf32, #tpu.memory_space<vmem>>, vector<16xf32>,
    tpu.vector_store %arg10[%swap3A_149], %get3A_148 {strides = array<i32>} : memref<256xf32, #tpu.memory_space<vmem>>, vector<16xf32>,
    %get3A_151 = arith.index_cast %add3A : i32 to index
    %get3A_152 = arith.constant 160 : index
    %get3A_153 = tpu.vector_load %arg9[%get3A_151, %get3A_152] {strides = array<i32>} : memref<4x256xf32, #tpu.memory_space<vmem>>, vector<16xf32>,
    %swap3A_154 = arith.constant 160 : index
    %swap3A_155 = tpu.vector_load %arg10[%swap3A_154] {strides = array<i32>} : memref<256xf32, #tpu.memory_space<vmem>>, vector<16xf32>,
    tpu.vector_store %arg10[%swap3A_154], %get3A_153 {strides = array<i32>} : memref<256xf32, #tpu.memory_space<vmem>>, vector<16xf32>,
    %get3A_156 = arith.index_cast %add3A : i32 to index
    %get3A_157 = arith.constant 176 : index
    %get3A_158 = tpu.vector_load %arg9[%get3A_156, %get3A_157] {strides = array<i32>} : memref<4x256xf32, #tpu.memory_space<vmem>>, vector<16xf32>,
    %swap3A_159 = arith.constant 176 : index
    %swap3A_160 = tpu.vector_load %arg10[%swap3A_159] {strides = array<i32>} : memref<256xf32, #tpu.memory_space<vmem>>, vector<16xf32>,
    tpu.vector_store %arg10[%swap3A_159], %get3A_158 {strides = array<i32>} : memref<256xf32, #tpu.memory_space<vmem>>, vector<16xf32>,
    %get3A_161 = arith.index_cast %add3A : i32 to index
    %get3A_162 = arith.constant 192 : index
    %get3A_163 = tpu.vector_load %arg9[%get3A_161, %get3A_162] {strides = array<i32>} : memref<4x256xf32, #tpu.memory_space<vmem>>, vector<16xf32>,
    %swap3A_164 = arith.constant 192 : index
    %swap3A_165 = tpu.vector_load %arg10[%swap3A_164] {strides = array<i32>} : memref<256xf32, #tpu.memory_space<vmem>>, vector<16xf32>,
    tpu.vector_store %arg10[%swap3A_164], %get3A_163 {strides = array<i32>} : memref<256xf32, #tpu.memory_space<vmem>>, vector<16xf32>,
    %get3A_166 = arith.index_cast %add3A : i32 to index
    %get3A_167 = arith.constant 208 : index
    %get3A_168 = tpu.vector_load %arg9[%get3A_166, %get3A_167] {strides = array<i32>} : memref<4x256xf32, #tpu.memory_space<vmem>>, vector<16xf32>,
    %swap3A_169 = arith.constant 208 : index
    %swap3A_170 = tpu.vector_load %arg10[%swap3A_169] {strides = array<i32>} : memref<256xf32, #tpu.memory_space<vmem>>, vector<16xf32>,
    tpu.vector_store %arg10[%swap3A_169], %get3A_168 {strides = array<i32>} : memref<256xf32, #tpu.memory_space<vmem>>, vector<16xf32>,
    %get3A_171 = arith.index_cast %add3A : i32 to index
    %get3A_172 = arith.constant 224 : index
    %get3A_173 = tpu.vector_load %arg9[%get3A_171, %get3A_172] {strides = array<i32>} : memref<4x256xf32, #tpu.memory_space<vmem>>, vector<16xf32>,
    %swap3A_174 = arith.constant 224 : index
    %swap3A_175 = tpu.vector_load %arg10[%swap3A_174] {strides = array<i32>} : memref<256xf32, #tpu.memory_space<vmem>>, vector<16xf32>,
    tpu.vector_store %arg10[%swap3A_174], %get3A_173 {strides = array<i32>} : memref<256xf32, #tpu.memory_space<vmem>>, vector<16xf32>,
    %get3A_176 = arith.index_cast %add3A : i32 to index
    %get3A_177 = arith.constant 240 : index
    %get3A_178 = tpu.vector_load %arg9[%get3A_176, %get3A_177] {strides = array<i32>} : memref<4x256xf32, #tpu.memory_space<vmem>>, vector<16xf32>,
    %swap3A_179 = arith.constant 240 : index
    %swap3A_180 = tpu.vector_load %arg10[%swap3A_179] {strides = array<i32>} : memref<256xf32, #tpu.memory_space<vmem>>, vector<16xf32>,
    tpu.vector_store %arg10[%swap3A_179], %get3A_178 {strides = array<i32>} : memref<256xf32, #tpu.memory_space<vmem>>, vector<16xf32>,
    %mul3A_181 = arith.constant 32 : i32
    %mul3A_182 = arith.muli %select_n3A_30, %mul3A_181 : i32
    %add3A_183 = vector.broadcast %mul3A_182 : i32 to vector<16xi32>
    %add3A_184 = arith.addi %add3A_183, %iota3A : vector<16xi32>
    %add3A_185 = arith.constant 16 : i32
    %add3A_186 = vector.broadcast %add3A_185 : i32 to vector<16xi32>
    %add3A_187 = arith.addi %add3A_184, %add3A_186 : vector<16xi32>
    %gather3A = tpu.vector_load_idx %arg10[%add3A_184] : memref<256xf32, #tpu.memory_space<vmem>>[vector<16xi32>], vector<16xf32>,
    %gather3A_188 = tpu.vector_load_idx %arg10[%add3A_187] : memref<256xf32, #tpu.memory_space<vmem>>[vector<16xi32>], vector<16xf32>,
    %scan3A = arith.constant 1 : i32
    %scan3A_189 = arith.constant 64 : i32
    %scan3A_190 = arith.addi %scan3A, %scan3A_189 : i32
    %scan3A_191 = arith.constant 1 : i32
    %scan3A_192:2 = scf.for %scan3A_651 = %scan3A to %scan3A_190 step %scan3A_191 iter_args(%scan3A_652 = %broadcast_in_dim3A_94, %scan3A_653 = %broadcast_in_dim3A_94) -> (vector<16xi32>, vector<16xi32>)  : i32 {
      %add3A_654 = arith.constant 0 : i32
      %add3A_655 = arith.addi %scan3A_651, %add3A_654 : i32
      %add3A_656 = vector.broadcast %add3A_655 : i32 to vector<16xi32>
      %add3A_657 = arith.addi %add3A_184, %add3A_656 : vector<16xi32>
      %and3A_658 = arith.constant 255 : i32
      %and3A_659 = vector.broadcast %and3A_658 : i32 to vector<16xi32>
      %and3A_660 = arith.andi %add3A_657, %and3A_659 : vector<16xi32>
      %add3A_661 = arith.constant 0 : i32
      %add3A_662 = arith.addi %scan3A_651, %add3A_661 : i32
      %add3A_663 = vector.broadcast %add3A_662 : i32 to vector<16xi32>
      %add3A_664 = arith.addi %add3A_187, %add3A_663 : vector<16xi32>
      %and3A_665 = arith.constant 255 : i32
      %and3A_666 = vector.broadcast %and3A_665 : i32 to vector<16xi32>
      %and3A_667 = arith.andi %add3A_664, %and3A_666 : vector<16xi32>
      %gather3A_668 = tpu.vector_load_idx %arg10[%and3A_660] : memref<256xf32, #tpu.memory_space<vmem>>[vector<16xi32>], vector<16xf32>,
      %gather3A_669 = tpu.vector_load_idx %arg10[%and3A_667] : memref<256xf32, #tpu.memory_space<vmem>>[vector<16xi32>], vector<16xf32>,
      %lt3A_670 = arith.cmpf olt, %gather3A_668, %gather3A : vector<16xf32>
      %eq3A_671 = arith.cmpf oeq, %gather3A_668, %gather3A : vector<16xf32>
      %lt3A_672 = arith.cmpi slt, %and3A_660, %add3A_184 : vector<16xi32>
      %and3A_673 = arith.andi %eq3A_671, %lt3A_672 : vector<16xi1>
      %or3A_674 = arith.ori %lt3A_670, %and3A_673 : vector<16xi1>
      %lt3A_675 = arith.cmpf olt, %gather3A_669, %gather3A_188 : vector<16xf32>
      %eq3A_676 = arith.cmpf oeq, %gather3A_669, %gather3A_188 : vector<16xf32>
      %lt3A_677 = arith.cmpi slt, %and3A_667, %add3A_187 : vector<16xi32>
      %and3A_678 = arith.andi %eq3A_676, %lt3A_677 : vector<16xi1>
      %or3A_679 = arith.ori %lt3A_675, %and3A_678 : vector<16xi1>
      %select_n3A_680 = arith.select %or3A_674, %broadcast_in_dim3A_98, %broadcast_in_dim3A_94 : vector<16xi1>, vector<16xi32>
      %add3A_681 = arith.addi %scan3A_652, %select_n3A_680 : vector<16xi32>
      %select_n3A_682 = arith.select %or3A_679, %broadcast_in_dim3A_98, %broadcast_in_dim3A_94 : vector<16xi1>, vector<16xi32>
      %add3A_683 = arith.addi %scan3A_653, %select_n3A_682 : vector<16xi32>
      %add3A_684 = arith.constant 64 : i32
      %add3A_685 = arith.addi %scan3A_651, %add3A_684 : i32
      %add3A_686 = vector.broadcast %add3A_685 : i32 to vector<16xi32>
      %add3A_687 = arith.addi %add3A_184, %add3A_686 : vector<16xi32>
      %and3A_688 = arith.constant 255 : i32
      %and3A_689 = vector.broadcast %and3A_688 : i32 to vector<16xi32>
      %and3A_690 = arith.andi %add3A_687, %and3A_689 : vector<16xi32>
      %add3A_691 = arith.constant 64 : i32
      %add3A_692 = arith.addi %scan3A_651, %add3A_691 : i32
      %add3A_693 = vector.broadcast %add3A_692 : i32 to vector<16xi32>
      %add3A_694 = arith.addi %add3A_187, %add3A_693 : vector<16xi32>
      %and3A_695 = arith.constant 255 : i32
      %and3A_696 = vector.broadcast %and3A_695 : i32 to vector<16xi32>
      %and3A_697 = arith.andi %add3A_694, %and3A_696 : vector<16xi32>
      %gather3A_698 = tpu.vector_load_idx %arg10[%and3A_690] : memref<256xf32, #tpu.memory_space<vmem>>[vector<16xi32>], vector<16xf32>,
      %gather3A_699 = tpu.vector_load_idx %arg10[%and3A_697] : memref<256xf32, #tpu.memory_space<vmem>>[vector<16xi32>], vector<16xf32>,
      %lt3A_700 = arith.cmpf olt, %gather3A_698, %gather3A : vector<16xf32>
      %eq3A_701 = arith.cmpf oeq, %gather3A_698, %gather3A : vector<16xf32>
      %lt3A_702 = arith.cmpi slt, %and3A_690, %add3A_184 : vector<16xi32>
      %and3A_703 = arith.andi %eq3A_701, %lt3A_702 : vector<16xi1>
      %or3A_704 = arith.ori %lt3A_700, %and3A_703 : vector<16xi1>
      %lt3A_705 = arith.cmpf olt, %gather3A_699, %gather3A_188 : vector<16xf32>
      %eq3A_706 = arith.cmpf oeq, %gather3A_699, %gather3A_188 : vector<16xf32>
      %lt3A_707 = arith.cmpi slt, %and3A_697, %add3A_187 : vector<16xi32>
      %and3A_708 = arith.andi %eq3A_706, %lt3A_707 : vector<16xi1>
      %or3A_709 = arith.ori %lt3A_705, %and3A_708 : vector<16xi1>
      %select_n3A_710 = arith.select %or3A_704, %broadcast_in_dim3A_98, %broadcast_in_dim3A_94 : vector<16xi1>, vector<16xi32>
      %add3A_711 = arith.addi %add3A_681, %select_n3A_710 : vector<16xi32>
      %select_n3A_712 = arith.select %or3A_709, %broadcast_in_dim3A_98, %broadcast_in_dim3A_94 : vector<16xi1>, vector<16xi32>
      %add3A_713 = arith.addi %add3A_683, %select_n3A_712 : vector<16xi32>
      %add3A_714 = arith.constant 128 : i32
      %add3A_715 = arith.addi %scan3A_651, %add3A_714 : i32
      %add3A_716 = vector.broadcast %add3A_715 : i32 to vector<16xi32>
      %add3A_717 = arith.addi %add3A_184, %add3A_716 : vector<16xi32>
      %and3A_718 = arith.constant 255 : i32
      %and3A_719 = vector.broadcast %and3A_718 : i32 to vector<16xi32>
      %and3A_720 = arith.andi %add3A_717, %and3A_719 : vector<16xi32>
      %add3A_721 = arith.constant 128 : i32
      %add3A_722 = arith.addi %scan3A_651, %add3A_721 : i32
      %add3A_723 = vector.broadcast %add3A_722 : i32 to vector<16xi32>
      %add3A_724 = arith.addi %add3A_187, %add3A_723 : vector<16xi32>
      %and3A_725 = arith.constant 255 : i32
      %and3A_726 = vector.broadcast %and3A_725 : i32 to vector<16xi32>
      %and3A_727 = arith.andi %add3A_724, %and3A_726 : vector<16xi32>
      %gather3A_728 = tpu.vector_load_idx %arg10[%and3A_720] : memref<256xf32, #tpu.memory_space<vmem>>[vector<16xi32>], vector<16xf32>,
      %gather3A_729 = tpu.vector_load_idx %arg10[%and3A_727] : memref<256xf32, #tpu.memory_space<vmem>>[vector<16xi32>], vector<16xf32>,
      %lt3A_730 = arith.cmpf olt, %gather3A_728, %gather3A : vector<16xf32>
      %eq3A_731 = arith.cmpf oeq, %gather3A_728, %gather3A : vector<16xf32>
      %lt3A_732 = arith.cmpi slt, %and3A_720, %add3A_184 : vector<16xi32>
      %and3A_733 = arith.andi %eq3A_731, %lt3A_732 : vector<16xi1>
      %or3A_734 = arith.ori %lt3A_730, %and3A_733 : vector<16xi1>
      %lt3A_735 = arith.cmpf olt, %gather3A_729, %gather3A_188 : vector<16xf32>
      %eq3A_736 = arith.cmpf oeq, %gather3A_729, %gather3A_188 : vector<16xf32>
      %lt3A_737 = arith.cmpi slt, %and3A_727, %add3A_187 : vector<16xi32>
      %and3A_738 = arith.andi %eq3A_736, %lt3A_737 : vector<16xi1>
      %or3A_739 = arith.ori %lt3A_735, %and3A_738 : vector<16xi1>
      %select_n3A_740 = arith.select %or3A_734, %broadcast_in_dim3A_98, %broadcast_in_dim3A_94 : vector<16xi1>, vector<16xi32>
      %add3A_741 = arith.addi %add3A_711, %select_n3A_740 : vector<16xi32>
      %select_n3A_742 = arith.select %or3A_739, %broadcast_in_dim3A_98, %broadcast_in_dim3A_94 : vector<16xi1>, vector<16xi32>
      %add3A_743 = arith.addi %add3A_713, %select_n3A_742 : vector<16xi32>
      %add3A_744 = arith.constant 192 : i32
      %add3A_745 = arith.addi %scan3A_651, %add3A_744 : i32
      %add3A_746 = vector.broadcast %add3A_745 : i32 to vector<16xi32>
      %add3A_747 = arith.addi %add3A_184, %add3A_746 : vector<16xi32>
      %and3A_748 = arith.constant 255 : i32
      %and3A_749 = vector.broadcast %and3A_748 : i32 to vector<16xi32>
      %and3A_750 = arith.andi %add3A_747, %and3A_749 : vector<16xi32>
      %add3A_751 = arith.constant 192 : i32
      %add3A_752 = arith.addi %scan3A_651, %add3A_751 : i32
      %add3A_753 = vector.broadcast %add3A_752 : i32 to vector<16xi32>
      %add3A_754 = arith.addi %add3A_187, %add3A_753 : vector<16xi32>
      %and3A_755 = arith.constant 255 : i32
      %and3A_756 = vector.broadcast %and3A_755 : i32 to vector<16xi32>
      %and3A_757 = arith.andi %add3A_754, %and3A_756 : vector<16xi32>
      %gather3A_758 = tpu.vector_load_idx %arg10[%and3A_750] : memref<256xf32, #tpu.memory_space<vmem>>[vector<16xi32>], vector<16xf32>,
      %gather3A_759 = tpu.vector_load_idx %arg10[%and3A_757] : memref<256xf32, #tpu.memory_space<vmem>>[vector<16xi32>], vector<16xf32>,
      %lt3A_760 = arith.cmpf olt, %gather3A_758, %gather3A : vector<16xf32>
      %eq3A_761 = arith.cmpf oeq, %gather3A_758, %gather3A : vector<16xf32>
      %lt3A_762 = arith.cmpi slt, %and3A_750, %add3A_184 : vector<16xi32>
      %and3A_763 = arith.andi %eq3A_761, %lt3A_762 : vector<16xi1>
      %or3A_764 = arith.ori %lt3A_760, %and3A_763 : vector<16xi1>
      %lt3A_765 = arith.cmpf olt, %gather3A_759, %gather3A_188 : vector<16xf32>
      %eq3A_766 = arith.cmpf oeq, %gather3A_759, %gather3A_188 : vector<16xf32>
      %lt3A_767 = arith.cmpi slt, %and3A_757, %add3A_187 : vector<16xi32>
      %and3A_768 = arith.andi %eq3A_766, %lt3A_767 : vector<16xi1>
      %or3A_769 = arith.ori %lt3A_765, %and3A_768 : vector<16xi1>
      %select_n3A_770 = arith.select %or3A_764, %broadcast_in_dim3A_98, %broadcast_in_dim3A_94 : vector<16xi1>, vector<16xi32>
      %add3A_771 = arith.addi %add3A_741, %select_n3A_770 : vector<16xi32>
      %select_n3A_772 = arith.select %or3A_769, %broadcast_in_dim3A_98, %broadcast_in_dim3A_94 : vector<16xi1>, vector<16xi32>
      %add3A_773 = arith.addi %add3A_743, %select_n3A_772 : vector<16xi32>
      scf.yield %add3A_771, %add3A_773 : vector<16xi32>, vector<16xi32>
    }
    %scan3A_193 = arith.constant 64 : i32
    %swap3A_194 = arith.constant 0 : index
    %swap3A_195 = tpu.vector_load %arg19[%swap3A_194] {strides = array<i32>} : memref<32xf32, #tpu.memory_space<vmem>>, vector<16xf32>,
    tpu.vector_store %arg19[%swap3A_194], %gather3A {strides = array<i32>} : memref<32xf32, #tpu.memory_space<vmem>>, vector<16xf32>,
    %swap3A_196 = arith.constant 16 : index
    %swap3A_197 = tpu.vector_load %arg19[%swap3A_196] {strides = array<i32>} : memref<32xf32, #tpu.memory_space<vmem>>, vector<16xf32>,
    tpu.vector_store %arg19[%swap3A_196], %gather3A_188 {strides = array<i32>} : memref<32xf32, #tpu.memory_space<vmem>>, vector<16xf32>,
    %mul3A_198 = arith.constant 32 : i32
    %mul3A_199 = arith.muli %arg1, %mul3A_198 : i32
    "tpu.region"() ({
      %run_scoped3A = tpu.sem_alloc : memref<!tpu.dma_semaphore, #tpu.memory_space<semaphore_mem>>
      %dma_start3A_651 = arith.constant 0 : i32
      %dma_start3A_652 = tpu.memref_slice %arg19[%dma_start3A_651] : memref<32xf32, #tpu.memory_space<vmem>> -> memref<32xf32, #tpu.memory_space<vmem>>
      %dma_start3A_653 = tpu.memref_slice %arg22[%mul3A_199] : memref<512xf32, #tpu.memory_space<vmem_shared>> -> memref<32xf32, #tpu.memory_space<vmem_shared>>
      %dma_start3A_654 = tpu.memref_slice %arg22[%mul3A_199] : memref<512xf32, #tpu.memory_space<vmem_shared>> -> memref<32xf32, #tpu.memory_space<vmem_shared>>
      %dma_start3A_655 = arith.constant 0 : i32
      %dma_start3A_656 = tpu.memref_slice %arg19[%dma_start3A_655] : memref<32xf32, #tpu.memory_space<vmem>> -> memref<32xf32, #tpu.memory_space<vmem>>
      tpu.enqueue_dma source(%dma_start3A_656 : memref<32xf32, #tpu.memory_space<vmem>>) target(%dma_start3A_654 : memref<32xf32, #tpu.memory_space<vmem_shared>>) target_semaphore(%run_scoped3A : memref<!tpu.dma_semaphore, #tpu.memory_space<semaphore_mem>>)
      %dma_wait3A_657 = arith.constant 0 : i32
      %dma_wait3A_658 = tpu.memref_slice %arg19[%dma_wait3A_657] : memref<32xf32, #tpu.memory_space<vmem>> -> memref<32xf32, #tpu.memory_space<vmem>>
      %dma_wait3A_659 = tpu.memref_slice %arg22[%mul3A_199] : memref<512xf32, #tpu.memory_space<vmem_shared>> -> memref<32xf32, #tpu.memory_space<vmem_shared>>
      %dma_wait3A_660 = tpu.memref_slice %arg22[%mul3A_199] : memref<512xf32, #tpu.memory_space<vmem_shared>> -> memref<32xf32, #tpu.memory_space<vmem_shared>>
      %dma_wait3A_661 = arith.constant 0 : i32
      %dma_wait3A_662 = tpu.memref_slice %arg19[%dma_wait3A_661] : memref<32xf32, #tpu.memory_space<vmem>> -> memref<32xf32, #tpu.memory_space<vmem>>
      tpu.wait_dma2 semaphore(%run_scoped3A : memref<!tpu.dma_semaphore, #tpu.memory_space<semaphore_mem>>) src(%dma_wait3A_662 : memref<32xf32, #tpu.memory_space<vmem>>) dst(%dma_wait3A_660 : memref<32xf32, #tpu.memory_space<vmem_shared>>)
      tpu.yield
    }) : () -> ()
    %bitcast3A = vector.bitcast %scan3A_192#0 : vector<16xi32> to vector<16xf32>
    %swap3A_200 = arith.constant 0 : index
    %swap3A_201 = tpu.vector_load %arg19[%swap3A_200] {strides = array<i32>} : memref<32xf32, #tpu.memory_space<vmem>>, vector<16xf32>,
    tpu.vector_store %arg19[%swap3A_200], %bitcast3A {strides = array<i32>} : memref<32xf32, #tpu.memory_space<vmem>>, vector<16xf32>,
    %bitcast3A_202 = vector.bitcast %scan3A_192#1 : vector<16xi32> to vector<16xf32>
    %swap3A_203 = arith.constant 16 : index
    %swap3A_204 = tpu.vector_load %arg19[%swap3A_203] {strides = array<i32>} : memref<32xf32, #tpu.memory_space<vmem>>, vector<16xf32>,
    tpu.vector_store %arg19[%swap3A_203], %bitcast3A_202 {strides = array<i32>} : memref<32xf32, #tpu.memory_space<vmem>>, vector<16xf32>,
    %mul3A_205 = arith.constant 32 : i32
    %mul3A_206 = arith.muli %arg1, %mul3A_205 : i32
    "tpu.region"() ({
      %run_scoped3A = tpu.sem_alloc : memref<!tpu.dma_semaphore, #tpu.memory_space<semaphore_mem>>
      %dma_start3A_651 = arith.constant 0 : i32
      %dma_start3A_652 = tpu.memref_slice %arg19[%dma_start3A_651] : memref<32xf32, #tpu.memory_space<vmem>> -> memref<32xf32, #tpu.memory_space<vmem>>
      %dma_start3A_653 = tpu.memref_slice %arg17[%mul3A_206] : memref<512xf32, #tpu.memory_space<vmem_shared>> -> memref<32xf32, #tpu.memory_space<vmem_shared>>
      %dma_start3A_654 = tpu.memref_slice %arg17[%mul3A_206] : memref<512xf32, #tpu.memory_space<vmem_shared>> -> memref<32xf32, #tpu.memory_space<vmem_shared>>
      %dma_start3A_655 = arith.constant 0 : i32
      %dma_start3A_656 = tpu.memref_slice %arg19[%dma_start3A_655] : memref<32xf32, #tpu.memory_space<vmem>> -> memref<32xf32, #tpu.memory_space<vmem>>
      tpu.enqueue_dma source(%dma_start3A_656 : memref<32xf32, #tpu.memory_space<vmem>>) target(%dma_start3A_654 : memref<32xf32, #tpu.memory_space<vmem_shared>>) target_semaphore(%run_scoped3A : memref<!tpu.dma_semaphore, #tpu.memory_space<semaphore_mem>>)
      %dma_wait3A_657 = arith.constant 0 : i32
      %dma_wait3A_658 = tpu.memref_slice %arg19[%dma_wait3A_657] : memref<32xf32, #tpu.memory_space<vmem>> -> memref<32xf32, #tpu.memory_space<vmem>>
      %dma_wait3A_659 = tpu.memref_slice %arg17[%mul3A_206] : memref<512xf32, #tpu.memory_space<vmem_shared>> -> memref<32xf32, #tpu.memory_space<vmem_shared>>
      %dma_wait3A_660 = tpu.memref_slice %arg17[%mul3A_206] : memref<512xf32, #tpu.memory_space<vmem_shared>> -> memref<32xf32, #tpu.memory_space<vmem_shared>>
      %dma_wait3A_661 = arith.constant 0 : i32
      %dma_wait3A_662 = tpu.memref_slice %arg19[%dma_wait3A_661] : memref<32xf32, #tpu.memory_space<vmem>> -> memref<32xf32, #tpu.memory_space<vmem>>
      tpu.wait_dma2 semaphore(%run_scoped3A : memref<!tpu.dma_semaphore, #tpu.memory_space<semaphore_mem>>) src(%dma_wait3A_662 : memref<32xf32, #tpu.memory_space<vmem>>) dst(%dma_wait3A_660 : memref<32xf32, #tpu.memory_space<vmem_shared>>)
      tpu.yield
    }) : () -> ()
    %barrier3A = arith.constant 0 : index
    tpu.barrier barrier_id(%barrier3A)
    %jit3A_207 = arith.constant 8 : i32
    %div3A_208 = arith.divsi %arg1, %jit3A_207 : i32
    %sign3A_209 = arith.constant 0 : i32
    %sign3A_210 = arith.cmpi sgt, %arg1, %sign3A_209 : i32
    %sign3A_211 = arith.extui %sign3A_210 : i1 to i32
    %sign3A_212 = arith.constant 0 : i32
    %sign3A_213 = arith.cmpi slt, %arg1, %sign3A_212 : i32
    %sign3A_214 = arith.extui %sign3A_213 : i1 to i32
    %sign3A_215 = arith.subi %sign3A_211, %sign3A_214 : i32
    %sign3A_216 = arith.constant 0 : i32
    %sign3A_217 = arith.cmpi sgt, %jit3A_207, %sign3A_216 : i32
    %sign3A_218 = arith.extui %sign3A_217 : i1 to i32
    %sign3A_219 = arith.constant 0 : i32
    %sign3A_220 = arith.cmpi slt, %jit3A_207, %sign3A_219 : i32
    %sign3A_221 = arith.extui %sign3A_220 : i1 to i32
    %sign3A_222 = arith.subi %sign3A_218, %sign3A_221 : i32
    %ne3A_223 = arith.cmpi ne, %sign3A_215, %sign3A_222 : i32
    %rem3A_224 = arith.remsi %arg1, %jit3A_207 : i32
    %ne3A_225 = arith.constant 0 : i32
    %ne3A_226 = arith.cmpi ne, %rem3A_224, %ne3A_225 : i32
    %and3A_227 = arith.andi %ne3A_223, %ne3A_226 : i1
    %sub3A_228 = arith.constant 1 : i32
    %sub3A_229 = arith.subi %div3A_208, %sub3A_228 : i32
    %select_n3A_230 = arith.select %and3A_227, %sub3A_229, %div3A_208 : i32
    %mul3A_231 = arith.constant 8 : i32
    %mul3A_232 = arith.muli %select_n3A_230, %mul3A_231 : i32
    %mul3A_233 = arith.constant 32 : i32
    %mul3A_234 = arith.muli %mul3A_232, %mul3A_233 : i32
    "tpu.region"() ({
      %run_scoped3A = tpu.sem_alloc : memref<!tpu.dma_semaphore, #tpu.memory_space<semaphore_mem>>
      %dma_start3A_651 = arith.constant 0 : i32
      %dma_start3A_652 = tpu.memref_slice %arg6[%dma_start3A_651] : memref<2176xf32, #tpu.memory_space<vmem>> -> memref<256xf32, #tpu.memory_space<vmem>>
      %dma_start3A_653 = tpu.memref_slice %arg22[%mul3A_234] : memref<512xf32, #tpu.memory_space<vmem_shared>> -> memref<256xf32, #tpu.memory_space<vmem_shared>>
      %dma_start3A_654 = arith.constant 0 : i32
      %dma_start3A_655 = tpu.memref_slice %arg6[%dma_start3A_654] : memref<2176xf32, #tpu.memory_space<vmem>> -> memref<256xf32, #tpu.memory_space<vmem>>
      %dma_start3A_656 = tpu.memref_slice %arg22[%mul3A_234] : memref<512xf32, #tpu.memory_space<vmem_shared>> -> memref<256xf32, #tpu.memory_space<vmem_shared>>
      tpu.enqueue_dma source(%dma_start3A_656 : memref<256xf32, #tpu.memory_space<vmem_shared>>) target(%dma_start3A_655 : memref<256xf32, #tpu.memory_space<vmem>>) target_semaphore(%run_scoped3A : memref<!tpu.dma_semaphore, #tpu.memory_space<semaphore_mem>>)
      %dma_wait3A_657 = arith.constant 0 : i32
      %dma_wait3A_658 = tpu.memref_slice %arg6[%dma_wait3A_657] : memref<2176xf32, #tpu.memory_space<vmem>> -> memref<256xf32, #tpu.memory_space<vmem>>
      %dma_wait3A_659 = tpu.memref_slice %arg22[%mul3A_234] : memref<512xf32, #tpu.memory_space<vmem_shared>> -> memref<256xf32, #tpu.memory_space<vmem_shared>>
      %dma_wait3A_660 = arith.constant 0 : i32
      %dma_wait3A_661 = tpu.memref_slice %arg6[%dma_wait3A_660] : memref<2176xf32, #tpu.memory_space<vmem>> -> memref<256xf32, #tpu.memory_space<vmem>>
      %dma_wait3A_662 = tpu.memref_slice %arg22[%mul3A_234] : memref<512xf32, #tpu.memory_space<vmem_shared>> -> memref<256xf32, #tpu.memory_space<vmem_shared>>
      tpu.wait_dma2 semaphore(%run_scoped3A : memref<!tpu.dma_semaphore, #tpu.memory_space<semaphore_mem>>) src(%dma_wait3A_662 : memref<256xf32, #tpu.memory_space<vmem_shared>>) dst(%dma_wait3A_661 : memref<256xf32, #tpu.memory_space<vmem>>)
      tpu.yield
    }) : () -> ()
    "tpu.region"() ({
      %run_scoped3A = tpu.sem_alloc : memref<!tpu.dma_semaphore, #tpu.memory_space<semaphore_mem>>
      %dma_start3A_651 = arith.constant 256 : i32
      %dma_start3A_652 = tpu.memref_slice %arg6[%dma_start3A_651] : memref<2176xf32, #tpu.memory_space<vmem>> -> memref<256xf32, #tpu.memory_space<vmem>>
      %dma_start3A_653 = tpu.memref_slice %arg17[%mul3A_234] : memref<512xf32, #tpu.memory_space<vmem_shared>> -> memref<256xf32, #tpu.memory_space<vmem_shared>>
      %dma_start3A_654 = arith.constant 256 : i32
      %dma_start3A_655 = tpu.memref_slice %arg6[%dma_start3A_654] : memref<2176xf32, #tpu.memory_space<vmem>> -> memref<256xf32, #tpu.memory_space<vmem>>
      %dma_start3A_656 = tpu.memref_slice %arg17[%mul3A_234] : memref<512xf32, #tpu.memory_space<vmem_shared>> -> memref<256xf32, #tpu.memory_space<vmem_shared>>
      tpu.enqueue_dma source(%dma_start3A_656 : memref<256xf32, #tpu.memory_space<vmem_shared>>) target(%dma_start3A_655 : memref<256xf32, #tpu.memory_space<vmem>>) target_semaphore(%run_scoped3A : memref<!tpu.dma_semaphore, #tpu.memory_space<semaphore_mem>>)
      %dma_wait3A_657 = arith.constant 256 : i32
      %dma_wait3A_658 = tpu.memref_slice %arg6[%dma_wait3A_657] : memref<2176xf32, #tpu.memory_space<vmem>> -> memref<256xf32, #tpu.memory_space<vmem>>
      %dma_wait3A_659 = tpu.memref_slice %arg17[%mul3A_234] : memref<512xf32, #tpu.memory_space<vmem_shared>> -> memref<256xf32, #tpu.memory_space<vmem_shared>>
      %dma_wait3A_660 = arith.constant 256 : i32
      %dma_wait3A_661 = tpu.memref_slice %arg6[%dma_wait3A_660] : memref<2176xf32, #tpu.memory_space<vmem>> -> memref<256xf32, #tpu.memory_space<vmem>>
      %dma_wait3A_662 = tpu.memref_slice %arg17[%mul3A_234] : memref<512xf32, #tpu.memory_space<vmem_shared>> -> memref<256xf32, #tpu.memory_space<vmem_shared>>
      tpu.wait_dma2 semaphore(%run_scoped3A : memref<!tpu.dma_semaphore, #tpu.memory_space<semaphore_mem>>) src(%dma_wait3A_662 : memref<256xf32, #tpu.memory_space<vmem_shared>>) dst(%dma_wait3A_661 : memref<256xf32, #tpu.memory_space<vmem>>)
      tpu.yield
    }) : () -> ()
    %get3A_235 = arith.constant 0 : index
    %get3A_236 = tpu.vector_load %arg6[%get3A_235] {strides = array<i32>} : memref<2176xf32, #tpu.memory_space<vmem>>, vector<16xf32>,
    %get3A_237 = arith.constant 256 : index
    %get3A_238 = tpu.vector_load %arg6[%get3A_237] {strides = array<i32>} : memref<2176xf32, #tpu.memory_space<vmem>>, vector<16xf32>,
    %bitcast3A_239 = vector.bitcast %get3A_238 : vector<16xf32> to vector<16xi32>
    tpu.vector_store_idx %arg8[%bitcast3A_239], %get3A_236 : memref<256xf32, #tpu.memory_space<vmem>>[vector<16xi32>], vector<16xf32>,
    %get3A_240 = arith.constant 16 : index
    %get3A_241 = tpu.vector_load %arg6[%get3A_240] {strides = array<i32>} : memref<2176xf32, #tpu.memory_space<vmem>>, vector<16xf32>,
    %get3A_242 = arith.constant 272 : index
    %get3A_243 = tpu.vector_load %arg6[%get3A_242] {strides = array<i32>} : memref<2176xf32, #tpu.memory_space<vmem>>, vector<16xf32>,
    %bitcast3A_244 = vector.bitcast %get3A_243 : vector<16xf32> to vector<16xi32>
    tpu.vector_store_idx %arg8[%bitcast3A_244], %get3A_241 : memref<256xf32, #tpu.memory_space<vmem>>[vector<16xi32>], vector<16xf32>,
    %get3A_245 = arith.constant 32 : index
    %get3A_246 = tpu.vector_load %arg6[%get3A_245] {strides = array<i32>} : memref<2176xf32, #tpu.memory_space<vmem>>, vector<16xf32>,
    %get3A_247 = arith.constant 288 : index
    %get3A_248 = tpu.vector_load %arg6[%get3A_247] {strides = array<i32>} : memref<2176xf32, #tpu.memory_space<vmem>>, vector<16xf32>,
    %bitcast3A_249 = vector.bitcast %get3A_248 : vector<16xf32> to vector<16xi32>
    tpu.vector_store_idx %arg8[%bitcast3A_249], %get3A_246 : memref<256xf32, #tpu.memory_space<vmem>>[vector<16xi32>], vector<16xf32>,
    %get3A_250 = arith.constant 48 : index
    %get3A_251 = tpu.vector_load %arg6[%get3A_250] {strides = array<i32>} : memref<2176xf32, #tpu.memory_space<vmem>>, vector<16xf32>,
    %get3A_252 = arith.constant 304 : index
    %get3A_253 = tpu.vector_load %arg6[%get3A_252] {strides = array<i32>} : memref<2176xf32, #tpu.memory_space<vmem>>, vector<16xf32>,
    %bitcast3A_254 = vector.bitcast %get3A_253 : vector<16xf32> to vector<16xi32>
    tpu.vector_store_idx %arg8[%bitcast3A_254], %get3A_251 : memref<256xf32, #tpu.memory_space<vmem>>[vector<16xi32>], vector<16xf32>,
    %get3A_255 = arith.constant 64 : index
    %get3A_256 = tpu.vector_load %arg6[%get3A_255] {strides = array<i32>} : memref<2176xf32, #tpu.memory_space<vmem>>, vector<16xf32>,
    %get3A_257 = arith.constant 320 : index
    %get3A_258 = tpu.vector_load %arg6[%get3A_257] {strides = array<i32>} : memref<2176xf32, #tpu.memory_space<vmem>>, vector<16xf32>,
    %bitcast3A_259 = vector.bitcast %get3A_258 : vector<16xf32> to vector<16xi32>
    tpu.vector_store_idx %arg8[%bitcast3A_259], %get3A_256 : memref<256xf32, #tpu.memory_space<vmem>>[vector<16xi32>], vector<16xf32>,
    %get3A_260 = arith.constant 80 : index
    %get3A_261 = tpu.vector_load %arg6[%get3A_260] {strides = array<i32>} : memref<2176xf32, #tpu.memory_space<vmem>>, vector<16xf32>,
    %get3A_262 = arith.constant 336 : index
    %get3A_263 = tpu.vector_load %arg6[%get3A_262] {strides = array<i32>} : memref<2176xf32, #tpu.memory_space<vmem>>, vector<16xf32>,
    %bitcast3A_264 = vector.bitcast %get3A_263 : vector<16xf32> to vector<16xi32>
    tpu.vector_store_idx %arg8[%bitcast3A_264], %get3A_261 : memref<256xf32, #tpu.memory_space<vmem>>[vector<16xi32>], vector<16xf32>,
    %get3A_265 = arith.constant 96 : index
    %get3A_266 = tpu.vector_load %arg6[%get3A_265] {strides = array<i32>} : memref<2176xf32, #tpu.memory_space<vmem>>, vector<16xf32>,
    %get3A_267 = arith.constant 352 : index
    %get3A_268 = tpu.vector_load %arg6[%get3A_267] {strides = array<i32>} : memref<2176xf32, #tpu.memory_space<vmem>>, vector<16xf32>,
    %bitcast3A_269 = vector.bitcast %get3A_268 : vector<16xf32> to vector<16xi32>
    tpu.vector_store_idx %arg8[%bitcast3A_269], %get3A_266 : memref<256xf32, #tpu.memory_space<vmem>>[vector<16xi32>], vector<16xf32>,
    %get3A_270 = arith.constant 112 : index
    %get3A_271 = tpu.vector_load %arg6[%get3A_270] {strides = array<i32>} : memref<2176xf32, #tpu.memory_space<vmem>>, vector<16xf32>,
    %get3A_272 = arith.constant 368 : index
    %get3A_273 = tpu.vector_load %arg6[%get3A_272] {strides = array<i32>} : memref<2176xf32, #tpu.memory_space<vmem>>, vector<16xf32>,
    %bitcast3A_274 = vector.bitcast %get3A_273 : vector<16xf32> to vector<16xi32>
    tpu.vector_store_idx %arg8[%bitcast3A_274], %get3A_271 : memref<256xf32, #tpu.memory_space<vmem>>[vector<16xi32>], vector<16xf32>,
    %get3A_275 = arith.constant 128 : index
    %get3A_276 = tpu.vector_load %arg6[%get3A_275] {strides = array<i32>} : memref<2176xf32, #tpu.memory_space<vmem>>, vector<16xf32>,
    %get3A_277 = arith.constant 384 : index
    %get3A_278 = tpu.vector_load %arg6[%get3A_277] {strides = array<i32>} : memref<2176xf32, #tpu.memory_space<vmem>>, vector<16xf32>,
    %bitcast3A_279 = vector.bitcast %get3A_278 : vector<16xf32> to vector<16xi32>
    tpu.vector_store_idx %arg8[%bitcast3A_279], %get3A_276 : memref<256xf32, #tpu.memory_space<vmem>>[vector<16xi32>], vector<16xf32>,
    %get3A_280 = arith.constant 144 : index
    %get3A_281 = tpu.vector_load %arg6[%get3A_280] {strides = array<i32>} : memref<2176xf32, #tpu.memory_space<vmem>>, vector<16xf32>,
    %get3A_282 = arith.constant 400 : index
    %get3A_283 = tpu.vector_load %arg6[%get3A_282] {strides = array<i32>} : memref<2176xf32, #tpu.memory_space<vmem>>, vector<16xf32>,
    %bitcast3A_284 = vector.bitcast %get3A_283 : vector<16xf32> to vector<16xi32>
    tpu.vector_store_idx %arg8[%bitcast3A_284], %get3A_281 : memref<256xf32, #tpu.memory_space<vmem>>[vector<16xi32>], vector<16xf32>,
    %get3A_285 = arith.constant 160 : index
    %get3A_286 = tpu.vector_load %arg6[%get3A_285] {strides = array<i32>} : memref<2176xf32, #tpu.memory_space<vmem>>, vector<16xf32>,
    %get3A_287 = arith.constant 416 : index
    %get3A_288 = tpu.vector_load %arg6[%get3A_287] {strides = array<i32>} : memref<2176xf32, #tpu.memory_space<vmem>>, vector<16xf32>,
    %bitcast3A_289 = vector.bitcast %get3A_288 : vector<16xf32> to vector<16xi32>
    tpu.vector_store_idx %arg8[%bitcast3A_289], %get3A_286 : memref<256xf32, #tpu.memory_space<vmem>>[vector<16xi32>], vector<16xf32>,
    %get3A_290 = arith.constant 176 : index
    %get3A_291 = tpu.vector_load %arg6[%get3A_290] {strides = array<i32>} : memref<2176xf32, #tpu.memory_space<vmem>>, vector<16xf32>,
    %get3A_292 = arith.constant 432 : index
    %get3A_293 = tpu.vector_load %arg6[%get3A_292] {strides = array<i32>} : memref<2176xf32, #tpu.memory_space<vmem>>, vector<16xf32>,
    %bitcast3A_294 = vector.bitcast %get3A_293 : vector<16xf32> to vector<16xi32>
    tpu.vector_store_idx %arg8[%bitcast3A_294], %get3A_291 : memref<256xf32, #tpu.memory_space<vmem>>[vector<16xi32>], vector<16xf32>,
    %get3A_295 = arith.constant 192 : index
    %get3A_296 = tpu.vector_load %arg6[%get3A_295] {strides = array<i32>} : memref<2176xf32, #tpu.memory_space<vmem>>, vector<16xf32>,
    %get3A_297 = arith.constant 448 : index
    %get3A_298 = tpu.vector_load %arg6[%get3A_297] {strides = array<i32>} : memref<2176xf32, #tpu.memory_space<vmem>>, vector<16xf32>,
    %bitcast3A_299 = vector.bitcast %get3A_298 : vector<16xf32> to vector<16xi32>
    tpu.vector_store_idx %arg8[%bitcast3A_299], %get3A_296 : memref<256xf32, #tpu.memory_space<vmem>>[vector<16xi32>], vector<16xf32>,
    %get3A_300 = arith.constant 208 : index
    %get3A_301 = tpu.vector_load %arg6[%get3A_300] {strides = array<i32>} : memref<2176xf32, #tpu.memory_space<vmem>>, vector<16xf32>,
    %get3A_302 = arith.constant 464 : index
    %get3A_303 = tpu.vector_load %arg6[%get3A_302] {strides = array<i32>} : memref<2176xf32, #tpu.memory_space<vmem>>, vector<16xf32>,
    %bitcast3A_304 = vector.bitcast %get3A_303 : vector<16xf32> to vector<16xi32>
    tpu.vector_store_idx %arg8[%bitcast3A_304], %get3A_301 : memref<256xf32, #tpu.memory_space<vmem>>[vector<16xi32>], vector<16xf32>,
    %get3A_305 = arith.constant 224 : index
    %get3A_306 = tpu.vector_load %arg6[%get3A_305] {strides = array<i32>} : memref<2176xf32, #tpu.memory_space<vmem>>, vector<16xf32>,
    %get3A_307 = arith.constant 480 : index
    %get3A_308 = tpu.vector_load %arg6[%get3A_307] {strides = array<i32>} : memref<2176xf32, #tpu.memory_space<vmem>>, vector<16xf32>,
    %bitcast3A_309 = vector.bitcast %get3A_308 : vector<16xf32> to vector<16xi32>
    tpu.vector_store_idx %arg8[%bitcast3A_309], %get3A_306 : memref<256xf32, #tpu.memory_space<vmem>>[vector<16xi32>], vector<16xf32>,
    %get3A_310 = arith.constant 240 : index
    %get3A_311 = tpu.vector_load %arg6[%get3A_310] {strides = array<i32>} : memref<2176xf32, #tpu.memory_space<vmem>>, vector<16xf32>,
    %get3A_312 = arith.constant 496 : index
    %get3A_313 = tpu.vector_load %arg6[%get3A_312] {strides = array<i32>} : memref<2176xf32, #tpu.memory_space<vmem>>, vector<16xf32>,
    %bitcast3A_314 = vector.bitcast %get3A_313 : vector<16xf32> to vector<16xi32>
    tpu.vector_store_idx %arg8[%bitcast3A_314], %get3A_311 : memref<256xf32, #tpu.memory_space<vmem>>[vector<16xi32>], vector<16xf32>,
    %scan3A_315 = arith.constant 0 : i32
    %scan3A_316 = arith.constant 0 : i32
    %scan3A_317 = arith.constant 33 : i32
    %scan3A_318 = arith.addi %scan3A_316, %scan3A_317 : i32
    %scan3A_319 = arith.constant 1 : i32
    %scan3A_320 = scf.for %scan3A_651 = %scan3A_316 to %scan3A_318 step %scan3A_319 iter_args(%scan3A_652 = %scan3A_315) -> (i32)  : i32 {
      %mul3A_653 = arith.constant 16 : i32
      %mul3A_654 = arith.muli %scan3A_651, %mul3A_653 : i32
      %add3A_655 = vector.broadcast %mul3A_654 : i32 to vector<16xi32>
      %add3A_656 = arith.addi %add3A_655, %iota3A : vector<16xi32>
      %sub3A_657 = arith.constant 1 : i32
      %sub3A_658 = vector.broadcast %sub3A_657 : i32 to vector<16xi32>
      %sub3A_659 = arith.subi %add3A_656, %sub3A_658 : vector<16xi32>
      %max3A_660 = arith.constant 0 : i32
      %max3A_661 = vector.broadcast %max3A_660 : i32 to vector<16xi32>
      %max3A_662 = arith.maxsi %sub3A_659, %max3A_661 : vector<16xi32>
      %min3A_663 = arith.constant 255 : i32
      %min3A_664 = vector.broadcast %min3A_663 : i32 to vector<16xi32>
      %min3A_665 = arith.minsi %max3A_662, %min3A_664 : vector<16xi32>
      %gather3A_666 = tpu.vector_load_idx %arg8[%min3A_665] : memref<256xf32, #tpu.memory_space<vmem>>[vector<16xi32>], vector<16xf32>,
      %eq3A_667 = arith.constant 0 : i32
      %eq3A_668 = vector.broadcast %eq3A_667 : i32 to vector<16xi32>
      %eq3A_669 = arith.cmpi eq, %add3A_656, %eq3A_668 : vector<16xi32>
      %ge3A = arith.constant 257 : i32
      %ge3A_670 = vector.broadcast %ge3A : i32 to vector<16xi32>
      %ge3A_671 = arith.cmpi sge, %add3A_656, %ge3A_670 : vector<16xi32>
      %select_n3A_672 = arith.select %ge3A_671, %broadcast_in_dim3A_102, %gather3A_666 : vector<16xi1>, vector<16xf32>
      %select_n3A_673 = arith.select %eq3A_669, %broadcast_in_dim3A_100, %select_n3A_672 : vector<16xi1>, vector<16xf32>
      %mul3A_674 = arith.constant 16 : i32
      %mul3A_675 = arith.muli %scan3A_651, %mul3A_674 : i32
      %multiple_of3A = tpu.assume_multiple %mul3A_675, 16 : i32
      %swap3A_676 = arith.index_cast %multiple_of3A : i32 to index
      %swap3A_677 = tpu.vector_load %arg7[%swap3A_676] {strides = array<i32>} : memref<528xf32, #tpu.memory_space<vmem>>, vector<16xf32>,
      tpu.vector_store %arg7[%swap3A_676], %select_n3A_673 {strides = array<i32>} : memref<528xf32, #tpu.memory_space<vmem>>, vector<16xf32>,
      %scan3A_678 = arith.constant 0 : i32
      scf.yield %scan3A_678 : i32
    }
    %scan3A_321 = arith.constant 33 : i32
    %scan3A_322 = arith.constant 0 : i32
    %scan3A_323 = arith.constant 0 : i32
    %scan3A_324 = arith.constant 66 : i32
    %scan3A_325 = arith.addi %scan3A_323, %scan3A_324 : i32
    %scan3A_326 = arith.constant 1 : i32
    %scan3A_327 = scf.for %scan3A_651 = %scan3A_323 to %scan3A_325 step %scan3A_326 iter_args(%scan3A_652 = %scan3A_322) -> (i32)  : i32 {
      %mul3A_653 = arith.constant 16 : i32
      %mul3A_654 = arith.muli %scan3A_651, %mul3A_653 : i32
      %multiple_of3A = tpu.assume_multiple %mul3A_654, 16 : i32
      %swap3A_655 = arith.index_cast %multiple_of3A : i32 to index
      %swap3A_656 = tpu.vector_load %arg16[%swap3A_655] {strides = array<i32>} : memref<1056xi32, #tpu.memory_space<vmem>>, vector<16xi32>,
      tpu.vector_store %arg16[%swap3A_655], %broadcast_in_dim3A_94 {strides = array<i32>} : memref<1056xi32, #tpu.memory_space<vmem>>, vector<16xi32>,
      %scan3A_657 = arith.constant 0 : i32
      scf.yield %scan3A_657 : i32
    }
    %scan3A_328 = arith.constant 66 : i32
    %get3A_329 = arith.constant 0 : index
    %get3A_330 = tpu.vector_load %arg8[%get3A_329] {strides = array<i32>} : memref<256xf32, #tpu.memory_space<vmem>>, vector<16xf32>,
    %mul3A_331 = arith.constant 1.024000e+03 : f32
    %mul3A_332 = vector.broadcast %mul3A_331 : f32 to vector<16xf32>
    %mul3A_333 = arith.mulf %get3A_330, %mul3A_332 : vector<16xf32>
    %convert_element_type3A = arith.fptosi %mul3A_333 : vector<16xf32> to vector<16xi32>
    %max3A = arith.constant 0 : i32
    %max3A_334 = vector.broadcast %max3A : i32 to vector<16xi32>
    %max3A_335 = arith.maxsi %convert_element_type3A, %max3A_334 : vector<16xi32>
    %min3A = arith.constant 1023 : i32
    %min3A_336 = vector.broadcast %min3A : i32 to vector<16xi32>
    %min3A_337 = arith.minsi %max3A_335, %min3A_336 : vector<16xi32>
    tpu.vector_store_idx %arg16[%min3A_337], %broadcast_in_dim3A_98 {add = true} : memref<1056xi32, #tpu.memory_space<vmem>>[vector<16xi32>], vector<16xi32>,
    %get3A_338 = arith.constant 16 : index
    %get3A_339 = tpu.vector_load %arg8[%get3A_338] {strides = array<i32>} : memref<256xf32, #tpu.memory_space<vmem>>, vector<16xf32>,
    %mul3A_340 = arith.constant 1.024000e+03 : f32
    %mul3A_341 = vector.broadcast %mul3A_340 : f32 to vector<16xf32>
    %mul3A_342 = arith.mulf %get3A_339, %mul3A_341 : vector<16xf32>
    %convert_element_type3A_343 = arith.fptosi %mul3A_342 : vector<16xf32> to vector<16xi32>
    %max3A_344 = arith.constant 0 : i32
    %max3A_345 = vector.broadcast %max3A_344 : i32 to vector<16xi32>
    %max3A_346 = arith.maxsi %convert_element_type3A_343, %max3A_345 : vector<16xi32>
    %min3A_347 = arith.constant 1023 : i32
    %min3A_348 = vector.broadcast %min3A_347 : i32 to vector<16xi32>
    %min3A_349 = arith.minsi %max3A_346, %min3A_348 : vector<16xi32>
    tpu.vector_store_idx %arg16[%min3A_349], %broadcast_in_dim3A_98 {add = true} : memref<1056xi32, #tpu.memory_space<vmem>>[vector<16xi32>], vector<16xi32>,
    %get3A_350 = arith.constant 32 : index
    %get3A_351 = tpu.vector_load %arg8[%get3A_350] {strides = array<i32>} : memref<256xf32, #tpu.memory_space<vmem>>, vector<16xf32>,
    %mul3A_352 = arith.constant 1.024000e+03 : f32
    %mul3A_353 = vector.broadcast %mul3A_352 : f32 to vector<16xf32>
    %mul3A_354 = arith.mulf %get3A_351, %mul3A_353 : vector<16xf32>
    %convert_element_type3A_355 = arith.fptosi %mul3A_354 : vector<16xf32> to vector<16xi32>
    %max3A_356 = arith.constant 0 : i32
    %max3A_357 = vector.broadcast %max3A_356 : i32 to vector<16xi32>
    %max3A_358 = arith.maxsi %convert_element_type3A_355, %max3A_357 : vector<16xi32>
    %min3A_359 = arith.constant 1023 : i32
    %min3A_360 = vector.broadcast %min3A_359 : i32 to vector<16xi32>
    %min3A_361 = arith.minsi %max3A_358, %min3A_360 : vector<16xi32>
    tpu.vector_store_idx %arg16[%min3A_361], %broadcast_in_dim3A_98 {add = true} : memref<1056xi32, #tpu.memory_space<vmem>>[vector<16xi32>], vector<16xi32>,
    %get3A_362 = arith.constant 48 : index
    %get3A_363 = tpu.vector_load %arg8[%get3A_362] {strides = array<i32>} : memref<256xf32, #tpu.memory_space<vmem>>, vector<16xf32>,
    %mul3A_364 = arith.constant 1.024000e+03 : f32
    %mul3A_365 = vector.broadcast %mul3A_364 : f32 to vector<16xf32>
    %mul3A_366 = arith.mulf %get3A_363, %mul3A_365 : vector<16xf32>
    %convert_element_type3A_367 = arith.fptosi %mul3A_366 : vector<16xf32> to vector<16xi32>
    %max3A_368 = arith.constant 0 : i32
    %max3A_369 = vector.broadcast %max3A_368 : i32 to vector<16xi32>
    %max3A_370 = arith.maxsi %convert_element_type3A_367, %max3A_369 : vector<16xi32>
    %min3A_371 = arith.constant 1023 : i32
    %min3A_372 = vector.broadcast %min3A_371 : i32 to vector<16xi32>
    %min3A_373 = arith.minsi %max3A_370, %min3A_372 : vector<16xi32>
    tpu.vector_store_idx %arg16[%min3A_373], %broadcast_in_dim3A_98 {add = true} : memref<1056xi32, #tpu.memory_space<vmem>>[vector<16xi32>], vector<16xi32>,
    %get3A_374 = arith.constant 64 : index
    %get3A_375 = tpu.vector_load %arg8[%get3A_374] {strides = array<i32>} : memref<256xf32, #tpu.memory_space<vmem>>, vector<16xf32>,
    %mul3A_376 = arith.constant 1.024000e+03 : f32
    %mul3A_377 = vector.broadcast %mul3A_376 : f32 to vector<16xf32>
    %mul3A_378 = arith.mulf %get3A_375, %mul3A_377 : vector<16xf32>
    %convert_element_type3A_379 = arith.fptosi %mul3A_378 : vector<16xf32> to vector<16xi32>
    %max3A_380 = arith.constant 0 : i32
    %max3A_381 = vector.broadcast %max3A_380 : i32 to vector<16xi32>
    %max3A_382 = arith.maxsi %convert_element_type3A_379, %max3A_381 : vector<16xi32>
    %min3A_383 = arith.constant 1023 : i32
    %min3A_384 = vector.broadcast %min3A_383 : i32 to vector<16xi32>
    %min3A_385 = arith.minsi %max3A_382, %min3A_384 : vector<16xi32>
    tpu.vector_store_idx %arg16[%min3A_385], %broadcast_in_dim3A_98 {add = true} : memref<1056xi32, #tpu.memory_space<vmem>>[vector<16xi32>], vector<16xi32>,
    %get3A_386 = arith.constant 80 : index
    %get3A_387 = tpu.vector_load %arg8[%get3A_386] {strides = array<i32>} : memref<256xf32, #tpu.memory_space<vmem>>, vector<16xf32>,
    %mul3A_388 = arith.constant 1.024000e+03 : f32
    %mul3A_389 = vector.broadcast %mul3A_388 : f32 to vector<16xf32>
    %mul3A_390 = arith.mulf %get3A_387, %mul3A_389 : vector<16xf32>
    %convert_element_type3A_391 = arith.fptosi %mul3A_390 : vector<16xf32> to vector<16xi32>
    %max3A_392 = arith.constant 0 : i32
    %max3A_393 = vector.broadcast %max3A_392 : i32 to vector<16xi32>
    %max3A_394 = arith.maxsi %convert_element_type3A_391, %max3A_393 : vector<16xi32>
    %min3A_395 = arith.constant 1023 : i32
    %min3A_396 = vector.broadcast %min3A_395 : i32 to vector<16xi32>
    %min3A_397 = arith.minsi %max3A_394, %min3A_396 : vector<16xi32>
    tpu.vector_store_idx %arg16[%min3A_397], %broadcast_in_dim3A_98 {add = true} : memref<1056xi32, #tpu.memory_space<vmem>>[vector<16xi32>], vector<16xi32>,
    %get3A_398 = arith.constant 96 : index
    %get3A_399 = tpu.vector_load %arg8[%get3A_398] {strides = array<i32>} : memref<256xf32, #tpu.memory_space<vmem>>, vector<16xf32>,
    %mul3A_400 = arith.constant 1.024000e+03 : f32
    %mul3A_401 = vector.broadcast %mul3A_400 : f32 to vector<16xf32>
    %mul3A_402 = arith.mulf %get3A_399, %mul3A_401 : vector<16xf32>
    %convert_element_type3A_403 = arith.fptosi %mul3A_402 : vector<16xf32> to vector<16xi32>
    %max3A_404 = arith.constant 0 : i32
    %max3A_405 = vector.broadcast %max3A_404 : i32 to vector<16xi32>
    %max3A_406 = arith.maxsi %convert_element_type3A_403, %max3A_405 : vector<16xi32>
    %min3A_407 = arith.constant 1023 : i32
    %min3A_408 = vector.broadcast %min3A_407 : i32 to vector<16xi32>
    %min3A_409 = arith.minsi %max3A_406, %min3A_408 : vector<16xi32>
    tpu.vector_store_idx %arg16[%min3A_409], %broadcast_in_dim3A_98 {add = true} : memref<1056xi32, #tpu.memory_space<vmem>>[vector<16xi32>], vector<16xi32>,
    %get3A_410 = arith.constant 112 : index
    %get3A_411 = tpu.vector_load %arg8[%get3A_410] {strides = array<i32>} : memref<256xf32, #tpu.memory_space<vmem>>, vector<16xf32>,
    %mul3A_412 = arith.constant 1.024000e+03 : f32
    %mul3A_413 = vector.broadcast %mul3A_412 : f32 to vector<16xf32>
    %mul3A_414 = arith.mulf %get3A_411, %mul3A_413 : vector<16xf32>
    %convert_element_type3A_415 = arith.fptosi %mul3A_414 : vector<16xf32> to vector<16xi32>
    %max3A_416 = arith.constant 0 : i32
    %max3A_417 = vector.broadcast %max3A_416 : i32 to vector<16xi32>
    %max3A_418 = arith.maxsi %convert_element_type3A_415, %max3A_417 : vector<16xi32>
    %min3A_419 = arith.constant 1023 : i32
    %min3A_420 = vector.broadcast %min3A_419 : i32 to vector<16xi32>
    %min3A_421 = arith.minsi %max3A_418, %min3A_420 : vector<16xi32>
    tpu.vector_store_idx %arg16[%min3A_421], %broadcast_in_dim3A_98 {add = true} : memref<1056xi32, #tpu.memory_space<vmem>>[vector<16xi32>], vector<16xi32>,
    %get3A_422 = arith.constant 128 : index
    %get3A_423 = tpu.vector_load %arg8[%get3A_422] {strides = array<i32>} : memref<256xf32, #tpu.memory_space<vmem>>, vector<16xf32>,
    %mul3A_424 = arith.constant 1.024000e+03 : f32
    %mul3A_425 = vector.broadcast %mul3A_424 : f32 to vector<16xf32>
    %mul3A_426 = arith.mulf %get3A_423, %mul3A_425 : vector<16xf32>
    %convert_element_type3A_427 = arith.fptosi %mul3A_426 : vector<16xf32> to vector<16xi32>
    %max3A_428 = arith.constant 0 : i32
    %max3A_429 = vector.broadcast %max3A_428 : i32 to vector<16xi32>
    %max3A_430 = arith.maxsi %convert_element_type3A_427, %max3A_429 : vector<16xi32>
    %min3A_431 = arith.constant 1023 : i32
    %min3A_432 = vector.broadcast %min3A_431 : i32 to vector<16xi32>
    %min3A_433 = arith.minsi %max3A_430, %min3A_432 : vector<16xi32>
    tpu.vector_store_idx %arg16[%min3A_433], %broadcast_in_dim3A_98 {add = true} : memref<1056xi32, #tpu.memory_space<vmem>>[vector<16xi32>], vector<16xi32>,
    %get3A_434 = arith.constant 144 : index
    %get3A_435 = tpu.vector_load %arg8[%get3A_434] {strides = array<i32>} : memref<256xf32, #tpu.memory_space<vmem>>, vector<16xf32>,
    %mul3A_436 = arith.constant 1.024000e+03 : f32
    %mul3A_437 = vector.broadcast %mul3A_436 : f32 to vector<16xf32>
    %mul3A_438 = arith.mulf %get3A_435, %mul3A_437 : vector<16xf32>
    %convert_element_type3A_439 = arith.fptosi %mul3A_438 : vector<16xf32> to vector<16xi32>
    %max3A_440 = arith.constant 0 : i32
    %max3A_441 = vector.broadcast %max3A_440 : i32 to vector<16xi32>
    %max3A_442 = arith.maxsi %convert_element_type3A_439, %max3A_441 : vector<16xi32>
    %min3A_443 = arith.constant 1023 : i32
    %min3A_444 = vector.broadcast %min3A_443 : i32 to vector<16xi32>
    %min3A_445 = arith.minsi %max3A_442, %min3A_444 : vector<16xi32>
    tpu.vector_store_idx %arg16[%min3A_445], %broadcast_in_dim3A_98 {add = true} : memref<1056xi32, #tpu.memory_space<vmem>>[vector<16xi32>], vector<16xi32>,
    %get3A_446 = arith.constant 160 : index
    %get3A_447 = tpu.vector_load %arg8[%get3A_446] {strides = array<i32>} : memref<256xf32, #tpu.memory_space<vmem>>, vector<16xf32>,
    %mul3A_448 = arith.constant 1.024000e+03 : f32
    %mul3A_449 = vector.broadcast %mul3A_448 : f32 to vector<16xf32>
    %mul3A_450 = arith.mulf %get3A_447, %mul3A_449 : vector<16xf32>
    %convert_element_type3A_451 = arith.fptosi %mul3A_450 : vector<16xf32> to vector<16xi32>
    %max3A_452 = arith.constant 0 : i32
    %max3A_453 = vector.broadcast %max3A_452 : i32 to vector<16xi32>
    %max3A_454 = arith.maxsi %convert_element_type3A_451, %max3A_453 : vector<16xi32>
    %min3A_455 = arith.constant 1023 : i32
    %min3A_456 = vector.broadcast %min3A_455 : i32 to vector<16xi32>
    %min3A_457 = arith.minsi %max3A_454, %min3A_456 : vector<16xi32>
    tpu.vector_store_idx %arg16[%min3A_457], %broadcast_in_dim3A_98 {add = true} : memref<1056xi32, #tpu.memory_space<vmem>>[vector<16xi32>], vector<16xi32>,
    %get3A_458 = arith.constant 176 : index
    %get3A_459 = tpu.vector_load %arg8[%get3A_458] {strides = array<i32>} : memref<256xf32, #tpu.memory_space<vmem>>, vector<16xf32>,
    %mul3A_460 = arith.constant 1.024000e+03 : f32
    %mul3A_461 = vector.broadcast %mul3A_460 : f32 to vector<16xf32>
    %mul3A_462 = arith.mulf %get3A_459, %mul3A_461 : vector<16xf32>
    %convert_element_type3A_463 = arith.fptosi %mul3A_462 : vector<16xf32> to vector<16xi32>
    %max3A_464 = arith.constant 0 : i32
    %max3A_465 = vector.broadcast %max3A_464 : i32 to vector<16xi32>
    %max3A_466 = arith.maxsi %convert_element_type3A_463, %max3A_465 : vector<16xi32>
    %min3A_467 = arith.constant 1023 : i32
    %min3A_468 = vector.broadcast %min3A_467 : i32 to vector<16xi32>
    %min3A_469 = arith.minsi %max3A_466, %min3A_468 : vector<16xi32>
    tpu.vector_store_idx %arg16[%min3A_469], %broadcast_in_dim3A_98 {add = true} : memref<1056xi32, #tpu.memory_space<vmem>>[vector<16xi32>], vector<16xi32>,
    %get3A_470 = arith.constant 192 : index
    %get3A_471 = tpu.vector_load %arg8[%get3A_470] {strides = array<i32>} : memref<256xf32, #tpu.memory_space<vmem>>, vector<16xf32>,
    %mul3A_472 = arith.constant 1.024000e+03 : f32
    %mul3A_473 = vector.broadcast %mul3A_472 : f32 to vector<16xf32>
    %mul3A_474 = arith.mulf %get3A_471, %mul3A_473 : vector<16xf32>
    %convert_element_type3A_475 = arith.fptosi %mul3A_474 : vector<16xf32> to vector<16xi32>
    %max3A_476 = arith.constant 0 : i32
    %max3A_477 = vector.broadcast %max3A_476 : i32 to vector<16xi32>
    %max3A_478 = arith.maxsi %convert_element_type3A_475, %max3A_477 : vector<16xi32>
    %min3A_479 = arith.constant 1023 : i32
    %min3A_480 = vector.broadcast %min3A_479 : i32 to vector<16xi32>
    %min3A_481 = arith.minsi %max3A_478, %min3A_480 : vector<16xi32>
    tpu.vector_store_idx %arg16[%min3A_481], %broadcast_in_dim3A_98 {add = true} : memref<1056xi32, #tpu.memory_space<vmem>>[vector<16xi32>], vector<16xi32>,
    %get3A_482 = arith.constant 208 : index
    %get3A_483 = tpu.vector_load %arg8[%get3A_482] {strides = array<i32>} : memref<256xf32, #tpu.memory_space<vmem>>, vector<16xf32>,
    %mul3A_484 = arith.constant 1.024000e+03 : f32
    %mul3A_485 = vector.broadcast %mul3A_484 : f32 to vector<16xf32>
    %mul3A_486 = arith.mulf %get3A_483, %mul3A_485 : vector<16xf32>
    %convert_element_type3A_487 = arith.fptosi %mul3A_486 : vector<16xf32> to vector<16xi32>
    %max3A_488 = arith.constant 0 : i32
    %max3A_489 = vector.broadcast %max3A_488 : i32 to vector<16xi32>
    %max3A_490 = arith.maxsi %convert_element_type3A_487, %max3A_489 : vector<16xi32>
    %min3A_491 = arith.constant 1023 : i32
    %min3A_492 = vector.broadcast %min3A_491 : i32 to vector<16xi32>
    %min3A_493 = arith.minsi %max3A_490, %min3A_492 : vector<16xi32>
    tpu.vector_store_idx %arg16[%min3A_493], %broadcast_in_dim3A_98 {add = true} : memref<1056xi32, #tpu.memory_space<vmem>>[vector<16xi32>], vector<16xi32>,
    %get3A_494 = arith.constant 224 : index
    %get3A_495 = tpu.vector_load %arg8[%get3A_494] {strides = array<i32>} : memref<256xf32, #tpu.memory_space<vmem>>, vector<16xf32>,
    %mul3A_496 = arith.constant 1.024000e+03 : f32
    %mul3A_497 = vector.broadcast %mul3A_496 : f32 to vector<16xf32>
    %mul3A_498 = arith.mulf %get3A_495, %mul3A_497 : vector<16xf32>
    %convert_element_type3A_499 = arith.fptosi %mul3A_498 : vector<16xf32> to vector<16xi32>
    %max3A_500 = arith.constant 0 : i32
    %max3A_501 = vector.broadcast %max3A_500 : i32 to vector<16xi32>
    %max3A_502 = arith.maxsi %convert_element_type3A_499, %max3A_501 : vector<16xi32>
    %min3A_503 = arith.constant 1023 : i32
    %min3A_504 = vector.broadcast %min3A_503 : i32 to vector<16xi32>
    %min3A_505 = arith.minsi %max3A_502, %min3A_504 : vector<16xi32>
    tpu.vector_store_idx %arg16[%min3A_505], %broadcast_in_dim3A_98 {add = true} : memref<1056xi32, #tpu.memory_space<vmem>>[vector<16xi32>], vector<16xi32>,
    %get3A_506 = arith.constant 240 : index
    %get3A_507 = tpu.vector_load %arg8[%get3A_506] {strides = array<i32>} : memref<256xf32, #tpu.memory_space<vmem>>, vector<16xf32>,
    %mul3A_508 = arith.constant 1.024000e+03 : f32
    %mul3A_509 = vector.broadcast %mul3A_508 : f32 to vector<16xf32>
    %mul3A_510 = arith.mulf %get3A_507, %mul3A_509 : vector<16xf32>
    %convert_element_type3A_511 = arith.fptosi %mul3A_510 : vector<16xf32> to vector<16xi32>
    %max3A_512 = arith.constant 0 : i32
    %max3A_513 = vector.broadcast %max3A_512 : i32 to vector<16xi32>
    %max3A_514 = arith.maxsi %convert_element_type3A_511, %max3A_513 : vector<16xi32>
    %min3A_515 = arith.constant 1023 : i32
    %min3A_516 = vector.broadcast %min3A_515 : i32 to vector<16xi32>
    %min3A_517 = arith.minsi %max3A_514, %min3A_516 : vector<16xi32>
    tpu.vector_store_idx %arg16[%min3A_517], %broadcast_in_dim3A_98 {add = true} : memref<1056xi32, #tpu.memory_space<vmem>>[vector<16xi32>], vector<16xi32>,
    %broadcast_in_dim3A_518 = arith.constant 15 : i32
    %broadcast_in_dim3A_519 = vector.broadcast %broadcast_in_dim3A_518 : i32 to vector<16xi32>
    %scan3A_520 = arith.constant 0 : i32
    %scan3A_521 = arith.constant 66 : i32
    %scan3A_522 = arith.addi %scan3A_520, %scan3A_521 : i32
    %scan3A_523 = arith.constant 1 : i32
    %scan3A_524:2 = scf.for %scan3A_651 = %scan3A_520 to %scan3A_522 step %scan3A_523 iter_args(%scan3A_652 = %broadcast_in_dim3A_94, %scan3A_653 = %broadcast_in_dim3A_94) -> (vector<16xi32>, vector<16xi32>)  : i32 {
      %mul3A_654 = arith.constant 16 : i32
      %mul3A_655 = arith.muli %scan3A_651, %mul3A_654 : i32
      %multiple_of3A = tpu.assume_multiple %mul3A_655, 16 : i32
      %get3A_656 = arith.index_cast %multiple_of3A : i32 to index
      %get3A_657 = tpu.vector_load %arg16[%get3A_656] {strides = array<i32>} : memref<1056xi32, #tpu.memory_space<vmem>>, vector<16xi32>,
      %broadcast_in_dim3A_658 = arith.constant true
      %broadcast_in_dim3A_659 = vector.broadcast %broadcast_in_dim3A_658 : i1 to vector<16xi1>
      %masked_cumsum3A = tpu.scan <sum>, %get3A_657 masked %broadcast_in_dim3A_659 : vector<16xi32>, vector<16xi1> -> vector<16xi32>
      %sub3A_660 = arith.subi %masked_cumsum3A, %get3A_657 : vector<16xi32>
      %add3A_661 = arith.addi %sub3A_660, %scan3A_652 : vector<16xi32>
      %mul3A_662 = arith.constant 16 : i32
      %mul3A_663 = arith.muli %scan3A_651, %mul3A_662 : i32
      %multiple_of3A_664 = tpu.assume_multiple %mul3A_663, 16 : i32
      %swap3A_665 = arith.index_cast %multiple_of3A_664 : i32 to index
      %swap3A_666 = tpu.vector_load %arg16[%swap3A_665] {strides = array<i32>} : memref<1056xi32, #tpu.memory_space<vmem>>, vector<16xi32>,
      tpu.vector_store %arg16[%swap3A_665], %add3A_661 {strides = array<i32>} : memref<1056xi32, #tpu.memory_space<vmem>>, vector<16xi32>,
      %lt3A_667 = arith.constant 0 : i32
      %lt3A_668 = vector.broadcast %lt3A_667 : i32 to vector<16xi32>
      %lt3A_669 = arith.cmpi slt, %broadcast_in_dim3A_519, %lt3A_668 : vector<16xi32>
      %add3A_670 = arith.constant 16 : i32
      %add3A_671 = vector.broadcast %add3A_670 : i32 to vector<16xi32>
      %add3A_672 = arith.addi %broadcast_in_dim3A_519, %add3A_671 : vector<16xi32>
      %select_n3A_673 = arith.select %lt3A_669, %add3A_672, %broadcast_in_dim3A_519 : vector<16xi1>, vector<16xi32>
      %broadcast_in_dim3A_674 = vector.shape_cast %select_n3A_673 : vector<16xi32> to vector<16x1xi32>
      %gather3A_675 = vector.shape_cast %broadcast_in_dim3A_674 : vector<16x1xi32> to vector<16xi32>
      %gather3A_676 = tpu.dynamic_gather %masked_cumsum3A[%gather3A_675] in [0] : vector<16xi32>, vector<16xi32> -> vector<16xi32>
      %add3A_677 = arith.addi %scan3A_652, %gather3A_676 : vector<16xi32>
      %max3A_678 = arith.maxsi %scan3A_653, %get3A_657 : vector<16xi32>
      scf.yield %add3A_677, %max3A_678 : vector<16xi32>, vector<16xi32>
    }
    %scan3A_525 = arith.constant 66 : i32
    %reduce_max3A = arith.constant true
    %reduce_max3A_526 = vector.broadcast %reduce_max3A : i1 to vector<16xi1>
    %reduce_max3A_527 = arith.constant -2147483648 : i32
    %reduce_max3A_528 = vector.broadcast %reduce_max3A_527 : i32 to vector<16xi32>
    %reduce_max3A_529 = arith.xori %scan3A_524#1, %reduce_max3A_528 : vector<16xi32>
    %reduce_max3A_530 = tpu.scan <max>, %reduce_max3A_529 masked %reduce_max3A_526 : vector<16xi32>, vector<16xi1> -> vector<16xi32>
    %reduce_max3A_531 = arith.xori %reduce_max3A_530, %reduce_max3A_528 : vector<16xi32>
    %reduce_max3A_532 = vector.extract %reduce_max3A_531[15] : i32 from vector<16xi32>
    %while3A = arith.constant 1 : i32
    %while3A_533 = scf.while (%while3A_651 = %while3A) : (i32) -> i32 {
      %add3A_652 = arith.constant 1 : i32
      %add3A_653 = arith.addi %reduce_max3A_532, %add3A_652 : i32
      %lt3A_654 = arith.cmpi slt, %while3A_651, %add3A_653 : i32
      scf.condition(%lt3A_654) %while3A_651 : i32
    } do {
    ^bb0(%while3A_651: i32):
      %mul3A_652 = arith.constant 2 : i32
      %mul3A_653 = arith.muli %while3A_651, %mul3A_652 : i32
      scf.yield %mul3A_653 : i32
    }
    %jit3A_534 = arith.constant 2 : i32
    %div3A_535 = arith.divsi %while3A_533, %jit3A_534 : i32
    %sign3A_536 = arith.constant 0 : i32
    %sign3A_537 = arith.cmpi sgt, %while3A_533, %sign3A_536 : i32
    %sign3A_538 = arith.extui %sign3A_537 : i1 to i32
    %sign3A_539 = arith.constant 0 : i32
    %sign3A_540 = arith.cmpi slt, %while3A_533, %sign3A_539 : i32
    %sign3A_541 = arith.extui %sign3A_540 : i1 to i32
    %sign3A_542 = arith.subi %sign3A_538, %sign3A_541 : i32
    %sign3A_543 = arith.constant 0 : i32
    %sign3A_544 = arith.cmpi sgt, %jit3A_534, %sign3A_543 : i32
    %sign3A_545 = arith.extui %sign3A_544 : i1 to i32
    %sign3A_546 = arith.constant 0 : i32
    %sign3A_547 = arith.cmpi slt, %jit3A_534, %sign3A_546 : i32
    %sign3A_548 = arith.extui %sign3A_547 : i1 to i32
    %sign3A_549 = arith.subi %sign3A_545, %sign3A_548 : i32
    %ne3A_550 = arith.cmpi ne, %sign3A_542, %sign3A_549 : i32
    %rem3A_551 = arith.remsi %while3A_533, %jit3A_534 : i32
    %ne3A_552 = arith.constant 0 : i32
    %ne3A_553 = arith.cmpi ne, %rem3A_551, %ne3A_552 : i32
    %and3A_554 = arith.andi %ne3A_550, %ne3A_553 : i1
    %sub3A_555 = arith.constant 1 : i32
    %sub3A_556 = arith.subi %div3A_535, %sub3A_555 : i32
    %select_n3A_557 = arith.select %and3A_554, %sub3A_556, %div3A_535 : i32
    %broadcast_in_dim3A_558 = arith.constant 4 : i32
    %broadcast_in_dim3A_559 = vector.broadcast %broadcast_in_dim3A_558 : i32 to vector<16xi32>
    %broadcast_in_dim3A_560 = arith.constant 2 : i32
    %broadcast_in_dim3A_561 = vector.broadcast %broadcast_in_dim3A_560 : i32 to vector<16xi32>
    %broadcast_in_dim3A_562 = arith.constant 1 : i32
    %broadcast_in_dim3A_563 = vector.broadcast %broadcast_in_dim3A_562 : i32 to vector<16xi32>
    %scan3A_564 = arith.constant 0 : i32
    %scan3A_565 = arith.constant 0 : i32
    %scan3A_566 = arith.constant 17 : i32
    %scan3A_567 = arith.addi %scan3A_565, %scan3A_566 : i32
    %scan3A_568 = arith.constant 1 : i32
    %scan3A_569 = scf.for %scan3A_651 = %scan3A_565 to %scan3A_567 step %scan3A_568 iter_args(%scan3A_652 = %scan3A_564) -> (i32)  : i32 {
      %mul3A_653 = arith.constant 256 : i32
      %mul3A_654 = arith.muli %scan3A_651, %mul3A_653 : i32
      %add3A_655 = arith.constant 0 : i32
      %add3A_656 = arith.addi %mul3A_654, %add3A_655 : i32
      %multiple_of3A = tpu.assume_multiple %add3A_656, 16 : i32
      %swap3A_657 = arith.index_cast %multiple_of3A : i32 to index
      %swap3A_658 = tpu.vector_load %arg12[%swap3A_657] {strides = array<i32>} : memref<4352xf32, #tpu.memory_space<vmem>>, vector<16xf32>,
      tpu.vector_store %arg12[%swap3A_657], %broadcast_in_dim3A_100 {strides = array<i32>} : memref<4352xf32, #tpu.memory_space<vmem>>, vector<16xf32>,
      %swap3A_659 = arith.index_cast %multiple_of3A : i32 to index
      %swap3A_660 = tpu.vector_load %arg14[%swap3A_659] {strides = array<i32>} : memref<4352xf32, #tpu.memory_space<vmem>>, vector<16xf32>,
      tpu.vector_store %arg14[%swap3A_659], %broadcast_in_dim3A_102 {strides = array<i32>} : memref<4352xf32, #tpu.memory_space<vmem>>, vector<16xf32>,
      %mul3A_661 = arith.constant 256 : i32
      %mul3A_662 = arith.muli %scan3A_651, %mul3A_661 : i32
      %add3A_663 = arith.constant 16 : i32
      %add3A_664 = arith.addi %mul3A_662, %add3A_663 : i32
      %multiple_of3A_665 = tpu.assume_multiple %add3A_664, 16 : i32
      %swap3A_666 = arith.index_cast %multiple_of3A_665 : i32 to index
      %swap3A_667 = tpu.vector_load %arg12[%swap3A_666] {strides = array<i32>} : memref<4352xf32, #tpu.memory_space<vmem>>, vector<16xf32>,
      tpu.vector_store %arg12[%swap3A_666], %broadcast_in_dim3A_100 {strides = array<i32>} : memref<4352xf32, #tpu.memory_space<vmem>>, vector<16xf32>,
      %swap3A_668 = arith.index_cast %multiple_of3A_665 : i32 to index
      %swap3A_669 = tpu.vector_load %arg14[%swap3A_668] {strides = array<i32>} : memref<4352xf32, #tpu.memory_space<vmem>>, vector<16xf32>,
      tpu.vector_store %arg14[%swap3A_668], %broadcast_in_dim3A_102 {strides = array<i32>} : memref<4352xf32, #tpu.memory_space<vmem>>, vector<16xf32>,
      %mul3A_670 = arith.constant 256 : i32
      %mul3A_671 = arith.muli %scan3A_651, %mul3A_670 : i32
      %add3A_672 = arith.constant 32 : i32
      %add3A_673 = arith.addi %mul3A_671, %add3A_672 : i32
      %multiple_of3A_674 = tpu.assume_multiple %add3A_673, 16 : i32
      %swap3A_675 = arith.index_cast %multiple_of3A_674 : i32 to index
      %swap3A_676 = tpu.vector_load %arg12[%swap3A_675] {strides = array<i32>} : memref<4352xf32, #tpu.memory_space<vmem>>, vector<16xf32>,
      tpu.vector_store %arg12[%swap3A_675], %broadcast_in_dim3A_100 {strides = array<i32>} : memref<4352xf32, #tpu.memory_space<vmem>>, vector<16xf32>,
      %swap3A_677 = arith.index_cast %multiple_of3A_674 : i32 to index
      %swap3A_678 = tpu.vector_load %arg14[%swap3A_677] {strides = array<i32>} : memref<4352xf32, #tpu.memory_space<vmem>>, vector<16xf32>,
      tpu.vector_store %arg14[%swap3A_677], %broadcast_in_dim3A_102 {strides = array<i32>} : memref<4352xf32, #tpu.memory_space<vmem>>, vector<16xf32>,
      %mul3A_679 = arith.constant 256 : i32
      %mul3A_680 = arith.muli %scan3A_651, %mul3A_679 : i32
      %add3A_681 = arith.constant 48 : i32
      %add3A_682 = arith.addi %mul3A_680, %add3A_681 : i32
      %multiple_of3A_683 = tpu.assume_multiple %add3A_682, 16 : i32
      %swap3A_684 = arith.index_cast %multiple_of3A_683 : i32 to index
      %swap3A_685 = tpu.vector_load %arg12[%swap3A_684] {strides = array<i32>} : memref<4352xf32, #tpu.memory_space<vmem>>, vector<16xf32>,
      tpu.vector_store %arg12[%swap3A_684], %broadcast_in_dim3A_100 {strides = array<i32>} : memref<4352xf32, #tpu.memory_space<vmem>>, vector<16xf32>,
      %swap3A_686 = arith.index_cast %multiple_of3A_683 : i32 to index
      %swap3A_687 = tpu.vector_load %arg14[%swap3A_686] {strides = array<i32>} : memref<4352xf32, #tpu.memory_space<vmem>>, vector<16xf32>,
      tpu.vector_store %arg14[%swap3A_686], %broadcast_in_dim3A_102 {strides = array<i32>} : memref<4352xf32, #tpu.memory_space<vmem>>, vector<16xf32>,
      %mul3A_688 = arith.constant 256 : i32
      %mul3A_689 = arith.muli %scan3A_651, %mul3A_688 : i32
      %add3A_690 = arith.constant 64 : i32
      %add3A_691 = arith.addi %mul3A_689, %add3A_690 : i32
      %multiple_of3A_692 = tpu.assume_multiple %add3A_691, 16 : i32
      %swap3A_693 = arith.index_cast %multiple_of3A_692 : i32 to index
      %swap3A_694 = tpu.vector_load %arg12[%swap3A_693] {strides = array<i32>} : memref<4352xf32, #tpu.memory_space<vmem>>, vector<16xf32>,
      tpu.vector_store %arg12[%swap3A_693], %broadcast_in_dim3A_100 {strides = array<i32>} : memref<4352xf32, #tpu.memory_space<vmem>>, vector<16xf32>,
      %swap3A_695 = arith.index_cast %multiple_of3A_692 : i32 to index
      %swap3A_696 = tpu.vector_load %arg14[%swap3A_695] {strides = array<i32>} : memref<4352xf32, #tpu.memory_space<vmem>>, vector<16xf32>,
      tpu.vector_store %arg14[%swap3A_695], %broadcast_in_dim3A_102 {strides = array<i32>} : memref<4352xf32, #tpu.memory_space<vmem>>, vector<16xf32>,
      %mul3A_697 = arith.constant 256 : i32
      %mul3A_698 = arith.muli %scan3A_651, %mul3A_697 : i32
      %add3A_699 = arith.constant 80 : i32
      %add3A_700 = arith.addi %mul3A_698, %add3A_699 : i32
      %multiple_of3A_701 = tpu.assume_multiple %add3A_700, 16 : i32
      %swap3A_702 = arith.index_cast %multiple_of3A_701 : i32 to index
      %swap3A_703 = tpu.vector_load %arg12[%swap3A_702] {strides = array<i32>} : memref<4352xf32, #tpu.memory_space<vmem>>, vector<16xf32>,
      tpu.vector_store %arg12[%swap3A_702], %broadcast_in_dim3A_100 {strides = array<i32>} : memref<4352xf32, #tpu.memory_space<vmem>>, vector<16xf32>,
      %swap3A_704 = arith.index_cast %multiple_of3A_701 : i32 to index
      %swap3A_705 = tpu.vector_load %arg14[%swap3A_704] {strides = array<i32>} : memref<4352xf32, #tpu.memory_space<vmem>>, vector<16xf32>,
      tpu.vector_store %arg14[%swap3A_704], %broadcast_in_dim3A_102 {strides = array<i32>} : memref<4352xf32, #tpu.memory_space<vmem>>, vector<16xf32>,
      %mul3A_706 = arith.constant 256 : i32
      %mul3A_707 = arith.muli %scan3A_651, %mul3A_706 : i32
      %add3A_708 = arith.constant 96 : i32
      %add3A_709 = arith.addi %mul3A_707, %add3A_708 : i32
      %multiple_of3A_710 = tpu.assume_multiple %add3A_709, 16 : i32
      %swap3A_711 = arith.index_cast %multiple_of3A_710 : i32 to index
      %swap3A_712 = tpu.vector_load %arg12[%swap3A_711] {strides = array<i32>} : memref<4352xf32, #tpu.memory_space<vmem>>, vector<16xf32>,
      tpu.vector_store %arg12[%swap3A_711], %broadcast_in_dim3A_100 {strides = array<i32>} : memref<4352xf32, #tpu.memory_space<vmem>>, vector<16xf32>,
      %swap3A_713 = arith.index_cast %multiple_of3A_710 : i32 to index
      %swap3A_714 = tpu.vector_load %arg14[%swap3A_713] {strides = array<i32>} : memref<4352xf32, #tpu.memory_space<vmem>>, vector<16xf32>,
      tpu.vector_store %arg14[%swap3A_713], %broadcast_in_dim3A_102 {strides = array<i32>} : memref<4352xf32, #tpu.memory_space<vmem>>, vector<16xf32>,
      %mul3A_715 = arith.constant 256 : i32
      %mul3A_716 = arith.muli %scan3A_651, %mul3A_715 : i32
      %add3A_717 = arith.constant 112 : i32
      %add3A_718 = arith.addi %mul3A_716, %add3A_717 : i32
      %multiple_of3A_719 = tpu.assume_multiple %add3A_718, 16 : i32
      %swap3A_720 = arith.index_cast %multiple_of3A_719 : i32 to index
      %swap3A_721 = tpu.vector_load %arg12[%swap3A_720] {strides = array<i32>} : memref<4352xf32, #tpu.memory_space<vmem>>, vector<16xf32>,
      tpu.vector_store %arg12[%swap3A_720], %broadcast_in_dim3A_100 {strides = array<i32>} : memref<4352xf32, #tpu.memory_space<vmem>>, vector<16xf32>,
      %swap3A_722 = arith.index_cast %multiple_of3A_719 : i32 to index
      %swap3A_723 = tpu.vector_load %arg14[%swap3A_722] {strides = array<i32>} : memref<4352xf32, #tpu.memory_space<vmem>>, vector<16xf32>,
      tpu.vector_store %arg14[%swap3A_722], %broadcast_in_dim3A_102 {strides = array<i32>} : memref<4352xf32, #tpu.memory_space<vmem>>, vector<16xf32>,
      %mul3A_724 = arith.constant 256 : i32
      %mul3A_725 = arith.muli %scan3A_651, %mul3A_724 : i32
      %add3A_726 = arith.constant 128 : i32
      %add3A_727 = arith.addi %mul3A_725, %add3A_726 : i32
      %multiple_of3A_728 = tpu.assume_multiple %add3A_727, 16 : i32
      %swap3A_729 = arith.index_cast %multiple_of3A_728 : i32 to index
      %swap3A_730 = tpu.vector_load %arg12[%swap3A_729] {strides = array<i32>} : memref<4352xf32, #tpu.memory_space<vmem>>, vector<16xf32>,
      tpu.vector_store %arg12[%swap3A_729], %broadcast_in_dim3A_100 {strides = array<i32>} : memref<4352xf32, #tpu.memory_space<vmem>>, vector<16xf32>,
      %swap3A_731 = arith.index_cast %multiple_of3A_728 : i32 to index
      %swap3A_732 = tpu.vector_load %arg14[%swap3A_731] {strides = array<i32>} : memref<4352xf32, #tpu.memory_space<vmem>>, vector<16xf32>,
      tpu.vector_store %arg14[%swap3A_731], %broadcast_in_dim3A_102 {strides = array<i32>} : memref<4352xf32, #tpu.memory_space<vmem>>, vector<16xf32>,
      %mul3A_733 = arith.constant 256 : i32
      %mul3A_734 = arith.muli %scan3A_651, %mul3A_733 : i32
      %add3A_735 = arith.constant 144 : i32
      %add3A_736 = arith.addi %mul3A_734, %add3A_735 : i32
      %multiple_of3A_737 = tpu.assume_multiple %add3A_736, 16 : i32
      %swap3A_738 = arith.index_cast %multiple_of3A_737 : i32 to index
      %swap3A_739 = tpu.vector_load %arg12[%swap3A_738] {strides = array<i32>} : memref<4352xf32, #tpu.memory_space<vmem>>, vector<16xf32>,
      tpu.vector_store %arg12[%swap3A_738], %broadcast_in_dim3A_100 {strides = array<i32>} : memref<4352xf32, #tpu.memory_space<vmem>>, vector<16xf32>,
      %swap3A_740 = arith.index_cast %multiple_of3A_737 : i32 to index
      %swap3A_741 = tpu.vector_load %arg14[%swap3A_740] {strides = array<i32>} : memref<4352xf32, #tpu.memory_space<vmem>>, vector<16xf32>,
      tpu.vector_store %arg14[%swap3A_740], %broadcast_in_dim3A_102 {strides = array<i32>} : memref<4352xf32, #tpu.memory_space<vmem>>, vector<16xf32>,
      %mul3A_742 = arith.constant 256 : i32
      %mul3A_743 = arith.muli %scan3A_651, %mul3A_742 : i32
      %add3A_744 = arith.constant 160 : i32
      %add3A_745 = arith.addi %mul3A_743, %add3A_744 : i32
      %multiple_of3A_746 = tpu.assume_multiple %add3A_745, 16 : i32
      %swap3A_747 = arith.index_cast %multiple_of3A_746 : i32 to index
      %swap3A_748 = tpu.vector_load %arg12[%swap3A_747] {strides = array<i32>} : memref<4352xf32, #tpu.memory_space<vmem>>, vector<16xf32>,
      tpu.vector_store %arg12[%swap3A_747], %broadcast_in_dim3A_100 {strides = array<i32>} : memref<4352xf32, #tpu.memory_space<vmem>>, vector<16xf32>,
      %swap3A_749 = arith.index_cast %multiple_of3A_746 : i32 to index
      %swap3A_750 = tpu.vector_load %arg14[%swap3A_749] {strides = array<i32>} : memref<4352xf32, #tpu.memory_space<vmem>>, vector<16xf32>,
      tpu.vector_store %arg14[%swap3A_749], %broadcast_in_dim3A_102 {strides = array<i32>} : memref<4352xf32, #tpu.memory_space<vmem>>, vector<16xf32>,
      %mul3A_751 = arith.constant 256 : i32
      %mul3A_752 = arith.muli %scan3A_651, %mul3A_751 : i32
      %add3A_753 = arith.constant 176 : i32
      %add3A_754 = arith.addi %mul3A_752, %add3A_753 : i32
      %multiple_of3A_755 = tpu.assume_multiple %add3A_754, 16 : i32
      %swap3A_756 = arith.index_cast %multiple_of3A_755 : i32 to index
      %swap3A_757 = tpu.vector_load %arg12[%swap3A_756] {strides = array<i32>} : memref<4352xf32, #tpu.memory_space<vmem>>, vector<16xf32>,
      tpu.vector_store %arg12[%swap3A_756], %broadcast_in_dim3A_100 {strides = array<i32>} : memref<4352xf32, #tpu.memory_space<vmem>>, vector<16xf32>,
      %swap3A_758 = arith.index_cast %multiple_of3A_755 : i32 to index
      %swap3A_759 = tpu.vector_load %arg14[%swap3A_758] {strides = array<i32>} : memref<4352xf32, #tpu.memory_space<vmem>>, vector<16xf32>,
      tpu.vector_store %arg14[%swap3A_758], %broadcast_in_dim3A_102 {strides = array<i32>} : memref<4352xf32, #tpu.memory_space<vmem>>, vector<16xf32>,
      %mul3A_760 = arith.constant 256 : i32
      %mul3A_761 = arith.muli %scan3A_651, %mul3A_760 : i32
      %add3A_762 = arith.constant 192 : i32
      %add3A_763 = arith.addi %mul3A_761, %add3A_762 : i32
      %multiple_of3A_764 = tpu.assume_multiple %add3A_763, 16 : i32
      %swap3A_765 = arith.index_cast %multiple_of3A_764 : i32 to index
      %swap3A_766 = tpu.vector_load %arg12[%swap3A_765] {strides = array<i32>} : memref<4352xf32, #tpu.memory_space<vmem>>, vector<16xf32>,
      tpu.vector_store %arg12[%swap3A_765], %broadcast_in_dim3A_100 {strides = array<i32>} : memref<4352xf32, #tpu.memory_space<vmem>>, vector<16xf32>,
      %swap3A_767 = arith.index_cast %multiple_of3A_764 : i32 to index
      %swap3A_768 = tpu.vector_load %arg14[%swap3A_767] {strides = array<i32>} : memref<4352xf32, #tpu.memory_space<vmem>>, vector<16xf32>,
      tpu.vector_store %arg14[%swap3A_767], %broadcast_in_dim3A_102 {strides = array<i32>} : memref<4352xf32, #tpu.memory_space<vmem>>, vector<16xf32>,
      %mul3A_769 = arith.constant 256 : i32
      %mul3A_770 = arith.muli %scan3A_651, %mul3A_769 : i32
      %add3A_771 = arith.constant 208 : i32
      %add3A_772 = arith.addi %mul3A_770, %add3A_771 : i32
      %multiple_of3A_773 = tpu.assume_multiple %add3A_772, 16 : i32
      %swap3A_774 = arith.index_cast %multiple_of3A_773 : i32 to index
      %swap3A_775 = tpu.vector_load %arg12[%swap3A_774] {strides = array<i32>} : memref<4352xf32, #tpu.memory_space<vmem>>, vector<16xf32>,
      tpu.vector_store %arg12[%swap3A_774], %broadcast_in_dim3A_100 {strides = array<i32>} : memref<4352xf32, #tpu.memory_space<vmem>>, vector<16xf32>,
      %swap3A_776 = arith.index_cast %multiple_of3A_773 : i32 to index
      %swap3A_777 = tpu.vector_load %arg14[%swap3A_776] {strides = array<i32>} : memref<4352xf32, #tpu.memory_space<vmem>>, vector<16xf32>,
      tpu.vector_store %arg14[%swap3A_776], %broadcast_in_dim3A_102 {strides = array<i32>} : memref<4352xf32, #tpu.memory_space<vmem>>, vector<16xf32>,
      %mul3A_778 = arith.constant 256 : i32
      %mul3A_779 = arith.muli %scan3A_651, %mul3A_778 : i32
      %add3A_780 = arith.constant 224 : i32
      %add3A_781 = arith.addi %mul3A_779, %add3A_780 : i32
      %multiple_of3A_782 = tpu.assume_multiple %add3A_781, 16 : i32
      %swap3A_783 = arith.index_cast %multiple_of3A_782 : i32 to index
      %swap3A_784 = tpu.vector_load %arg12[%swap3A_783] {strides = array<i32>} : memref<4352xf32, #tpu.memory_space<vmem>>, vector<16xf32>,
      tpu.vector_store %arg12[%swap3A_783], %broadcast_in_dim3A_100 {strides = array<i32>} : memref<4352xf32, #tpu.memory_space<vmem>>, vector<16xf32>,
      %swap3A_785 = arith.index_cast %multiple_of3A_782 : i32 to index
      %swap3A_786 = tpu.vector_load %arg14[%swap3A_785] {strides = array<i32>} : memref<4352xf32, #tpu.memory_space<vmem>>, vector<16xf32>,
      tpu.vector_store %arg14[%swap3A_785], %broadcast_in_dim3A_102 {strides = array<i32>} : memref<4352xf32, #tpu.memory_space<vmem>>, vector<16xf32>,
      %mul3A_787 = arith.constant 256 : i32
      %mul3A_788 = arith.muli %scan3A_651, %mul3A_787 : i32
      %add3A_789 = arith.constant 240 : i32
      %add3A_790 = arith.addi %mul3A_788, %add3A_789 : i32
      %multiple_of3A_791 = tpu.assume_multiple %add3A_790, 16 : i32
      %swap3A_792 = arith.index_cast %multiple_of3A_791 : i32 to index
      %swap3A_793 = tpu.vector_load %arg12[%swap3A_792] {strides = array<i32>} : memref<4352xf32, #tpu.memory_space<vmem>>, vector<16xf32>,
      tpu.vector_store %arg12[%swap3A_792], %broadcast_in_dim3A_100 {strides = array<i32>} : memref<4352xf32, #tpu.memory_space<vmem>>, vector<16xf32>,
      %swap3A_794 = arith.index_cast %multiple_of3A_791 : i32 to index
      %swap3A_795 = tpu.vector_load %arg14[%swap3A_794] {strides = array<i32>} : memref<4352xf32, #tpu.memory_space<vmem>>, vector<16xf32>,
      tpu.vector_store %arg14[%swap3A_794], %broadcast_in_dim3A_102 {strides = array<i32>} : memref<4352xf32, #tpu.memory_space<vmem>>, vector<16xf32>,
      %scan3A_796 = arith.constant 0 : i32
      scf.yield %scan3A_796 : i32
    }
    %scan3A_570 = arith.constant 17 : i32
    %mul3A_571 = arith.constant 272 : i32
    %mul3A_572 = vector.broadcast %mul3A_571 : i32 to vector<16xi32>
    %mul3A_573 = arith.muli %iota3A, %mul3A_572 : vector<16xi32>
    %dma_wait3A = arith.constant 0 : i32
    %dma_wait3A_574 = arith.constant 0 : i32
    %dma_wait3A_575 = tpu.memref_slice %arg23[%dma_wait3A, %dma_wait3A_574] : memref<32x224xf32, #tpu.memory_space<vmem>> -> memref<8x224xf32, #tpu.memory_space<vmem>>
    %dma_wait3A_576 = arith.constant 0 : i32
    %dma_wait3A_577 = tpu.memref_slice %arg3[%add3A, %mul3A_40, %dma_wait3A_576] : memref<4x224x224xf32, #tpu.memory_space<hbm>> -> memref<1x8x224xf32, #tpu.memory_space<hbm>>
    %dma_wait3A_578 = tpu.memref_squeeze %dma_wait3A_577 : memref<1x8x224xf32, #tpu.memory_space<hbm>> -> memref<8x224xf32, #tpu.memory_space<hbm>>
    %dma_wait3A_579 = arith.constant 0 : i32
    %dma_wait3A_580 = arith.constant 0 : i32
    %dma_wait3A_581 = tpu.memref_slice %arg23[%dma_wait3A_579, %dma_wait3A_580] : memref<32x224xf32, #tpu.memory_space<vmem>> -> memref<8x224xf32, #tpu.memory_space<vmem>>
    %dma_wait3A_582 = arith.constant 0 : i32
    %dma_wait3A_583 = tpu.memref_slice %arg3[%add3A, %mul3A_40, %dma_wait3A_582] : memref<4x224x224xf32, #tpu.memory_space<hbm>> -> memref<1x8x224xf32, #tpu.memory_space<hbm>>
    %dma_wait3A_584 = tpu.memref_squeeze %dma_wait3A_583 : memref<1x8x224xf32, #tpu.memory_space<hbm>> -> memref<8x224xf32, #tpu.memory_space<hbm>>
    tpu.wait_dma2 semaphore(%arg18 : memref<!tpu.dma_semaphore, #tpu.memory_space<semaphore_mem>>) src(%dma_wait3A_584 : memref<8x224xf32, #tpu.memory_space<hbm>>) dst(%dma_wait3A_581 : memref<8x224xf32, #tpu.memory_space<vmem>>)
    %dma_wait3A_585 = arith.constant 8 : i32
    %dma_wait3A_586 = arith.constant 0 : i32
    %dma_wait3A_587 = tpu.memref_slice %arg23[%dma_wait3A_585, %dma_wait3A_586] : memref<32x224xf32, #tpu.memory_space<vmem>> -> memref<8x224xf32, #tpu.memory_space<vmem>>
    %dma_wait3A_588 = arith.constant 0 : i32
    %dma_wait3A_589 = tpu.memref_slice %arg3[%add3A, %mul3A_53, %dma_wait3A_588] : memref<4x224x224xf32, #tpu.memory_space<hbm>> -> memref<1x8x224xf32, #tpu.memory_space<hbm>>
    %dma_wait3A_590 = tpu.memref_squeeze %dma_wait3A_589 : memref<1x8x224xf32, #tpu.memory_space<hbm>> -> memref<8x224xf32, #tpu.memory_space<hbm>>
    %dma_wait3A_591 = arith.constant 8 : i32
    %dma_wait3A_592 = arith.constant 0 : i32
    %dma_wait3A_593 = tpu.memref_slice %arg23[%dma_wait3A_591, %dma_wait3A_592] : memref<32x224xf32, #tpu.memory_space<vmem>> -> memref<8x224xf32, #tpu.memory_space<vmem>>
    %dma_wait3A_594 = arith.constant 0 : i32
    %dma_wait3A_595 = tpu.memref_slice %arg3[%add3A, %mul3A_53, %dma_wait3A_594] : memref<4x224x224xf32, #tpu.memory_space<hbm>> -> memref<1x8x224xf32, #tpu.memory_space<hbm>>
    %dma_wait3A_596 = tpu.memref_squeeze %dma_wait3A_595 : memref<1x8x224xf32, #tpu.memory_space<hbm>> -> memref<8x224xf32, #tpu.memory_space<hbm>>
    tpu.wait_dma2 semaphore(%arg18 : memref<!tpu.dma_semaphore, #tpu.memory_space<semaphore_mem>>) src(%dma_wait3A_596 : memref<8x224xf32, #tpu.memory_space<hbm>>) dst(%dma_wait3A_593 : memref<8x224xf32, #tpu.memory_space<vmem>>)
    %dma_wait3A_597 = arith.constant 16 : i32
    %dma_wait3A_598 = arith.constant 0 : i32
    %dma_wait3A_599 = tpu.memref_slice %arg23[%dma_wait3A_597, %dma_wait3A_598] : memref<32x224xf32, #tpu.memory_space<vmem>> -> memref<8x224xf32, #tpu.memory_space<vmem>>
    %dma_wait3A_600 = arith.constant 0 : i32
    %dma_wait3A_601 = tpu.memref_slice %arg3[%add3A, %mul3A_67, %dma_wait3A_600] : memref<4x224x224xf32, #tpu.memory_space<hbm>> -> memref<1x8x224xf32, #tpu.memory_space<hbm>>
    %dma_wait3A_602 = tpu.memref_squeeze %dma_wait3A_601 : memref<1x8x224xf32, #tpu.memory_space<hbm>> -> memref<8x224xf32, #tpu.memory_space<hbm>>
    %dma_wait3A_603 = arith.constant 16 : i32
    %dma_wait3A_604 = arith.constant 0 : i32
    %dma_wait3A_605 = tpu.memref_slice %arg23[%dma_wait3A_603, %dma_wait3A_604] : memref<32x224xf32, #tpu.memory_space<vmem>> -> memref<8x224xf32, #tpu.memory_space<vmem>>
    %dma_wait3A_606 = arith.constant 0 : i32
    %dma_wait3A_607 = tpu.memref_slice %arg3[%add3A, %mul3A_67, %dma_wait3A_606] : memref<4x224x224xf32, #tpu.memory_space<hbm>> -> memref<1x8x224xf32, #tpu.memory_space<hbm>>
    %dma_wait3A_608 = tpu.memref_squeeze %dma_wait3A_607 : memref<1x8x224xf32, #tpu.memory_space<hbm>> -> memref<8x224xf32, #tpu.memory_space<hbm>>
    tpu.wait_dma2 semaphore(%arg18 : memref<!tpu.dma_semaphore, #tpu.memory_space<semaphore_mem>>) src(%dma_wait3A_608 : memref<8x224xf32, #tpu.memory_space<hbm>>) dst(%dma_wait3A_605 : memref<8x224xf32, #tpu.memory_space<vmem>>)
    %dma_wait3A_609 = arith.constant 24 : i32
    %dma_wait3A_610 = arith.constant 0 : i32
    %dma_wait3A_611 = tpu.memref_slice %arg23[%dma_wait3A_609, %dma_wait3A_610] : memref<32x224xf32, #tpu.memory_space<vmem>> -> memref<8x224xf32, #tpu.memory_space<vmem>>
    %dma_wait3A_612 = arith.constant 0 : i32
    %dma_wait3A_613 = tpu.memref_slice %arg3[%add3A, %mul3A_81, %dma_wait3A_612] : memref<4x224x224xf32, #tpu.memory_space<hbm>> -> memref<1x8x224xf32, #tpu.memory_space<hbm>>
    %dma_wait3A_614 = tpu.memref_squeeze %dma_wait3A_613 : memref<1x8x224xf32, #tpu.memory_space<hbm>> -> memref<8x224xf32, #tpu.memory_space<hbm>>
    %dma_wait3A_615 = arith.constant 24 : i32
    %dma_wait3A_616 = arith.constant 0 : i32
    %dma_wait3A_617 = tpu.memref_slice %arg23[%dma_wait3A_615, %dma_wait3A_616] : memref<32x224xf32, #tpu.memory_space<vmem>> -> memref<8x224xf32, #tpu.memory_space<vmem>>
    %dma_wait3A_618 = arith.constant 0 : i32
    %dma_wait3A_619 = tpu.memref_slice %arg3[%add3A, %mul3A_81, %dma_wait3A_618] : memref<4x224x224xf32, #tpu.memory_space<hbm>> -> memref<1x8x224xf32, #tpu.memory_space<hbm>>
    %dma_wait3A_620 = tpu.memref_squeeze %dma_wait3A_619 : memref<1x8x224xf32, #tpu.memory_space<hbm>> -> memref<8x224xf32, #tpu.memory_space<hbm>>
    tpu.wait_dma2 semaphore(%arg18 : memref<!tpu.dma_semaphore, #tpu.memory_space<semaphore_mem>>) src(%dma_wait3A_620 : memref<8x224xf32, #tpu.memory_space<hbm>>) dst(%dma_wait3A_617 : memref<8x224xf32, #tpu.memory_space<vmem>>)
    %scan3A_621 = arith.constant 0 : i32
    %scan3A_622 = arith.constant 28 : i32
    %scan3A_623 = arith.addi %scan3A_621, %scan3A_622 : i32
    %scan3A_624 = arith.constant 1 : i32
    %scan3A_625:2 = scf.for %scan3A_651 = %scan3A_621 to %scan3A_623 step %scan3A_624 iter_args(%scan3A_652 = %broadcast_in_dim3A_96, %scan3A_653 = %broadcast_in_dim3A_96) -> (vector<16xf32>, vector<16xf32>)  : i32 {
      %ge3A = arith.constant 24 : i32
      %ge3A_654 = arith.cmpi sge, %scan3A_651, %ge3A : i32
      %ge3A_655 = arith.constant 4 : i32
      %ge3A_656 = arith.cmpi sge, %select_n3A_30, %ge3A_655 : i32
      %and3A_657 = arith.andi %ge3A_654, %ge3A_656 : i1
      %jit3A_658 = arith.constant 4 : i32
      %jit3A_659 = arith.constant 0 : i32
      %select_n3A_660 = arith.select %and3A_657, %jit3A_658, %jit3A_659 : i32
      %add3A_661 = arith.addi %scan3A_651, %select_n3A_660 : i32
      %get3A_662 = arith.index_cast %add3A_661 : i32 to index
      %get3A_663 = arith.constant 0 : index
      %get3A_664 = tpu.vector_load %arg23[%get3A_662, %get3A_663] {strides = array<i32>} : memref<32x224xf32, #tpu.memory_space<vmem>>, vector<16xf32>,
      %get3A_665 = arith.index_cast %add3A_661 : i32 to index
      %get3A_666 = arith.constant 16 : index
      %get3A_667 = tpu.vector_load %arg23[%get3A_665, %get3A_666] {strides = array<i32>} : memref<32x224xf32, #tpu.memory_space<vmem>>, vector<16xf32>,
      %get3A_668 = arith.index_cast %add3A_661 : i32 to index
      %get3A_669 = arith.constant 32 : index
      %get3A_670 = tpu.vector_load %arg23[%get3A_668, %get3A_669] {strides = array<i32>} : memref<32x224xf32, #tpu.memory_space<vmem>>, vector<16xf32>,
      %get3A_671 = arith.index_cast %add3A_661 : i32 to index
      %get3A_672 = arith.constant 48 : index
      %get3A_673 = tpu.vector_load %arg23[%get3A_671, %get3A_672] {strides = array<i32>} : memref<32x224xf32, #tpu.memory_space<vmem>>, vector<16xf32>,
      %get3A_674 = arith.index_cast %add3A_661 : i32 to index
      %get3A_675 = arith.constant 64 : index
      %get3A_676 = tpu.vector_load %arg23[%get3A_674, %get3A_675] {strides = array<i32>} : memref<32x224xf32, #tpu.memory_space<vmem>>, vector<16xf32>,
      %get3A_677 = arith.index_cast %add3A_661 : i32 to index
      %get3A_678 = arith.constant 80 : index
      %get3A_679 = tpu.vector_load %arg23[%get3A_677, %get3A_678] {strides = array<i32>} : memref<32x224xf32, #tpu.memory_space<vmem>>, vector<16xf32>,
      %get3A_680 = arith.index_cast %add3A_661 : i32 to index
      %get3A_681 = arith.constant 96 : index
      %get3A_682 = tpu.vector_load %arg23[%get3A_680, %get3A_681] {strides = array<i32>} : memref<32x224xf32, #tpu.memory_space<vmem>>, vector<16xf32>,
      %get3A_683 = arith.index_cast %add3A_661 : i32 to index
      %get3A_684 = arith.constant 112 : index
      %get3A_685 = tpu.vector_load %arg23[%get3A_683, %get3A_684] {strides = array<i32>} : memref<32x224xf32, #tpu.memory_space<vmem>>, vector<16xf32>,
      %get3A_686 = arith.index_cast %add3A_661 : i32 to index
      %get3A_687 = arith.constant 128 : index
      %get3A_688 = tpu.vector_load %arg23[%get3A_686, %get3A_687] {strides = array<i32>} : memref<32x224xf32, #tpu.memory_space<vmem>>, vector<16xf32>,
      %get3A_689 = arith.index_cast %add3A_661 : i32 to index
      %get3A_690 = arith.constant 144 : index
      %get3A_691 = tpu.vector_load %arg23[%get3A_689, %get3A_690] {strides = array<i32>} : memref<32x224xf32, #tpu.memory_space<vmem>>, vector<16xf32>,
      %get3A_692 = arith.index_cast %add3A_661 : i32 to index
      %get3A_693 = arith.constant 160 : index
      %get3A_694 = tpu.vector_load %arg23[%get3A_692, %get3A_693] {strides = array<i32>} : memref<32x224xf32, #tpu.memory_space<vmem>>, vector<16xf32>,
      %get3A_695 = arith.index_cast %add3A_661 : i32 to index
      %get3A_696 = arith.constant 176 : index
      %get3A_697 = tpu.vector_load %arg23[%get3A_695, %get3A_696] {strides = array<i32>} : memref<32x224xf32, #tpu.memory_space<vmem>>, vector<16xf32>,
      %get3A_698 = arith.index_cast %add3A_661 : i32 to index
      %get3A_699 = arith.constant 192 : index
      %get3A_700 = tpu.vector_load %arg23[%get3A_698, %get3A_699] {strides = array<i32>} : memref<32x224xf32, #tpu.memory_space<vmem>>, vector<16xf32>,
      %get3A_701 = arith.index_cast %add3A_661 : i32 to index
      %get3A_702 = arith.constant 208 : index
      %get3A_703 = tpu.vector_load %arg23[%get3A_701, %get3A_702] {strides = array<i32>} : memref<32x224xf32, #tpu.memory_space<vmem>>, vector<16xf32>,
      %mul3A_704 = arith.constant 1.024000e+03 : f32
      %mul3A_705 = vector.broadcast %mul3A_704 : f32 to vector<16xf32>
      %mul3A_706 = arith.mulf %get3A_664, %mul3A_705 : vector<16xf32>
      %convert_element_type3A_707 = arith.fptosi %mul3A_706 : vector<16xf32> to vector<16xi32>
      %mul3A_708 = arith.constant 1.024000e+03 : f32
      %mul3A_709 = vector.broadcast %mul3A_708 : f32 to vector<16xf32>
      %mul3A_710 = arith.mulf %get3A_667, %mul3A_709 : vector<16xf32>
      %convert_element_type3A_711 = arith.fptosi %mul3A_710 : vector<16xf32> to vector<16xi32>
      %mul3A_712 = arith.constant 1.024000e+03 : f32
      %mul3A_713 = vector.broadcast %mul3A_712 : f32 to vector<16xf32>
      %mul3A_714 = arith.mulf %get3A_670, %mul3A_713 : vector<16xf32>
      %convert_element_type3A_715 = arith.fptosi %mul3A_714 : vector<16xf32> to vector<16xi32>
      %mul3A_716 = arith.constant 1.024000e+03 : f32
      %mul3A_717 = vector.broadcast %mul3A_716 : f32 to vector<16xf32>
      %mul3A_718 = arith.mulf %get3A_673, %mul3A_717 : vector<16xf32>
      %convert_element_type3A_719 = arith.fptosi %mul3A_718 : vector<16xf32> to vector<16xi32>
      %mul3A_720 = arith.constant 1.024000e+03 : f32
      %mul3A_721 = vector.broadcast %mul3A_720 : f32 to vector<16xf32>
      %mul3A_722 = arith.mulf %get3A_676, %mul3A_721 : vector<16xf32>
      %convert_element_type3A_723 = arith.fptosi %mul3A_722 : vector<16xf32> to vector<16xi32>
      %mul3A_724 = arith.constant 1.024000e+03 : f32
      %mul3A_725 = vector.broadcast %mul3A_724 : f32 to vector<16xf32>
      %mul3A_726 = arith.mulf %get3A_679, %mul3A_725 : vector<16xf32>
      %convert_element_type3A_727 = arith.fptosi %mul3A_726 : vector<16xf32> to vector<16xi32>
      %mul3A_728 = arith.constant 1.024000e+03 : f32
      %mul3A_729 = vector.broadcast %mul3A_728 : f32 to vector<16xf32>
      %mul3A_730 = arith.mulf %get3A_682, %mul3A_729 : vector<16xf32>
      %convert_element_type3A_731 = arith.fptosi %mul3A_730 : vector<16xf32> to vector<16xi32>
      %mul3A_732 = arith.constant 1.024000e+03 : f32
      %mul3A_733 = vector.broadcast %mul3A_732 : f32 to vector<16xf32>
      %mul3A_734 = arith.mulf %get3A_685, %mul3A_733 : vector<16xf32>
      %convert_element_type3A_735 = arith.fptosi %mul3A_734 : vector<16xf32> to vector<16xi32>
      %mul3A_736 = arith.constant 1.024000e+03 : f32
      %mul3A_737 = vector.broadcast %mul3A_736 : f32 to vector<16xf32>
      %mul3A_738 = arith.mulf %get3A_688, %mul3A_737 : vector<16xf32>
      %convert_element_type3A_739 = arith.fptosi %mul3A_738 : vector<16xf32> to vector<16xi32>
      %mul3A_740 = arith.constant 1.024000e+03 : f32
      %mul3A_741 = vector.broadcast %mul3A_740 : f32 to vector<16xf32>
      %mul3A_742 = arith.mulf %get3A_691, %mul3A_741 : vector<16xf32>
      %convert_element_type3A_743 = arith.fptosi %mul3A_742 : vector<16xf32> to vector<16xi32>
      %mul3A_744 = arith.constant 1.024000e+03 : f32
      %mul3A_745 = vector.broadcast %mul3A_744 : f32 to vector<16xf32>
      %mul3A_746 = arith.mulf %get3A_694, %mul3A_745 : vector<16xf32>
      %convert_element_type3A_747 = arith.fptosi %mul3A_746 : vector<16xf32> to vector<16xi32>
      %mul3A_748 = arith.constant 1.024000e+03 : f32
      %mul3A_749 = vector.broadcast %mul3A_748 : f32 to vector<16xf32>
      %mul3A_750 = arith.mulf %get3A_697, %mul3A_749 : vector<16xf32>
      %convert_element_type3A_751 = arith.fptosi %mul3A_750 : vector<16xf32> to vector<16xi32>
      %mul3A_752 = arith.constant 1.024000e+03 : f32
      %mul3A_753 = vector.broadcast %mul3A_752 : f32 to vector<16xf32>
      %mul3A_754 = arith.mulf %get3A_700, %mul3A_753 : vector<16xf32>
      %convert_element_type3A_755 = arith.fptosi %mul3A_754 : vector<16xf32> to vector<16xi32>
      %mul3A_756 = arith.constant 1.024000e+03 : f32
      %mul3A_757 = vector.broadcast %mul3A_756 : f32 to vector<16xf32>
      %mul3A_758 = arith.mulf %get3A_703, %mul3A_757 : vector<16xf32>
      %convert_element_type3A_759 = arith.fptosi %mul3A_758 : vector<16xf32> to vector<16xi32>
      %gather3A_760 = tpu.vector_load_idx %arg16[%convert_element_type3A_707] : memref<1056xi32, #tpu.memory_space<vmem>>[vector<16xi32>], vector<16xi32>,
      %gather3A_761 = tpu.vector_load_idx %arg16[%convert_element_type3A_711] : memref<1056xi32, #tpu.memory_space<vmem>>[vector<16xi32>], vector<16xi32>,
      %gather3A_762 = tpu.vector_load_idx %arg16[%convert_element_type3A_715] : memref<1056xi32, #tpu.memory_space<vmem>>[vector<16xi32>], vector<16xi32>,
      %gather3A_763 = tpu.vector_load_idx %arg16[%convert_element_type3A_719] : memref<1056xi32, #tpu.memory_space<vmem>>[vector<16xi32>], vector<16xi32>,
      %gather3A_764 = tpu.vector_load_idx %arg16[%convert_element_type3A_723] : memref<1056xi32, #tpu.memory_space<vmem>>[vector<16xi32>], vector<16xi32>,
      %gather3A_765 = tpu.vector_load_idx %arg16[%convert_element_type3A_727] : memref<1056xi32, #tpu.memory_space<vmem>>[vector<16xi32>], vector<16xi32>,
      %gather3A_766 = tpu.vector_load_idx %arg16[%convert_element_type3A_731] : memref<1056xi32, #tpu.memory_space<vmem>>[vector<16xi32>], vector<16xi32>,
      %gather3A_767 = tpu.vector_load_idx %arg16[%convert_element_type3A_735] : memref<1056xi32, #tpu.memory_space<vmem>>[vector<16xi32>], vector<16xi32>,
      %gather3A_768 = tpu.vector_load_idx %arg16[%convert_element_type3A_739] : memref<1056xi32, #tpu.memory_space<vmem>>[vector<16xi32>], vector<16xi32>,
      %gather3A_769 = tpu.vector_load_idx %arg16[%convert_element_type3A_743] : memref<1056xi32, #tpu.memory_space<vmem>>[vector<16xi32>], vector<16xi32>,
      %gather3A_770 = tpu.vector_load_idx %arg16[%convert_element_type3A_747] : memref<1056xi32, #tpu.memory_space<vmem>>[vector<16xi32>], vector<16xi32>,
      %gather3A_771 = tpu.vector_load_idx %arg16[%convert_element_type3A_751] : memref<1056xi32, #tpu.memory_space<vmem>>[vector<16xi32>], vector<16xi32>,
      %gather3A_772 = tpu.vector_load_idx %arg16[%convert_element_type3A_755] : memref<1056xi32, #tpu.memory_space<vmem>>[vector<16xi32>], vector<16xi32>,
      %gather3A_773 = tpu.vector_load_idx %arg16[%convert_element_type3A_759] : memref<1056xi32, #tpu.memory_space<vmem>>[vector<16xi32>], vector<16xi32>,
      %while3A_774:15 = scf.while (%while3A_1306 = %select_n3A_557, %while3A_1307 = %gather3A_760, %while3A_1308 = %gather3A_761, %while3A_1309 = %gather3A_762, %while3A_1310 = %gather3A_763, %while3A_1311 = %gather3A_764, %while3A_1312 = %gather3A_765, %while3A_1313 = %gather3A_766, %while3A_1314 = %gather3A_767, %while3A_1315 = %gather3A_768, %while3A_1316 = %gather3A_769, %while3A_1317 = %gather3A_770, %while3A_1318 = %gather3A_771, %while3A_1319 = %gather3A_772, %while3A_1320 = %gather3A_773) : (i32, vector<16xi32>, vector<16xi32>, vector<16xi32>, vector<16xi32>, vector<16xi32>, vector<16xi32>, vector<16xi32>, vector<16xi32>, vector<16xi32>, vector<16xi32>, vector<16xi32>, vector<16xi32>, vector<16xi32>, vector<16xi32>) -> (i32, vector<16xi32>, vector<16xi32>, vector<16xi32>, vector<16xi32>, vector<16xi32>, vector<16xi32>, vector<16xi32>, vector<16xi32>, vector<16xi32>, vector<16xi32>, vector<16xi32>, vector<16xi32>, vector<16xi32>, vector<16xi32>) {
        %ge3A_1321 = arith.constant 8 : i32
        %ge3A_1322 = arith.cmpi sge, %while3A_1306, %ge3A_1321 : i32
        scf.condition(%ge3A_1322) %while3A_1306, %while3A_1307, %while3A_1308, %while3A_1309, %while3A_1310, %while3A_1311, %while3A_1312, %while3A_1313, %while3A_1314, %while3A_1315, %while3A_1316, %while3A_1317, %while3A_1318, %while3A_1319, %while3A_1320 : i32, vector<16xi32>, vector<16xi32>, vector<16xi32>, vector<16xi32>, vector<16xi32>, vector<16xi32>, vector<16xi32>, vector<16xi32>, vector<16xi32>, vector<16xi32>, vector<16xi32>, vector<16xi32>, vector<16xi32>, vector<16xi32>
      } do {
      ^bb0(%while3A_1306: i32, %while3A_1307: vector<16xi32>, %while3A_1308: vector<16xi32>, %while3A_1309: vector<16xi32>, %while3A_1310: vector<16xi32>, %while3A_1311: vector<16xi32>, %while3A_1312: vector<16xi32>, %while3A_1313: vector<16xi32>, %while3A_1314: vector<16xi32>, %while3A_1315: vector<16xi32>, %while3A_1316: vector<16xi32>, %while3A_1317: vector<16xi32>, %while3A_1318: vector<16xi32>, %while3A_1319: vector<16xi32>, %while3A_1320: vector<16xi32>):
        %broadcast_in_dim3A_1321 = vector.broadcast %while3A_1306 : i32 to vector<16xi32>
        %add3A_1322 = arith.addi %while3A_1307, %broadcast_in_dim3A_1321 : vector<16xi32>
        %gather3A_1323 = tpu.vector_load_idx %arg7[%add3A_1322] : memref<528xf32, #tpu.memory_space<vmem>>[vector<16xi32>], vector<16xf32>,
        %le3A_1324 = arith.cmpf ole, %gather3A_1323, %get3A_664 : vector<16xf32>
        %select_n3A_1325 = arith.select %le3A_1324, %broadcast_in_dim3A_1321, %broadcast_in_dim3A_94 : vector<16xi1>, vector<16xi32>
        %add3A_1326 = arith.addi %while3A_1307, %select_n3A_1325 : vector<16xi32>
        %add3A_1327 = arith.addi %while3A_1308, %broadcast_in_dim3A_1321 : vector<16xi32>
        %gather3A_1328 = tpu.vector_load_idx %arg7[%add3A_1327] : memref<528xf32, #tpu.memory_space<vmem>>[vector<16xi32>], vector<16xf32>,
        %le3A_1329 = arith.cmpf ole, %gather3A_1328, %get3A_667 : vector<16xf32>
        %select_n3A_1330 = arith.select %le3A_1329, %broadcast_in_dim3A_1321, %broadcast_in_dim3A_94 : vector<16xi1>, vector<16xi32>
        %add3A_1331 = arith.addi %while3A_1308, %select_n3A_1330 : vector<16xi32>
        %add3A_1332 = arith.addi %while3A_1309, %broadcast_in_dim3A_1321 : vector<16xi32>
        %gather3A_1333 = tpu.vector_load_idx %arg7[%add3A_1332] : memref<528xf32, #tpu.memory_space<vmem>>[vector<16xi32>], vector<16xf32>,
        %le3A_1334 = arith.cmpf ole, %gather3A_1333, %get3A_670 : vector<16xf32>
        %select_n3A_1335 = arith.select %le3A_1334, %broadcast_in_dim3A_1321, %broadcast_in_dim3A_94 : vector<16xi1>, vector<16xi32>
        %add3A_1336 = arith.addi %while3A_1309, %select_n3A_1335 : vector<16xi32>
        %add3A_1337 = arith.addi %while3A_1310, %broadcast_in_dim3A_1321 : vector<16xi32>
        %gather3A_1338 = tpu.vector_load_idx %arg7[%add3A_1337] : memref<528xf32, #tpu.memory_space<vmem>>[vector<16xi32>], vector<16xf32>,
        %le3A_1339 = arith.cmpf ole, %gather3A_1338, %get3A_673 : vector<16xf32>
        %select_n3A_1340 = arith.select %le3A_1339, %broadcast_in_dim3A_1321, %broadcast_in_dim3A_94 : vector<16xi1>, vector<16xi32>
        %add3A_1341 = arith.addi %while3A_1310, %select_n3A_1340 : vector<16xi32>
        %add3A_1342 = arith.addi %while3A_1311, %broadcast_in_dim3A_1321 : vector<16xi32>
        %gather3A_1343 = tpu.vector_load_idx %arg7[%add3A_1342] : memref<528xf32, #tpu.memory_space<vmem>>[vector<16xi32>], vector<16xf32>,
        %le3A_1344 = arith.cmpf ole, %gather3A_1343, %get3A_676 : vector<16xf32>
        %select_n3A_1345 = arith.select %le3A_1344, %broadcast_in_dim3A_1321, %broadcast_in_dim3A_94 : vector<16xi1>, vector<16xi32>
        %add3A_1346 = arith.addi %while3A_1311, %select_n3A_1345 : vector<16xi32>
        %add3A_1347 = arith.addi %while3A_1312, %broadcast_in_dim3A_1321 : vector<16xi32>
        %gather3A_1348 = tpu.vector_load_idx %arg7[%add3A_1347] : memref<528xf32, #tpu.memory_space<vmem>>[vector<16xi32>], vector<16xf32>,
        %le3A_1349 = arith.cmpf ole, %gather3A_1348, %get3A_679 : vector<16xf32>
        %select_n3A_1350 = arith.select %le3A_1349, %broadcast_in_dim3A_1321, %broadcast_in_dim3A_94 : vector<16xi1>, vector<16xi32>
        %add3A_1351 = arith.addi %while3A_1312, %select_n3A_1350 : vector<16xi32>
        %add3A_1352 = arith.addi %while3A_1313, %broadcast_in_dim3A_1321 : vector<16xi32>
        %gather3A_1353 = tpu.vector_load_idx %arg7[%add3A_1352] : memref<528xf32, #tpu.memory_space<vmem>>[vector<16xi32>], vector<16xf32>,
        %le3A_1354 = arith.cmpf ole, %gather3A_1353, %get3A_682 : vector<16xf32>
        %select_n3A_1355 = arith.select %le3A_1354, %broadcast_in_dim3A_1321, %broadcast_in_dim3A_94 : vector<16xi1>, vector<16xi32>
        %add3A_1356 = arith.addi %while3A_1313, %select_n3A_1355 : vector<16xi32>
        %add3A_1357 = arith.addi %while3A_1314, %broadcast_in_dim3A_1321 : vector<16xi32>
        %gather3A_1358 = tpu.vector_load_idx %arg7[%add3A_1357] : memref<528xf32, #tpu.memory_space<vmem>>[vector<16xi32>], vector<16xf32>,
        %le3A_1359 = arith.cmpf ole, %gather3A_1358, %get3A_685 : vector<16xf32>
        %select_n3A_1360 = arith.select %le3A_1359, %broadcast_in_dim3A_1321, %broadcast_in_dim3A_94 : vector<16xi1>, vector<16xi32>
        %add3A_1361 = arith.addi %while3A_1314, %select_n3A_1360 : vector<16xi32>
        %add3A_1362 = arith.addi %while3A_1315, %broadcast_in_dim3A_1321 : vector<16xi32>
        %gather3A_1363 = tpu.vector_load_idx %arg7[%add3A_1362] : memref<528xf32, #tpu.memory_space<vmem>>[vector<16xi32>], vector<16xf32>,
        %le3A_1364 = arith.cmpf ole, %gather3A_1363, %get3A_688 : vector<16xf32>
        %select_n3A_1365 = arith.select %le3A_1364, %broadcast_in_dim3A_1321, %broadcast_in_dim3A_94 : vector<16xi1>, vector<16xi32>
        %add3A_1366 = arith.addi %while3A_1315, %select_n3A_1365 : vector<16xi32>
        %add3A_1367 = arith.addi %while3A_1316, %broadcast_in_dim3A_1321 : vector<16xi32>
        %gather3A_1368 = tpu.vector_load_idx %arg7[%add3A_1367] : memref<528xf32, #tpu.memory_space<vmem>>[vector<16xi32>], vector<16xf32>,
        %le3A_1369 = arith.cmpf ole, %gather3A_1368, %get3A_691 : vector<16xf32>
        %select_n3A_1370 = arith.select %le3A_1369, %broadcast_in_dim3A_1321, %broadcast_in_dim3A_94 : vector<16xi1>, vector<16xi32>
        %add3A_1371 = arith.addi %while3A_1316, %select_n3A_1370 : vector<16xi32>
        %add3A_1372 = arith.addi %while3A_1317, %broadcast_in_dim3A_1321 : vector<16xi32>
        %gather3A_1373 = tpu.vector_load_idx %arg7[%add3A_1372] : memref<528xf32, #tpu.memory_space<vmem>>[vector<16xi32>], vector<16xf32>,
        %le3A_1374 = arith.cmpf ole, %gather3A_1373, %get3A_694 : vector<16xf32>
        %select_n3A_1375 = arith.select %le3A_1374, %broadcast_in_dim3A_1321, %broadcast_in_dim3A_94 : vector<16xi1>, vector<16xi32>
        %add3A_1376 = arith.addi %while3A_1317, %select_n3A_1375 : vector<16xi32>
        %add3A_1377 = arith.addi %while3A_1318, %broadcast_in_dim3A_1321 : vector<16xi32>
        %gather3A_1378 = tpu.vector_load_idx %arg7[%add3A_1377] : memref<528xf32, #tpu.memory_space<vmem>>[vector<16xi32>], vector<16xf32>,
        %le3A_1379 = arith.cmpf ole, %gather3A_1378, %get3A_697 : vector<16xf32>
        %select_n3A_1380 = arith.select %le3A_1379, %broadcast_in_dim3A_1321, %broadcast_in_dim3A_94 : vector<16xi1>, vector<16xi32>
        %add3A_1381 = arith.addi %while3A_1318, %select_n3A_1380 : vector<16xi32>
        %add3A_1382 = arith.addi %while3A_1319, %broadcast_in_dim3A_1321 : vector<16xi32>
        %gather3A_1383 = tpu.vector_load_idx %arg7[%add3A_1382] : memref<528xf32, #tpu.memory_space<vmem>>[vector<16xi32>], vector<16xf32>,
        %le3A_1384 = arith.cmpf ole, %gather3A_1383, %get3A_700 : vector<16xf32>
        %select_n3A_1385 = arith.select %le3A_1384, %broadcast_in_dim3A_1321, %broadcast_in_dim3A_94 : vector<16xi1>, vector<16xi32>
        %add3A_1386 = arith.addi %while3A_1319, %select_n3A_1385 : vector<16xi32>
        %add3A_1387 = arith.addi %while3A_1320, %broadcast_in_dim3A_1321 : vector<16xi32>
        %gather3A_1388 = tpu.vector_load_idx %arg7[%add3A_1387] : memref<528xf32, #tpu.memory_space<vmem>>[vector<16xi32>], vector<16xf32>,
        %le3A_1389 = arith.cmpf ole, %gather3A_1388, %get3A_703 : vector<16xf32>
        %select_n3A_1390 = arith.select %le3A_1389, %broadcast_in_dim3A_1321, %broadcast_in_dim3A_94 : vector<16xi1>, vector<16xi32>
        %add3A_1391 = arith.addi %while3A_1320, %select_n3A_1390 : vector<16xi32>
        %jit3A_1392 = arith.constant 2 : i32
        %div3A_1393 = arith.divsi %while3A_1306, %jit3A_1392 : i32
        %sign3A_1394 = arith.constant 0 : i32
        %sign3A_1395 = arith.cmpi sgt, %while3A_1306, %sign3A_1394 : i32
        %sign3A_1396 = arith.extui %sign3A_1395 : i1 to i32
        %sign3A_1397 = arith.constant 0 : i32
        %sign3A_1398 = arith.cmpi slt, %while3A_1306, %sign3A_1397 : i32
        %sign3A_1399 = arith.extui %sign3A_1398 : i1 to i32
        %sign3A_1400 = arith.subi %sign3A_1396, %sign3A_1399 : i32
        %sign3A_1401 = arith.constant 0 : i32
        %sign3A_1402 = arith.cmpi sgt, %jit3A_1392, %sign3A_1401 : i32
        %sign3A_1403 = arith.extui %sign3A_1402 : i1 to i32
        %sign3A_1404 = arith.constant 0 : i32
        %sign3A_1405 = arith.cmpi slt, %jit3A_1392, %sign3A_1404 : i32
        %sign3A_1406 = arith.extui %sign3A_1405 : i1 to i32
        %sign3A_1407 = arith.subi %sign3A_1403, %sign3A_1406 : i32
        %ne3A_1408 = arith.cmpi ne, %sign3A_1400, %sign3A_1407 : i32
        %rem3A_1409 = arith.remsi %while3A_1306, %jit3A_1392 : i32
        %ne3A_1410 = arith.constant 0 : i32
        %ne3A_1411 = arith.cmpi ne, %rem3A_1409, %ne3A_1410 : i32
        %and3A_1412 = arith.andi %ne3A_1408, %ne3A_1411 : i1
        %sub3A_1413 = arith.constant 1 : i32
        %sub3A_1414 = arith.subi %div3A_1393, %sub3A_1413 : i32
        %select_n3A_1415 = arith.select %and3A_1412, %sub3A_1414, %div3A_1393 : i32
        scf.yield %select_n3A_1415, %add3A_1326, %add3A_1331, %add3A_1336, %add3A_1341, %add3A_1346, %add3A_1351, %add3A_1356, %add3A_1361, %add3A_1366, %add3A_1371, %add3A_1376, %add3A_1381, %add3A_1386, %add3A_1391 : i32, vector<16xi32>, vector<16xi32>, vector<16xi32>, vector<16xi32>, vector<16xi32>, vector<16xi32>, vector<16xi32>, vector<16xi32>, vector<16xi32>, vector<16xi32>, vector<16xi32>, vector<16xi32>, vector<16xi32>, vector<16xi32>
      }
      %add3A_775 = arith.addi %while3A_774#1, %broadcast_in_dim3A_559 : vector<16xi32>
      %gather3A_776 = tpu.vector_load_idx %arg7[%add3A_775] : memref<528xf32, #tpu.memory_space<vmem>>[vector<16xi32>], vector<16xf32>,
      %le3A = arith.cmpf ole, %gather3A_776, %get3A_664 : vector<16xf32>
      %select_n3A_777 = arith.select %le3A, %broadcast_in_dim3A_559, %broadcast_in_dim3A_94 : vector<16xi1>, vector<16xi32>
      %add3A_778 = arith.addi %while3A_774#1, %select_n3A_777 : vector<16xi32>
      %add3A_779 = arith.addi %while3A_774#2, %broadcast_in_dim3A_559 : vector<16xi32>
      %gather3A_780 = tpu.vector_load_idx %arg7[%add3A_779] : memref<528xf32, #tpu.memory_space<vmem>>[vector<16xi32>], vector<16xf32>,
      %le3A_781 = arith.cmpf ole, %gather3A_780, %get3A_667 : vector<16xf32>
      %select_n3A_782 = arith.select %le3A_781, %broadcast_in_dim3A_559, %broadcast_in_dim3A_94 : vector<16xi1>, vector<16xi32>
      %add3A_783 = arith.addi %while3A_774#2, %select_n3A_782 : vector<16xi32>
      %add3A_784 = arith.addi %while3A_774#3, %broadcast_in_dim3A_559 : vector<16xi32>
      %gather3A_785 = tpu.vector_load_idx %arg7[%add3A_784] : memref<528xf32, #tpu.memory_space<vmem>>[vector<16xi32>], vector<16xf32>,
      %le3A_786 = arith.cmpf ole, %gather3A_785, %get3A_670 : vector<16xf32>
      %select_n3A_787 = arith.select %le3A_786, %broadcast_in_dim3A_559, %broadcast_in_dim3A_94 : vector<16xi1>, vector<16xi32>
      %add3A_788 = arith.addi %while3A_774#3, %select_n3A_787 : vector<16xi32>
      %add3A_789 = arith.addi %while3A_774#4, %broadcast_in_dim3A_559 : vector<16xi32>
      %gather3A_790 = tpu.vector_load_idx %arg7[%add3A_789] : memref<528xf32, #tpu.memory_space<vmem>>[vector<16xi32>], vector<16xf32>,
      %le3A_791 = arith.cmpf ole, %gather3A_790, %get3A_673 : vector<16xf32>
      %select_n3A_792 = arith.select %le3A_791, %broadcast_in_dim3A_559, %broadcast_in_dim3A_94 : vector<16xi1>, vector<16xi32>
      %add3A_793 = arith.addi %while3A_774#4, %select_n3A_792 : vector<16xi32>
      %add3A_794 = arith.addi %while3A_774#5, %broadcast_in_dim3A_559 : vector<16xi32>
      %gather3A_795 = tpu.vector_load_idx %arg7[%add3A_794] : memref<528xf32, #tpu.memory_space<vmem>>[vector<16xi32>], vector<16xf32>,
      %le3A_796 = arith.cmpf ole, %gather3A_795, %get3A_676 : vector<16xf32>
      %select_n3A_797 = arith.select %le3A_796, %broadcast_in_dim3A_559, %broadcast_in_dim3A_94 : vector<16xi1>, vector<16xi32>
      %add3A_798 = arith.addi %while3A_774#5, %select_n3A_797 : vector<16xi32>
      %add3A_799 = arith.addi %while3A_774#6, %broadcast_in_dim3A_559 : vector<16xi32>
      %gather3A_800 = tpu.vector_load_idx %arg7[%add3A_799] : memref<528xf32, #tpu.memory_space<vmem>>[vector<16xi32>], vector<16xf32>,
      %le3A_801 = arith.cmpf ole, %gather3A_800, %get3A_679 : vector<16xf32>
      %select_n3A_802 = arith.select %le3A_801, %broadcast_in_dim3A_559, %broadcast_in_dim3A_94 : vector<16xi1>, vector<16xi32>
      %add3A_803 = arith.addi %while3A_774#6, %select_n3A_802 : vector<16xi32>
      %add3A_804 = arith.addi %while3A_774#7, %broadcast_in_dim3A_559 : vector<16xi32>
      %gather3A_805 = tpu.vector_load_idx %arg7[%add3A_804] : memref<528xf32, #tpu.memory_space<vmem>>[vector<16xi32>], vector<16xf32>,
      %le3A_806 = arith.cmpf ole, %gather3A_805, %get3A_682 : vector<16xf32>
      %select_n3A_807 = arith.select %le3A_806, %broadcast_in_dim3A_559, %broadcast_in_dim3A_94 : vector<16xi1>, vector<16xi32>
      %add3A_808 = arith.addi %while3A_774#7, %select_n3A_807 : vector<16xi32>
      %add3A_809 = arith.addi %while3A_774#8, %broadcast_in_dim3A_559 : vector<16xi32>
      %gather3A_810 = tpu.vector_load_idx %arg7[%add3A_809] : memref<528xf32, #tpu.memory_space<vmem>>[vector<16xi32>], vector<16xf32>,
      %le3A_811 = arith.cmpf ole, %gather3A_810, %get3A_685 : vector<16xf32>
      %select_n3A_812 = arith.select %le3A_811, %broadcast_in_dim3A_559, %broadcast_in_dim3A_94 : vector<16xi1>, vector<16xi32>
      %add3A_813 = arith.addi %while3A_774#8, %select_n3A_812 : vector<16xi32>
      %add3A_814 = arith.addi %while3A_774#9, %broadcast_in_dim3A_559 : vector<16xi32>
      %gather3A_815 = tpu.vector_load_idx %arg7[%add3A_814] : memref<528xf32, #tpu.memory_space<vmem>>[vector<16xi32>], vector<16xf32>,
      %le3A_816 = arith.cmpf ole, %gather3A_815, %get3A_688 : vector<16xf32>
      %select_n3A_817 = arith.select %le3A_816, %broadcast_in_dim3A_559, %broadcast_in_dim3A_94 : vector<16xi1>, vector<16xi32>
      %add3A_818 = arith.addi %while3A_774#9, %select_n3A_817 : vector<16xi32>
      %add3A_819 = arith.addi %while3A_774#10, %broadcast_in_dim3A_559 : vector<16xi32>
      %gather3A_820 = tpu.vector_load_idx %arg7[%add3A_819] : memref<528xf32, #tpu.memory_space<vmem>>[vector<16xi32>], vector<16xf32>,
      %le3A_821 = arith.cmpf ole, %gather3A_820, %get3A_691 : vector<16xf32>
      %select_n3A_822 = arith.select %le3A_821, %broadcast_in_dim3A_559, %broadcast_in_dim3A_94 : vector<16xi1>, vector<16xi32>
      %add3A_823 = arith.addi %while3A_774#10, %select_n3A_822 : vector<16xi32>
      %add3A_824 = arith.addi %while3A_774#11, %broadcast_in_dim3A_559 : vector<16xi32>
      %gather3A_825 = tpu.vector_load_idx %arg7[%add3A_824] : memref<528xf32, #tpu.memory_space<vmem>>[vector<16xi32>], vector<16xf32>,
      %le3A_826 = arith.cmpf ole, %gather3A_825, %get3A_694 : vector<16xf32>
      %select_n3A_827 = arith.select %le3A_826, %broadcast_in_dim3A_559, %broadcast_in_dim3A_94 : vector<16xi1>, vector<16xi32>
      %add3A_828 = arith.addi %while3A_774#11, %select_n3A_827 : vector<16xi32>
      %add3A_829 = arith.addi %while3A_774#12, %broadcast_in_dim3A_559 : vector<16xi32>
      %gather3A_830 = tpu.vector_load_idx %arg7[%add3A_829] : memref<528xf32, #tpu.memory_space<vmem>>[vector<16xi32>], vector<16xf32>,
      %le3A_831 = arith.cmpf ole, %gather3A_830, %get3A_697 : vector<16xf32>
      %select_n3A_832 = arith.select %le3A_831, %broadcast_in_dim3A_559, %broadcast_in_dim3A_94 : vector<16xi1>, vector<16xi32>
      %add3A_833 = arith.addi %while3A_774#12, %select_n3A_832 : vector<16xi32>
      %add3A_834 = arith.addi %while3A_774#13, %broadcast_in_dim3A_559 : vector<16xi32>
      %gather3A_835 = tpu.vector_load_idx %arg7[%add3A_834] : memref<528xf32, #tpu.memory_space<vmem>>[vector<16xi32>], vector<16xf32>,
      %le3A_836 = arith.cmpf ole, %gather3A_835, %get3A_700 : vector<16xf32>
      %select_n3A_837 = arith.select %le3A_836, %broadcast_in_dim3A_559, %broadcast_in_dim3A_94 : vector<16xi1>, vector<16xi32>
      %add3A_838 = arith.addi %while3A_774#13, %select_n3A_837 : vector<16xi32>
      %add3A_839 = arith.addi %while3A_774#14, %broadcast_in_dim3A_559 : vector<16xi32>
      %gather3A_840 = tpu.vector_load_idx %arg7[%add3A_839] : memref<528xf32, #tpu.memory_space<vmem>>[vector<16xi32>], vector<16xf32>,
      %le3A_841 = arith.cmpf ole, %gather3A_840, %get3A_703 : vector<16xf32>
      %select_n3A_842 = arith.select %le3A_841, %broadcast_in_dim3A_559, %broadcast_in_dim3A_94 : vector<16xi1>, vector<16xi32>
      %add3A_843 = arith.addi %while3A_774#14, %select_n3A_842 : vector<16xi32>
      %add3A_844 = arith.addi %add3A_778, %broadcast_in_dim3A_561 : vector<16xi32>
      %gather3A_845 = tpu.vector_load_idx %arg7[%add3A_844] : memref<528xf32, #tpu.memory_space<vmem>>[vector<16xi32>], vector<16xf32>,
      %le3A_846 = arith.cmpf ole, %gather3A_845, %get3A_664 : vector<16xf32>
      %select_n3A_847 = arith.select %le3A_846, %broadcast_in_dim3A_561, %broadcast_in_dim3A_94 : vector<16xi1>, vector<16xi32>
      %add3A_848 = arith.addi %add3A_778, %select_n3A_847 : vector<16xi32>
      %add3A_849 = arith.addi %add3A_783, %broadcast_in_dim3A_561 : vector<16xi32>
      %gather3A_850 = tpu.vector_load_idx %arg7[%add3A_849] : memref<528xf32, #tpu.memory_space<vmem>>[vector<16xi32>], vector<16xf32>,
      %le3A_851 = arith.cmpf ole, %gather3A_850, %get3A_667 : vector<16xf32>
      %select_n3A_852 = arith.select %le3A_851, %broadcast_in_dim3A_561, %broadcast_in_dim3A_94 : vector<16xi1>, vector<16xi32>
      %add3A_853 = arith.addi %add3A_783, %select_n3A_852 : vector<16xi32>
      %add3A_854 = arith.addi %add3A_788, %broadcast_in_dim3A_561 : vector<16xi32>
      %gather3A_855 = tpu.vector_load_idx %arg7[%add3A_854] : memref<528xf32, #tpu.memory_space<vmem>>[vector<16xi32>], vector<16xf32>,
      %le3A_856 = arith.cmpf ole, %gather3A_855, %get3A_670 : vector<16xf32>
      %select_n3A_857 = arith.select %le3A_856, %broadcast_in_dim3A_561, %broadcast_in_dim3A_94 : vector<16xi1>, vector<16xi32>
      %add3A_858 = arith.addi %add3A_788, %select_n3A_857 : vector<16xi32>
      %add3A_859 = arith.addi %add3A_793, %broadcast_in_dim3A_561 : vector<16xi32>
      %gather3A_860 = tpu.vector_load_idx %arg7[%add3A_859] : memref<528xf32, #tpu.memory_space<vmem>>[vector<16xi32>], vector<16xf32>,
      %le3A_861 = arith.cmpf ole, %gather3A_860, %get3A_673 : vector<16xf32>
      %select_n3A_862 = arith.select %le3A_861, %broadcast_in_dim3A_561, %broadcast_in_dim3A_94 : vector<16xi1>, vector<16xi32>
      %add3A_863 = arith.addi %add3A_793, %select_n3A_862 : vector<16xi32>
      %add3A_864 = arith.addi %add3A_798, %broadcast_in_dim3A_561 : vector<16xi32>
      %gather3A_865 = tpu.vector_load_idx %arg7[%add3A_864] : memref<528xf32, #tpu.memory_space<vmem>>[vector<16xi32>], vector<16xf32>,
      %le3A_866 = arith.cmpf ole, %gather3A_865, %get3A_676 : vector<16xf32>
      %select_n3A_867 = arith.select %le3A_866, %broadcast_in_dim3A_561, %broadcast_in_dim3A_94 : vector<16xi1>, vector<16xi32>
      %add3A_868 = arith.addi %add3A_798, %select_n3A_867 : vector<16xi32>
      %add3A_869 = arith.addi %add3A_803, %broadcast_in_dim3A_561 : vector<16xi32>
      %gather3A_870 = tpu.vector_load_idx %arg7[%add3A_869] : memref<528xf32, #tpu.memory_space<vmem>>[vector<16xi32>], vector<16xf32>,
      %le3A_871 = arith.cmpf ole, %gather3A_870, %get3A_679 : vector<16xf32>
      %select_n3A_872 = arith.select %le3A_871, %broadcast_in_dim3A_561, %broadcast_in_dim3A_94 : vector<16xi1>, vector<16xi32>
      %add3A_873 = arith.addi %add3A_803, %select_n3A_872 : vector<16xi32>
      %add3A_874 = arith.addi %add3A_808, %broadcast_in_dim3A_561 : vector<16xi32>
      %gather3A_875 = tpu.vector_load_idx %arg7[%add3A_874] : memref<528xf32, #tpu.memory_space<vmem>>[vector<16xi32>], vector<16xf32>,
      %le3A_876 = arith.cmpf ole, %gather3A_875, %get3A_682 : vector<16xf32>
      %select_n3A_877 = arith.select %le3A_876, %broadcast_in_dim3A_561, %broadcast_in_dim3A_94 : vector<16xi1>, vector<16xi32>
      %add3A_878 = arith.addi %add3A_808, %select_n3A_877 : vector<16xi32>
      %add3A_879 = arith.addi %add3A_813, %broadcast_in_dim3A_561 : vector<16xi32>
      %gather3A_880 = tpu.vector_load_idx %arg7[%add3A_879] : memref<528xf32, #tpu.memory_space<vmem>>[vector<16xi32>], vector<16xf32>,
      %le3A_881 = arith.cmpf ole, %gather3A_880, %get3A_685 : vector<16xf32>
      %select_n3A_882 = arith.select %le3A_881, %broadcast_in_dim3A_561, %broadcast_in_dim3A_94 : vector<16xi1>, vector<16xi32>
      %add3A_883 = arith.addi %add3A_813, %select_n3A_882 : vector<16xi32>
      %add3A_884 = arith.addi %add3A_818, %broadcast_in_dim3A_561 : vector<16xi32>
      %gather3A_885 = tpu.vector_load_idx %arg7[%add3A_884] : memref<528xf32, #tpu.memory_space<vmem>>[vector<16xi32>], vector<16xf32>,
      %le3A_886 = arith.cmpf ole, %gather3A_885, %get3A_688 : vector<16xf32>
      %select_n3A_887 = arith.select %le3A_886, %broadcast_in_dim3A_561, %broadcast_in_dim3A_94 : vector<16xi1>, vector<16xi32>
      %add3A_888 = arith.addi %add3A_818, %select_n3A_887 : vector<16xi32>
      %add3A_889 = arith.addi %add3A_823, %broadcast_in_dim3A_561 : vector<16xi32>
      %gather3A_890 = tpu.vector_load_idx %arg7[%add3A_889] : memref<528xf32, #tpu.memory_space<vmem>>[vector<16xi32>], vector<16xf32>,
      %le3A_891 = arith.cmpf ole, %gather3A_890, %get3A_691 : vector<16xf32>
      %select_n3A_892 = arith.select %le3A_891, %broadcast_in_dim3A_561, %broadcast_in_dim3A_94 : vector<16xi1>, vector<16xi32>
      %add3A_893 = arith.addi %add3A_823, %select_n3A_892 : vector<16xi32>
      %add3A_894 = arith.addi %add3A_828, %broadcast_in_dim3A_561 : vector<16xi32>
      %gather3A_895 = tpu.vector_load_idx %arg7[%add3A_894] : memref<528xf32, #tpu.memory_space<vmem>>[vector<16xi32>], vector<16xf32>,
      %le3A_896 = arith.cmpf ole, %gather3A_895, %get3A_694 : vector<16xf32>
      %select_n3A_897 = arith.select %le3A_896, %broadcast_in_dim3A_561, %broadcast_in_dim3A_94 : vector<16xi1>, vector<16xi32>
      %add3A_898 = arith.addi %add3A_828, %select_n3A_897 : vector<16xi32>
      %add3A_899 = arith.addi %add3A_833, %broadcast_in_dim3A_561 : vector<16xi32>
      %gather3A_900 = tpu.vector_load_idx %arg7[%add3A_899] : memref<528xf32, #tpu.memory_space<vmem>>[vector<16xi32>], vector<16xf32>,
      %le3A_901 = arith.cmpf ole, %gather3A_900, %get3A_697 : vector<16xf32>
      %select_n3A_902 = arith.select %le3A_901, %broadcast_in_dim3A_561, %broadcast_in_dim3A_94 : vector<16xi1>, vector<16xi32>
      %add3A_903 = arith.addi %add3A_833, %select_n3A_902 : vector<16xi32>
      %add3A_904 = arith.addi %add3A_838, %broadcast_in_dim3A_561 : vector<16xi32>
      %gather3A_905 = tpu.vector_load_idx %arg7[%add3A_904] : memref<528xf32, #tpu.memory_space<vmem>>[vector<16xi32>], vector<16xf32>,
      %le3A_906 = arith.cmpf ole, %gather3A_905, %get3A_700 : vector<16xf32>
      %select_n3A_907 = arith.select %le3A_906, %broadcast_in_dim3A_561, %broadcast_in_dim3A_94 : vector<16xi1>, vector<16xi32>
      %add3A_908 = arith.addi %add3A_838, %select_n3A_907 : vector<16xi32>
      %add3A_909 = arith.addi %add3A_843, %broadcast_in_dim3A_561 : vector<16xi32>
      %gather3A_910 = tpu.vector_load_idx %arg7[%add3A_909] : memref<528xf32, #tpu.memory_space<vmem>>[vector<16xi32>], vector<16xf32>,
      %le3A_911 = arith.cmpf ole, %gather3A_910, %get3A_703 : vector<16xf32>
      %select_n3A_912 = arith.select %le3A_911, %broadcast_in_dim3A_561, %broadcast_in_dim3A_94 : vector<16xi1>, vector<16xi32>
      %add3A_913 = arith.addi %add3A_843, %select_n3A_912 : vector<16xi32>
      %add3A_914 = arith.addi %add3A_848, %broadcast_in_dim3A_563 : vector<16xi32>
      %gather3A_915 = tpu.vector_load_idx %arg7[%add3A_914] : memref<528xf32, #tpu.memory_space<vmem>>[vector<16xi32>], vector<16xf32>,
      %le3A_916 = arith.cmpf ole, %gather3A_915, %get3A_664 : vector<16xf32>
      %select_n3A_917 = arith.select %le3A_916, %broadcast_in_dim3A_563, %broadcast_in_dim3A_94 : vector<16xi1>, vector<16xi32>
      %add3A_918 = arith.addi %add3A_848, %select_n3A_917 : vector<16xi32>
      %add3A_919 = arith.addi %add3A_853, %broadcast_in_dim3A_563 : vector<16xi32>
      %gather3A_920 = tpu.vector_load_idx %arg7[%add3A_919] : memref<528xf32, #tpu.memory_space<vmem>>[vector<16xi32>], vector<16xf32>,
      %le3A_921 = arith.cmpf ole, %gather3A_920, %get3A_667 : vector<16xf32>
      %select_n3A_922 = arith.select %le3A_921, %broadcast_in_dim3A_563, %broadcast_in_dim3A_94 : vector<16xi1>, vector<16xi32>
      %add3A_923 = arith.addi %add3A_853, %select_n3A_922 : vector<16xi32>
      %add3A_924 = arith.addi %add3A_858, %broadcast_in_dim3A_563 : vector<16xi32>
      %gather3A_925 = tpu.vector_load_idx %arg7[%add3A_924] : memref<528xf32, #tpu.memory_space<vmem>>[vector<16xi32>], vector<16xf32>,
      %le3A_926 = arith.cmpf ole, %gather3A_925, %get3A_670 : vector<16xf32>
      %select_n3A_927 = arith.select %le3A_926, %broadcast_in_dim3A_563, %broadcast_in_dim3A_94 : vector<16xi1>, vector<16xi32>
      %add3A_928 = arith.addi %add3A_858, %select_n3A_927 : vector<16xi32>
      %add3A_929 = arith.addi %add3A_863, %broadcast_in_dim3A_563 : vector<16xi32>
      %gather3A_930 = tpu.vector_load_idx %arg7[%add3A_929] : memref<528xf32, #tpu.memory_space<vmem>>[vector<16xi32>], vector<16xf32>,
      %le3A_931 = arith.cmpf ole, %gather3A_930, %get3A_673 : vector<16xf32>
      %select_n3A_932 = arith.select %le3A_931, %broadcast_in_dim3A_563, %broadcast_in_dim3A_94 : vector<16xi1>, vector<16xi32>
      %add3A_933 = arith.addi %add3A_863, %select_n3A_932 : vector<16xi32>
      %add3A_934 = arith.addi %add3A_868, %broadcast_in_dim3A_563 : vector<16xi32>
      %gather3A_935 = tpu.vector_load_idx %arg7[%add3A_934] : memref<528xf32, #tpu.memory_space<vmem>>[vector<16xi32>], vector<16xf32>,
      %le3A_936 = arith.cmpf ole, %gather3A_935, %get3A_676 : vector<16xf32>
      %select_n3A_937 = arith.select %le3A_936, %broadcast_in_dim3A_563, %broadcast_in_dim3A_94 : vector<16xi1>, vector<16xi32>
      %add3A_938 = arith.addi %add3A_868, %select_n3A_937 : vector<16xi32>
      %add3A_939 = arith.addi %add3A_873, %broadcast_in_dim3A_563 : vector<16xi32>
      %gather3A_940 = tpu.vector_load_idx %arg7[%add3A_939] : memref<528xf32, #tpu.memory_space<vmem>>[vector<16xi32>], vector<16xf32>,
      %le3A_941 = arith.cmpf ole, %gather3A_940, %get3A_679 : vector<16xf32>
      %select_n3A_942 = arith.select %le3A_941, %broadcast_in_dim3A_563, %broadcast_in_dim3A_94 : vector<16xi1>, vector<16xi32>
      %add3A_943 = arith.addi %add3A_873, %select_n3A_942 : vector<16xi32>
      %add3A_944 = arith.addi %add3A_878, %broadcast_in_dim3A_563 : vector<16xi32>
      %gather3A_945 = tpu.vector_load_idx %arg7[%add3A_944] : memref<528xf32, #tpu.memory_space<vmem>>[vector<16xi32>], vector<16xf32>,
      %le3A_946 = arith.cmpf ole, %gather3A_945, %get3A_682 : vector<16xf32>
      %select_n3A_947 = arith.select %le3A_946, %broadcast_in_dim3A_563, %broadcast_in_dim3A_94 : vector<16xi1>, vector<16xi32>
      %add3A_948 = arith.addi %add3A_878, %select_n3A_947 : vector<16xi32>
      %add3A_949 = arith.addi %add3A_883, %broadcast_in_dim3A_563 : vector<16xi32>
      %gather3A_950 = tpu.vector_load_idx %arg7[%add3A_949] : memref<528xf32, #tpu.memory_space<vmem>>[vector<16xi32>], vector<16xf32>,
      %le3A_951 = arith.cmpf ole, %gather3A_950, %get3A_685 : vector<16xf32>
      %select_n3A_952 = arith.select %le3A_951, %broadcast_in_dim3A_563, %broadcast_in_dim3A_94 : vector<16xi1>, vector<16xi32>
      %add3A_953 = arith.addi %add3A_883, %select_n3A_952 : vector<16xi32>
      %add3A_954 = arith.addi %add3A_888, %broadcast_in_dim3A_563 : vector<16xi32>
      %gather3A_955 = tpu.vector_load_idx %arg7[%add3A_954] : memref<528xf32, #tpu.memory_space<vmem>>[vector<16xi32>], vector<16xf32>,
      %le3A_956 = arith.cmpf ole, %gather3A_955, %get3A_688 : vector<16xf32>
      %select_n3A_957 = arith.select %le3A_956, %broadcast_in_dim3A_563, %broadcast_in_dim3A_94 : vector<16xi1>, vector<16xi32>
      %add3A_958 = arith.addi %add3A_888, %select_n3A_957 : vector<16xi32>
      %add3A_959 = arith.addi %add3A_893, %broadcast_in_dim3A_563 : vector<16xi32>
      %gather3A_960 = tpu.vector_load_idx %arg7[%add3A_959] : memref<528xf32, #tpu.memory_space<vmem>>[vector<16xi32>], vector<16xf32>,
      %le3A_961 = arith.cmpf ole, %gather3A_960, %get3A_691 : vector<16xf32>
      %select_n3A_962 = arith.select %le3A_961, %broadcast_in_dim3A_563, %broadcast_in_dim3A_94 : vector<16xi1>, vector<16xi32>
      %add3A_963 = arith.addi %add3A_893, %select_n3A_962 : vector<16xi32>
      %add3A_964 = arith.addi %add3A_898, %broadcast_in_dim3A_563 : vector<16xi32>
      %gather3A_965 = tpu.vector_load_idx %arg7[%add3A_964] : memref<528xf32, #tpu.memory_space<vmem>>[vector<16xi32>], vector<16xf32>,
      %le3A_966 = arith.cmpf ole, %gather3A_965, %get3A_694 : vector<16xf32>
      %select_n3A_967 = arith.select %le3A_966, %broadcast_in_dim3A_563, %broadcast_in_dim3A_94 : vector<16xi1>, vector<16xi32>
      %add3A_968 = arith.addi %add3A_898, %select_n3A_967 : vector<16xi32>
      %add3A_969 = arith.addi %add3A_903, %broadcast_in_dim3A_563 : vector<16xi32>
      %gather3A_970 = tpu.vector_load_idx %arg7[%add3A_969] : memref<528xf32, #tpu.memory_space<vmem>>[vector<16xi32>], vector<16xf32>,
      %le3A_971 = arith.cmpf ole, %gather3A_970, %get3A_697 : vector<16xf32>
      %select_n3A_972 = arith.select %le3A_971, %broadcast_in_dim3A_563, %broadcast_in_dim3A_94 : vector<16xi1>, vector<16xi32>
      %add3A_973 = arith.addi %add3A_903, %select_n3A_972 : vector<16xi32>
      %add3A_974 = arith.addi %add3A_908, %broadcast_in_dim3A_563 : vector<16xi32>
      %gather3A_975 = tpu.vector_load_idx %arg7[%add3A_974] : memref<528xf32, #tpu.memory_space<vmem>>[vector<16xi32>], vector<16xf32>,
      %le3A_976 = arith.cmpf ole, %gather3A_975, %get3A_700 : vector<16xf32>
      %select_n3A_977 = arith.select %le3A_976, %broadcast_in_dim3A_563, %broadcast_in_dim3A_94 : vector<16xi1>, vector<16xi32>
      %add3A_978 = arith.addi %add3A_908, %select_n3A_977 : vector<16xi32>
      %add3A_979 = arith.addi %add3A_913, %broadcast_in_dim3A_563 : vector<16xi32>
      %gather3A_980 = tpu.vector_load_idx %arg7[%add3A_979] : memref<528xf32, #tpu.memory_space<vmem>>[vector<16xi32>], vector<16xf32>,
      %le3A_981 = arith.cmpf ole, %gather3A_980, %get3A_703 : vector<16xf32>
      %select_n3A_982 = arith.select %le3A_981, %broadcast_in_dim3A_563, %broadcast_in_dim3A_94 : vector<16xi1>, vector<16xi32>
      %add3A_983 = arith.addi %add3A_913, %select_n3A_982 : vector<16xi32>
      %gather3A_984 = tpu.vector_load_idx %arg7[%add3A_918] : memref<528xf32, #tpu.memory_space<vmem>>[vector<16xi32>], vector<16xf32>,
      %add3A_985 = arith.constant 1 : i32
      %add3A_986 = vector.broadcast %add3A_985 : i32 to vector<16xi32>
      %add3A_987 = arith.addi %add3A_918, %add3A_986 : vector<16xi32>
      %gather3A_988 = tpu.vector_load_idx %arg7[%add3A_987] : memref<528xf32, #tpu.memory_space<vmem>>[vector<16xi32>], vector<16xf32>,
      %ge3A_989 = arith.constant 1.000000e-03 : f32
      %ge3A_990 = vector.broadcast %ge3A_989 : f32 to vector<16xf32>
      %ge3A_991 = arith.cmpf oge, %get3A_664, %ge3A_990 : vector<16xf32>
      %sub3A_992 = arith.subf %get3A_664, %gather3A_984 : vector<16xf32>
      %sub3A_993 = arith.subf %gather3A_988, %get3A_664 : vector<16xf32>
      %min3A_994 = arith.minimumf %sub3A_992, %sub3A_993 : vector<16xf32>
      %mul3A_995 = arith.mulf %min3A_994, %min3A_994 : vector<16xf32>
      %select_n3A_996 = arith.select %ge3A_991, %mul3A_995, %broadcast_in_dim3A_96 : vector<16xi1>, vector<16xf32>
      %add3A_997 = arith.addf %scan3A_652, %select_n3A_996 : vector<16xf32>
      %jit3A_998 = arith.constant 1.000000e+00 : f32
      %broadcast_in_dim3A_999 = vector.broadcast %jit3A_998 : f32 to vector<16xf32>
      %select_n3A_1000 = arith.select %ge3A_991, %broadcast_in_dim3A_999, %broadcast_in_dim3A_96 : vector<16xi1>, vector<16xf32>
      %add3A_1001 = arith.addf %scan3A_653, %select_n3A_1000 : vector<16xf32>
      %add3A_1002 = arith.addi %mul3A_573, %add3A_918 : vector<16xi32>
      %gather3A_1003 = tpu.vector_load_idx %arg12[%add3A_1002] : memref<4352xf32, #tpu.memory_space<vmem>>[vector<16xi32>], vector<16xf32>,
      %max3A_1004 = arith.maximumf %gather3A_1003, %get3A_664 : vector<16xf32>
      tpu.vector_store_idx %arg12[%add3A_1002], %max3A_1004 masked %ge3A_991 : memref<4352xf32, #tpu.memory_space<vmem>>[vector<16xi32>], vector<16xf32>, vector<16xi1>
      %gather3A_1005 = tpu.vector_load_idx %arg14[%add3A_1002] : memref<4352xf32, #tpu.memory_space<vmem>>[vector<16xi32>], vector<16xf32>,
      %min3A_1006 = arith.minimumf %gather3A_1005, %get3A_664 : vector<16xf32>
      tpu.vector_store_idx %arg14[%add3A_1002], %min3A_1006 masked %ge3A_991 : memref<4352xf32, #tpu.memory_space<vmem>>[vector<16xi32>], vector<16xf32>, vector<16xi1>
      %gather3A_1007 = tpu.vector_load_idx %arg7[%add3A_923] : memref<528xf32, #tpu.memory_space<vmem>>[vector<16xi32>], vector<16xf32>,
      %add3A_1008 = arith.constant 1 : i32
      %add3A_1009 = vector.broadcast %add3A_1008 : i32 to vector<16xi32>
      %add3A_1010 = arith.addi %add3A_923, %add3A_1009 : vector<16xi32>
      %gather3A_1011 = tpu.vector_load_idx %arg7[%add3A_1010] : memref<528xf32, #tpu.memory_space<vmem>>[vector<16xi32>], vector<16xf32>,
      %ge3A_1012 = arith.constant 1.000000e-03 : f32
      %ge3A_1013 = vector.broadcast %ge3A_1012 : f32 to vector<16xf32>
      %ge3A_1014 = arith.cmpf oge, %get3A_667, %ge3A_1013 : vector<16xf32>
      %sub3A_1015 = arith.subf %get3A_667, %gather3A_1007 : vector<16xf32>
      %sub3A_1016 = arith.subf %gather3A_1011, %get3A_667 : vector<16xf32>
      %min3A_1017 = arith.minimumf %sub3A_1015, %sub3A_1016 : vector<16xf32>
      %mul3A_1018 = arith.mulf %min3A_1017, %min3A_1017 : vector<16xf32>
      %select_n3A_1019 = arith.select %ge3A_1014, %mul3A_1018, %broadcast_in_dim3A_96 : vector<16xi1>, vector<16xf32>
      %add3A_1020 = arith.addf %add3A_997, %select_n3A_1019 : vector<16xf32>
      %jit3A_1021 = arith.constant 1.000000e+00 : f32
      %broadcast_in_dim3A_1022 = vector.broadcast %jit3A_1021 : f32 to vector<16xf32>
      %select_n3A_1023 = arith.select %ge3A_1014, %broadcast_in_dim3A_1022, %broadcast_in_dim3A_96 : vector<16xi1>, vector<16xf32>
      %add3A_1024 = arith.addf %add3A_1001, %select_n3A_1023 : vector<16xf32>
      %add3A_1025 = arith.addi %mul3A_573, %add3A_923 : vector<16xi32>
      %gather3A_1026 = tpu.vector_load_idx %arg12[%add3A_1025] : memref<4352xf32, #tpu.memory_space<vmem>>[vector<16xi32>], vector<16xf32>,
      %max3A_1027 = arith.maximumf %gather3A_1026, %get3A_667 : vector<16xf32>
      tpu.vector_store_idx %arg12[%add3A_1025], %max3A_1027 masked %ge3A_1014 : memref<4352xf32, #tpu.memory_space<vmem>>[vector<16xi32>], vector<16xf32>, vector<16xi1>
      %gather3A_1028 = tpu.vector_load_idx %arg14[%add3A_1025] : memref<4352xf32, #tpu.memory_space<vmem>>[vector<16xi32>], vector<16xf32>,
      %min3A_1029 = arith.minimumf %gather3A_1028, %get3A_667 : vector<16xf32>
      tpu.vector_store_idx %arg14[%add3A_1025], %min3A_1029 masked %ge3A_1014 : memref<4352xf32, #tpu.memory_space<vmem>>[vector<16xi32>], vector<16xf32>, vector<16xi1>
      %gather3A_1030 = tpu.vector_load_idx %arg7[%add3A_928] : memref<528xf32, #tpu.memory_space<vmem>>[vector<16xi32>], vector<16xf32>,
      %add3A_1031 = arith.constant 1 : i32
      %add3A_1032 = vector.broadcast %add3A_1031 : i32 to vector<16xi32>
      %add3A_1033 = arith.addi %add3A_928, %add3A_1032 : vector<16xi32>
      %gather3A_1034 = tpu.vector_load_idx %arg7[%add3A_1033] : memref<528xf32, #tpu.memory_space<vmem>>[vector<16xi32>], vector<16xf32>,
      %ge3A_1035 = arith.constant 1.000000e-03 : f32
      %ge3A_1036 = vector.broadcast %ge3A_1035 : f32 to vector<16xf32>
      %ge3A_1037 = arith.cmpf oge, %get3A_670, %ge3A_1036 : vector<16xf32>
      %sub3A_1038 = arith.subf %get3A_670, %gather3A_1030 : vector<16xf32>
      %sub3A_1039 = arith.subf %gather3A_1034, %get3A_670 : vector<16xf32>
      %min3A_1040 = arith.minimumf %sub3A_1038, %sub3A_1039 : vector<16xf32>
      %mul3A_1041 = arith.mulf %min3A_1040, %min3A_1040 : vector<16xf32>
      %select_n3A_1042 = arith.select %ge3A_1037, %mul3A_1041, %broadcast_in_dim3A_96 : vector<16xi1>, vector<16xf32>
      %add3A_1043 = arith.addf %add3A_1020, %select_n3A_1042 : vector<16xf32>
      %jit3A_1044 = arith.constant 1.000000e+00 : f32
      %broadcast_in_dim3A_1045 = vector.broadcast %jit3A_1044 : f32 to vector<16xf32>
      %select_n3A_1046 = arith.select %ge3A_1037, %broadcast_in_dim3A_1045, %broadcast_in_dim3A_96 : vector<16xi1>, vector<16xf32>
      %add3A_1047 = arith.addf %add3A_1024, %select_n3A_1046 : vector<16xf32>
      %add3A_1048 = arith.addi %mul3A_573, %add3A_928 : vector<16xi32>
      %gather3A_1049 = tpu.vector_load_idx %arg12[%add3A_1048] : memref<4352xf32, #tpu.memory_space<vmem>>[vector<16xi32>], vector<16xf32>,
      %max3A_1050 = arith.maximumf %gather3A_1049, %get3A_670 : vector<16xf32>
      tpu.vector_store_idx %arg12[%add3A_1048], %max3A_1050 masked %ge3A_1037 : memref<4352xf32, #tpu.memory_space<vmem>>[vector<16xi32>], vector<16xf32>, vector<16xi1>
      %gather3A_1051 = tpu.vector_load_idx %arg14[%add3A_1048] : memref<4352xf32, #tpu.memory_space<vmem>>[vector<16xi32>], vector<16xf32>,
      %min3A_1052 = arith.minimumf %gather3A_1051, %get3A_670 : vector<16xf32>
      tpu.vector_store_idx %arg14[%add3A_1048], %min3A_1052 masked %ge3A_1037 : memref<4352xf32, #tpu.memory_space<vmem>>[vector<16xi32>], vector<16xf32>, vector<16xi1>
      %gather3A_1053 = tpu.vector_load_idx %arg7[%add3A_933] : memref<528xf32, #tpu.memory_space<vmem>>[vector<16xi32>], vector<16xf32>,
      %add3A_1054 = arith.constant 1 : i32
      %add3A_1055 = vector.broadcast %add3A_1054 : i32 to vector<16xi32>
      %add3A_1056 = arith.addi %add3A_933, %add3A_1055 : vector<16xi32>
      %gather3A_1057 = tpu.vector_load_idx %arg7[%add3A_1056] : memref<528xf32, #tpu.memory_space<vmem>>[vector<16xi32>], vector<16xf32>,
      %ge3A_1058 = arith.constant 1.000000e-03 : f32
      %ge3A_1059 = vector.broadcast %ge3A_1058 : f32 to vector<16xf32>
      %ge3A_1060 = arith.cmpf oge, %get3A_673, %ge3A_1059 : vector<16xf32>
      %sub3A_1061 = arith.subf %get3A_673, %gather3A_1053 : vector<16xf32>
      %sub3A_1062 = arith.subf %gather3A_1057, %get3A_673 : vector<16xf32>
      %min3A_1063 = arith.minimumf %sub3A_1061, %sub3A_1062 : vector<16xf32>
      %mul3A_1064 = arith.mulf %min3A_1063, %min3A_1063 : vector<16xf32>
      %select_n3A_1065 = arith.select %ge3A_1060, %mul3A_1064, %broadcast_in_dim3A_96 : vector<16xi1>, vector<16xf32>
      %add3A_1066 = arith.addf %add3A_1043, %select_n3A_1065 : vector<16xf32>
      %jit3A_1067 = arith.constant 1.000000e+00 : f32
      %broadcast_in_dim3A_1068 = vector.broadcast %jit3A_1067 : f32 to vector<16xf32>
      %select_n3A_1069 = arith.select %ge3A_1060, %broadcast_in_dim3A_1068, %broadcast_in_dim3A_96 : vector<16xi1>, vector<16xf32>
      %add3A_1070 = arith.addf %add3A_1047, %select_n3A_1069 : vector<16xf32>
      %add3A_1071 = arith.addi %mul3A_573, %add3A_933 : vector<16xi32>
      %gather3A_1072 = tpu.vector_load_idx %arg12[%add3A_1071] : memref<4352xf32, #tpu.memory_space<vmem>>[vector<16xi32>], vector<16xf32>,
      %max3A_1073 = arith.maximumf %gather3A_1072, %get3A_673 : vector<16xf32>
      tpu.vector_store_idx %arg12[%add3A_1071], %max3A_1073 masked %ge3A_1060 : memref<4352xf32, #tpu.memory_space<vmem>>[vector<16xi32>], vector<16xf32>, vector<16xi1>
      %gather3A_1074 = tpu.vector_load_idx %arg14[%add3A_1071] : memref<4352xf32, #tpu.memory_space<vmem>>[vector<16xi32>], vector<16xf32>,
      %min3A_1075 = arith.minimumf %gather3A_1074, %get3A_673 : vector<16xf32>
      tpu.vector_store_idx %arg14[%add3A_1071], %min3A_1075 masked %ge3A_1060 : memref<4352xf32, #tpu.memory_space<vmem>>[vector<16xi32>], vector<16xf32>, vector<16xi1>
      %gather3A_1076 = tpu.vector_load_idx %arg7[%add3A_938] : memref<528xf32, #tpu.memory_space<vmem>>[vector<16xi32>], vector<16xf32>,
      %add3A_1077 = arith.constant 1 : i32
      %add3A_1078 = vector.broadcast %add3A_1077 : i32 to vector<16xi32>
      %add3A_1079 = arith.addi %add3A_938, %add3A_1078 : vector<16xi32>
      %gather3A_1080 = tpu.vector_load_idx %arg7[%add3A_1079] : memref<528xf32, #tpu.memory_space<vmem>>[vector<16xi32>], vector<16xf32>,
      %ge3A_1081 = arith.constant 1.000000e-03 : f32
      %ge3A_1082 = vector.broadcast %ge3A_1081 : f32 to vector<16xf32>
      %ge3A_1083 = arith.cmpf oge, %get3A_676, %ge3A_1082 : vector<16xf32>
      %sub3A_1084 = arith.subf %get3A_676, %gather3A_1076 : vector<16xf32>
      %sub3A_1085 = arith.subf %gather3A_1080, %get3A_676 : vector<16xf32>
      %min3A_1086 = arith.minimumf %sub3A_1084, %sub3A_1085 : vector<16xf32>
      %mul3A_1087 = arith.mulf %min3A_1086, %min3A_1086 : vector<16xf32>
      %select_n3A_1088 = arith.select %ge3A_1083, %mul3A_1087, %broadcast_in_dim3A_96 : vector<16xi1>, vector<16xf32>
      %add3A_1089 = arith.addf %add3A_1066, %select_n3A_1088 : vector<16xf32>
      %jit3A_1090 = arith.constant 1.000000e+00 : f32
      %broadcast_in_dim3A_1091 = vector.broadcast %jit3A_1090 : f32 to vector<16xf32>
      %select_n3A_1092 = arith.select %ge3A_1083, %broadcast_in_dim3A_1091, %broadcast_in_dim3A_96 : vector<16xi1>, vector<16xf32>
      %add3A_1093 = arith.addf %add3A_1070, %select_n3A_1092 : vector<16xf32>
      %add3A_1094 = arith.addi %mul3A_573, %add3A_938 : vector<16xi32>
      %gather3A_1095 = tpu.vector_load_idx %arg12[%add3A_1094] : memref<4352xf32, #tpu.memory_space<vmem>>[vector<16xi32>], vector<16xf32>,
      %max3A_1096 = arith.maximumf %gather3A_1095, %get3A_676 : vector<16xf32>
      tpu.vector_store_idx %arg12[%add3A_1094], %max3A_1096 masked %ge3A_1083 : memref<4352xf32, #tpu.memory_space<vmem>>[vector<16xi32>], vector<16xf32>, vector<16xi1>
      %gather3A_1097 = tpu.vector_load_idx %arg14[%add3A_1094] : memref<4352xf32, #tpu.memory_space<vmem>>[vector<16xi32>], vector<16xf32>,
      %min3A_1098 = arith.minimumf %gather3A_1097, %get3A_676 : vector<16xf32>
      tpu.vector_store_idx %arg14[%add3A_1094], %min3A_1098 masked %ge3A_1083 : memref<4352xf32, #tpu.memory_space<vmem>>[vector<16xi32>], vector<16xf32>, vector<16xi1>
      %gather3A_1099 = tpu.vector_load_idx %arg7[%add3A_943] : memref<528xf32, #tpu.memory_space<vmem>>[vector<16xi32>], vector<16xf32>,
      %add3A_1100 = arith.constant 1 : i32
      %add3A_1101 = vector.broadcast %add3A_1100 : i32 to vector<16xi32>
      %add3A_1102 = arith.addi %add3A_943, %add3A_1101 : vector<16xi32>
      %gather3A_1103 = tpu.vector_load_idx %arg7[%add3A_1102] : memref<528xf32, #tpu.memory_space<vmem>>[vector<16xi32>], vector<16xf32>,
      %ge3A_1104 = arith.constant 1.000000e-03 : f32
      %ge3A_1105 = vector.broadcast %ge3A_1104 : f32 to vector<16xf32>
      %ge3A_1106 = arith.cmpf oge, %get3A_679, %ge3A_1105 : vector<16xf32>
      %sub3A_1107 = arith.subf %get3A_679, %gather3A_1099 : vector<16xf32>
      %sub3A_1108 = arith.subf %gather3A_1103, %get3A_679 : vector<16xf32>
      %min3A_1109 = arith.minimumf %sub3A_1107, %sub3A_1108 : vector<16xf32>
      %mul3A_1110 = arith.mulf %min3A_1109, %min3A_1109 : vector<16xf32>
      %select_n3A_1111 = arith.select %ge3A_1106, %mul3A_1110, %broadcast_in_dim3A_96 : vector<16xi1>, vector<16xf32>
      %add3A_1112 = arith.addf %add3A_1089, %select_n3A_1111 : vector<16xf32>
      %jit3A_1113 = arith.constant 1.000000e+00 : f32
      %broadcast_in_dim3A_1114 = vector.broadcast %jit3A_1113 : f32 to vector<16xf32>
      %select_n3A_1115 = arith.select %ge3A_1106, %broadcast_in_dim3A_1114, %broadcast_in_dim3A_96 : vector<16xi1>, vector<16xf32>
      %add3A_1116 = arith.addf %add3A_1093, %select_n3A_1115 : vector<16xf32>
      %add3A_1117 = arith.addi %mul3A_573, %add3A_943 : vector<16xi32>
      %gather3A_1118 = tpu.vector_load_idx %arg12[%add3A_1117] : memref<4352xf32, #tpu.memory_space<vmem>>[vector<16xi32>], vector<16xf32>,
      %max3A_1119 = arith.maximumf %gather3A_1118, %get3A_679 : vector<16xf32>
      tpu.vector_store_idx %arg12[%add3A_1117], %max3A_1119 masked %ge3A_1106 : memref<4352xf32, #tpu.memory_space<vmem>>[vector<16xi32>], vector<16xf32>, vector<16xi1>
      %gather3A_1120 = tpu.vector_load_idx %arg14[%add3A_1117] : memref<4352xf32, #tpu.memory_space<vmem>>[vector<16xi32>], vector<16xf32>,
      %min3A_1121 = arith.minimumf %gather3A_1120, %get3A_679 : vector<16xf32>
      tpu.vector_store_idx %arg14[%add3A_1117], %min3A_1121 masked %ge3A_1106 : memref<4352xf32, #tpu.memory_space<vmem>>[vector<16xi32>], vector<16xf32>, vector<16xi1>
      %gather3A_1122 = tpu.vector_load_idx %arg7[%add3A_948] : memref<528xf32, #tpu.memory_space<vmem>>[vector<16xi32>], vector<16xf32>,
      %add3A_1123 = arith.constant 1 : i32
      %add3A_1124 = vector.broadcast %add3A_1123 : i32 to vector<16xi32>
      %add3A_1125 = arith.addi %add3A_948, %add3A_1124 : vector<16xi32>
      %gather3A_1126 = tpu.vector_load_idx %arg7[%add3A_1125] : memref<528xf32, #tpu.memory_space<vmem>>[vector<16xi32>], vector<16xf32>,
      %ge3A_1127 = arith.constant 1.000000e-03 : f32
      %ge3A_1128 = vector.broadcast %ge3A_1127 : f32 to vector<16xf32>
      %ge3A_1129 = arith.cmpf oge, %get3A_682, %ge3A_1128 : vector<16xf32>
      %sub3A_1130 = arith.subf %get3A_682, %gather3A_1122 : vector<16xf32>
      %sub3A_1131 = arith.subf %gather3A_1126, %get3A_682 : vector<16xf32>
      %min3A_1132 = arith.minimumf %sub3A_1130, %sub3A_1131 : vector<16xf32>
      %mul3A_1133 = arith.mulf %min3A_1132, %min3A_1132 : vector<16xf32>
      %select_n3A_1134 = arith.select %ge3A_1129, %mul3A_1133, %broadcast_in_dim3A_96 : vector<16xi1>, vector<16xf32>
      %add3A_1135 = arith.addf %add3A_1112, %select_n3A_1134 : vector<16xf32>
      %jit3A_1136 = arith.constant 1.000000e+00 : f32
      %broadcast_in_dim3A_1137 = vector.broadcast %jit3A_1136 : f32 to vector<16xf32>
      %select_n3A_1138 = arith.select %ge3A_1129, %broadcast_in_dim3A_1137, %broadcast_in_dim3A_96 : vector<16xi1>, vector<16xf32>
      %add3A_1139 = arith.addf %add3A_1116, %select_n3A_1138 : vector<16xf32>
      %add3A_1140 = arith.addi %mul3A_573, %add3A_948 : vector<16xi32>
      %gather3A_1141 = tpu.vector_load_idx %arg12[%add3A_1140] : memref<4352xf32, #tpu.memory_space<vmem>>[vector<16xi32>], vector<16xf32>,
      %max3A_1142 = arith.maximumf %gather3A_1141, %get3A_682 : vector<16xf32>
      tpu.vector_store_idx %arg12[%add3A_1140], %max3A_1142 masked %ge3A_1129 : memref<4352xf32, #tpu.memory_space<vmem>>[vector<16xi32>], vector<16xf32>, vector<16xi1>
      %gather3A_1143 = tpu.vector_load_idx %arg14[%add3A_1140] : memref<4352xf32, #tpu.memory_space<vmem>>[vector<16xi32>], vector<16xf32>,
      %min3A_1144 = arith.minimumf %gather3A_1143, %get3A_682 : vector<16xf32>
      tpu.vector_store_idx %arg14[%add3A_1140], %min3A_1144 masked %ge3A_1129 : memref<4352xf32, #tpu.memory_space<vmem>>[vector<16xi32>], vector<16xf32>, vector<16xi1>
      %gather3A_1145 = tpu.vector_load_idx %arg7[%add3A_953] : memref<528xf32, #tpu.memory_space<vmem>>[vector<16xi32>], vector<16xf32>,
      %add3A_1146 = arith.constant 1 : i32
      %add3A_1147 = vector.broadcast %add3A_1146 : i32 to vector<16xi32>
      %add3A_1148 = arith.addi %add3A_953, %add3A_1147 : vector<16xi32>
      %gather3A_1149 = tpu.vector_load_idx %arg7[%add3A_1148] : memref<528xf32, #tpu.memory_space<vmem>>[vector<16xi32>], vector<16xf32>,
      %ge3A_1150 = arith.constant 1.000000e-03 : f32
      %ge3A_1151 = vector.broadcast %ge3A_1150 : f32 to vector<16xf32>
      %ge3A_1152 = arith.cmpf oge, %get3A_685, %ge3A_1151 : vector<16xf32>
      %sub3A_1153 = arith.subf %get3A_685, %gather3A_1145 : vector<16xf32>
      %sub3A_1154 = arith.subf %gather3A_1149, %get3A_685 : vector<16xf32>
      %min3A_1155 = arith.minimumf %sub3A_1153, %sub3A_1154 : vector<16xf32>
      %mul3A_1156 = arith.mulf %min3A_1155, %min3A_1155 : vector<16xf32>
      %select_n3A_1157 = arith.select %ge3A_1152, %mul3A_1156, %broadcast_in_dim3A_96 : vector<16xi1>, vector<16xf32>
      %add3A_1158 = arith.addf %add3A_1135, %select_n3A_1157 : vector<16xf32>
      %jit3A_1159 = arith.constant 1.000000e+00 : f32
      %broadcast_in_dim3A_1160 = vector.broadcast %jit3A_1159 : f32 to vector<16xf32>
      %select_n3A_1161 = arith.select %ge3A_1152, %broadcast_in_dim3A_1160, %broadcast_in_dim3A_96 : vector<16xi1>, vector<16xf32>
      %add3A_1162 = arith.addf %add3A_1139, %select_n3A_1161 : vector<16xf32>
      %add3A_1163 = arith.addi %mul3A_573, %add3A_953 : vector<16xi32>
      %gather3A_1164 = tpu.vector_load_idx %arg12[%add3A_1163] : memref<4352xf32, #tpu.memory_space<vmem>>[vector<16xi32>], vector<16xf32>,
      %max3A_1165 = arith.maximumf %gather3A_1164, %get3A_685 : vector<16xf32>
      tpu.vector_store_idx %arg12[%add3A_1163], %max3A_1165 masked %ge3A_1152 : memref<4352xf32, #tpu.memory_space<vmem>>[vector<16xi32>], vector<16xf32>, vector<16xi1>
      %gather3A_1166 = tpu.vector_load_idx %arg14[%add3A_1163] : memref<4352xf32, #tpu.memory_space<vmem>>[vector<16xi32>], vector<16xf32>,
      %min3A_1167 = arith.minimumf %gather3A_1166, %get3A_685 : vector<16xf32>
      tpu.vector_store_idx %arg14[%add3A_1163], %min3A_1167 masked %ge3A_1152 : memref<4352xf32, #tpu.memory_space<vmem>>[vector<16xi32>], vector<16xf32>, vector<16xi1>
      %gather3A_1168 = tpu.vector_load_idx %arg7[%add3A_958] : memref<528xf32, #tpu.memory_space<vmem>>[vector<16xi32>], vector<16xf32>,
      %add3A_1169 = arith.constant 1 : i32
      %add3A_1170 = vector.broadcast %add3A_1169 : i32 to vector<16xi32>
      %add3A_1171 = arith.addi %add3A_958, %add3A_1170 : vector<16xi32>
      %gather3A_1172 = tpu.vector_load_idx %arg7[%add3A_1171] : memref<528xf32, #tpu.memory_space<vmem>>[vector<16xi32>], vector<16xf32>,
      %ge3A_1173 = arith.constant 1.000000e-03 : f32
      %ge3A_1174 = vector.broadcast %ge3A_1173 : f32 to vector<16xf32>
      %ge3A_1175 = arith.cmpf oge, %get3A_688, %ge3A_1174 : vector<16xf32>
      %sub3A_1176 = arith.subf %get3A_688, %gather3A_1168 : vector<16xf32>
      %sub3A_1177 = arith.subf %gather3A_1172, %get3A_688 : vector<16xf32>
      %min3A_1178 = arith.minimumf %sub3A_1176, %sub3A_1177 : vector<16xf32>
      %mul3A_1179 = arith.mulf %min3A_1178, %min3A_1178 : vector<16xf32>
      %select_n3A_1180 = arith.select %ge3A_1175, %mul3A_1179, %broadcast_in_dim3A_96 : vector<16xi1>, vector<16xf32>
      %add3A_1181 = arith.addf %add3A_1158, %select_n3A_1180 : vector<16xf32>
      %jit3A_1182 = arith.constant 1.000000e+00 : f32
      %broadcast_in_dim3A_1183 = vector.broadcast %jit3A_1182 : f32 to vector<16xf32>
      %select_n3A_1184 = arith.select %ge3A_1175, %broadcast_in_dim3A_1183, %broadcast_in_dim3A_96 : vector<16xi1>, vector<16xf32>
      %add3A_1185 = arith.addf %add3A_1162, %select_n3A_1184 : vector<16xf32>
      %add3A_1186 = arith.addi %mul3A_573, %add3A_958 : vector<16xi32>
      %gather3A_1187 = tpu.vector_load_idx %arg12[%add3A_1186] : memref<4352xf32, #tpu.memory_space<vmem>>[vector<16xi32>], vector<16xf32>,
      %max3A_1188 = arith.maximumf %gather3A_1187, %get3A_688 : vector<16xf32>
      tpu.vector_store_idx %arg12[%add3A_1186], %max3A_1188 masked %ge3A_1175 : memref<4352xf32, #tpu.memory_space<vmem>>[vector<16xi32>], vector<16xf32>, vector<16xi1>
      %gather3A_1189 = tpu.vector_load_idx %arg14[%add3A_1186] : memref<4352xf32, #tpu.memory_space<vmem>>[vector<16xi32>], vector<16xf32>,
      %min3A_1190 = arith.minimumf %gather3A_1189, %get3A_688 : vector<16xf32>
      tpu.vector_store_idx %arg14[%add3A_1186], %min3A_1190 masked %ge3A_1175 : memref<4352xf32, #tpu.memory_space<vmem>>[vector<16xi32>], vector<16xf32>, vector<16xi1>
      %gather3A_1191 = tpu.vector_load_idx %arg7[%add3A_963] : memref<528xf32, #tpu.memory_space<vmem>>[vector<16xi32>], vector<16xf32>,
      %add3A_1192 = arith.constant 1 : i32
      %add3A_1193 = vector.broadcast %add3A_1192 : i32 to vector<16xi32>
      %add3A_1194 = arith.addi %add3A_963, %add3A_1193 : vector<16xi32>
      %gather3A_1195 = tpu.vector_load_idx %arg7[%add3A_1194] : memref<528xf32, #tpu.memory_space<vmem>>[vector<16xi32>], vector<16xf32>,
      %ge3A_1196 = arith.constant 1.000000e-03 : f32
      %ge3A_1197 = vector.broadcast %ge3A_1196 : f32 to vector<16xf32>
      %ge3A_1198 = arith.cmpf oge, %get3A_691, %ge3A_1197 : vector<16xf32>
      %sub3A_1199 = arith.subf %get3A_691, %gather3A_1191 : vector<16xf32>
      %sub3A_1200 = arith.subf %gather3A_1195, %get3A_691 : vector<16xf32>
      %min3A_1201 = arith.minimumf %sub3A_1199, %sub3A_1200 : vector<16xf32>
      %mul3A_1202 = arith.mulf %min3A_1201, %min3A_1201 : vector<16xf32>
      %select_n3A_1203 = arith.select %ge3A_1198, %mul3A_1202, %broadcast_in_dim3A_96 : vector<16xi1>, vector<16xf32>
      %add3A_1204 = arith.addf %add3A_1181, %select_n3A_1203 : vector<16xf32>
      %jit3A_1205 = arith.constant 1.000000e+00 : f32
      %broadcast_in_dim3A_1206 = vector.broadcast %jit3A_1205 : f32 to vector<16xf32>
      %select_n3A_1207 = arith.select %ge3A_1198, %broadcast_in_dim3A_1206, %broadcast_in_dim3A_96 : vector<16xi1>, vector<16xf32>
      %add3A_1208 = arith.addf %add3A_1185, %select_n3A_1207 : vector<16xf32>
      %add3A_1209 = arith.addi %mul3A_573, %add3A_963 : vector<16xi32>
      %gather3A_1210 = tpu.vector_load_idx %arg12[%add3A_1209] : memref<4352xf32, #tpu.memory_space<vmem>>[vector<16xi32>], vector<16xf32>,
      %max3A_1211 = arith.maximumf %gather3A_1210, %get3A_691 : vector<16xf32>
      tpu.vector_store_idx %arg12[%add3A_1209], %max3A_1211 masked %ge3A_1198 : memref<4352xf32, #tpu.memory_space<vmem>>[vector<16xi32>], vector<16xf32>, vector<16xi1>
      %gather3A_1212 = tpu.vector_load_idx %arg14[%add3A_1209] : memref<4352xf32, #tpu.memory_space<vmem>>[vector<16xi32>], vector<16xf32>,
      %min3A_1213 = arith.minimumf %gather3A_1212, %get3A_691 : vector<16xf32>
      tpu.vector_store_idx %arg14[%add3A_1209], %min3A_1213 masked %ge3A_1198 : memref<4352xf32, #tpu.memory_space<vmem>>[vector<16xi32>], vector<16xf32>, vector<16xi1>
      %gather3A_1214 = tpu.vector_load_idx %arg7[%add3A_968] : memref<528xf32, #tpu.memory_space<vmem>>[vector<16xi32>], vector<16xf32>,
      %add3A_1215 = arith.constant 1 : i32
      %add3A_1216 = vector.broadcast %add3A_1215 : i32 to vector<16xi32>
      %add3A_1217 = arith.addi %add3A_968, %add3A_1216 : vector<16xi32>
      %gather3A_1218 = tpu.vector_load_idx %arg7[%add3A_1217] : memref<528xf32, #tpu.memory_space<vmem>>[vector<16xi32>], vector<16xf32>,
      %ge3A_1219 = arith.constant 1.000000e-03 : f32
      %ge3A_1220 = vector.broadcast %ge3A_1219 : f32 to vector<16xf32>
      %ge3A_1221 = arith.cmpf oge, %get3A_694, %ge3A_1220 : vector<16xf32>
      %sub3A_1222 = arith.subf %get3A_694, %gather3A_1214 : vector<16xf32>
      %sub3A_1223 = arith.subf %gather3A_1218, %get3A_694 : vector<16xf32>
      %min3A_1224 = arith.minimumf %sub3A_1222, %sub3A_1223 : vector<16xf32>
      %mul3A_1225 = arith.mulf %min3A_1224, %min3A_1224 : vector<16xf32>
      %select_n3A_1226 = arith.select %ge3A_1221, %mul3A_1225, %broadcast_in_dim3A_96 : vector<16xi1>, vector<16xf32>
      %add3A_1227 = arith.addf %add3A_1204, %select_n3A_1226 : vector<16xf32>
      %jit3A_1228 = arith.constant 1.000000e+00 : f32
      %broadcast_in_dim3A_1229 = vector.broadcast %jit3A_1228 : f32 to vector<16xf32>
      %select_n3A_1230 = arith.select %ge3A_1221, %broadcast_in_dim3A_1229, %broadcast_in_dim3A_96 : vector<16xi1>, vector<16xf32>
      %add3A_1231 = arith.addf %add3A_1208, %select_n3A_1230 : vector<16xf32>
      %add3A_1232 = arith.addi %mul3A_573, %add3A_968 : vector<16xi32>
      %gather3A_1233 = tpu.vector_load_idx %arg12[%add3A_1232] : memref<4352xf32, #tpu.memory_space<vmem>>[vector<16xi32>], vector<16xf32>,
      %max3A_1234 = arith.maximumf %gather3A_1233, %get3A_694 : vector<16xf32>
      tpu.vector_store_idx %arg12[%add3A_1232], %max3A_1234 masked %ge3A_1221 : memref<4352xf32, #tpu.memory_space<vmem>>[vector<16xi32>], vector<16xf32>, vector<16xi1>
      %gather3A_1235 = tpu.vector_load_idx %arg14[%add3A_1232] : memref<4352xf32, #tpu.memory_space<vmem>>[vector<16xi32>], vector<16xf32>,
      %min3A_1236 = arith.minimumf %gather3A_1235, %get3A_694 : vector<16xf32>
      tpu.vector_store_idx %arg14[%add3A_1232], %min3A_1236 masked %ge3A_1221 : memref<4352xf32, #tpu.memory_space<vmem>>[vector<16xi32>], vector<16xf32>, vector<16xi1>
      %gather3A_1237 = tpu.vector_load_idx %arg7[%add3A_973] : memref<528xf32, #tpu.memory_space<vmem>>[vector<16xi32>], vector<16xf32>,
      %add3A_1238 = arith.constant 1 : i32
      %add3A_1239 = vector.broadcast %add3A_1238 : i32 to vector<16xi32>
      %add3A_1240 = arith.addi %add3A_973, %add3A_1239 : vector<16xi32>
      %gather3A_1241 = tpu.vector_load_idx %arg7[%add3A_1240] : memref<528xf32, #tpu.memory_space<vmem>>[vector<16xi32>], vector<16xf32>,
      %ge3A_1242 = arith.constant 1.000000e-03 : f32
      %ge3A_1243 = vector.broadcast %ge3A_1242 : f32 to vector<16xf32>
      %ge3A_1244 = arith.cmpf oge, %get3A_697, %ge3A_1243 : vector<16xf32>
      %sub3A_1245 = arith.subf %get3A_697, %gather3A_1237 : vector<16xf32>
      %sub3A_1246 = arith.subf %gather3A_1241, %get3A_697 : vector<16xf32>
      %min3A_1247 = arith.minimumf %sub3A_1245, %sub3A_1246 : vector<16xf32>
      %mul3A_1248 = arith.mulf %min3A_1247, %min3A_1247 : vector<16xf32>
      %select_n3A_1249 = arith.select %ge3A_1244, %mul3A_1248, %broadcast_in_dim3A_96 : vector<16xi1>, vector<16xf32>
      %add3A_1250 = arith.addf %add3A_1227, %select_n3A_1249 : vector<16xf32>
      %jit3A_1251 = arith.constant 1.000000e+00 : f32
      %broadcast_in_dim3A_1252 = vector.broadcast %jit3A_1251 : f32 to vector<16xf32>
      %select_n3A_1253 = arith.select %ge3A_1244, %broadcast_in_dim3A_1252, %broadcast_in_dim3A_96 : vector<16xi1>, vector<16xf32>
      %add3A_1254 = arith.addf %add3A_1231, %select_n3A_1253 : vector<16xf32>
      %add3A_1255 = arith.addi %mul3A_573, %add3A_973 : vector<16xi32>
      %gather3A_1256 = tpu.vector_load_idx %arg12[%add3A_1255] : memref<4352xf32, #tpu.memory_space<vmem>>[vector<16xi32>], vector<16xf32>,
      %max3A_1257 = arith.maximumf %gather3A_1256, %get3A_697 : vector<16xf32>
      tpu.vector_store_idx %arg12[%add3A_1255], %max3A_1257 masked %ge3A_1244 : memref<4352xf32, #tpu.memory_space<vmem>>[vector<16xi32>], vector<16xf32>, vector<16xi1>
      %gather3A_1258 = tpu.vector_load_idx %arg14[%add3A_1255] : memref<4352xf32, #tpu.memory_space<vmem>>[vector<16xi32>], vector<16xf32>,
      %min3A_1259 = arith.minimumf %gather3A_1258, %get3A_697 : vector<16xf32>
      tpu.vector_store_idx %arg14[%add3A_1255], %min3A_1259 masked %ge3A_1244 : memref<4352xf32, #tpu.memory_space<vmem>>[vector<16xi32>], vector<16xf32>, vector<16xi1>
      %gather3A_1260 = tpu.vector_load_idx %arg7[%add3A_978] : memref<528xf32, #tpu.memory_space<vmem>>[vector<16xi32>], vector<16xf32>,
      %add3A_1261 = arith.constant 1 : i32
      %add3A_1262 = vector.broadcast %add3A_1261 : i32 to vector<16xi32>
      %add3A_1263 = arith.addi %add3A_978, %add3A_1262 : vector<16xi32>
      %gather3A_1264 = tpu.vector_load_idx %arg7[%add3A_1263] : memref<528xf32, #tpu.memory_space<vmem>>[vector<16xi32>], vector<16xf32>,
      %ge3A_1265 = arith.constant 1.000000e-03 : f32
      %ge3A_1266 = vector.broadcast %ge3A_1265 : f32 to vector<16xf32>
      %ge3A_1267 = arith.cmpf oge, %get3A_700, %ge3A_1266 : vector<16xf32>
      %sub3A_1268 = arith.subf %get3A_700, %gather3A_1260 : vector<16xf32>
      %sub3A_1269 = arith.subf %gather3A_1264, %get3A_700 : vector<16xf32>
      %min3A_1270 = arith.minimumf %sub3A_1268, %sub3A_1269 : vector<16xf32>
      %mul3A_1271 = arith.mulf %min3A_1270, %min3A_1270 : vector<16xf32>
      %select_n3A_1272 = arith.select %ge3A_1267, %mul3A_1271, %broadcast_in_dim3A_96 : vector<16xi1>, vector<16xf32>
      %add3A_1273 = arith.addf %add3A_1250, %select_n3A_1272 : vector<16xf32>
      %jit3A_1274 = arith.constant 1.000000e+00 : f32
      %broadcast_in_dim3A_1275 = vector.broadcast %jit3A_1274 : f32 to vector<16xf32>
      %select_n3A_1276 = arith.select %ge3A_1267, %broadcast_in_dim3A_1275, %broadcast_in_dim3A_96 : vector<16xi1>, vector<16xf32>
      %add3A_1277 = arith.addf %add3A_1254, %select_n3A_1276 : vector<16xf32>
      %add3A_1278 = arith.addi %mul3A_573, %add3A_978 : vector<16xi32>
      %gather3A_1279 = tpu.vector_load_idx %arg12[%add3A_1278] : memref<4352xf32, #tpu.memory_space<vmem>>[vector<16xi32>], vector<16xf32>,
      %max3A_1280 = arith.maximumf %gather3A_1279, %get3A_700 : vector<16xf32>
      tpu.vector_store_idx %arg12[%add3A_1278], %max3A_1280 masked %ge3A_1267 : memref<4352xf32, #tpu.memory_space<vmem>>[vector<16xi32>], vector<16xf32>, vector<16xi1>
      %gather3A_1281 = tpu.vector_load_idx %arg14[%add3A_1278] : memref<4352xf32, #tpu.memory_space<vmem>>[vector<16xi32>], vector<16xf32>,
      %min3A_1282 = arith.minimumf %gather3A_1281, %get3A_700 : vector<16xf32>
      tpu.vector_store_idx %arg14[%add3A_1278], %min3A_1282 masked %ge3A_1267 : memref<4352xf32, #tpu.memory_space<vmem>>[vector<16xi32>], vector<16xf32>, vector<16xi1>
      %gather3A_1283 = tpu.vector_load_idx %arg7[%add3A_983] : memref<528xf32, #tpu.memory_space<vmem>>[vector<16xi32>], vector<16xf32>,
      %add3A_1284 = arith.constant 1 : i32
      %add3A_1285 = vector.broadcast %add3A_1284 : i32 to vector<16xi32>
      %add3A_1286 = arith.addi %add3A_983, %add3A_1285 : vector<16xi32>
      %gather3A_1287 = tpu.vector_load_idx %arg7[%add3A_1286] : memref<528xf32, #tpu.memory_space<vmem>>[vector<16xi32>], vector<16xf32>,
      %ge3A_1288 = arith.constant 1.000000e-03 : f32
      %ge3A_1289 = vector.broadcast %ge3A_1288 : f32 to vector<16xf32>
      %ge3A_1290 = arith.cmpf oge, %get3A_703, %ge3A_1289 : vector<16xf32>
      %sub3A_1291 = arith.subf %get3A_703, %gather3A_1283 : vector<16xf32>
      %sub3A_1292 = arith.subf %gather3A_1287, %get3A_703 : vector<16xf32>
      %min3A_1293 = arith.minimumf %sub3A_1291, %sub3A_1292 : vector<16xf32>
      %mul3A_1294 = arith.mulf %min3A_1293, %min3A_1293 : vector<16xf32>
      %select_n3A_1295 = arith.select %ge3A_1290, %mul3A_1294, %broadcast_in_dim3A_96 : vector<16xi1>, vector<16xf32>
      %add3A_1296 = arith.addf %add3A_1273, %select_n3A_1295 : vector<16xf32>
      %jit3A_1297 = arith.constant 1.000000e+00 : f32
      %broadcast_in_dim3A_1298 = vector.broadcast %jit3A_1297 : f32 to vector<16xf32>
      %select_n3A_1299 = arith.select %ge3A_1290, %broadcast_in_dim3A_1298, %broadcast_in_dim3A_96 : vector<16xi1>, vector<16xf32>
      %add3A_1300 = arith.addf %add3A_1277, %select_n3A_1299 : vector<16xf32>
      %add3A_1301 = arith.addi %mul3A_573, %add3A_983 : vector<16xi32>
      %gather3A_1302 = tpu.vector_load_idx %arg12[%add3A_1301] : memref<4352xf32, #tpu.memory_space<vmem>>[vector<16xi32>], vector<16xf32>,
      %max3A_1303 = arith.maximumf %gather3A_1302, %get3A_703 : vector<16xf32>
      tpu.vector_store_idx %arg12[%add3A_1301], %max3A_1303 masked %ge3A_1290 : memref<4352xf32, #tpu.memory_space<vmem>>[vector<16xi32>], vector<16xf32>, vector<16xi1>
      %gather3A_1304 = tpu.vector_load_idx %arg14[%add3A_1301] : memref<4352xf32, #tpu.memory_space<vmem>>[vector<16xi32>], vector<16xf32>,
      %min3A_1305 = arith.minimumf %gather3A_1304, %get3A_703 : vector<16xf32>
      tpu.vector_store_idx %arg14[%add3A_1301], %min3A_1305 masked %ge3A_1290 : memref<4352xf32, #tpu.memory_space<vmem>>[vector<16xi32>], vector<16xf32>, vector<16xi1>
      scf.yield %add3A_1296, %add3A_1300 : vector<16xf32>, vector<16xf32>
    }
    %scan3A_626 = arith.constant 28 : i32
    %scan3A_627 = arith.constant 0 : i32
    %scan3A_628 = arith.constant 0 : i32
    %scan3A_629 = arith.constant 17 : i32
    %scan3A_630 = arith.addi %scan3A_628, %scan3A_629 : i32
    %scan3A_631 = arith.constant 1 : i32
    %scan3A_632 = scf.for %scan3A_651 = %scan3A_628 to %scan3A_630 step %scan3A_631 iter_args(%scan3A_652 = %scan3A_627) -> (i32)  : i32 {
      %mul3A_653 = arith.constant 16 : i32
      %mul3A_654 = arith.muli %scan3A_651, %mul3A_653 : i32
      %multiple_of3A = tpu.assume_multiple %mul3A_654, 16 : i32
      %get3A_655 = arith.index_cast %multiple_of3A : i32 to index
      %get3A_656 = tpu.vector_load %arg12[%get3A_655] {strides = array<i32>} : memref<4352xf32, #tpu.memory_space<vmem>>, vector<16xf32>,
      %get3A_657 = arith.index_cast %multiple_of3A : i32 to index
      %get3A_658 = tpu.vector_load %arg14[%get3A_657] {strides = array<i32>} : memref<4352xf32, #tpu.memory_space<vmem>>, vector<16xf32>,
      %mul3A_659 = arith.constant 16 : i32
      %mul3A_660 = arith.muli %scan3A_651, %mul3A_659 : i32
      %add3A_661 = arith.constant 272 : i32
      %add3A_662 = arith.addi %add3A_661, %mul3A_660 : i32
      %multiple_of3A_663 = tpu.assume_multiple %add3A_662, 16 : i32
      %get3A_664 = arith.index_cast %multiple_of3A_663 : i32 to index
      %get3A_665 = tpu.vector_load %arg12[%get3A_664] {strides = array<i32>} : memref<4352xf32, #tpu.memory_space<vmem>>, vector<16xf32>,
      %max3A_666 = arith.maximumf %get3A_656, %get3A_665 : vector<16xf32>
      %get3A_667 = arith.index_cast %multiple_of3A_663 : i32 to index
      %get3A_668 = tpu.vector_load %arg14[%get3A_667] {strides = array<i32>} : memref<4352xf32, #tpu.memory_space<vmem>>, vector<16xf32>,
      %min3A_669 = arith.minimumf %get3A_658, %get3A_668 : vector<16xf32>
      %mul3A_670 = arith.constant 16 : i32
      %mul3A_671 = arith.muli %scan3A_651, %mul3A_670 : i32
      %add3A_672 = arith.constant 544 : i32
      %add3A_673 = arith.addi %add3A_672, %mul3A_671 : i32
      %multiple_of3A_674 = tpu.assume_multiple %add3A_673, 16 : i32
      %get3A_675 = arith.index_cast %multiple_of3A_674 : i32 to index
      %get3A_676 = tpu.vector_load %arg12[%get3A_675] {strides = array<i32>} : memref<4352xf32, #tpu.memory_space<vmem>>, vector<16xf32>,
      %max3A_677 = arith.maximumf %max3A_666, %get3A_676 : vector<16xf32>
      %get3A_678 = arith.index_cast %multiple_of3A_674 : i32 to index
      %get3A_679 = tpu.vector_load %arg14[%get3A_678] {strides = array<i32>} : memref<4352xf32, #tpu.memory_space<vmem>>, vector<16xf32>,
      %min3A_680 = arith.minimumf %min3A_669, %get3A_679 : vector<16xf32>
      %mul3A_681 = arith.constant 16 : i32
      %mul3A_682 = arith.muli %scan3A_651, %mul3A_681 : i32
      %add3A_683 = arith.constant 816 : i32
      %add3A_684 = arith.addi %add3A_683, %mul3A_682 : i32
      %multiple_of3A_685 = tpu.assume_multiple %add3A_684, 16 : i32
      %get3A_686 = arith.index_cast %multiple_of3A_685 : i32 to index
      %get3A_687 = tpu.vector_load %arg12[%get3A_686] {strides = array<i32>} : memref<4352xf32, #tpu.memory_space<vmem>>, vector<16xf32>,
      %max3A_688 = arith.maximumf %max3A_677, %get3A_687 : vector<16xf32>
      %get3A_689 = arith.index_cast %multiple_of3A_685 : i32 to index
      %get3A_690 = tpu.vector_load %arg14[%get3A_689] {strides = array<i32>} : memref<4352xf32, #tpu.memory_space<vmem>>, vector<16xf32>,
      %min3A_691 = arith.minimumf %min3A_680, %get3A_690 : vector<16xf32>
      %mul3A_692 = arith.constant 16 : i32
      %mul3A_693 = arith.muli %scan3A_651, %mul3A_692 : i32
      %add3A_694 = arith.constant 1088 : i32
      %add3A_695 = arith.addi %add3A_694, %mul3A_693 : i32
      %multiple_of3A_696 = tpu.assume_multiple %add3A_695, 16 : i32
      %get3A_697 = arith.index_cast %multiple_of3A_696 : i32 to index
      %get3A_698 = tpu.vector_load %arg12[%get3A_697] {strides = array<i32>} : memref<4352xf32, #tpu.memory_space<vmem>>, vector<16xf32>,
      %max3A_699 = arith.maximumf %max3A_688, %get3A_698 : vector<16xf32>
      %get3A_700 = arith.index_cast %multiple_of3A_696 : i32 to index
      %get3A_701 = tpu.vector_load %arg14[%get3A_700] {strides = array<i32>} : memref<4352xf32, #tpu.memory_space<vmem>>, vector<16xf32>,
      %min3A_702 = arith.minimumf %min3A_691, %get3A_701 : vector<16xf32>
      %mul3A_703 = arith.constant 16 : i32
      %mul3A_704 = arith.muli %scan3A_651, %mul3A_703 : i32
      %add3A_705 = arith.constant 1360 : i32
      %add3A_706 = arith.addi %add3A_705, %mul3A_704 : i32
      %multiple_of3A_707 = tpu.assume_multiple %add3A_706, 16 : i32
      %get3A_708 = arith.index_cast %multiple_of3A_707 : i32 to index
      %get3A_709 = tpu.vector_load %arg12[%get3A_708] {strides = array<i32>} : memref<4352xf32, #tpu.memory_space<vmem>>, vector<16xf32>,
      %max3A_710 = arith.maximumf %max3A_699, %get3A_709 : vector<16xf32>
      %get3A_711 = arith.index_cast %multiple_of3A_707 : i32 to index
      %get3A_712 = tpu.vector_load %arg14[%get3A_711] {strides = array<i32>} : memref<4352xf32, #tpu.memory_space<vmem>>, vector<16xf32>,
      %min3A_713 = arith.minimumf %min3A_702, %get3A_712 : vector<16xf32>
      %mul3A_714 = arith.constant 16 : i32
      %mul3A_715 = arith.muli %scan3A_651, %mul3A_714 : i32
      %add3A_716 = arith.constant 1632 : i32
      %add3A_717 = arith.addi %add3A_716, %mul3A_715 : i32
      %multiple_of3A_718 = tpu.assume_multiple %add3A_717, 16 : i32
      %get3A_719 = arith.index_cast %multiple_of3A_718 : i32 to index
      %get3A_720 = tpu.vector_load %arg12[%get3A_719] {strides = array<i32>} : memref<4352xf32, #tpu.memory_space<vmem>>, vector<16xf32>,
      %max3A_721 = arith.maximumf %max3A_710, %get3A_720 : vector<16xf32>
      %get3A_722 = arith.index_cast %multiple_of3A_718 : i32 to index
      %get3A_723 = tpu.vector_load %arg14[%get3A_722] {strides = array<i32>} : memref<4352xf32, #tpu.memory_space<vmem>>, vector<16xf32>,
      %min3A_724 = arith.minimumf %min3A_713, %get3A_723 : vector<16xf32>
      %mul3A_725 = arith.constant 16 : i32
      %mul3A_726 = arith.muli %scan3A_651, %mul3A_725 : i32
      %add3A_727 = arith.constant 1904 : i32
      %add3A_728 = arith.addi %add3A_727, %mul3A_726 : i32
      %multiple_of3A_729 = tpu.assume_multiple %add3A_728, 16 : i32
      %get3A_730 = arith.index_cast %multiple_of3A_729 : i32 to index
      %get3A_731 = tpu.vector_load %arg12[%get3A_730] {strides = array<i32>} : memref<4352xf32, #tpu.memory_space<vmem>>, vector<16xf32>,
      %max3A_732 = arith.maximumf %max3A_721, %get3A_731 : vector<16xf32>
      %get3A_733 = arith.index_cast %multiple_of3A_729 : i32 to index
      %get3A_734 = tpu.vector_load %arg14[%get3A_733] {strides = array<i32>} : memref<4352xf32, #tpu.memory_space<vmem>>, vector<16xf32>,
      %min3A_735 = arith.minimumf %min3A_724, %get3A_734 : vector<16xf32>
      %mul3A_736 = arith.constant 16 : i32
      %mul3A_737 = arith.muli %scan3A_651, %mul3A_736 : i32
      %add3A_738 = arith.constant 2176 : i32
      %add3A_739 = arith.addi %add3A_738, %mul3A_737 : i32
      %multiple_of3A_740 = tpu.assume_multiple %add3A_739, 16 : i32
      %get3A_741 = arith.index_cast %multiple_of3A_740 : i32 to index
      %get3A_742 = tpu.vector_load %arg12[%get3A_741] {strides = array<i32>} : memref<4352xf32, #tpu.memory_space<vmem>>, vector<16xf32>,
      %max3A_743 = arith.maximumf %max3A_732, %get3A_742 : vector<16xf32>
      %get3A_744 = arith.index_cast %multiple_of3A_740 : i32 to index
      %get3A_745 = tpu.vector_load %arg14[%get3A_744] {strides = array<i32>} : memref<4352xf32, #tpu.memory_space<vmem>>, vector<16xf32>,
      %min3A_746 = arith.minimumf %min3A_735, %get3A_745 : vector<16xf32>
      %mul3A_747 = arith.constant 16 : i32
      %mul3A_748 = arith.muli %scan3A_651, %mul3A_747 : i32
      %add3A_749 = arith.constant 2448 : i32
      %add3A_750 = arith.addi %add3A_749, %mul3A_748 : i32
      %multiple_of3A_751 = tpu.assume_multiple %add3A_750, 16 : i32
      %get3A_752 = arith.index_cast %multiple_of3A_751 : i32 to index
      %get3A_753 = tpu.vector_load %arg12[%get3A_752] {strides = array<i32>} : memref<4352xf32, #tpu.memory_space<vmem>>, vector<16xf32>,
      %max3A_754 = arith.maximumf %max3A_743, %get3A_753 : vector<16xf32>
      %get3A_755 = arith.index_cast %multiple_of3A_751 : i32 to index
      %get3A_756 = tpu.vector_load %arg14[%get3A_755] {strides = array<i32>} : memref<4352xf32, #tpu.memory_space<vmem>>, vector<16xf32>,
      %min3A_757 = arith.minimumf %min3A_746, %get3A_756 : vector<16xf32>
      %mul3A_758 = arith.constant 16 : i32
      %mul3A_759 = arith.muli %scan3A_651, %mul3A_758 : i32
      %add3A_760 = arith.constant 2720 : i32
      %add3A_761 = arith.addi %add3A_760, %mul3A_759 : i32
      %multiple_of3A_762 = tpu.assume_multiple %add3A_761, 16 : i32
      %get3A_763 = arith.index_cast %multiple_of3A_762 : i32 to index
      %get3A_764 = tpu.vector_load %arg12[%get3A_763] {strides = array<i32>} : memref<4352xf32, #tpu.memory_space<vmem>>, vector<16xf32>,
      %max3A_765 = arith.maximumf %max3A_754, %get3A_764 : vector<16xf32>
      %get3A_766 = arith.index_cast %multiple_of3A_762 : i32 to index
      %get3A_767 = tpu.vector_load %arg14[%get3A_766] {strides = array<i32>} : memref<4352xf32, #tpu.memory_space<vmem>>, vector<16xf32>,
      %min3A_768 = arith.minimumf %min3A_757, %get3A_767 : vector<16xf32>
      %mul3A_769 = arith.constant 16 : i32
      %mul3A_770 = arith.muli %scan3A_651, %mul3A_769 : i32
      %add3A_771 = arith.constant 2992 : i32
      %add3A_772 = arith.addi %add3A_771, %mul3A_770 : i32
      %multiple_of3A_773 = tpu.assume_multiple %add3A_772, 16 : i32
      %get3A_774 = arith.index_cast %multiple_of3A_773 : i32 to index
      %get3A_775 = tpu.vector_load %arg12[%get3A_774] {strides = array<i32>} : memref<4352xf32, #tpu.memory_space<vmem>>, vector<16xf32>,
      %max3A_776 = arith.maximumf %max3A_765, %get3A_775 : vector<16xf32>
      %get3A_777 = arith.index_cast %multiple_of3A_773 : i32 to index
      %get3A_778 = tpu.vector_load %arg14[%get3A_777] {strides = array<i32>} : memref<4352xf32, #tpu.memory_space<vmem>>, vector<16xf32>,
      %min3A_779 = arith.minimumf %min3A_768, %get3A_778 : vector<16xf32>
      %mul3A_780 = arith.constant 16 : i32
      %mul3A_781 = arith.muli %scan3A_651, %mul3A_780 : i32
      %add3A_782 = arith.constant 3264 : i32
      %add3A_783 = arith.addi %add3A_782, %mul3A_781 : i32
      %multiple_of3A_784 = tpu.assume_multiple %add3A_783, 16 : i32
      %get3A_785 = arith.index_cast %multiple_of3A_784 : i32 to index
      %get3A_786 = tpu.vector_load %arg12[%get3A_785] {strides = array<i32>} : memref<4352xf32, #tpu.memory_space<vmem>>, vector<16xf32>,
      %max3A_787 = arith.maximumf %max3A_776, %get3A_786 : vector<16xf32>
      %get3A_788 = arith.index_cast %multiple_of3A_784 : i32 to index
      %get3A_789 = tpu.vector_load %arg14[%get3A_788] {strides = array<i32>} : memref<4352xf32, #tpu.memory_space<vmem>>, vector<16xf32>,
      %min3A_790 = arith.minimumf %min3A_779, %get3A_789 : vector<16xf32>
      %mul3A_791 = arith.constant 16 : i32
      %mul3A_792 = arith.muli %scan3A_651, %mul3A_791 : i32
      %add3A_793 = arith.constant 3536 : i32
      %add3A_794 = arith.addi %add3A_793, %mul3A_792 : i32
      %multiple_of3A_795 = tpu.assume_multiple %add3A_794, 16 : i32
      %get3A_796 = arith.index_cast %multiple_of3A_795 : i32 to index
      %get3A_797 = tpu.vector_load %arg12[%get3A_796] {strides = array<i32>} : memref<4352xf32, #tpu.memory_space<vmem>>, vector<16xf32>,
      %max3A_798 = arith.maximumf %max3A_787, %get3A_797 : vector<16xf32>
      %get3A_799 = arith.index_cast %multiple_of3A_795 : i32 to index
      %get3A_800 = tpu.vector_load %arg14[%get3A_799] {strides = array<i32>} : memref<4352xf32, #tpu.memory_space<vmem>>, vector<16xf32>,
      %min3A_801 = arith.minimumf %min3A_790, %get3A_800 : vector<16xf32>
      %mul3A_802 = arith.constant 16 : i32
      %mul3A_803 = arith.muli %scan3A_651, %mul3A_802 : i32
      %add3A_804 = arith.constant 3808 : i32
      %add3A_805 = arith.addi %add3A_804, %mul3A_803 : i32
      %multiple_of3A_806 = tpu.assume_multiple %add3A_805, 16 : i32
      %get3A_807 = arith.index_cast %multiple_of3A_806 : i32 to index
      %get3A_808 = tpu.vector_load %arg12[%get3A_807] {strides = array<i32>} : memref<4352xf32, #tpu.memory_space<vmem>>, vector<16xf32>,
      %max3A_809 = arith.maximumf %max3A_798, %get3A_808 : vector<16xf32>
      %get3A_810 = arith.index_cast %multiple_of3A_806 : i32 to index
      %get3A_811 = tpu.vector_load %arg14[%get3A_810] {strides = array<i32>} : memref<4352xf32, #tpu.memory_space<vmem>>, vector<16xf32>,
      %min3A_812 = arith.minimumf %min3A_801, %get3A_811 : vector<16xf32>
      %mul3A_813 = arith.constant 16 : i32
      %mul3A_814 = arith.muli %scan3A_651, %mul3A_813 : i32
      %add3A_815 = arith.constant 4080 : i32
      %add3A_816 = arith.addi %add3A_815, %mul3A_814 : i32
      %multiple_of3A_817 = tpu.assume_multiple %add3A_816, 16 : i32
      %get3A_818 = arith.index_cast %multiple_of3A_817 : i32 to index
      %get3A_819 = tpu.vector_load %arg12[%get3A_818] {strides = array<i32>} : memref<4352xf32, #tpu.memory_space<vmem>>, vector<16xf32>,
      %max3A_820 = arith.maximumf %max3A_809, %get3A_819 : vector<16xf32>
      %get3A_821 = arith.index_cast %multiple_of3A_817 : i32 to index
      %get3A_822 = tpu.vector_load %arg14[%get3A_821] {strides = array<i32>} : memref<4352xf32, #tpu.memory_space<vmem>>, vector<16xf32>,
      %min3A_823 = arith.minimumf %min3A_812, %get3A_822 : vector<16xf32>
      %swap3A_824 = arith.index_cast %multiple_of3A : i32 to index
      %swap3A_825 = tpu.vector_load %arg12[%swap3A_824] {strides = array<i32>} : memref<4352xf32, #tpu.memory_space<vmem>>, vector<16xf32>,
      tpu.vector_store %arg12[%swap3A_824], %max3A_820 {strides = array<i32>} : memref<4352xf32, #tpu.memory_space<vmem>>, vector<16xf32>,
      %swap3A_826 = arith.index_cast %multiple_of3A : i32 to index
      %swap3A_827 = tpu.vector_load %arg14[%swap3A_826] {strides = array<i32>} : memref<4352xf32, #tpu.memory_space<vmem>>, vector<16xf32>,
      tpu.vector_store %arg14[%swap3A_826], %min3A_823 {strides = array<i32>} : memref<4352xf32, #tpu.memory_space<vmem>>, vector<16xf32>,
      %scan3A_828 = arith.constant 0 : i32
      scf.yield %scan3A_828 : i32
    }
    %scan3A_633 = arith.constant 17 : i32
    %swap3A_634 = arith.constant 0 : index
    %swap3A_635 = tpu.vector_load %arg21[%swap3A_634] {strides = array<i32>} : memref<32xf32, #tpu.memory_space<vmem>>, vector<16xf32>,
    tpu.vector_store %arg21[%swap3A_634], %scan3A_625#0 {strides = array<i32>} : memref<32xf32, #tpu.memory_space<vmem>>, vector<16xf32>,
    %swap3A_636 = arith.constant 16 : index
    %swap3A_637 = tpu.vector_load %arg21[%swap3A_636] {strides = array<i32>} : memref<32xf32, #tpu.memory_space<vmem>>, vector<16xf32>,
    tpu.vector_store %arg21[%swap3A_636], %scan3A_625#1 {strides = array<i32>} : memref<32xf32, #tpu.memory_space<vmem>>, vector<16xf32>,
    %mul3A_638 = arith.constant 272 : i32
    %mul3A_639 = arith.muli %arg1, %mul3A_638 : i32
    "tpu.region"() ({
      %run_scoped3A = tpu.sem_alloc : memref<!tpu.dma_semaphore, #tpu.memory_space<semaphore_mem>>
      %dma_start3A_651 = arith.constant 0 : i32
      %dma_start3A_652 = tpu.memref_slice %arg12[%dma_start3A_651] : memref<4352xf32, #tpu.memory_space<vmem>> -> memref<272xf32, #tpu.memory_space<vmem>>
      %dma_start3A_653 = tpu.memref_slice %arg11[%mul3A_639] : memref<4352xf32, #tpu.memory_space<vmem_shared>> -> memref<272xf32, #tpu.memory_space<vmem_shared>>
      %dma_start3A_654 = tpu.memref_slice %arg11[%mul3A_639] : memref<4352xf32, #tpu.memory_space<vmem_shared>> -> memref<272xf32, #tpu.memory_space<vmem_shared>>
      %dma_start3A_655 = arith.constant 0 : i32
      %dma_start3A_656 = tpu.memref_slice %arg12[%dma_start3A_655] : memref<4352xf32, #tpu.memory_space<vmem>> -> memref<272xf32, #tpu.memory_space<vmem>>
      tpu.enqueue_dma source(%dma_start3A_656 : memref<272xf32, #tpu.memory_space<vmem>>) target(%dma_start3A_654 : memref<272xf32, #tpu.memory_space<vmem_shared>>) target_semaphore(%run_scoped3A : memref<!tpu.dma_semaphore, #tpu.memory_space<semaphore_mem>>)
      %dma_wait3A_657 = arith.constant 0 : i32
      %dma_wait3A_658 = tpu.memref_slice %arg12[%dma_wait3A_657] : memref<4352xf32, #tpu.memory_space<vmem>> -> memref<272xf32, #tpu.memory_space<vmem>>
      %dma_wait3A_659 = tpu.memref_slice %arg11[%mul3A_639] : memref<4352xf32, #tpu.memory_space<vmem_shared>> -> memref<272xf32, #tpu.memory_space<vmem_shared>>
      %dma_wait3A_660 = tpu.memref_slice %arg11[%mul3A_639] : memref<4352xf32, #tpu.memory_space<vmem_shared>> -> memref<272xf32, #tpu.memory_space<vmem_shared>>
      %dma_wait3A_661 = arith.constant 0 : i32
      %dma_wait3A_662 = tpu.memref_slice %arg12[%dma_wait3A_661] : memref<4352xf32, #tpu.memory_space<vmem>> -> memref<272xf32, #tpu.memory_space<vmem>>
      tpu.wait_dma2 semaphore(%run_scoped3A : memref<!tpu.dma_semaphore, #tpu.memory_space<semaphore_mem>>) src(%dma_wait3A_662 : memref<272xf32, #tpu.memory_space<vmem>>) dst(%dma_wait3A_660 : memref<272xf32, #tpu.memory_space<vmem_shared>>)
      tpu.yield
    }) : () -> ()
    %mul3A_640 = arith.constant 272 : i32
    %mul3A_641 = arith.muli %arg1, %mul3A_640 : i32
    "tpu.region"() ({
      %run_scoped3A = tpu.sem_alloc : memref<!tpu.dma_semaphore, #tpu.memory_space<semaphore_mem>>
      %dma_start3A_651 = arith.constant 0 : i32
      %dma_start3A_652 = tpu.memref_slice %arg14[%dma_start3A_651] : memref<4352xf32, #tpu.memory_space<vmem>> -> memref<272xf32, #tpu.memory_space<vmem>>
      %dma_start3A_653 = tpu.memref_slice %arg13[%mul3A_641] : memref<4352xf32, #tpu.memory_space<vmem_shared>> -> memref<272xf32, #tpu.memory_space<vmem_shared>>
      %dma_start3A_654 = tpu.memref_slice %arg13[%mul3A_641] : memref<4352xf32, #tpu.memory_space<vmem_shared>> -> memref<272xf32, #tpu.memory_space<vmem_shared>>
      %dma_start3A_655 = arith.constant 0 : i32
      %dma_start3A_656 = tpu.memref_slice %arg14[%dma_start3A_655] : memref<4352xf32, #tpu.memory_space<vmem>> -> memref<272xf32, #tpu.memory_space<vmem>>
      tpu.enqueue_dma source(%dma_start3A_656 : memref<272xf32, #tpu.memory_space<vmem>>) target(%dma_start3A_654 : memref<272xf32, #tpu.memory_space<vmem_shared>>) target_semaphore(%run_scoped3A : memref<!tpu.dma_semaphore, #tpu.memory_space<semaphore_mem>>)
      %dma_wait3A_657 = arith.constant 0 : i32
      %dma_wait3A_658 = tpu.memref_slice %arg14[%dma_wait3A_657] : memref<4352xf32, #tpu.memory_space<vmem>> -> memref<272xf32, #tpu.memory_space<vmem>>
      %dma_wait3A_659 = tpu.memref_slice %arg13[%mul3A_641] : memref<4352xf32, #tpu.memory_space<vmem_shared>> -> memref<272xf32, #tpu.memory_space<vmem_shared>>
      %dma_wait3A_660 = tpu.memref_slice %arg13[%mul3A_641] : memref<4352xf32, #tpu.memory_space<vmem_shared>> -> memref<272xf32, #tpu.memory_space<vmem_shared>>
      %dma_wait3A_661 = arith.constant 0 : i32
      %dma_wait3A_662 = tpu.memref_slice %arg14[%dma_wait3A_661] : memref<4352xf32, #tpu.memory_space<vmem>> -> memref<272xf32, #tpu.memory_space<vmem>>
      tpu.wait_dma2 semaphore(%run_scoped3A : memref<!tpu.dma_semaphore, #tpu.memory_space<semaphore_mem>>) src(%dma_wait3A_662 : memref<272xf32, #tpu.memory_space<vmem>>) dst(%dma_wait3A_660 : memref<272xf32, #tpu.memory_space<vmem_shared>>)
      tpu.yield
    }) : () -> ()
    %mul3A_642 = arith.constant 32 : i32
    %mul3A_643 = arith.muli %arg1, %mul3A_642 : i32
    "tpu.region"() ({
      %run_scoped3A = tpu.sem_alloc : memref<!tpu.dma_semaphore, #tpu.memory_space<semaphore_mem>>
      %dma_start3A_651 = tpu.memref_slice %arg20[%mul3A_643] : memref<512xf32, #tpu.memory_space<vmem_shared>> -> memref<32xf32, #tpu.memory_space<vmem_shared>>
      %dma_start3A_652 = tpu.memref_slice %arg20[%mul3A_643] : memref<512xf32, #tpu.memory_space<vmem_shared>> -> memref<32xf32, #tpu.memory_space<vmem_shared>>
      tpu.enqueue_dma source(%arg21 : memref<32xf32, #tpu.memory_space<vmem>>) target(%dma_start3A_652 : memref<32xf32, #tpu.memory_space<vmem_shared>>) target_semaphore(%run_scoped3A : memref<!tpu.dma_semaphore, #tpu.memory_space<semaphore_mem>>)
      %dma_wait3A_653 = tpu.memref_slice %arg20[%mul3A_643] : memref<512xf32, #tpu.memory_space<vmem_shared>> -> memref<32xf32, #tpu.memory_space<vmem_shared>>
      %dma_wait3A_654 = tpu.memref_slice %arg20[%mul3A_643] : memref<512xf32, #tpu.memory_space<vmem_shared>> -> memref<32xf32, #tpu.memory_space<vmem_shared>>
      tpu.wait_dma2 semaphore(%run_scoped3A : memref<!tpu.dma_semaphore, #tpu.memory_space<semaphore_mem>>) src(%arg21 : memref<32xf32, #tpu.memory_space<vmem>>) dst(%dma_wait3A_654 : memref<32xf32, #tpu.memory_space<vmem_shared>>)
      tpu.yield
    }) : () -> ()
    %barrier3A_644 = arith.constant 0 : index
    tpu.barrier barrier_id(%barrier3A_644)
    %eq3A_645 = arith.constant 0 : i32
    %eq3A_646 = arith.cmpi eq, %arg1, %eq3A_645 : i32
    %eq3A_647 = arith.constant 8 : i32
    %eq3A_648 = arith.cmpi eq, %arg1, %eq3A_647 : i32
    %or3A = arith.ori %eq3A_646, %eq3A_648 : i1
    %convert_element_type3A_649 = arith.extui %or3A : i1 to i32
    %cond3A = arith.constant 0 : i32
    %cond3A_650 = arith.cmpi ne, %convert_element_type3A_649, %cond3A : i32
    scf.if %cond3A_650 {
      %mul3A_651 = arith.constant 272 : i32
      %mul3A_652 = arith.muli %arg1, %mul3A_651 : i32
      "tpu.region"() ({
        %run_scoped3A = tpu.sem_alloc : memref<!tpu.dma_semaphore, #tpu.memory_space<semaphore_mem>>
        %dma_start3A_759 = tpu.memref_slice %arg11[%mul3A_652] : memref<4352xf32, #tpu.memory_space<vmem_shared>> -> memref<2176xf32, #tpu.memory_space<vmem_shared>>
        %dma_start3A_760 = tpu.memref_slice %arg11[%mul3A_652] : memref<4352xf32, #tpu.memory_space<vmem_shared>> -> memref<2176xf32, #tpu.memory_space<vmem_shared>>
        tpu.enqueue_dma source(%dma_start3A_760 : memref<2176xf32, #tpu.memory_space<vmem_shared>>) target(%arg6 : memref<2176xf32, #tpu.memory_space<vmem>>) target_semaphore(%run_scoped3A : memref<!tpu.dma_semaphore, #tpu.memory_space<semaphore_mem>>)
        %dma_wait3A_761 = tpu.memref_slice %arg11[%mul3A_652] : memref<4352xf32, #tpu.memory_space<vmem_shared>> -> memref<2176xf32, #tpu.memory_space<vmem_shared>>
        %dma_wait3A_762 = tpu.memref_slice %arg11[%mul3A_652] : memref<4352xf32, #tpu.memory_space<vmem_shared>> -> memref<2176xf32, #tpu.memory_space<vmem_shared>>
        tpu.wait_dma2 semaphore(%run_scoped3A : memref<!tpu.dma_semaphore, #tpu.memory_space<semaphore_mem>>) src(%dma_wait3A_762 : memref<2176xf32, #tpu.memory_space<vmem_shared>>) dst(%arg6 : memref<2176xf32, #tpu.memory_space<vmem>>)
        tpu.yield
      }) : () -> ()
      %scan3A_653 = arith.constant 0 : i32
      %scan3A_654 = arith.constant 0 : i32
      %scan3A_655 = arith.constant 17 : i32
      %scan3A_656 = arith.addi %scan3A_654, %scan3A_655 : i32
      %scan3A_657 = arith.constant 1 : i32
      %scan3A_658 = scf.for %scan3A_759 = %scan3A_654 to %scan3A_656 step %scan3A_657 iter_args(%scan3A_760 = %scan3A_653) -> (i32)  : i32 {
        %mul3A_761 = arith.constant 16 : i32
        %mul3A_762 = arith.muli %scan3A_759, %mul3A_761 : i32
        %multiple_of3A = tpu.assume_multiple %mul3A_762, 16 : i32
        %get3A_763 = arith.index_cast %multiple_of3A : i32 to index
        %get3A_764 = tpu.vector_load %arg6[%get3A_763] {strides = array<i32>} : memref<2176xf32, #tpu.memory_space<vmem>>, vector<16xf32>,
        %multiple_of3A_765 = arith.constant 272 : i32
        %multiple_of3A_766 = tpu.assume_multiple %multiple_of3A_765, 16 : i32
        %add3A_767 = arith.addi %multiple_of3A_766, %multiple_of3A : i32
        %get3A_768 = arith.index_cast %add3A_767 : i32 to index
        %get3A_769 = tpu.vector_load %arg6[%get3A_768] {strides = array<i32>} : memref<2176xf32, #tpu.memory_space<vmem>>, vector<16xf32>,
        %max3A_770 = arith.maximumf %get3A_764, %get3A_769 : vector<16xf32>
        %multiple_of3A_771 = arith.constant 544 : i32
        %multiple_of3A_772 = tpu.assume_multiple %multiple_of3A_771, 16 : i32
        %add3A_773 = arith.addi %multiple_of3A_772, %multiple_of3A : i32
        %get3A_774 = arith.index_cast %add3A_773 : i32 to index
        %get3A_775 = tpu.vector_load %arg6[%get3A_774] {strides = array<i32>} : memref<2176xf32, #tpu.memory_space<vmem>>, vector<16xf32>,
        %max3A_776 = arith.maximumf %max3A_770, %get3A_775 : vector<16xf32>
        %multiple_of3A_777 = arith.constant 816 : i32
        %multiple_of3A_778 = tpu.assume_multiple %multiple_of3A_777, 16 : i32
        %add3A_779 = arith.addi %multiple_of3A_778, %multiple_of3A : i32
        %get3A_780 = arith.index_cast %add3A_779 : i32 to index
        %get3A_781 = tpu.vector_load %arg6[%get3A_780] {strides = array<i32>} : memref<2176xf32, #tpu.memory_space<vmem>>, vector<16xf32>,
        %max3A_782 = arith.maximumf %max3A_776, %get3A_781 : vector<16xf32>
        %multiple_of3A_783 = arith.constant 1088 : i32
        %multiple_of3A_784 = tpu.assume_multiple %multiple_of3A_783, 16 : i32
        %add3A_785 = arith.addi %multiple_of3A_784, %multiple_of3A : i32
        %get3A_786 = arith.index_cast %add3A_785 : i32 to index
        %get3A_787 = tpu.vector_load %arg6[%get3A_786] {strides = array<i32>} : memref<2176xf32, #tpu.memory_space<vmem>>, vector<16xf32>,
        %max3A_788 = arith.maximumf %max3A_782, %get3A_787 : vector<16xf32>
        %multiple_of3A_789 = arith.constant 1360 : i32
        %multiple_of3A_790 = tpu.assume_multiple %multiple_of3A_789, 16 : i32
        %add3A_791 = arith.addi %multiple_of3A_790, %multiple_of3A : i32
        %get3A_792 = arith.index_cast %add3A_791 : i32 to index
        %get3A_793 = tpu.vector_load %arg6[%get3A_792] {strides = array<i32>} : memref<2176xf32, #tpu.memory_space<vmem>>, vector<16xf32>,
        %max3A_794 = arith.maximumf %max3A_788, %get3A_793 : vector<16xf32>
        %multiple_of3A_795 = arith.constant 1632 : i32
        %multiple_of3A_796 = tpu.assume_multiple %multiple_of3A_795, 16 : i32
        %add3A_797 = arith.addi %multiple_of3A_796, %multiple_of3A : i32
        %get3A_798 = arith.index_cast %add3A_797 : i32 to index
        %get3A_799 = tpu.vector_load %arg6[%get3A_798] {strides = array<i32>} : memref<2176xf32, #tpu.memory_space<vmem>>, vector<16xf32>,
        %max3A_800 = arith.maximumf %max3A_794, %get3A_799 : vector<16xf32>
        %multiple_of3A_801 = arith.constant 1904 : i32
        %multiple_of3A_802 = tpu.assume_multiple %multiple_of3A_801, 16 : i32
        %add3A_803 = arith.addi %multiple_of3A_802, %multiple_of3A : i32
        %get3A_804 = arith.index_cast %add3A_803 : i32 to index
        %get3A_805 = tpu.vector_load %arg6[%get3A_804] {strides = array<i32>} : memref<2176xf32, #tpu.memory_space<vmem>>, vector<16xf32>,
        %max3A_806 = arith.maximumf %max3A_800, %get3A_805 : vector<16xf32>
        %swap3A_807 = arith.index_cast %multiple_of3A : i32 to index
        %swap3A_808 = tpu.vector_load %arg12[%swap3A_807] {strides = array<i32>} : memref<4352xf32, #tpu.memory_space<vmem>>, vector<16xf32>,
        tpu.vector_store %arg12[%swap3A_807], %max3A_806 {strides = array<i32>} : memref<4352xf32, #tpu.memory_space<vmem>>, vector<16xf32>,
        %scan3A_809 = arith.constant 0 : i32
        scf.yield %scan3A_809 : i32
      }
      %scan3A_659 = arith.constant 17 : i32
      %mul3A_660 = arith.constant 272 : i32
      %mul3A_661 = arith.muli %arg1, %mul3A_660 : i32
      "tpu.region"() ({
        %run_scoped3A = tpu.sem_alloc : memref<!tpu.dma_semaphore, #tpu.memory_space<semaphore_mem>>
        %dma_start3A_759 = tpu.memref_slice %arg13[%mul3A_661] : memref<4352xf32, #tpu.memory_space<vmem_shared>> -> memref<2176xf32, #tpu.memory_space<vmem_shared>>
        %dma_start3A_760 = tpu.memref_slice %arg13[%mul3A_661] : memref<4352xf32, #tpu.memory_space<vmem_shared>> -> memref<2176xf32, #tpu.memory_space<vmem_shared>>
        tpu.enqueue_dma source(%dma_start3A_760 : memref<2176xf32, #tpu.memory_space<vmem_shared>>) target(%arg6 : memref<2176xf32, #tpu.memory_space<vmem>>) target_semaphore(%run_scoped3A : memref<!tpu.dma_semaphore, #tpu.memory_space<semaphore_mem>>)
        %dma_wait3A_761 = tpu.memref_slice %arg13[%mul3A_661] : memref<4352xf32, #tpu.memory_space<vmem_shared>> -> memref<2176xf32, #tpu.memory_space<vmem_shared>>
        %dma_wait3A_762 = tpu.memref_slice %arg13[%mul3A_661] : memref<4352xf32, #tpu.memory_space<vmem_shared>> -> memref<2176xf32, #tpu.memory_space<vmem_shared>>
        tpu.wait_dma2 semaphore(%run_scoped3A : memref<!tpu.dma_semaphore, #tpu.memory_space<semaphore_mem>>) src(%dma_wait3A_762 : memref<2176xf32, #tpu.memory_space<vmem_shared>>) dst(%arg6 : memref<2176xf32, #tpu.memory_space<vmem>>)
        tpu.yield
      }) : () -> ()
      %scan3A_662 = arith.constant 0 : i32
      %scan3A_663 = arith.constant 0 : i32
      %scan3A_664 = arith.constant 17 : i32
      %scan3A_665 = arith.addi %scan3A_663, %scan3A_664 : i32
      %scan3A_666 = arith.constant 1 : i32
      %scan3A_667 = scf.for %scan3A_759 = %scan3A_663 to %scan3A_665 step %scan3A_666 iter_args(%scan3A_760 = %scan3A_662) -> (i32)  : i32 {
        %mul3A_761 = arith.constant 16 : i32
        %mul3A_762 = arith.muli %scan3A_759, %mul3A_761 : i32
        %multiple_of3A = tpu.assume_multiple %mul3A_762, 16 : i32
        %get3A_763 = arith.index_cast %multiple_of3A : i32 to index
        %get3A_764 = tpu.vector_load %arg6[%get3A_763] {strides = array<i32>} : memref<2176xf32, #tpu.memory_space<vmem>>, vector<16xf32>,
        %multiple_of3A_765 = arith.constant 272 : i32
        %multiple_of3A_766 = tpu.assume_multiple %multiple_of3A_765, 16 : i32
        %add3A_767 = arith.addi %multiple_of3A_766, %multiple_of3A : i32
        %get3A_768 = arith.index_cast %add3A_767 : i32 to index
        %get3A_769 = tpu.vector_load %arg6[%get3A_768] {strides = array<i32>} : memref<2176xf32, #tpu.memory_space<vmem>>, vector<16xf32>,
        %min3A_770 = arith.minimumf %get3A_764, %get3A_769 : vector<16xf32>
        %multiple_of3A_771 = arith.constant 544 : i32
        %multiple_of3A_772 = tpu.assume_multiple %multiple_of3A_771, 16 : i32
        %add3A_773 = arith.addi %multiple_of3A_772, %multiple_of3A : i32
        %get3A_774 = arith.index_cast %add3A_773 : i32 to index
        %get3A_775 = tpu.vector_load %arg6[%get3A_774] {strides = array<i32>} : memref<2176xf32, #tpu.memory_space<vmem>>, vector<16xf32>,
        %min3A_776 = arith.minimumf %min3A_770, %get3A_775 : vector<16xf32>
        %multiple_of3A_777 = arith.constant 816 : i32
        %multiple_of3A_778 = tpu.assume_multiple %multiple_of3A_777, 16 : i32
        %add3A_779 = arith.addi %multiple_of3A_778, %multiple_of3A : i32
        %get3A_780 = arith.index_cast %add3A_779 : i32 to index
        %get3A_781 = tpu.vector_load %arg6[%get3A_780] {strides = array<i32>} : memref<2176xf32, #tpu.memory_space<vmem>>, vector<16xf32>,
        %min3A_782 = arith.minimumf %min3A_776, %get3A_781 : vector<16xf32>
        %multiple_of3A_783 = arith.constant 1088 : i32
        %multiple_of3A_784 = tpu.assume_multiple %multiple_of3A_783, 16 : i32
        %add3A_785 = arith.addi %multiple_of3A_784, %multiple_of3A : i32
        %get3A_786 = arith.index_cast %add3A_785 : i32 to index
        %get3A_787 = tpu.vector_load %arg6[%get3A_786] {strides = array<i32>} : memref<2176xf32, #tpu.memory_space<vmem>>, vector<16xf32>,
        %min3A_788 = arith.minimumf %min3A_782, %get3A_787 : vector<16xf32>
        %multiple_of3A_789 = arith.constant 1360 : i32
        %multiple_of3A_790 = tpu.assume_multiple %multiple_of3A_789, 16 : i32
        %add3A_791 = arith.addi %multiple_of3A_790, %multiple_of3A : i32
        %get3A_792 = arith.index_cast %add3A_791 : i32 to index
        %get3A_793 = tpu.vector_load %arg6[%get3A_792] {strides = array<i32>} : memref<2176xf32, #tpu.memory_space<vmem>>, vector<16xf32>,
        %min3A_794 = arith.minimumf %min3A_788, %get3A_793 : vector<16xf32>
        %multiple_of3A_795 = arith.constant 1632 : i32
        %multiple_of3A_796 = tpu.assume_multiple %multiple_of3A_795, 16 : i32
        %add3A_797 = arith.addi %multiple_of3A_796, %multiple_of3A : i32
        %get3A_798 = arith.index_cast %add3A_797 : i32 to index
        %get3A_799 = tpu.vector_load %arg6[%get3A_798] {strides = array<i32>} : memref<2176xf32, #tpu.memory_space<vmem>>, vector<16xf32>,
        %min3A_800 = arith.minimumf %min3A_794, %get3A_799 : vector<16xf32>
        %multiple_of3A_801 = arith.constant 1904 : i32
        %multiple_of3A_802 = tpu.assume_multiple %multiple_of3A_801, 16 : i32
        %add3A_803 = arith.addi %multiple_of3A_802, %multiple_of3A : i32
        %get3A_804 = arith.index_cast %add3A_803 : i32 to index
        %get3A_805 = tpu.vector_load %arg6[%get3A_804] {strides = array<i32>} : memref<2176xf32, #tpu.memory_space<vmem>>, vector<16xf32>,
        %min3A_806 = arith.minimumf %min3A_800, %get3A_805 : vector<16xf32>
        %swap3A_807 = arith.index_cast %multiple_of3A : i32 to index
        %swap3A_808 = tpu.vector_load %arg14[%swap3A_807] {strides = array<i32>} : memref<4352xf32, #tpu.memory_space<vmem>>, vector<16xf32>,
        tpu.vector_store %arg14[%swap3A_807], %min3A_806 {strides = array<i32>} : memref<4352xf32, #tpu.memory_space<vmem>>, vector<16xf32>,
        %scan3A_809 = arith.constant 0 : i32
        scf.yield %scan3A_809 : i32
      }
      %scan3A_668 = arith.constant 17 : i32
      %mul3A_669 = arith.constant 32 : i32
      %mul3A_670 = arith.muli %arg1, %mul3A_669 : i32
      "tpu.region"() ({
        %run_scoped3A = tpu.sem_alloc : memref<!tpu.dma_semaphore, #tpu.memory_space<semaphore_mem>>
        %dma_start3A_759 = arith.constant 0 : i32
        %dma_start3A_760 = tpu.memref_slice %arg6[%dma_start3A_759] : memref<2176xf32, #tpu.memory_space<vmem>> -> memref<256xf32, #tpu.memory_space<vmem>>
        %dma_start3A_761 = tpu.memref_slice %arg20[%mul3A_670] : memref<512xf32, #tpu.memory_space<vmem_shared>> -> memref<256xf32, #tpu.memory_space<vmem_shared>>
        %dma_start3A_762 = arith.constant 0 : i32
        %dma_start3A_763 = tpu.memref_slice %arg6[%dma_start3A_762] : memref<2176xf32, #tpu.memory_space<vmem>> -> memref<256xf32, #tpu.memory_space<vmem>>
        %dma_start3A_764 = tpu.memref_slice %arg20[%mul3A_670] : memref<512xf32, #tpu.memory_space<vmem_shared>> -> memref<256xf32, #tpu.memory_space<vmem_shared>>
        tpu.enqueue_dma source(%dma_start3A_764 : memref<256xf32, #tpu.memory_space<vmem_shared>>) target(%dma_start3A_763 : memref<256xf32, #tpu.memory_space<vmem>>) target_semaphore(%run_scoped3A : memref<!tpu.dma_semaphore, #tpu.memory_space<semaphore_mem>>)
        %dma_wait3A_765 = arith.constant 0 : i32
        %dma_wait3A_766 = tpu.memref_slice %arg6[%dma_wait3A_765] : memref<2176xf32, #tpu.memory_space<vmem>> -> memref<256xf32, #tpu.memory_space<vmem>>
        %dma_wait3A_767 = tpu.memref_slice %arg20[%mul3A_670] : memref<512xf32, #tpu.memory_space<vmem_shared>> -> memref<256xf32, #tpu.memory_space<vmem_shared>>
        %dma_wait3A_768 = arith.constant 0 : i32
        %dma_wait3A_769 = tpu.memref_slice %arg6[%dma_wait3A_768] : memref<2176xf32, #tpu.memory_space<vmem>> -> memref<256xf32, #tpu.memory_space<vmem>>
        %dma_wait3A_770 = tpu.memref_slice %arg20[%mul3A_670] : memref<512xf32, #tpu.memory_space<vmem_shared>> -> memref<256xf32, #tpu.memory_space<vmem_shared>>
        tpu.wait_dma2 semaphore(%run_scoped3A : memref<!tpu.dma_semaphore, #tpu.memory_space<semaphore_mem>>) src(%dma_wait3A_770 : memref<256xf32, #tpu.memory_space<vmem_shared>>) dst(%dma_wait3A_769 : memref<256xf32, #tpu.memory_space<vmem>>)
        tpu.yield
      }) : () -> ()
      %get3A_671 = arith.constant 0 : index
      %get3A_672 = tpu.vector_load %arg6[%get3A_671] {strides = array<i32>} : memref<2176xf32, #tpu.memory_space<vmem>>, vector<16xf32>,
      %get3A_673 = arith.constant 16 : index
      %get3A_674 = tpu.vector_load %arg6[%get3A_673] {strides = array<i32>} : memref<2176xf32, #tpu.memory_space<vmem>>, vector<16xf32>,
      %get3A_675 = arith.constant 32 : index
      %get3A_676 = tpu.vector_load %arg6[%get3A_675] {strides = array<i32>} : memref<2176xf32, #tpu.memory_space<vmem>>, vector<16xf32>,
      %add3A_677 = arith.addf %get3A_672, %get3A_676 : vector<16xf32>
      %get3A_678 = arith.constant 48 : index
      %get3A_679 = tpu.vector_load %arg6[%get3A_678] {strides = array<i32>} : memref<2176xf32, #tpu.memory_space<vmem>>, vector<16xf32>,
      %add3A_680 = arith.addf %get3A_674, %get3A_679 : vector<16xf32>
      %get3A_681 = arith.constant 64 : index
      %get3A_682 = tpu.vector_load %arg6[%get3A_681] {strides = array<i32>} : memref<2176xf32, #tpu.memory_space<vmem>>, vector<16xf32>,
      %add3A_683 = arith.addf %add3A_677, %get3A_682 : vector<16xf32>
      %get3A_684 = arith.constant 80 : index
      %get3A_685 = tpu.vector_load %arg6[%get3A_684] {strides = array<i32>} : memref<2176xf32, #tpu.memory_space<vmem>>, vector<16xf32>,
      %add3A_686 = arith.addf %add3A_680, %get3A_685 : vector<16xf32>
      %get3A_687 = arith.constant 96 : index
      %get3A_688 = tpu.vector_load %arg6[%get3A_687] {strides = array<i32>} : memref<2176xf32, #tpu.memory_space<vmem>>, vector<16xf32>,
      %add3A_689 = arith.addf %add3A_683, %get3A_688 : vector<16xf32>
      %get3A_690 = arith.constant 112 : index
      %get3A_691 = tpu.vector_load %arg6[%get3A_690] {strides = array<i32>} : memref<2176xf32, #tpu.memory_space<vmem>>, vector<16xf32>,
      %add3A_692 = arith.addf %add3A_686, %get3A_691 : vector<16xf32>
      %get3A_693 = arith.constant 128 : index
      %get3A_694 = tpu.vector_load %arg6[%get3A_693] {strides = array<i32>} : memref<2176xf32, #tpu.memory_space<vmem>>, vector<16xf32>,
      %add3A_695 = arith.addf %add3A_689, %get3A_694 : vector<16xf32>
      %get3A_696 = arith.constant 144 : index
      %get3A_697 = tpu.vector_load %arg6[%get3A_696] {strides = array<i32>} : memref<2176xf32, #tpu.memory_space<vmem>>, vector<16xf32>,
      %add3A_698 = arith.addf %add3A_692, %get3A_697 : vector<16xf32>
      %get3A_699 = arith.constant 160 : index
      %get3A_700 = tpu.vector_load %arg6[%get3A_699] {strides = array<i32>} : memref<2176xf32, #tpu.memory_space<vmem>>, vector<16xf32>,
      %add3A_701 = arith.addf %add3A_695, %get3A_700 : vector<16xf32>
      %get3A_702 = arith.constant 176 : index
      %get3A_703 = tpu.vector_load %arg6[%get3A_702] {strides = array<i32>} : memref<2176xf32, #tpu.memory_space<vmem>>, vector<16xf32>,
      %add3A_704 = arith.addf %add3A_698, %get3A_703 : vector<16xf32>
      %get3A_705 = arith.constant 192 : index
      %get3A_706 = tpu.vector_load %arg6[%get3A_705] {strides = array<i32>} : memref<2176xf32, #tpu.memory_space<vmem>>, vector<16xf32>,
      %add3A_707 = arith.addf %add3A_701, %get3A_706 : vector<16xf32>
      %get3A_708 = arith.constant 208 : index
      %get3A_709 = tpu.vector_load %arg6[%get3A_708] {strides = array<i32>} : memref<2176xf32, #tpu.memory_space<vmem>>, vector<16xf32>,
      %add3A_710 = arith.addf %add3A_704, %get3A_709 : vector<16xf32>
      %get3A_711 = arith.constant 224 : index
      %get3A_712 = tpu.vector_load %arg6[%get3A_711] {strides = array<i32>} : memref<2176xf32, #tpu.memory_space<vmem>>, vector<16xf32>,
      %add3A_713 = arith.addf %add3A_707, %get3A_712 : vector<16xf32>
      %get3A_714 = arith.constant 240 : index
      %get3A_715 = tpu.vector_load %arg6[%get3A_714] {strides = array<i32>} : memref<2176xf32, #tpu.memory_space<vmem>>, vector<16xf32>,
      %add3A_716 = arith.addf %add3A_710, %get3A_715 : vector<16xf32>
      %scan3A_717 = arith.constant 0 : i32
      %scan3A_718 = arith.constant 16 : i32
      %scan3A_719 = arith.addi %scan3A_717, %scan3A_718 : i32
      %scan3A_720 = arith.constant 1 : i32
      %scan3A_721 = scf.for %scan3A_759 = %scan3A_717 to %scan3A_719 step %scan3A_720 iter_args(%scan3A_760 = %broadcast_in_dim3A_100) -> (vector<16xf32>)  : i32 {
        %mul3A_761 = arith.constant 16 : i32
        %mul3A_762 = arith.muli %scan3A_759, %mul3A_761 : i32
        %multiple_of3A = tpu.assume_multiple %mul3A_762, 16 : i32
        %get3A_763 = arith.index_cast %multiple_of3A : i32 to index
        %get3A_764 = tpu.vector_load %arg12[%get3A_763] {strides = array<i32>} : memref<4352xf32, #tpu.memory_space<vmem>>, vector<16xf32>,
        %broadcast_in_dim3A_765 = arith.constant true
        %broadcast_in_dim3A_766 = vector.broadcast %broadcast_in_dim3A_765 : i1 to vector<16xi1>
        %masked_cummax3A = tpu.scan <max>, %get3A_764 masked %broadcast_in_dim3A_766 : vector<16xf32>, vector<16xi1> -> vector<16xf32>
        %max3A_767 = arith.maximumf %masked_cummax3A, %scan3A_760 : vector<16xf32>
        %mul3A_768 = arith.constant 16 : i32
        %mul3A_769 = arith.muli %scan3A_759, %mul3A_768 : i32
        %multiple_of3A_770 = tpu.assume_multiple %mul3A_769, 16 : i32
        %swap3A_771 = arith.index_cast %multiple_of3A_770 : i32 to index
        %swap3A_772 = tpu.vector_load %arg5[%swap3A_771] {strides = array<i32>} : memref<256xf32, #tpu.memory_space<vmem>>, vector<16xf32>,
        tpu.vector_store %arg5[%swap3A_771], %max3A_767 {strides = array<i32>} : memref<256xf32, #tpu.memory_space<vmem>>, vector<16xf32>,
        %reduce_max3A_773 = arith.constant true
        %reduce_max3A_774 = vector.broadcast %reduce_max3A_773 : i1 to vector<16xi1>
        %reduce_max3A_775 = tpu.scan <max>, %max3A_767 masked %reduce_max3A_774 : vector<16xf32>, vector<16xi1> -> vector<16xf32>
        %reduce_max3A_776 = vector.extract %reduce_max3A_775[15] : f32 from vector<16xf32>
        %broadcast_in_dim3A_777 = vector.broadcast %reduce_max3A_776 : f32 to vector<16xf32>
        scf.yield %broadcast_in_dim3A_777 : vector<16xf32>
      }
      %scan3A_722 = arith.constant 16 : i32
      %scan3A_723 = arith.constant 0 : i32
      %scan3A_724 = arith.constant 16 : i32
      %scan3A_725 = arith.addi %scan3A_723, %scan3A_724 : i32
      %scan3A_726 = arith.constant 1 : i32
      %scan3A_727:2 = scf.for %scan3A_759 = %scan3A_723 to %scan3A_725 step %scan3A_726 iter_args(%scan3A_760 = %broadcast_in_dim3A_96, %scan3A_761 = %broadcast_in_dim3A_102) -> (vector<16xf32>, vector<16xf32>)  : i32 {
        %sub3A_762 = arith.constant 15 : i32
        %sub3A_763 = arith.subi %sub3A_762, %scan3A_759 : i32
        %mul3A_764 = arith.constant 16 : i32
        %mul3A_765 = arith.muli %sub3A_763, %mul3A_764 : i32
        %multiple_of3A = tpu.assume_multiple %mul3A_765, 16 : i32
        %add3A_766 = arith.constant 1 : i32
        %add3A_767 = arith.addi %multiple_of3A, %add3A_766 : i32
        %get3A_768 = arith.index_cast %add3A_767 : i32 to index
        %get3A_769 = tpu.vector_load %arg14[%get3A_768] {strides = array<i32>} : memref<4352xf32, #tpu.memory_space<vmem>>, vector<16xf32>,
        %rev3A = arith.constant 15 : i32
        %rev3A_770 = vector.broadcast %rev3A : i32 to vector<16xi32>
        %rev3A_771 = tpu.iota {dimensions = array<i32: 0>} : vector<16xi32>
        %rev3A_772 = arith.subi %rev3A_770, %rev3A_771 : vector<16xi32>
        %rev3A_773 = tpu.dynamic_gather %get3A_769[%rev3A_772] in [0] : vector<16xf32>, vector<16xi32> -> vector<16xf32>
        %neg3A = arith.constant 0.000000e+00 : f32
        %neg3A_774 = vector.broadcast %neg3A : f32 to vector<16xf32>
        %neg3A_775 = arith.subf %neg3A_774, %rev3A_773 : vector<16xf32>
        %broadcast_in_dim3A_776 = arith.constant true
        %broadcast_in_dim3A_777 = vector.broadcast %broadcast_in_dim3A_776 : i1 to vector<16xi1>
        %masked_cummax3A = tpu.scan <max>, %neg3A_775 masked %broadcast_in_dim3A_777 : vector<16xf32>, vector<16xi1> -> vector<16xf32>
        %rev3A_778 = arith.constant 15 : i32
        %rev3A_779 = vector.broadcast %rev3A_778 : i32 to vector<16xi32>
        %rev3A_780 = tpu.iota {dimensions = array<i32: 0>} : vector<16xi32>
        %rev3A_781 = arith.subi %rev3A_779, %rev3A_780 : vector<16xi32>
        %rev3A_782 = tpu.dynamic_gather %masked_cummax3A[%rev3A_781] in [0] : vector<16xf32>, vector<16xi32> -> vector<16xf32>
        %neg3A_783 = arith.constant 0.000000e+00 : f32
        %neg3A_784 = vector.broadcast %neg3A_783 : f32 to vector<16xf32>
        %neg3A_785 = arith.subf %neg3A_784, %rev3A_782 : vector<16xf32>
        %min3A_786 = arith.minimumf %neg3A_785, %scan3A_761 : vector<16xf32>
        %get3A_787 = arith.index_cast %multiple_of3A : i32 to index
        %get3A_788 = tpu.vector_load %arg8[%get3A_787] {strides = array<i32>} : memref<256xf32, #tpu.memory_space<vmem>>, vector<16xf32>,
        %get3A_789 = arith.index_cast %multiple_of3A : i32 to index
        %get3A_790 = tpu.vector_load %arg5[%get3A_789] {strides = array<i32>} : memref<256xf32, #tpu.memory_space<vmem>>, vector<16xf32>,
        %sub3A_791 = arith.subf %get3A_788, %get3A_790 : vector<16xf32>
        %sub3A_792 = arith.subf %min3A_786, %get3A_788 : vector<16xf32>
        %min3A_793 = arith.minimumf %sub3A_791, %sub3A_792 : vector<16xf32>
        %mul3A_794 = arith.mulf %min3A_793, %min3A_793 : vector<16xf32>
        %add3A_795 = arith.addf %scan3A_760, %mul3A_794 : vector<16xf32>
        %reduce_min3A = arith.constant true
        %reduce_min3A_796 = vector.broadcast %reduce_min3A : i1 to vector<16xi1>
        %reduce_min3A_797 = tpu.scan <min>, %min3A_786 masked %reduce_min3A_796 : vector<16xf32>, vector<16xi1> -> vector<16xf32>
        %reduce_min3A_798 = vector.extract %reduce_min3A_797[15] : f32 from vector<16xf32>
        %broadcast_in_dim3A_799 = vector.broadcast %reduce_min3A_798 : f32 to vector<16xf32>
        scf.yield %add3A_795, %broadcast_in_dim3A_799 : vector<16xf32>, vector<16xf32>
      }
      %scan3A_728 = arith.constant 16 : i32
      %reduce_sum3A = arith.constant true
      %reduce_sum3A_729 = vector.broadcast %reduce_sum3A : i1 to vector<16xi1>
      %reduce_sum3A_730 = tpu.scan <sum>, %scan3A_727#0 masked %reduce_sum3A_729 : vector<16xf32>, vector<16xi1> -> vector<16xf32>
      %reduce_sum3A_731 = vector.extract %reduce_sum3A_730[15] : f32 from vector<16xf32>
      %broadcast_in_dim3A_732 = vector.broadcast %reduce_sum3A_731 : f32 to vector<16xf32>
      %reduce_sum3A_733 = arith.constant true
      %reduce_sum3A_734 = vector.broadcast %reduce_sum3A_733 : i1 to vector<16xi1>
      %reduce_sum3A_735 = tpu.scan <sum>, %add3A_713 masked %reduce_sum3A_734 : vector<16xf32>, vector<16xi1> -> vector<16xf32>
      %reduce_sum3A_736 = vector.extract %reduce_sum3A_735[15] : f32 from vector<16xf32>
      %broadcast_in_dim3A_737 = vector.broadcast %reduce_sum3A_736 : f32 to vector<16xf32>
      %reduce_sum3A_738 = arith.constant true
      %reduce_sum3A_739 = vector.broadcast %reduce_sum3A_738 : i1 to vector<16xi1>
      %reduce_sum3A_740 = tpu.scan <sum>, %add3A_716 masked %reduce_sum3A_739 : vector<16xf32>, vector<16xi1> -> vector<16xf32>
      %reduce_sum3A_741 = vector.extract %reduce_sum3A_740[15] : f32 from vector<16xf32>
      %broadcast_in_dim3A_742 = vector.broadcast %reduce_sum3A_741 : f32 to vector<16xf32>
      %mul3A_743 = arith.constant 3.906250e-03 : f32
      %mul3A_744 = vector.broadcast %mul3A_743 : f32 to vector<16xf32>
      %mul3A_745 = arith.mulf %broadcast_in_dim3A_732, %mul3A_744 : vector<16xf32>
      %div3A_746 = arith.divf %broadcast_in_dim3A_737, %broadcast_in_dim3A_742 : vector<16xf32>
      %add3A_747 = arith.addf %mul3A_745, %div3A_746 : vector<16xf32>
      %mul3A_748 = arith.constant 2.500000e-01 : f32
      %mul3A_749 = vector.broadcast %mul3A_748 : f32 to vector<16xf32>
      %mul3A_750 = arith.mulf %add3A_747, %mul3A_749 : vector<16xf32>
      %eq3A_751 = arith.constant 0 : i32
      %eq3A_752 = vector.broadcast %eq3A_751 : i32 to vector<16xi32>
      %eq3A_753 = arith.cmpi eq, %iota3A, %eq3A_752 : vector<16xi32>
      %select_n3A_754 = arith.select %eq3A_753, %mul3A_750, %broadcast_in_dim3A_96 : vector<16xi1>, vector<16xf32>
      %swap3A_755 = arith.constant 0 : index
      %swap3A_756 = tpu.vector_load %arg15[%swap3A_755] {strides = array<i32>} : memref<16xf32, #tpu.memory_space<vmem>>, vector<16xf32>,
      tpu.vector_store %arg15[%swap3A_755], %select_n3A_754 {strides = array<i32>} : memref<16xf32, #tpu.memory_space<vmem>>, vector<16xf32>,
      %mul3A_757 = arith.constant 16 : i32
      %mul3A_758 = arith.muli %add3A, %mul3A_757 : i32
      "tpu.region"() ({
        %run_scoped3A = tpu.sem_alloc : memref<!tpu.dma_semaphore, #tpu.memory_space<semaphore_mem>>
        %dma_start3A_759 = tpu.memref_slice %arg4[%mul3A_758] : memref<64xf32, #tpu.memory_space<hbm>> -> memref<16xf32, #tpu.memory_space<hbm>>
        %dma_start3A_760 = tpu.memref_slice %arg4[%mul3A_758] : memref<64xf32, #tpu.memory_space<hbm>> -> memref<16xf32, #tpu.memory_space<hbm>>
        tpu.enqueue_dma source(%arg15 : memref<16xf32, #tpu.memory_space<vmem>>) target(%dma_start3A_760 : memref<16xf32, #tpu.memory_space<hbm>>) target_semaphore(%run_scoped3A : memref<!tpu.dma_semaphore, #tpu.memory_space<semaphore_mem>>)
        %dma_wait3A_761 = tpu.memref_slice %arg4[%mul3A_758] : memref<64xf32, #tpu.memory_space<hbm>> -> memref<16xf32, #tpu.memory_space<hbm>>
        %dma_wait3A_762 = tpu.memref_slice %arg4[%mul3A_758] : memref<64xf32, #tpu.memory_space<hbm>> -> memref<16xf32, #tpu.memory_space<hbm>>
        tpu.wait_dma2 semaphore(%run_scoped3A : memref<!tpu.dma_semaphore, #tpu.memory_space<semaphore_mem>>) src(%arg15 : memref<16xf32, #tpu.memory_space<vmem>>) dst(%dma_wait3A_762 : memref<16xf32, #tpu.memory_space<hbm>>)
        tpu.yield
      }) : () -> ()
    } else {
    }
    return
  }
}

</mosaic_0001>

<sc_bundles>
// kernel: kernel.3.cloned.1.call-start
scs
__scs_entry_jumppad:
0x0: {  	(pc) =	sbr.rel $0x88, $3  }
0x1: {  	(tag) =	ssettag $0x0;
	lr =	simm.s32 $0x1  }
0x2: {  	[smem:$0x3F9F] =	sst lr;
	_ =	strace $0xD0000000  }
0x3: {  	_ = 	snop  }
0x4: {  	_ = 	snop  }
0x5: {  	_ = 	snop  }
0x6: {  	_ = 	snop  }
0x7: {  	_ = 	snop  }
__scs_overlays_trampoline_lowered:
0x8: {  	[smem:$0x3FAE] =	sst s0  }
0x9: {  	[smem:$0x3FAF] =	sst s1  }
0xa: {  	[smem:$0x3FB0] =	sst s2  }
0xb: {  	[smem:$0x3FB1] =	sst s3  }
0xc: {  	[smem:$0x3FB2] =	sst s4  }
0xd: {  	[smem:$0x3FB3] =	sst s5  }
0xe: {  	[smem:$0x3FB4] =	sst s6  }
0xf: {  	[smem:$0x3FB5] =	sst s7  }
0x10: {  	[smem:$0x3FB6] =	sst s8  }
0x11: {  	[smem:$0x3FB7] =	sst s9;
	s0 =	simm.s32 @!p0 $0x0  }
0x12: {  	s1 =	sld [smem:$0x3F9D];
	s0 =	simm.s32 @p0 $0x1  }
0x13: {  	[smem:$0x3FB8] =	sst s0;
	s0 =	simm.s32 @!p1 $0x0  }
0x14: {  	s2 =	sld [smem:$0x3F9C];
	s0 =	simm.s32 @p1 $0x1  }
0x15: {  	[smem:$0x3FB9] =	sst s0;
	s0 =	simm.s32 @!p2 $0x0  }
0x16: {  	s3 =	sld [smem:$0x3FDB];
	s0 =	simm.s32 @p2 $0x1  }
0x17: {  	s4 =	simm.s32 $0x1BF5;
	[smem:$0x3FBB] =	sst s0  }
0x18: {  	s0 =	sld [smem:$0x3F9E];
	_ =	swait.ge [sflag:s4], $0x0  }
0x19: {  	s7 =	sld [smem:$0x3F9F]  }
0x1a: {  	s8 =	sadd.s32 $0xFFFFE003, lr  }
0x1b: {  	s9 =	sadd.s32 $0xFFFFFEF7, lr;
	s5 =	simm.s32 $0xFFFFFFFF;
	p2 =	slt.u32 s8, $0xFFFFF086  }
0x1c: {  	p1 =	slt.u32 s9, $0xF7A;
	s5 =	simm.s32 @!p2 $0x0  }
0x1d: {  	s5 =	simm.s32 @p1 $0x1;
	p0 =	seq.s32 s7, s2  }
0x1e: {  	s7 =	smul.u32 @!p0 $0xF7A, s2;
	p2 =	seq.s32 @!p0 s5, $0x0  }
0x1f: {  	s9 =	smul.u32 $0xF7A, s1;
	s8 =	simm.s32 @!p0 $0x1BF5;
	p2 =	por !p2, p0  }
0x20: {  	[sflag:s8] =	ssyncset.s32 @!p0 $0xFFFFF086;
	s6 =	sadd.s32 @!p0 s3, s7;
	s7 =	simm.s32 @!p0 $0x108  }
0x21: {  	s3 =	sadd.s32 s3, s9;
	s6 =	sadd.s32 @!p0 $0x88, s6;
	s7 =	simm.s32 @p2 $0x1082  }
0x22: {  	[simem:s7], [sflag:s8] =	dma.local @!p0 [hbm:s6], $0xF7A  }
0x23: {  	s9 =	sor.u32 $0xD0000000, s2;
	s6 =	simm.s32 $0x108;
	_ =	swait.ge @!p0 [sflag:s8], $0x0  }
0x24: {  	s3 =	sadd.s32 $0x88, s3;
	s6 =	simm.s32 @!p1 $0x1082;
	[sflag:s4] =	ssyncset.s32 $0xFFFFF086  }
0x25: {  	[simem:s6], [sflag:s4] =	dma.local [hbm:s3], $0xF7A  }
0x26: {  	[smem:$0x3F9F] =	sst s1;
	(tag) =	ssettag s2;
	_ =	strace s9  }
0x27: {  	s1 =	sld [smem:$0x3FAF]  }
0x28: {  	s2 =	sld [smem:$0x3FB0]  }
0x29: {  	s4 =	sld [smem:$0x3FB2]  }
0x2a: {  	p0 =	seq.s32 s5, $0x0;
	s5 =	sld [smem:$0x3FB3]  }
0x2b: {  	s6 =	sld [smem:$0x3FB4]  }
0x2c: {  	s7 =	sld [smem:$0x3FB5]  }
0x2d: {  	s3 =	simm.s32 $0x108;
	s8 =	sld [smem:$0x3FB6]  }
0x2e: {  	s3 =	simm.s32 @!p0 $0x1082;
	s9 =	sld [smem:$0x3FB7]  }
0x2f: {  	lr =	sadd.s32 s0, s3;
	s0 =	sld [smem:$0x3FAE]  }
0x30: {  	s3 =	sld [smem:$0x3FB1]  }
0x31: {  	[smem:$0x3FBA] =	sst s10  }
0x32: {  	s10 =	sld [smem:$0x3FB8];
	_ =	sdelay $0x3  }
0x33: {  	p0 =	seq.s32 s10, $0x1;
	s10 =	sld [smem:$0x3FBA];
	_ =	sdelay $0x3  }
0x34: {  	[smem:$0x3FBA] =	sst s10  }
0x35: {  	s10 =	sld [smem:$0x3FB9];
	_ =	sdelay $0x3  }
0x36: {  	p1 =	seq.s32 s10, $0x1;
	s10 =	sld [smem:$0x3FBA];
	_ =	sdelay $0x3  }
0x37: {  	[smem:$0x3FBA] =	sst s10  }
0x38: {  	s10 =	sld [smem:$0x3FBB]  }
0x39: {  	_ = 	snop;
	(pc) =	sbr.ind lr, $3  }
0x3a: {  	_ = 	snop  }
0x3b: {  	_ = 	snop  }
0x3c: {  	p2 =	seq.s32 s10, $0x1;
	s10 =	sld [smem:$0x3FBA]  }
0x3d: {  	_ =	shalt  }
0x3e: {  	_ =	shalt  }
0x3f: {  	_ =	shalt  }
0x40: {  	_ =	shalt  }
0x41: {  	_ =	shalt  }
0x42: {  	_ =	shalt  }
0x43: {  	_ =	shalt  }
0x44: {  	_ =	shalt  }
0x45: {  	_ =	shalt  }
0x46: {  	_ =	shalt  }
0x47: {  	_ =	shalt  }
0x48: {  	_ =	shalt  }
0x49: {  	_ =	shalt  }
0x4a: {  	_ =	shalt  }
0x4b: {  	_ =	shalt  }
0x4c: {  	_ =	shalt  }
0x4d: {  	_ =	shalt  }
0x4e: {  	_ =	shalt  }
0x4f: {  	_ =	shalt  }
0x50: {  	_ =	shalt  }
0x51: {  	_ =	shalt  }
0x52: {  	_ =	shalt  }
0x53: {  	_ =	shalt  }
0x54: {  	_ =	shalt  }
0x55: {  	_ =	shalt  }
0x56: {  	_ =	shalt  }
0x57: {  	_ =	shalt  }
0x58: {  	_ =	shalt  }
0x59: {  	_ =	shalt  }
0x5a: {  	_ =	shalt  }
0x5b: {  	_ =	shalt  }
0x5c: {  	_ =	shalt  }
0x5d: {  	_ =	shalt  }
0x5e: {  	_ =	shalt  }
0x5f: {  	_ =	shalt  }
0x60: {  	_ =	shalt  }
0x61: {  	_ =	shalt  }
0x62: {  	_ =	shalt  }
0x63: {  	_ =	shalt  }
0x64: {  	_ =	shalt  }
0x65: {  	_ =	shalt  }
0x66: {  	_ =	shalt  }
0x67: {  	_ =	shalt  }
0x68: {  	_ =	shalt  }
0x69: {  	_ =	shalt  }
0x6a: {  	_ =	shalt  }
0x6b: {  	_ =	shalt  }
0x6c: {  	_ =	shalt  }
0x6d: {  	_ =	shalt  }
0x6e: {  	_ =	shalt  }
0x6f: {  	_ =	shalt  }
0x70: {  	_ =	shalt  }
0x71: {  	_ =	shalt  }
0x72: {  	_ =	shalt  }
0x73: {  	_ =	shalt  }
0x74: {  	_ =	shalt  }
0x75: {  	_ =	shalt  }
0x76: {  	_ =	shalt  }
0x77: {  	_ =	shalt  }
0x78: {  	_ =	shalt  }
0x79: {  	_ =	shalt  }
0x7a: {  	_ =	shalt  }
0x7b: {  	_ =	shalt  }
0x7c: {  	_ =	shalt  }
0x7d: {  	_ =	shalt  }
0x7e: {  	_ =	shalt  }
0x7f: {  	_ =	shalt  }
0x80: {  	_ =	shalt  }
0x81: {  	_ =	shalt  }
0x82: {  	_ =	shalt  }
0x83: {  	_ =	shalt  }
0x84: {  	_ =	shalt  }
0x85: {  	_ =	shalt  }
0x86: {  	_ =	shalt  }
0x87: {  	_ =	shalt  }
.Lfunc_end0:
.L_simem_size_0:
called_computation_lowered:
.L_overlay_start_0:
0x88: {  	s2 =	sld [smem:$0x3FD9]  }
0x89: {  	s3 =	sld [smem:$0x3FFE];
	_ =	sdelay $0x1  }
0x8a: {  	s1 =	srdreg.scid  }
0x8b: {  	s0 =	sand.u32 $0x1, s1  }
0x8c: {  	s17 =	sshll.u32 s0, $0xA;
	s2 =	sadd.s32 s3, s2  }
0x8d: {  	s2 =	sadd.s32 s2, s17  }
0x8e: {  	[smem:$0x3FC6] =	sst s2  }
0x8f: {  	_ = 	snop  }
0x90: {  	s2 =	sld [smem:$0x3FC9]  }
0x91: {  	s18 =	sld [smem:$0x3FC8];
	(tm) =	ssettm $0x1  }
0x92: {  	s4 =	sld [smem:$0x3FFB];
	_ =	sdelay $0x3  }
0x93: {  	_ =	strace s4  }
0x94: {  	s4 =	sld [smem:$0x3FFC];
	_ =	sdelay $0x3  }
0x95: {  	_ =	strace s4  }
0x96: {  	s4 =	sld [smem:$0x3FFD];
	_ =	sdelay $0x3  }
0x97: {  	_ =	strace s4  }
0x98: {  	_ =	strace $0x8FFFFFFF  }
0x99: {  	s19 =	sld [smem:$0x3FDB];
	_ =	sdelay $0x1  }
0x9a: {  	s5 =	simm.s32 $_scs_section_size  }
0x9b: {  	s6 =	simm.s32 $_size__tile_overlayer_lowered;
	s7 =	simm.s32 $_tile_overlayer_lowered  }
0x9c: {  	s22 =	simm.s32 $0x1BFF;
	s21 =	sshll.u32 s7, $0x1;
	s4 =	sadd.s32 s5, s19  }
0x9d: {  	s8 =	simm.s32 $0x0;
	s20 =	sshll.u32 s6, $0x1;
	s6 =	sadd.s32 s21, s4  }
0x9e: {  	[timem:s8], [sflag:s22] =	dma.local [hbm:s6], s20  }
0x9f: {  	_ =	swait.ge [sflag:s22], s20  }
0xa0: {  	s5 =	ssub.s32 $0x0, s20;
	[sflag:s22] =	ssyncset.done $0x0  }
0xa1: {  	[sflag:s22] =	ssyncadd.s32 s5;
	_ =	sdelay $0x1  }
0xa2: {  	s23 =	simm.s32 $0x1B8B  }
0xa3: {  	_ =	swait.ge [sflag:s23], $0x1  }
0xa4: {  	[sflag:s23] =	ssyncset.done $0x0  }
0xa5: {  	s25 =	simm.s32 $0x1B8E;
	s24 =	sld [smem:$0x3FFE];
	[sflag:s23] =	ssyncadd.s32 $0xFFFFFFFF  }
0xa6: {  	s26 =	simm.s32 $execute0_lowered;
	[smem:$0x3FD2] =	sst s25  }
0xa7: {  	s6 =	sshll.u32 s26, $0x1;
	_ =	strace $0x80000046;
	[dreg:$0x1] =	wrdreg $0xFFFFFFFF  }
0xa8: {  	s28 =	simm.s32 $_size_execute0_lowered;
	s4 =	sadd.s32 s4, s6;
	[dreg:$0x0] =	wrdreg $0x0  }
0xa9: {  	s6 =	sshll.u32 s28, $0x1;
	[dreg:$0x2] =	wrdreg s4  }
0xaa: {  	[dreg:$0x3] =	wrdreg s6  }
0xab: {  	[dreg:$0x4] =	wrdreg $0xC0  }
0xac: {  	_ =	task [dreg:s8], $0x5FFFF  }
0xad: {  	[dreg:$0x1] =	wrdreg $0xFFFFFFFF  }
0xae: {  	[dreg:$0x0] =	wrdreg $0x60  }
0xaf: {  	[dreg:$0x2] =	wrdreg s2  }
0xb0: {  	[dreg:$0x3] =	wrdreg s18  }
0xb1: {  	[dreg:$0x4] =	wrdreg s24  }
0xb2: {  	[dreg:$0x5] =	wrdreg $0x3C600  }
0xb3: {  	[dreg:$0x6] =	wrdreg $0x3B200  }
0xb4: {  	[dreg:$0x7] =	wrdreg $0x12000  }
0xb5: {  	[dreg:$0x8] =	wrdreg $0x24100  }
0xb6: {  	[dreg:$0x9] =	wrdreg $0x3BC00  }
0xb7: {  	[dreg:$0xa] =	wrdreg $0x9  }
0xb8: {  	_ =	task.clear_ibuf [dreg:s8], $0xBFFFF;
	_ =	strace $0x90000046  }
0xb9: {  	s29 =	simm.s32 $0x9;
	_ =	strace $0x80000048  }
0xba: {  	_ =	swait.ge [sflag:s29], $0x1  }
0xbb: {  	[sflag:s29] =	ssyncadd.s32 $0xFFFFFFFF  }
0xbc: {  	_ =	strace $0x90000048  }
0xbd: {  	_ =	sfence  }
0xbe: {  	s30 =	sld [smem:$0x0];
	_ =	sdelay $0x2  }
0xbf: {  	s31 =	sshll.u32 s1, $0xD;
	s1 =	sshrl.u32 s1, $0x2  }
0xc0: {  	s3 =	sand.u32 $0x4000, s31;
	s1 =	sadd.s32 s1, s30  }
0xc1: {  	s0 =	sor.u32 s3, s0;
	s1 =	sshll.u32 s1, $0x11  }
0xc2: {  	s0 =	sor.u32 s1, s0  }
0xc3: {  	s0 =	sadd.s32 $0x8F2B, s0  }
0xc4: {  	[sflag:s0] =	ssyncadd.remote.s32 $0x1  }
0xc5: {  	_ =	sfence.sel $0xFFFF  }
0xc6: {  	[dreg:$0x0] =	wrdreg $0xFFFFFFFF;
	(pc) =	sbr.abs _section_cstart, $3  }
0xc7: {  	[dreg:$0x1] =	wrdreg $0xFFFFFFFF  }
0xc8: {  	_ =	task.clear_ibuf [dreg:s8], $0x2FFFF;
	_ =	strace $0x9FFFFFFF  }
0xc9: {  	(tm) =	ssettm $0x7FFFFFFF  }
tec
execute0_lowered:
.L_overlay_start_1:
0x0: {  	(tag) =	ssettag $0x1  }
0x1: {  	s0 =	rddreg [dreg:$0x1]  }
0x2: {  	s2 =	rddreg [dreg:$0x2]  }
0x3: {  	s11 =	rddreg [dreg:$0x3]  }
0x4: {  	s12 =	rddreg [dreg:$0x4]  }
0x5: {  	s13 =	rddreg [dreg:$0x5]  }
0x6: {  	s3 =	srdreg.scid;
	s14 =	rddreg [dreg:$0x6]  }
0x7: {  	s1 =	stileid.u32;
	s15 =	rddreg [dreg:$0x7]  }
0x8: {  	s29 =	simm.s32 $0xC00;
	s30 =	simm.s32 $0x36A0;
	s31 =	simm.s32 $0x1  }
0x9: {  	s4 =	sand.u32 $0x1, s3;
	s9 =	sshrl.u32 s1, $0x3;
	s18 =	sand.u32 $0x7, s1  }
0xa: {  	s22 =	sshll.u32 s1, $0xB;
	s19 =	sshll.u32 s1, $0x5;
	s3 =	sshll.u32 s4, $0x1  }
0xb: {  	s4 =	ssub.s32 $0x2, s4;
	s6 =	sshll.u32 s18, $0xB;
	s28 =	sshll.u32 s18, $0x5  }
0xc: {  	s20 =	sshll.u32 s9, $0x8;
	s10 =	sadd.s32 s19, s12;
	s15 =	sadd.s32 s19, s15  }
0xd: {  	p0 =	sgt.u32 s18, $0x3;
	s18 =	simm.s32 $0x2520;
	s16 =	sor.u32 s9, s3  }
0xe: {  	s3 =	simm.s32 $0x0;
	s7 =	sshrl.u32 s4, $0x1;
	s9 =	sadd.s32 s19, s11  }
0xf: {  	s11 =	sadd.s32 s20, s11;
	s12 =	sadd.s32 s20, s12;
	s20 =	simm.s32 $0x0  }
0x10: {  	s5 =	smul.u32 $0xE000, s16;
	[smem:$0x7FF] =	sst s3;
	s17 =	ssub.s32 s4, s7  }
0x11: {  	s7 =	sor.u32 $0x4000, s22;
	_ =	strace $0x80000047;
	s17 =	smax.u32 s17, $0x1  }
0x12: {  	s8 =	sadd.s32 s6, s5;
	s6 =	sand.u32 $0x1800, s6;
	s7 =	sadd.s32 s7, s5  }
0x13: {  	s21 =	sshrl.u32 s8, $0x3;
	s8 =	sadd.s32 $0x8000, s8;
	s5 =	sor.u32 s6, s5  }
0x14: {  	s23 =	sshrl.u32 s7, $0x3;
	s4 =	sadd.s32 s0, s21;
	s24 =	sshrl.u32 s8, $0x3  }
0x15: {  	s25 =	sadd.s32 $0xC000, s5;
	s5 =	sadd.s32 s0, s23;
	s21 =	smul.u32 $0x110, s1  }
.Ltmp0:
0x16: {  	v0 =	vlaneseq.u32;
	s8 =	sshll.u32 s16, $0x7;
	s16 =	sshll.u32 s16, $0x1;
	(pc) =	sbr.rel .LBB2_1-.Ltmp0, $4  }
0x17: {  	v4 =	vimm.s32 $0x0;
	v7 =	vimm.s32 $0x1;
	v8 =	vimm.s32 $0xF;
	s23 =	simm.s32 $0x2;
	s6 =	sadd.s32 s0, s24;
	s26 =	sshrl.u32 s25, $0x3  }
0x18: {  	v9 =	vimm.f32 $-3.000000010e+38;
	v10 =	vimm.f32 $3.000000010e+38;
	v2 =	vmul.u32 $0xFFFFFFFF, v0;
	s16 =	sadd.s32 s2, s16;
	s24 =	simm.s32 $0x1100;
	s25 =	simm.s32 $0x3B40  }
0x19: {  	v11 =	vimm.f32 $0.0e+00;
	v3 =	vor.u32 $0x10, v0;
	v5 =	vadd.s32 $0xFFFFFFFF, v0;
	s2 =	simm.s32 $0x980;
	s7 =	sadd.s32 s0, s26;
	s13 =	sadd.s32 s21, s13  }
0x1a: {  	v1 =	vor.u32 s28, v0;
	v3 =	vor.u32 s28, v3;
	v6 =	vadd.s32 $0x100, v2;
	s14 =	sadd.s32 s21, s14;
	s26 =	simm.s32 $0x100;
	s0 =	simm.s32 $0x1310  }
.LBB2_29:
0x1b: {  	s20 =	sadd.s32 $0x1, s20  }
0x1c: {  	p1 =	sne.s32 s20, s17  }
.Ltmp1:
0x1d: {  	_ = 	snop;
	(pc) =	sbr.rel @!p1 .LBB2_30-.Ltmp1, $1  }
0x1e: {  	_ =	sdelay $0x3  }
.LBB2_1:
0x1f: {  	s1 =	simm.s32 $0x3C80  }
0x20: {  	[tilespmem:s1], [sflag:$0x1] =	stream.linear.gather [hbm4b:s4+s3], $0x800, $0x38;
	[tilespmem:$0x5C80] =	vst v63  }
0x21: {  	s22 =	simm.s32 $0x4480  }
0x22: {  	[tilespmem:s22], [sflag:$0x1] =	stream.linear.gather [hbm4b:s5+s3], $0x800, $0x38;
	[tilespmem:$0x5C80] =	vst v63  }
0x23: {  	s28 =	simm.s32 $0x4C80  }
0x24: {  	[tilespmem:s28], [sflag:$0x1] =	stream.linear.gather [hbm4b:s6+s3], $0x800, $0x38;
	[tilespmem:$0x5C80] =	vst v63  }
0x25: {  	s19 =	simm.s32 $0x5480  }
0x26: {  	[tilespmem:s19], [sflag:$0x1] =	stream.linear.gather [hbm4b:s7+s3], $0x800, $0x38;
	[tilespmem:$0x5C80] =	vst v63  }
0x27: {  	s21 =	rddreg [dreg:$0x0];
	s19 =	simm.s32 $0xD00  }
0x28: {  	[tilespmem:s19], [sflag:$0x2] =	stream.linear.gather [hbm4b:s21+s3], $0x400, $0x38;
	[tilespmem:$0x5C80] =	vst v63  }
0x29: {  	_ =	swait.ge [sflag:s23], $0x400  }
0x2a: {  	[sflag:s23] =	ssyncset.done $0x0  }
0x2b: {  	[sflag:s23] =	ssyncadd.s32 $0xFFFFFC00  }
0x2c: {  	v12 =	vld [tilespmem:s8+$0xD00];
	_ =	sdelay $0x4  }
0x2d: {  	[tilespmem:$0x1100] =	vst v12  }
0x2e: {  	v12 =	vld [tilespmem:s8+$0xD10];
	_ =	sdelay $0x4  }
0x2f: {  	[tilespmem:$0x1110] =	vst v12  }
0x30: {  	v12 =	vld [tilespmem:s8+$0xD20];
	_ =	sdelay $0x4  }
0x31: {  	[tilespmem:$0x1120] =	vst v12  }
0x32: {  	v12 =	vld [tilespmem:s8+$0xD30];
	_ =	sdelay $0x4  }
0x33: {  	[tilespmem:$0x1130] =	vst v12  }
0x34: {  	v12 =	vld [tilespmem:s8+$0xD40];
	_ =	sdelay $0x4  }
0x35: {  	[tilespmem:$0x1140] =	vst v12  }
0x36: {  	v12 =	vld [tilespmem:s8+$0xD50];
	_ =	sdelay $0x4  }
0x37: {  	[tilespmem:$0x1150] =	vst v12  }
0x38: {  	v12 =	vld [tilespmem:s8+$0xD60];
	_ =	sdelay $0x4  }
0x39: {  	[tilespmem:$0x1160] =	vst v12  }
0x3a: {  	v12 =	vld [tilespmem:s8+$0xD70];
	_ =	sdelay $0x4  }
0x3b: {  	[tilespmem:$0x1170] =	vst v12  }
0x3c: {  	v12 =	vld [tilespmem:s8+$0xF00];
	_ =	sdelay $0x4  }
0x3d: {  	[tilespmem:$0x1180] =	vst v12  }
0x3e: {  	v12 =	vld [tilespmem:s8+$0xF10];
	_ =	sdelay $0x4  }
0x3f: {  	[tilespmem:$0x1190] =	vst v12  }
0x40: {  	v12 =	vld [tilespmem:s8+$0xF20];
	_ =	sdelay $0x4  }
0x41: {  	[tilespmem:$0x11A0] =	vst v12  }
0x42: {  	v12 =	vld [tilespmem:s8+$0xF30];
	_ =	sdelay $0x4  }
0x43: {  	[tilespmem:$0x11B0] =	vst v12  }
0x44: {  	v12 =	vld [tilespmem:s8+$0xF40];
	_ =	sdelay $0x4  }
0x45: {  	[tilespmem:$0x11C0] =	vst v12  }
0x46: {  	v12 =	vld [tilespmem:s8+$0xF50];
	_ =	sdelay $0x4  }
0x47: {  	[tilespmem:$0x11D0] =	vst v12  }
0x48: {  	v12 =	vld [tilespmem:s8+$0xF60];
	_ =	sdelay $0x4  }
0x49: {  	[tilespmem:$0x11E0] =	vst v12  }
0x4a: {  	s22 =	simm.s32 $0x41;
	v12 =	vld [tilespmem:s8+$0xF70]  }
0x4b: {  	v13 =	vadd.s32 s22, v3  }
0x4c: {  	v14 =	vand.u32 $0xFF, v13  }
0x4d: {  	v13 =	vadd.s32 s22, v1;
	s21 =	simm.s32 $0x81  }
0x4e: {  	v15 =	vand.u32 $0xFF, v13;
	v13 =	vadd.s32 s21, v1  }
0x4f: {  	v16 =	vand.u32 $0xFF, v13;
	v13 =	vadd.s32 s31, v1;
	[tilespmem:$0x11F0] =	vst v12  }
0x50: {  	v17 =	vand.u32 $0xFF, v13;
	v12 =	vld.idx.msk [tilespmem:v3+s24+$0x0], $0xffff  }
0x51: {  	v18 =	vadd.s32 s31, v3;
	v19 =	vld.idx.msk [tilespmem:v14+s24+$0x0], $0xffff  }
0x52: {  	v18 =	vand.u32 $0xFF, v18;
	v13 =	vld.idx.msk [tilespmem:v1+s24+$0x0], $0xffff  }
0x53: {  	v23 =	vld.idx.msk [tilespmem:v15+s24+$0x0], $0xffff  }
0x54: {  	s28 =	simm.s32 $0xC1;
	v24 =	vld.idx.msk [tilespmem:v16+s24+$0x0], $0xffff  }
0x55: {  	vm3 =	vlt.u32 v18, v3;
	v20 =	vadd.s32 s28, v3;
	v22 =	vadd.s32 s28, v1;
	v25 =	vld.idx.msk [tilespmem:v17+s24+$0x0], $0xffff  }
0x56: {  	vm5 =	vlt.u32 v14, v3;
	v22 =	vand.u32 $0xFF, v22;
	v21 =	vadd.s32 s21, v3  }
0x57: {  	v20 =	vand.u32 $0xFF, v20;
	vm4 =	vlt.u32 v15, v1;
	v21 =	vand.u32 $0xFF, v21;
	v18 =	vld.idx.msk [tilespmem:v18+s24+$0x0], $0xffff  }
0x58: {  	vm0 =	vlt.u32 v20, v3;
	vm6 =	vlt.u32 v22, v1;
	vm1 =	vlt.u32 v21, v3  }
0x59: {  	vm10 =	vlt.u32 v17, v1;
	vm2 =	veq.f32 v19, v12;
	vm7 =	vlt.f32 v19, v12  }
0x5a: {  	vm8 =	veq.f32 v23, v13;
	vm9 =	veq.f32 v24, v13;
	vm12 =	vlt.f32 v25, v13  }
0x5b: {  	vm13 =	vlt.f32 v23, v13;
	vm2 =	vmand vm5, vm2;
	vm5 =	vlt.u32 v16, v1;
	v16 =	vld.idx.msk [tilespmem:v22+s24+$0x0], $0xffff  }
0x5c: {  	v15 =	vld.idx.msk [tilespmem:v20+s24+$0x0], $0xffff;
	vm11 =	veq.f32 v18, v12;
	v19 =	vimm.s32 $0x0;
	vm4 =	vmand vm4, vm8  }
0x5d: {  	vm3 =	vmand vm3, vm11;
	vm2 =	vmor vm7, vm2;
	vm7 =	vlt.f32 v24, v13  }
0x5e: {  	v14 =	vsel vm2, $0x1, v4;
	vm2 =	vmand vm5, vm9;
	vm5 =	veq.f32 v25, v13  }
0x5f: {  	vm7 =	vmor vm7, vm2;
	vm2 =	vmand vm10, vm5;
	vm5 =	vlt.f32 v18, v12  }
0x60: {  	vm9 =	vmor vm12, vm2;
	vm14 =	vlt.f32 v16, v13;
	vm15 =	veq.f32 v16, v13;
	v16 =	vld.idx.msk [tilespmem:v21+s24+$0x0], $0xffff  }
0x61: {  	vm2 =	vlt.f32 v15, v12;
	vm5 =	vmor vm5, vm3;
	vm3 =	vmor vm13, vm4  }
0x62: {  	v17 =	vsel vm9, $0x1, v4;
	v20 =	vsel vm5, $0x1, v4;
	vm4 =	vmand vm6, vm15  }
0x63: {  	s19 =	simm.s32 $0x2;
	v18 =	vadd.s32 v17, v4;
	v17 =	vsel vm7, $0x1, v4;
	vm4 =	vmor vm14, vm4  }
.LBB2_2:
0x64: {  	s22 =	sadd.s32 $0x40, s19  }
0x65: {  	s28 =	sadd.s32 $0x80, s19;
	v19 =	vadd.s32 v20, v19;
	vm5 =	veq.f32 v16, v12;
	v20 =	vsel vm4, $0x1, v4;
	s1 =	smov.u32 s19;
	s21 =	sadd.s32 $0x1, s19  }
0x66: {  	p1 =	sne.s32 s19, $0x40;
	vm4 =	veq.f32 v15, v12;
	v21 =	vadd.s32 s22, v1;
	v22 =	vadd.s32 s22, v3  }
0x67: {  	vm1 =	vmand vm1, vm5;
	v15 =	vand.u32 $0xFF, v21;
	v21 =	vand.u32 $0xFF, v22  }
0x68: {  	v24 =	vsel vm3, $0x1, v4;
	v23 =	vadd.s32 s28, v3;
	s19 =	sadd.s32 $0xC0, s1;
	v22 =	vadd.s32 s28, v1  }
0x69: {  	vm0 =	vmand vm0, vm4;
	v25 =	vadd.s32 s19, v1;
	v22 =	vand.u32 $0xFF, v22  }
0x6a: {  	v26 =	vadd.s32 s1, v1;
	v27 =	vadd.s32 s1, v3;
	v18 =	vadd.s32 v24, v18  }
0x6b: {  	v24 =	vand.u32 $0xFF, v26;
	v26 =	vand.u32 $0xFF, v27;
	vm0 =	vmor vm2, vm0  }
0x6c: {  	v23 =	vand.u32 $0xFF, v23;
	v28 =	vadd.s32 s19, v3;
	vm2 =	vlt.f32 v16, v12;
	v27 =	vld.idx.msk [tilespmem:v21+s24+$0x0], $0xffff  }
0x6d: {  	v14 =	vadd.s32 v14, v19;
	v16 =	vand.u32 $0xFF, v28;
	vm1 =	vmor vm2, vm1;
	v29 =	vld.idx.msk [tilespmem:v15+s24+$0x0], $0xffff  }
0x6e: {  	v17 =	vadd.s32 v17, v18;
	v25 =	vand.u32 $0xFF, v25;
	v18 =	vsel vm1, $0x1, v4;
	v28 =	vld.idx.msk [tilespmem:v22+s24+$0x0], $0xffff  }
0x6f: {  	v17 =	vadd.s32 v20, v17;
	v14 =	vadd.s32 v18, v14;
	v18 =	vsel vm0, $0x1, v4  }
0x70: {  	vm1 =	vlt.u32 v23, v3;
	vm0 =	vlt.u32 v16, v3;
	v19 =	vadd.s32 v18, v14;
	v20 =	vld.idx.msk [tilespmem:v24+s24+$0x0], $0xffff  }
0x71: {  	vm3 =	vlt.u32 v26, v3;
	vm5 =	vlt.u32 v15, v1;
	vm4 =	vlt.u32 v25, v1;
	v18 =	vld.idx.msk [tilespmem:v26+s24+$0x0], $0xffff  }
0x72: {  	vm6 =	vlt.u32 v21, v3;
	vm7 =	vlt.u32 v22, v1;
	vm2 =	veq.f32 v27, v12;
	v15 =	vld.idx.msk [tilespmem:v16+s24+$0x0], $0xffff  }
0x73: {  	vm9 =	vlt.f32 v27, v12;
	vm8 =	veq.f32 v29, v13;
	vm2 =	vmand vm6, vm2;
	v21 =	vld.idx.msk [tilespmem:v25+s24+$0x0], $0xffff  }
0x74: {  	vm2 =	vmor vm9, vm2;
	vm6 =	vlt.f32 v28, v13;
	vm9 =	veq.f32 v28, v13  }
0x75: {  	vm10 =	vlt.u32 v24, v1;
	v14 =	vsel vm2, $0x1, v4;
	vm2 =	vmand vm7, vm9;
	v16 =	vld.idx.msk [tilespmem:v23+s24+$0x0], $0xffff  }
0x76: {  	vm7 =	vlt.f32 v20, v13;
	vm9 =	veq.f32 v20, v13;
	vm6 =	vmor vm6, vm2  }
0x77: {  	vm2 =	vmand vm10, vm9;
	vm9 =	vlt.f32 v18, v12;
	vm10 =	vlt.f32 v29, v13  }
.Ltmp2:
0x78: {  	vm11 =	veq.f32 v18, v12;
	vm7 =	vmor vm7, vm2;
	vm2 =	vlt.f32 v15, v12;
	(pc) =	sbr.rel @p1 .LBB2_2-.Ltmp2, $4  }
0x79: {  	vm5 =	vmand vm5, vm8;
	v18 =	vsel vm7, $0x1, v4;
	vm7 =	vlt.f32 v21, v13  }
0x7a: {  	vm3 =	vmand vm3, vm11;
	vm8 =	veq.f32 v21, v13;
	v18 =	vadd.s32 v18, v17  }
0x7b: {  	vm9 =	vmor vm9, vm3;
	vm3 =	vmor vm10, vm5;
	vm4 =	vmand vm4, vm8  }
0x7c: {  	s19 =	smov.u32 s21;
	v20 =	vsel vm9, $0x1, v4;
	v17 =	vsel vm6, $0x1, v4;
	vm4 =	vmor vm7, vm4  }
0x7d: {  	v19 =	vadd.s32 v20, v19;
	vm5 =	veq.f32 v16, v12;
	[tilespmem:$0x3B40] =	vst v13  }
0x7e: {  	v13 =	vsel vm4, $0x1, v4;
	vm10 =	veq.f32 v15, v12;
	[tilespmem:$0x3B50] =	vst v12;
	v15 =	vsel vm3, $0x1, v4  }
0x7f: {  	vm11 =	vlt.f32 v16, v12;
	vm1 =	vmand vm1, vm5;
	vm0 =	vmand vm0, vm10;
	[spmem:s9] =	stream.linear.scatter [tilespmem:s25], [sflag:$0x2], $0x20, $0x38;
	[tilespmem:$0x5C80] =	vst v63  }
0x80: {  	v12 =	vadd.s32 v15, v18;
	v14 =	vadd.s32 v14, v19;
	vm1 =	vmor vm11, vm1;
	_ =	swait.ge [sflag:s23], $0x20  }
0x81: {  	vm0 =	vmor vm2, vm0;
	v12 =	vadd.s32 v17, v12;
	v15 =	vsel vm1, $0x1, v4;
	[sflag:s23] =	ssyncset.done $0x0  }
0x82: {  	v12 =	vadd.s32 v13, v12;
	v13 =	vsel vm0, $0x1, v4;
	v14 =	vadd.s32 v15, v14;
	[sflag:s23] =	ssyncadd.s32 $0xFFFFFFE0  }
0x83: {  	v13 =	vadd.s32 v13, v14;
	[tilespmem:$0x3B40] =	vst v12  }
0x84: {  	[tilespmem:$0x3B50] =	vst v13  }
0x85: {  	[spmem:s10] =	stream.linear.scatter [tilespmem:s25], [sflag:$0x2], $0x20, $0x38;
	[tilespmem:$0x5C80] =	vst v63  }
0x86: {  	_ =	swait.ge [sflag:s23], $0x20  }
0x87: {  	[sflag:s23] =	ssyncset.done $0x0  }
0x88: {  	[sflag:s23] =	ssyncadd.s32 $0xFFFFFFE0  }
0x89: {  	[bflag:$0x0] =	sbarrier.arrive $0xFFFF  }
0x8a: {  	[tilespmem:s26], [sflag:$0x2] =	stream.linear.gather [spmem:s11], $0x100, $0x38;
	[tilespmem:$0x5C80] =	vst v63  }
0x8b: {  	_ =	swait.ge [sflag:s23], $0x100  }
0x8c: {  	[sflag:s23] =	ssyncset.done $0x0  }
0x8d: {  	s1 =	simm.s32 $0x200;
	[sflag:s23] =	ssyncadd.s32 $0xFFFFFF00  }
0x8e: {  	[tilespmem:s1], [sflag:$0x2] =	stream.linear.gather [spmem:s12], $0x100, $0x38;
	[tilespmem:$0x5C80] =	vst v63  }
0x8f: {  	_ =	swait.ge [sflag:s23], $0x100  }
0x90: {  	[sflag:s23] =	ssyncset.done $0x0  }
0x91: {  	[sflag:s23] =	ssyncadd.s32 $0xFFFFFF00  }
0x92: {  	v12 =	vld [tilespmem:$0x200];
	_ =	sdelay $0x2  }
0x93: {  	v13 =	vld [tilespmem:$0x100];
	_ =	sdelay $0x4  }
0x94: {  	[tilespmem:v12+s29+$0x0] =	vst.idx.msk $0xffff, v13  }
0x95: {  	v12 =	vld [tilespmem:$0x210];
	_ =	sdelay $0x2  }
0x96: {  	v13 =	vld [tilespmem:$0x110];
	_ =	sdelay $0x4  }
0x97: {  	[tilespmem:v12+s29+$0x0] =	vst.idx.msk $0xffff, v13  }
0x98: {  	v12 =	vld [tilespmem:$0x220];
	_ =	sdelay $0x2  }
0x99: {  	v13 =	vld [tilespmem:$0x120];
	_ =	sdelay $0x4  }
0x9a: {  	[tilespmem:v12+s29+$0x0] =	vst.idx.msk $0xffff, v13  }
0x9b: {  	v12 =	vld [tilespmem:$0x230];
	_ =	sdelay $0x2  }
0x9c: {  	v13 =	vld [tilespmem:$0x130];
	_ =	sdelay $0x4  }
0x9d: {  	[tilespmem:v12+s29+$0x0] =	vst.idx.msk $0xffff, v13  }
0x9e: {  	v12 =	vld [tilespmem:$0x240];
	_ =	sdelay $0x2  }
0x9f: {  	v13 =	vld [tilespmem:$0x140];
	_ =	sdelay $0x4  }
0xa0: {  	[tilespmem:v12+s29+$0x0] =	vst.idx.msk $0xffff, v13  }
0xa1: {  	v12 =	vld [tilespmem:$0x250];
	_ =	sdelay $0x2  }
0xa2: {  	v13 =	vld [tilespmem:$0x150];
	_ =	sdelay $0x4  }
0xa3: {  	[tilespmem:v12+s29+$0x0] =	vst.idx.msk $0xffff, v13  }
0xa4: {  	v12 =	vld [tilespmem:$0x260];
	_ =	sdelay $0x2  }
0xa5: {  	v13 =	vld [tilespmem:$0x160];
	_ =	sdelay $0x4  }
0xa6: {  	[tilespmem:v12+s29+$0x0] =	vst.idx.msk $0xffff, v13  }
0xa7: {  	v12 =	vld [tilespmem:$0x270];
	_ =	sdelay $0x2  }
0xa8: {  	v13 =	vld [tilespmem:$0x170];
	_ =	sdelay $0x4  }
0xa9: {  	[tilespmem:v12+s29+$0x0] =	vst.idx.msk $0xffff, v13  }
0xaa: {  	v12 =	vld [tilespmem:$0x280];
	_ =	sdelay $0x2  }
0xab: {  	v13 =	vld [tilespmem:$0x180];
	_ =	sdelay $0x4  }
0xac: {  	[tilespmem:v12+s29+$0x0] =	vst.idx.msk $0xffff, v13  }
0xad: {  	v12 =	vld [tilespmem:$0x290];
	_ =	sdelay $0x2  }
0xae: {  	v13 =	vld [tilespmem:$0x190];
	_ =	sdelay $0x4  }
0xaf: {  	[tilespmem:v12+s29+$0x0] =	vst.idx.msk $0xffff, v13  }
0xb0: {  	v12 =	vld [tilespmem:$0x2A0];
	_ =	sdelay $0x2  }
0xb1: {  	v13 =	vld [tilespmem:$0x1A0];
	_ =	sdelay $0x4  }
0xb2: {  	[tilespmem:v12+s29+$0x0] =	vst.idx.msk $0xffff, v13  }
0xb3: {  	v12 =	vld [tilespmem:$0x2B0];
	_ =	sdelay $0x2  }
0xb4: {  	v13 =	vld [tilespmem:$0x1B0];
	_ =	sdelay $0x4  }
0xb5: {  	[tilespmem:v12+s29+$0x0] =	vst.idx.msk $0xffff, v13  }
0xb6: {  	v12 =	vld [tilespmem:$0x2C0];
	_ =	sdelay $0x2  }
0xb7: {  	v13 =	vld [tilespmem:$0x1C0];
	_ =	sdelay $0x4  }
0xb8: {  	[tilespmem:v12+s29+$0x0] =	vst.idx.msk $0xffff, v13  }
0xb9: {  	v12 =	vld [tilespmem:$0x2D0];
	_ =	sdelay $0x2  }
0xba: {  	v13 =	vld [tilespmem:$0x1D0];
	_ =	sdelay $0x4  }
0xbb: {  	[tilespmem:v12+s29+$0x0] =	vst.idx.msk $0xffff, v13  }
0xbc: {  	v12 =	vld [tilespmem:$0x2E0];
	_ =	sdelay $0x2  }
0xbd: {  	v13 =	vld [tilespmem:$0x1E0];
	_ =	sdelay $0x4  }
0xbe: {  	[tilespmem:v12+s29+$0x0] =	vst.idx.msk $0xffff, v13  }
0xbf: {  	s22 =	simm.s32 $0x0;
	v12 =	vld [tilespmem:$0x2F0]  }
0xc0: {  	v13 =	vadd.s32 s22, v5  }
0xc1: {  	vm12 =	vgt.s32 v13, $0x0  }
0xc2: {  	v14 =	vld [tilespmem:$0x1F0];
	v13 =	vnsel vm12, $0x0, v13  }
0xc3: {  	v13 =	vmin.u32 v13, $0xFF;
	_ =	sdelay $0x3  }
0xc4: {  	s19 =	simm.s32 $0x10;
	[tilespmem:v12+s29+$0x0] =	vst.idx.msk $0xffff, v14  }
0xc5: {  	v12 =	vld.idx.msk [tilespmem:v13+s29+$0x0], $0xffff;
	v13 =	vadd.s32 s19, v5  }
0xc6: {  	vm13 =	vgt.s32 v13, $0x0  }
0xc7: {  	v13 =	vnsel vm13, $0x0, v13  }
0xc8: {  	v14 =	vmov s22;
	v13 =	vmin.u32 v13, $0xFF  }
0xc9: {  	vm14 =	vgt.u32 v14, v6  }
0xca: {  	vm15 =	veq.s32 v14, v0;
	v12 =	vsel vm14, $0x7F61B1E6, v12  }
0xcb: {  	s22 =	simm.s32 $0x980;
	v12 =	vsel vm15, $0xFF61B1E6, v12  }
0xcc: {  	s21 =	simm.s32 $0x20;
	[tilespmem:s22+$0x0] =	vst v12  }
0xcd: {  	s28 =	simm.s32 $0x30;
	v12 =	vld.idx.msk [tilespmem:v13+s29+$0x0], $0xffff;
	v13 =	vadd.s32 s21, v5  }
.LBB2_4:
0xce: {  	p1 =	sne.s32 s28, $0x200;
	vm0 =	vgt.s32 v13, $0x0  }
0xcf: {  	v13 =	vnsel vm0, $0x0, v13  }
0xd0: {  	v14 =	vmov s19;
	s19 =	smov.u32 s21;
	s21 =	smov.u32 s28;
	v13 =	vmin.u32 v13, $0xFF  }
0xd1: {  	vm0 =	vgt.u32 v14, v6  }
.Ltmp3:
0xd2: {  	vm1 =	veq.s32 v14, v0;
	v12 =	vsel vm0, $0x7F61B1E6, v12;
	(pc) =	sbr.rel @p1 .LBB2_4-.Ltmp3, $4  }
0xd3: {  	s22 =	sadd.s32 $0x10, s22;
	v12 =	vsel vm1, $0xFF61B1E6, v12  }
0xd4: {  	[tilespmem:s22+$0x0] =	vst v12  }
0xd5: {  	v12 =	vld.idx.msk [tilespmem:v13+s29+$0x0], $0xffff  }
0xd6: {  	s28 =	sadd.s32 $0x10, s28;
	v13 =	vadd.s32 s21, v5  }
0xd7: {  	vm0 =	vgt.s32 v13, $0x0  }
0xd8: {  	v13 =	vnsel vm0, $0x0, v13  }
0xd9: {  	v14 =	vmov s19;
	v13 =	vmin.u32 v13, $0xFF  }
0xda: {  	vm13 =	vgt.u32 v14, v6  }
0xdb: {  	vm1 =	veq.s32 v14, v0;
	v12 =	vsel vm13, $0x7F61B1E6, v12  }
0xdc: {  	s1 =	sadd.s32 $0x10, s22;
	v12 =	vsel vm1, $0xFF61B1E6, v12  }
0xdd: {  	[tilespmem:s1+$0x0] =	vst v12  }
0xde: {  	v12 =	vld.idx.msk [tilespmem:v13+s29+$0x0], $0xffff;
	_ =	sdelay $0x2  }
0xdf: {  	v63 =	vmov s21  }
0xe0: {  	vm14 =	vgt.u32 v63, v6  }
0xe1: {  	vm15 =	veq.s32 v63, v0;
	v12 =	vsel vm14, $0x7F61B1E6, v12  }
0xe2: {  	s1 =	sadd.s32 $0x10, s1;
	v12 =	vsel vm15, $0xFF61B1E6, v12  }
0xe3: {  	s19 =	simm.s32 $0x40;
	s21 =	simm.s32 $0x0;
	[tilespmem:s1+$0x0] =	vst v12  }
.LBB2_6:
0xe4: {  	p1 =	sne.s32 s19, $0x1040;
	[tilespmem:s21+$0x36A0] =	vst v4;
	s1 =	smov.u32 s19;
	s19 =	sadd.s32 $0x40, s19  }
.Ltmp4:
0xe5: {  	(pc) =	sbr.rel @p1 .LBB2_6-.Ltmp4, $2  }
0xe6: {  	_ =	sdelay $0x2  }
0xe7: {  	s21 =	sshra.s32 s1, $0x2  }
0xe8: {  	[tilespmem:s21+$0x36A0] =	vst v4  }
0xe9: {  	v12 =	vld [tilespmem:$0xC00];
	_ =	sdelay $0x4  }
0xea: {  	v12 =	vmul.f32 $1.024000000e+03, v12;
	_ =	sdelay $0x1  }
0xeb: {  	v12 =	vtrunc.f32 v12  }
0xec: {  	v12 =	vcvt.f32.s32 v12;
	_ =	sdelay $0x1  }
0xed: {  	vm0 =	vgt.s32 v12, $0x0  }
0xee: {  	v12 =	vnsel vm0, $0x0, v12  }
0xef: {  	v12 =	vmin.u32 v12, $0x3FF;
	_ =	sdelay $0x4  }
0xf0: {  	[tilespmem:v12+s30+$0x0] =	vst.idx.add.s32.msk $0xffff, v7  }
0xf1: {  	v12 =	vld [tilespmem:$0xC10];
	_ =	sdelay $0x4  }
0xf2: {  	v12 =	vmul.f32 $1.024000000e+03, v12;
	_ =	sdelay $0x1  }
0xf3: {  	v12 =	vtrunc.f32 v12  }
0xf4: {  	v12 =	vcvt.f32.s32 v12;
	_ =	sdelay $0x1  }
0xf5: {  	vm12 =	vgt.s32 v12, $0x0  }
0xf6: {  	v12 =	vnsel vm12, $0x0, v12  }
0xf7: {  	v12 =	vmin.u32 v12, $0x3FF;
	_ =	sdelay $0x4  }
0xf8: {  	[tilespmem:v12+s30+$0x0] =	vst.idx.add.s32.msk $0xffff, v7  }
0xf9: {  	v12 =	vld [tilespmem:$0xC20];
	_ =	sdelay $0x4  }
0xfa: {  	v12 =	vmul.f32 $1.024000000e+03, v12;
	_ =	sdelay $0x1  }
0xfb: {  	v12 =	vtrunc.f32 v12  }
0xfc: {  	v12 =	vcvt.f32.s32 v12;
	_ =	sdelay $0x1  }
0xfd: {  	vm13 =	vgt.s32 v12, $0x0  }
0xfe: {  	v12 =	vnsel vm13, $0x0, v12  }
0xff: {  	v12 =	vmin.u32 v12, $0x3FF;
	_ =	sdelay $0x4  }
0x100: {  	[tilespmem:v12+s30+$0x0] =	vst.idx.add.s32.msk $0xffff, v7  }
0x101: {  	v12 =	vld [tilespmem:$0xC30];
	_ =	sdelay $0x4  }
0x102: {  	v12 =	vmul.f32 $1.024000000e+03, v12;
	_ =	sdelay $0x1  }
0x103: {  	v12 =	vtrunc.f32 v12  }
0x104: {  	v12 =	vcvt.f32.s32 v12;
	_ =	sdelay $0x1  }
0x105: {  	vm14 =	vgt.s32 v12, $0x0  }
0x106: {  	v12 =	vnsel vm14, $0x0, v12  }
0x107: {  	v12 =	vmin.u32 v12, $0x3FF;
	_ =	sdelay $0x4  }
0x108: {  	[tilespmem:v12+s30+$0x0] =	vst.idx.add.s32.msk $0xffff, v7  }
0x109: {  	v12 =	vld [tilespmem:$0xC40];
	_ =	sdelay $0x4  }
0x10a: {  	v12 =	vmul.f32 $1.024000000e+03, v12;
	_ =	sdelay $0x1  }
0x10b: {  	v12 =	vtrunc.f32 v12  }
0x10c: {  	v12 =	vcvt.f32.s32 v12;
	_ =	sdelay $0x1  }
0x10d: {  	vm15 =	vgt.s32 v12, $0x0  }
0x10e: {  	v12 =	vnsel vm15, $0x0, v12  }
0x10f: {  	v12 =	vmin.u32 v12, $0x3FF;
	_ =	sdelay $0x4  }
0x110: {  	[tilespmem:v12+s30+$0x0] =	vst.idx.add.s32.msk $0xffff, v7  }
0x111: {  	v12 =	vld [tilespmem:$0xC50];
	_ =	sdelay $0x4  }
0x112: {  	v12 =	vmul.f32 $1.024000000e+03, v12;
	_ =	sdelay $0x1  }
0x113: {  	v12 =	vtrunc.f32 v12  }
0x114: {  	v12 =	vcvt.f32.s32 v12;
	_ =	sdelay $0x1  }
0x115: {  	vm4 =	vgt.s32 v12, $0x0  }
0x116: {  	v12 =	vnsel vm4, $0x0, v12  }
0x117: {  	v12 =	vmin.u32 v12, $0x3FF;
	_ =	sdelay $0x4  }
0x118: {  	[tilespmem:v12+s30+$0x0] =	vst.idx.add.s32.msk $0xffff, v7  }
0x119: {  	v12 =	vld [tilespmem:$0xC60];
	_ =	sdelay $0x4  }
0x11a: {  	v12 =	vmul.f32 $1.024000000e+03, v12;
	_ =	sdelay $0x1  }
0x11b: {  	v12 =	vtrunc.f32 v12  }
0x11c: {  	v12 =	vcvt.f32.s32 v12;
	_ =	sdelay $0x1  }
0x11d: {  	vm5 =	vgt.s32 v12, $0x0  }
0x11e: {  	v12 =	vnsel vm5, $0x0, v12  }
0x11f: {  	v12 =	vmin.u32 v12, $0x3FF;
	_ =	sdelay $0x4  }
0x120: {  	[tilespmem:v12+s30+$0x0] =	vst.idx.add.s32.msk $0xffff, v7  }
0x121: {  	v12 =	vld [tilespmem:$0xC70];
	_ =	sdelay $0x4  }
0x122: {  	v12 =	vmul.f32 $1.024000000e+03, v12;
	_ =	sdelay $0x1  }
0x123: {  	v12 =	vtrunc.f32 v12  }
0x124: {  	v12 =	vcvt.f32.s32 v12;
	_ =	sdelay $0x1  }
0x125: {  	vm6 =	vgt.s32 v12, $0x0  }
0x126: {  	v12 =	vnsel vm6, $0x0, v12  }
0x127: {  	v12 =	vmin.u32 v12, $0x3FF;
	_ =	sdelay $0x4  }
0x128: {  	[tilespmem:v12+s30+$0x0] =	vst.idx.add.s32.msk $0xffff, v7  }
0x129: {  	v12 =	vld [tilespmem:$0xC80];
	_ =	sdelay $0x4  }
0x12a: {  	v12 =	vmul.f32 $1.024000000e+03, v12;
	_ =	sdelay $0x1  }
0x12b: {  	v12 =	vtrunc.f32 v12  }
0x12c: {  	v12 =	vcvt.f32.s32 v12;
	_ =	sdelay $0x1  }
0x12d: {  	vm7 =	vgt.s32 v12, $0x0  }
0x12e: {  	v12 =	vnsel vm7, $0x0, v12  }
0x12f: {  	v12 =	vmin.u32 v12, $0x3FF;
	_ =	sdelay $0x4  }
0x130: {  	[tilespmem:v12+s30+$0x0] =	vst.idx.add.s32.msk $0xffff, v7  }
0x131: {  	v12 =	vld [tilespmem:$0xC90];
	_ =	sdelay $0x4  }
0x132: {  	v12 =	vmul.f32 $1.024000000e+03, v12;
	_ =	sdelay $0x1  }
0x133: {  	v12 =	vtrunc.f32 v12  }
0x134: {  	v12 =	vcvt.f32.s32 v12;
	_ =	sdelay $0x1  }
0x135: {  	vm8 =	vgt.s32 v12, $0x0  }
0x136: {  	v12 =	vnsel vm8, $0x0, v12  }
0x137: {  	v12 =	vmin.u32 v12, $0x3FF;
	_ =	sdelay $0x4  }
0x138: {  	[tilespmem:v12+s30+$0x0] =	vst.idx.add.s32.msk $0xffff, v7  }
0x139: {  	v12 =	vld [tilespmem:$0xCA0];
	_ =	sdelay $0x4  }
0x13a: {  	v12 =	vmul.f32 $1.024000000e+03, v12;
	_ =	sdelay $0x1  }
0x13b: {  	v12 =	vtrunc.f32 v12  }
0x13c: {  	v12 =	vcvt.f32.s32 v12;
	_ =	sdelay $0x1  }
0x13d: {  	vm9 =	vgt.s32 v12, $0x0  }
0x13e: {  	v12 =	vnsel vm9, $0x0, v12  }
0x13f: {  	v12 =	vmin.u32 v12, $0x3FF;
	_ =	sdelay $0x4  }
0x140: {  	[tilespmem:v12+s30+$0x0] =	vst.idx.add.s32.msk $0xffff, v7  }
0x141: {  	v12 =	vld [tilespmem:$0xCB0];
	_ =	sdelay $0x4  }
0x142: {  	v12 =	vmul.f32 $1.024000000e+03, v12;
	_ =	sdelay $0x1  }
0x143: {  	v12 =	vtrunc.f32 v12  }
0x144: {  	v12 =	vcvt.f32.s32 v12;
	_ =	sdelay $0x1  }
0x145: {  	vm10 =	vgt.s32 v12, $0x0  }
0x146: {  	v12 =	vnsel vm10, $0x0, v12  }
0x147: {  	v12 =	vmin.u32 v12, $0x3FF;
	_ =	sdelay $0x4  }
0x148: {  	[tilespmem:v12+s30+$0x0] =	vst.idx.add.s32.msk $0xffff, v7  }
0x149: {  	v12 =	vld [tilespmem:$0xCC0];
	_ =	sdelay $0x4  }
0x14a: {  	v12 =	vmul.f32 $1.024000000e+03, v12;
	_ =	sdelay $0x1  }
0x14b: {  	v12 =	vtrunc.f32 v12  }
0x14c: {  	v12 =	vcvt.f32.s32 v12;
	_ =	sdelay $0x1  }
0x14d: {  	vm11 =	vgt.s32 v12, $0x0  }
0x14e: {  	v12 =	vnsel vm11, $0x0, v12  }
0x14f: {  	v12 =	vmin.u32 v12, $0x3FF;
	_ =	sdelay $0x4  }
0x150: {  	[tilespmem:v12+s30+$0x0] =	vst.idx.add.s32.msk $0xffff, v7  }
0x151: {  	v12 =	vld [tilespmem:$0xCD0];
	_ =	sdelay $0x4  }
0x152: {  	v12 =	vmul.f32 $1.024000000e+03, v12;
	_ =	sdelay $0x1  }
0x153: {  	v12 =	vtrunc.f32 v12  }
0x154: {  	v12 =	vcvt.f32.s32 v12;
	_ =	sdelay $0x1  }
0x155: {  	vm12 =	vgt.s32 v12, $0x0  }
0x156: {  	v12 =	vnsel vm12, $0x0, v12  }
0x157: {  	v12 =	vmin.u32 v12, $0x3FF;
	_ =	sdelay $0x4  }
0x158: {  	[tilespmem:v12+s30+$0x0] =	vst.idx.add.s32.msk $0xffff, v7  }
0x159: {  	v12 =	vld [tilespmem:$0xCE0];
	_ =	sdelay $0x4  }
0x15a: {  	v12 =	vmul.f32 $1.024000000e+03, v12;
	_ =	sdelay $0x1  }
0x15b: {  	v12 =	vtrunc.f32 v12  }
0x15c: {  	v12 =	vcvt.f32.s32 v12;
	_ =	sdelay $0x1  }
0x15d: {  	vm13 =	vgt.s32 v12, $0x0  }
0x15e: {  	v12 =	vnsel vm13, $0x0, v12  }
0x15f: {  	v12 =	vmin.u32 v12, $0x3FF;
	_ =	sdelay $0x4  }
0x160: {  	[tilespmem:v12+s30+$0x0] =	vst.idx.add.s32.msk $0xffff, v7  }
0x161: {  	v12 =	vld [tilespmem:$0xCF0];
	_ =	sdelay $0x4  }
0x162: {  	v12 =	vmul.f32 $1.024000000e+03, v12;
	_ =	sdelay $0x1  }
0x163: {  	v12 =	vtrunc.f32 v12  }
0x164: {  	v12 =	vcvt.f32.s32 v12;
	_ =	sdelay $0x1  }
0x165: {  	vm14 =	vgt.s32 v12, $0x0  }
0x166: {  	v12 =	vnsel vm14, $0x0, v12  }
0x167: {  	v12 =	vmin.u32 v12, $0x3FF;
	_ =	sdelay $0x4  }
0x168: {  	s1 =	simm.s32 $0x0;
	[tilespmem:v12+s30+$0x0] =	vst.idx.add.s32.msk $0xffff, v7  }
0x169: {  	v13 =	vld [tilespmem:s1+$0x36A0];
	_ =	sdelay $0x4  }
0x16a: {  	(xrf0) =	vadd.scan.msk.s32 $0xffff, v13;
	_ =	sdelay $0x4  }
0x16b: {  	v12 =	vimm.s32 $0x0  }
0x16c: {  	v14 =	vsub.s32 v12, v13;
	v15, _, _ =	vpop (xrf0)  }
0x16d: {  	vm15 =	vgt.s32 v12, v13;
	v16 =	vadd.s32 v15, v14;
	v14 =	vperm.xlane v15, v8  }
0x16e: {  	s19 =	simm.s32 $0x10;
	s21 =	simm.s32 $0x80;
	v13 =	vsel vm15, v12, v13;
	[tilespmem:s1+$0x36A0] =	vst v16  }
.LBB2_8:
0x16f: {  	p1 =	sne.s32 s21, $0x1040;
	v15 =	vld [tilespmem:s19+$0x36A0];
	v12 =	vadd.s32 v12, v14;
	_ =	sdelay $0x4  }
0x170: {  	v14 =	vsub.s32 v12, v15;
	vm0 =	vgt.s32 v13, v15;
	(xrf0) =	vadd.scan.msk.s32 $0xffff, v15  }
0x171: {  	v13 =	vsel vm0, v13, v15;
	_ =	sdelay $0x2  }
.Ltmp5:
0x172: {  	(pc) =	sbr.rel @p1 .LBB2_8-.Ltmp5, $4  }
0x173: {  	_ = 	snop  }
0x174: {  	v15, _, _ =	vpop (xrf0)  }
0x175: {  	v16 =	vadd.s32 v15, v14;
	v14 =	vperm.xlane v15, v8  }
0x176: {  	[tilespmem:s19+$0x36A0] =	vst v16;
	s19 =	sshra.s32 s21, $0x2;
	s21 =	sadd.s32 $0x40, s21  }
0x177: {  	v15 =	vld [tilespmem:s19+$0x36A0];
	_ =	sdelay $0x4  }
0x178: {  	vm0 =	vgt.s32 v13, v15  }
0x179: {  	v13 =	vsel vm0, v13, v15  }
0x17a: {  	(xrf0) =	vadd.scan.msk.s32 $0xffff, v15;
	v13 =	vxor.u32 $0x80000000, v13  }
0x17b: {  	(xrf0) =	vmax.scan.msk.u32 $0xffff, v13;
	_ =	sdelay $0x4  }
0x17c: {  	v63, _, _ =	vpop (xrf0)  }
0x17d: {  	v16, _, _ =	vpop (xrf0)  }
0x17e: {  	(v2sf) =	vpush v16, $0xF;
	_ =	sdelay $0xe  }
0x17f: {  	s1 =	spop (v2sf)  }
0x180: {  	s22 =	sadd.s32 $0x80000001, s1  }
0x181: {  	p1 =	sgt.s32 s22, $0x1  }
.Ltmp6:
0x182: {  	_ = 	snop;
	(pc) =	sbr.rel @!p1 .LBB2_11-.Ltmp6, $4  }
0x183: {  	v12 =	vadd.s32 v12, v14  }
0x184: {  	v12 =	vsub.s32 v12, v15  }
0x185: {  	v12 =	vadd.s32 v63, v12  }
0x186: {  	s21 =	simm.s32 $0x1;
	[tilespmem:s19+$0x36A0] =	vst v12;
	s19 =	simm.s32 $0x1  }
.LBB2_10:
0x187: {  	s21 =	smov.u32 s19;
	s19 =	sshll.u32 s19, $0x1  }
0x188: {  	p1 =	slt.s32 s19, s22  }
.Ltmp7:
0x189: {  	_ = 	snop;
	(pc) =	sbr.rel @p1 .LBB2_10-.Ltmp7, $1  }
0x18a: {  	_ =	sdelay $0x3  }
.LBB2_11:
0x18b: {  	s22 =	simm.s32 $0x0;
	s19 =	simm.s32 $0x400  }
.LBB2_12:
0x18c: {  	p1 =	sne.s32 s19, $0x4000;
	[tilespmem:s22+$0x2610] =	vst v10  }
0x18d: {  	[tilespmem:s22+$0x1310] =	vst v9  }
0x18e: {  	[tilespmem:s22+$0x2520] =	vst v10  }
0x18f: {  	[tilespmem:s22+$0x1320] =	vst v9  }
0x190: {  	[tilespmem:s22+$0x2530] =	vst v10  }
0x191: {  	[tilespmem:s22+$0x1330] =	vst v9  }
0x192: {  	[tilespmem:s22+$0x2540] =	vst v10  }
0x193: {  	[tilespmem:s22+$0x1340] =	vst v9  }
0x194: {  	[tilespmem:s22+$0x2550] =	vst v10  }
0x195: {  	[tilespmem:s22+$0x1350] =	vst v9  }
0x196: {  	[tilespmem:s22+$0x2560] =	vst v10  }
0x197: {  	[tilespmem:s22+$0x1360] =	vst v9  }
0x198: {  	[tilespmem:s22+$0x2570] =	vst v10  }
0x199: {  	[tilespmem:s22+$0x1370] =	vst v9  }
0x19a: {  	[tilespmem:s22+$0x2580] =	vst v10  }
0x19b: {  	[tilespmem:s22+$0x1380] =	vst v9  }
0x19c: {  	[tilespmem:s22+$0x2590] =	vst v10  }
0x19d: {  	[tilespmem:s22+$0x1390] =	vst v9  }
0x19e: {  	[tilespmem:s22+$0x25A0] =	vst v10  }
0x19f: {  	[tilespmem:s22+$0x13A0] =	vst v9  }
0x1a0: {  	[tilespmem:s22+$0x25B0] =	vst v10  }
0x1a1: {  	[tilespmem:s22+$0x13B0] =	vst v9  }
0x1a2: {  	[tilespmem:s22+$0x25C0] =	vst v10  }
0x1a3: {  	[tilespmem:s22+$0x13C0] =	vst v9  }
0x1a4: {  	[tilespmem:s22+$0x25D0] =	vst v10  }
0x1a5: {  	[tilespmem:s22+$0x13D0] =	vst v9  }
0x1a6: {  	[tilespmem:s22+$0x25E0] =	vst v10  }
.Ltmp8:
0x1a7: {  	[tilespmem:s22+$0x13E0] =	vst v9;
	(pc) =	sbr.rel @p1 .LBB2_12-.Ltmp8, $4  }
0x1a8: {  	[tilespmem:s22+$0x25F0] =	vst v10  }
0x1a9: {  	[tilespmem:s22+$0x13F0] =	vst v9  }
0x1aa: {  	[tilespmem:s22+$0x2600] =	vst v10  }
0x1ab: {  	[tilespmem:s22+$0x1400] =	vst v9;
	s22 =	sshra.s32 s19, $0x2;
	s19 =	sadd.s32 $0x400, s19  }
0x1ac: {  	[tilespmem:s22+$0x2610] =	vst v10  }
0x1ad: {  	[tilespmem:s22+$0x1310] =	vst v9  }
0x1ae: {  	[tilespmem:s22+$0x2520] =	vst v10  }
0x1af: {  	[tilespmem:s22+$0x1320] =	vst v9  }
0x1b0: {  	[tilespmem:s22+$0x2530] =	vst v10  }
0x1b1: {  	[tilespmem:s22+$0x1330] =	vst v9  }
0x1b2: {  	[tilespmem:s22+$0x2540] =	vst v10  }
0x1b3: {  	[tilespmem:s22+$0x1340] =	vst v9  }
0x1b4: {  	[tilespmem:s22+$0x2550] =	vst v10  }
0x1b5: {  	[tilespmem:s22+$0x1350] =	vst v9  }
0x1b6: {  	[tilespmem:s22+$0x2560] =	vst v10  }
0x1b7: {  	[tilespmem:s22+$0x1360] =	vst v9  }
0x1b8: {  	[tilespmem:s22+$0x2570] =	vst v10  }
0x1b9: {  	[tilespmem:s22+$0x1370] =	vst v9  }
0x1ba: {  	[tilespmem:s22+$0x2580] =	vst v10  }
0x1bb: {  	[tilespmem:s22+$0x1380] =	vst v9  }
0x1bc: {  	[tilespmem:s22+$0x2590] =	vst v10  }
0x1bd: {  	[tilespmem:s22+$0x1390] =	vst v9  }
0x1be: {  	[tilespmem:s22+$0x25A0] =	vst v10  }
0x1bf: {  	[tilespmem:s22+$0x13A0] =	vst v9  }
0x1c0: {  	[tilespmem:s22+$0x25B0] =	vst v10  }
0x1c1: {  	[tilespmem:s22+$0x13B0] =	vst v9  }
0x1c2: {  	[tilespmem:s22+$0x25C0] =	vst v10  }
0x1c3: {  	[tilespmem:s22+$0x13C0] =	vst v9  }
0x1c4: {  	[tilespmem:s22+$0x25D0] =	vst v10  }
0x1c5: {  	[tilespmem:s22+$0x13D0] =	vst v9  }
0x1c6: {  	[tilespmem:s22+$0x25E0] =	vst v10  }
0x1c7: {  	[tilespmem:s22+$0x13E0] =	vst v9  }
0x1c8: {  	[tilespmem:s22+$0x25F0] =	vst v10  }
0x1c9: {  	[tilespmem:s22+$0x13F0] =	vst v9  }
0x1ca: {  	[tilespmem:s22+$0x2600] =	vst v10  }
0x1cb: {  	[tilespmem:s22+$0x1400] =	vst v9  }
0x1cc: {  	_ =	swait.ge [sflag:s31], $0x800  }
0x1cd: {  	[sflag:s31] =	ssyncset.done $0x0  }
0x1ce: {  	[sflag:s31] =	ssyncadd.s32 $0xFFFFF800  }
0x1cf: {  	_ =	swait.ge [sflag:s31], $0x800  }
0x1d0: {  	s1 =	sand.u32 $0x1, s21;
	[sflag:s31] =	ssyncset.done $0x0  }
0x1d1: {  	s28 =	sshrl.u32 s21, $0x1F;
	p2 =	slt.s32 s21, $0x1;
	[sflag:s31] =	ssyncadd.s32 $0xFFFFF800  }
0x1d2: {  	s19 =	simm.s32 $0x1;
	p1 =	seq.s32 s1, $0x1;
	_ =	swait.ge [sflag:s31], $0x800  }
.Ltmp9:
0x1d3: {  	p1 =	por !p2, !p1;
	[sflag:s31] =	ssyncset.done $0x0;
	(pc) =	sbr.rel .LBB2_14-.Ltmp9, $4  }
0x1d4: {  	s1 =	sadd.s32 s28, s21;
	p1 =	por !p1, !p1;
	[sflag:s31] =	ssyncadd.s32 $0xFFFFF800  }
0x1d5: {  	s1 =	sshra.s32 s1, $0x1;
	s19 =	simm.s32 @!p1 $0x0;
	_ =	swait.ge [sflag:s31], $0x800  }
0x1d6: {  	s21 =	ssub.s32 s1, s19;
	[sflag:s31] =	ssyncset.done $0x0  }
0x1d7: {  	s22 =	simm.s32 $0x0;
	v12 =	vimm.f32 $0.0e+00;
	v13 =	vimm.f32 $0.0e+00;
	p1 =	slt.s32 s21, $0x8;
	[sflag:s31] =	ssyncadd.s32 $0xFFFFF800  }
.LBB2_16:
0x1d8: {  	v42 =	vadd.s32 $0x4, v41  }
0x1d9: {  	v43 =	vadd.s32 $0x4, v38  }
0x1da: {  	v44 =	vadd.s32 $0x4, v40  }
0x1db: {  	v45 =	vadd.s32 $0x4, v39  }
0x1dc: {  	v46 =	vadd.s32 $0x4, v37  }
0x1dd: {  	v47 =	vadd.s32 $0x4, v36;
	v42 =	vld.idx.msk [tilespmem:v42+s2+$0x0], $0xffff  }
0x1de: {  	v48 =	vadd.s32 $0x4, v35;
	v43 =	vld.idx.msk [tilespmem:v43+s2+$0x0], $0xffff  }
0x1df: {  	v50 =	vadd.s32 $0x4, v33;
	v44 =	vld.idx.msk [tilespmem:v44+s2+$0x0], $0xffff  }
0x1e0: {  	v55 =	vadd.s32 $0x4, v31;
	v45 =	vld.idx.msk [tilespmem:v45+s2+$0x0], $0xffff  }
0x1e1: {  	v46 =	vld.idx.msk [tilespmem:v46+s2+$0x0], $0xffff  }
0x1e2: {  	v61 =	vld.idx.msk [tilespmem:v47+s2+$0x0], $0xffff  }
0x1e3: {  	v54 =	vld.idx.msk [tilespmem:v48+s2+$0x0], $0xffff  }
0x1e4: {  	v62 =	vadd.s32 $0x4, v32;
	v58 =	vld.idx.msk [tilespmem:v50+s2+$0x0], $0xffff  }
0x1e5: {  	v52 =	vld.idx.msk [tilespmem:v55+s2+$0x0], $0xffff  }
0x1e6: {  	v60 =	vadd.s32 $0x4, v34;
	v56 =	vadd.s32 $0x4, v30;
	v59 =	vadd.s32 $0x4, v29  }
0x1e7: {  	vm0 =	vle.f32 v42, v27;
	vm9 =	vle.f32 v43, v26;
	vm10 =	vle.f32 v44, v25  }
0x1e8: {  	vm11 =	vle.f32 v45, v24;
	vm12 =	vle.f32 v46, v23;
	vm13 =	vle.f32 v61, v22  }
0x1e9: {  	v61 =	vld.idx.msk [tilespmem:v62+s2+$0x0], $0xffff;
	v62 =	vadd.s32 $0x4, v28;
	vm14 =	vle.f32 v54, v21;
	vm4 =	vle.f32 v58, v19  }
0x1ea: {  	vm6 =	vle.f32 v52, v17;
	v49 =	vsel vm0, $0x4, v4;
	v63 =	vsel vm9, $0x4, v4  }
0x1eb: {  	v42 =	vld.idx.msk [tilespmem:v60+s2+$0x0], $0xffff;
	v51 =	vsel vm10, $0x4, v4;
	v57 =	vsel vm11, $0x4, v4;
	v60 =	vsel vm12, $0x4, v4  }
0x1ec: {  	v53 =	vsel vm14, $0x4, v4;
	v58 =	vsel vm4, $0x4, v4;
	v41 =	vadd.s32 v41, v49  }
0x1ed: {  	v45 =	vld.idx.msk [tilespmem:v56+s2+$0x0], $0xffff;
	v56 =	vsel vm6, $0x4, v4;
	v38 =	vadd.s32 v38, v63;
	v54 =	vadd.s32 $0x2, v41  }
0x1ee: {  	v46 =	vld.idx.msk [tilespmem:v59+s2+$0x0], $0xffff;
	v40 =	vadd.s32 v40, v51;
	v39 =	vadd.s32 v39, v57;
	v55 =	vadd.s32 $0x2, v38  }
0x1ef: {  	v37 =	vadd.s32 v37, v60;
	v63 =	vsel vm13, $0x4, v4;
	v35 =	vadd.s32 v35, v53  }
0x1f0: {  	v33 =	vadd.s32 v33, v58;
	v31 =	vadd.s32 v31, v56;
	v49 =	vadd.s32 $0x2, v40;
	v59 =	vld.idx.msk [tilespmem:v62+s2+$0x0], $0xffff  }
0x1f1: {  	v36 =	vadd.s32 v36, v63;
	vm5 =	vle.f32 v61, v18;
	v61 =	vadd.s32 $0x2, v39  }
0x1f2: {  	v63 =	vadd.s32 $0x2, v37;
	v52 =	vadd.s32 $0x2, v36;
	vm15 =	vle.f32 v42, v20;
	v62 =	vld.idx.msk [tilespmem:v54+s2+$0x0], $0xffff  }
0x1f3: {  	vm1 =	vle.f32 v45, v16;
	vm7 =	vle.f32 v46, v15;
	v57 =	vsel vm15, $0x4, v4;
	v42 =	vld.idx.msk [tilespmem:v55+s2+$0x0], $0xffff  }
0x1f4: {  	v60 =	vsel vm5, $0x4, v4;
	v46 =	vsel vm7, $0x4, v4;
	v34 =	vadd.s32 v34, v57  }
0x1f5: {  	v57 =	vsel vm1, $0x4, v4;
	v58 =	vld.idx.msk [tilespmem:v49+s2+$0x0], $0xffff;
	vm8 =	vle.f32 v59, v14;
	v59 =	vadd.s32 $0x2, v35  }
0x1f6: {  	v32 =	vadd.s32 v32, v60;
	v29 =	vadd.s32 v29, v46;
	v48 =	vld.idx.msk [tilespmem:v61+s2+$0x0], $0xffff;
	v61 =	vadd.s32 $0x2, v34  }
0x1f7: {  	v56 =	vadd.s32 $0x2, v32;
	v60 =	vsel vm8, $0x4, v4;
	vm9 =	vle.f32 v62, v27;
	v62 =	vld.idx.msk [tilespmem:v63+s2+$0x0], $0xffff  }
0x1f8: {  	v30 =	vadd.s32 v30, v57;
	v46 =	vadd.s32 v28, v60;
	vm10 =	vle.f32 v42, v26;
	v42 =	vld.idx.msk [tilespmem:v52+s2+$0x0], $0xffff  }
0x1f9: {  	v60 =	vadd.s32 $0x2, v31;
	v28 =	vadd.s32 $0x2, v30;
	v63 =	vadd.s32 $0x2, v33  }
0x1fa: {  	vm11 =	vle.f32 v58, v25;
	v44 =	vsel vm9, $0x2, v4;
	v55 =	vsel vm10, $0x2, v4;
	v58 =	vld.idx.msk [tilespmem:v59+s2+$0x0], $0xffff  }
0x1fb: {  	v57 =	vsel vm11, $0x2, v4;
	v44 =	vadd.s32 v41, v44;
	v49 =	vadd.s32 v38, v55;
	v59 =	vld.idx.msk [tilespmem:v61+s2+$0x0], $0xffff  }
0x1fc: {  	v52 =	vadd.s32 v40, v57;
	vm12 =	vle.f32 v48, v24;
	v55 =	vld.idx.msk [tilespmem:v56+s2+$0x0], $0xffff;
	v57 =	vadd.s32 $0x2, v29  }
0x1fd: {  	v56 =	vadd.s32 $0x1, v44;
	vm13 =	vle.f32 v62, v23;
	vm14 =	vle.f32 v42, v22  }
0x1fe: {  	v61 =	vsel vm12, $0x2, v4;
	v28 =	vld.idx.msk [tilespmem:v28+s2+$0x0], $0xffff;
	v62 =	vsel vm13, $0x2, v4;
	v54 =	vsel vm14, $0x2, v4  }
0x1ff: {  	v50 =	vadd.s32 v39, v61;
	v63 =	vld.idx.msk [tilespmem:v63+s2+$0x0], $0xffff;
	v53 =	vadd.s32 v37, v62;
	v51 =	vadd.s32 v36, v54  }
0x200: {  	vm15 =	vle.f32 v58, v21;
	vm4 =	vle.f32 v59, v20;
	v59 =	vld.idx.msk [tilespmem:v60+s2+$0x0], $0xffff;
	v60 =	vadd.s32 $0x2, v46  }
0x201: {  	v62 =	vadd.s32 $0x1, v49;
	vm6 =	vle.f32 v55, v18;
	v55 =	vadd.s32 $0x1, v50  }
0x202: {  	v58 =	vsel vm15, $0x2, v4;
	v61 =	vsel vm4, $0x2, v4;
	v54 =	vld.idx.msk [tilespmem:v56+s2+$0x0], $0xffff;
	v56 =	vsel vm6, $0x2, v4  }
0x203: {  	v41 =	vadd.s32 v35, v58;
	v39 =	vadd.s32 v34, v61;
	v58 =	vadd.s32 $0x1, v53  }
0x204: {  	vm8 =	vle.f32 v28, v16;
	vm5 =	vle.f32 v63, v19;
	v63 =	vadd.s32 $0x1, v52  }
0x205: {  	v57 =	vld.idx.msk [tilespmem:v57+s2+$0x0], $0xffff;
	v61 =	vadd.s32 $0x1, v41;
	v28 =	vsel vm8, $0x2, v4;
	v48 =	vsel vm5, $0x2, v4  }
0x206: {  	v34 =	vadd.s32 $0x1, v39;
	v36 =	vadd.s32 v33, v48;
	vm7 =	vle.f32 v59, v17;
	v38 =	vld.idx.msk [tilespmem:v60+s2+$0x0], $0xffff  }
0x207: {  	v33 =	vadd.s32 v32, v56;
	v59 =	vadd.s32 $0x1, v51;
	v45 =	vld.idx.msk [tilespmem:v62+s2+$0x0], $0xffff;
	v60 =	vsel vm7, $0x2, v4  }
0x208: {  	vm9 =	vle.f32 v54, v27;
	v54 =	vld.idx.msk [tilespmem:v55+s2+$0x0], $0xffff;
	v42 =	vadd.s32 $0x1, v36;
	v32 =	vadd.s32 v31, v60  }
0x209: {  	v31 =	vadd.s32 v30, v28;
	v62 =	vsel vm9, $0x1, v4;
	v55 =	vld.idx.msk [tilespmem:v58+s2+$0x0], $0xffff;
	v28 =	vmul.u32 $0x110, v0  }
0x20a: {  	v48 =	vld.idx.msk [tilespmem:v63+s2+$0x0], $0xffff;
	v63 =	vadd.s32 $0x1, v33;
	v43 =	vadd.s32 v62, v44  }
0x20b: {  	vm10 =	vle.f32 v57, v15;
	v57 =	vld.idx.msk [tilespmem:v61+s2+$0x0], $0xffff;
	v44 =	vadd.s32 v28, v43  }
0x20c: {  	v40 =	vadd.s32 $0x1, v32;
	v58 =	vld.idx.msk [tilespmem:v34+s2+$0x0], $0xffff  }
0x20d: {  	v60 =	vsel vm10, $0x2, v4;
	v34 =	vadd.s32 $0x1, v31;
	v56 =	vld.idx.msk [tilespmem:v59+s2+$0x0], $0xffff;
	vm11 =	vle.f32 v38, v14  }
0x20e: {  	v30 =	vadd.s32 v29, v60;
	v61 =	vsel vm11, $0x2, v4;
	v59 =	vld.idx.msk [tilespmem:v42+s2+$0x0], $0xffff  }
0x20f: {  	v38 =	vadd.s32 $0x1, v30;
	v29 =	vadd.s32 v46, v61;
	v60 =	vld.idx.msk [tilespmem:v63+s2+$0x0], $0xffff  }
0x210: {  	vm0 =	vge.f32 v27, $1.000000050e-03;
	v62 =	vadd.s32 $0x1, v29;
	v61 =	vld.idx.msk [tilespmem:v44+s0+$0x0], $0xffff  }
0x211: {  	v42 =	vld.idx.msk [tilespmem:v40+s2+$0x0], $0xffff;
	v63 =	vadd.s32 $0x1, v43  }
0x212: {  	v40 =	vld.idx.msk [tilespmem:v34+s2+$0x0], $0xffff  }
0x213: {  	v37 =	vld.idx.msk [tilespmem:v43+s2+$0x0], $0xffff  }
0x214: {  	v34 =	vld.idx.msk [tilespmem:v38+s2+$0x0], $0xffff  }
0x215: {  	v35 =	vld.idx.msk [tilespmem:v62+s2+$0x0], $0xffff;
	v62 =	vmax.f32 v61, v27  }
0x216: {  	vm12 =	vle.f32 v45, v26;
	v38 =	vld.idx.msk [tilespmem:v63+s2+$0x0], $0xffff;
	[tilespmem:v44+s0+$0x0] =	vst.idx.msk vm0, v62  }
0x217: {  	v63 =	vsel vm12, $0x1, v4;
	v61 =	vld.idx.msk [tilespmem:v44+s18+$0x0], $0xffff  }
0x218: {  	v43 =	vadd.s32 v63, v49  }
0x219: {  	v62 =	vadd.s32 v28, v43;
	_ =	sdelay $0x2  }
0x21a: {  	v45 =	vmin.f32 v61, v27  }
0x21b: {  	[tilespmem:v44+s18+$0x0] =	vst.idx.msk vm0, v45  }
0x21c: {  	vm1 =	vge.f32 v26, $1.000000050e-03;
	v45 =	vld.idx.msk [tilespmem:v62+s0+$0x0], $0xffff  }
0x21d: {  	v63 =	vadd.s32 $0x1, v43;
	_ =	sdelay $0x3  }
0x21e: {  	v43 =	vld.idx.msk [tilespmem:v43+s2+$0x0], $0xffff;
	v45 =	vmax.f32 v45, v26  }
0x21f: {  	vm2 =	vle.f32 v48, v25;
	v44 =	vld.idx.msk [tilespmem:v63+s2+$0x0], $0xffff;
	[tilespmem:v62+s0+$0x0] =	vst.idx.msk vm1, v45  }
0x220: {  	v49 =	vsel vm2, $0x1, v4;
	v61 =	vld.idx.msk [tilespmem:v62+s18+$0x0], $0xffff  }
0x221: {  	v45 =	vadd.s32 v49, v52  }
0x222: {  	v49 =	vadd.s32 v28, v45;
	_ =	sdelay $0x2  }
0x223: {  	v47 =	vmin.f32 v61, v26  }
0x224: {  	[tilespmem:v62+s18+$0x0] =	vst.idx.msk vm1, v47  }
0x225: {  	vm3 =	vge.f32 v25, $1.000000050e-03;
	v63 =	vld.idx.msk [tilespmem:v49+s0+$0x0], $0xffff  }
0x226: {  	v62 =	vadd.s32 $0x1, v45;
	_ =	sdelay $0x3  }
0x227: {  	v48 =	vld.idx.msk [tilespmem:v45+s2+$0x0], $0xffff;
	v52 =	vmax.f32 v63, v25  }
0x228: {  	vm13 =	vle.f32 v54, v24;
	v47 =	vld.idx.msk [tilespmem:v62+s2+$0x0], $0xffff;
	[tilespmem:v49+s0+$0x0] =	vst.idx.msk vm3, v52  }
0x229: {  	v54 =	vsel vm13, $0x1, v4;
	v61 =	vld.idx.msk [tilespmem:v49+s18+$0x0], $0xffff  }
0x22a: {  	v45 =	vadd.s32 v54, v50  }
0x22b: {  	v50 =	vadd.s32 v28, v45;
	_ =	sdelay $0x2  }
0x22c: {  	v46 =	vmin.f32 v61, v25  }
0x22d: {  	[tilespmem:v49+s18+$0x0] =	vst.idx.msk vm3, v46  }
0x22e: {  	vm2 =	vge.f32 v24, $1.000000050e-03;
	v63 =	vld.idx.msk [tilespmem:v50+s0+$0x0], $0xffff  }
0x22f: {  	v62 =	vadd.s32 $0x1, v45;
	_ =	sdelay $0x3  }
0x230: {  	v46 =	vld.idx.msk [tilespmem:v45+s2+$0x0], $0xffff;
	v61 =	vmax.f32 v63, v24  }
0x231: {  	vm4 =	vle.f32 v55, v23;
	v45 =	vld.idx.msk [tilespmem:v62+s2+$0x0], $0xffff;
	[tilespmem:v50+s0+$0x0] =	vst.idx.msk vm2, v61  }
0x232: {  	v62 =	vsel vm4, $0x1, v4;
	v63 =	vld.idx.msk [tilespmem:v50+s18+$0x0], $0xffff  }
0x233: {  	v49 =	vadd.s32 v62, v53  }
0x234: {  	v53 =	vadd.s32 v28, v49;
	_ =	sdelay $0x2  }
0x235: {  	v52 =	vmin.f32 v63, v24  }
0x236: {  	[tilespmem:v50+s18+$0x0] =	vst.idx.msk vm2, v52  }
0x237: {  	vm4 =	vge.f32 v23, $1.000000050e-03;
	v52 =	vld.idx.msk [tilespmem:v53+s0+$0x0], $0xffff  }
0x238: {  	v61 =	vadd.s32 $0x1, v49;
	_ =	sdelay $0x3  }
0x239: {  	v49 =	vld.idx.msk [tilespmem:v49+s2+$0x0], $0xffff;
	v52 =	vmax.f32 v52, v23  }
0x23a: {  	vm5 =	vle.f32 v56, v22;
	v50 =	vld.idx.msk [tilespmem:v61+s2+$0x0], $0xffff;
	[tilespmem:v53+s0+$0x0] =	vst.idx.msk vm4, v52  }
0x23b: {  	v62 =	vsel vm5, $0x1, v4;
	v63 =	vld.idx.msk [tilespmem:v53+s18+$0x0], $0xffff  }
0x23c: {  	v51 =	vadd.s32 v62, v51  }
0x23d: {  	v52 =	vadd.s32 v28, v51;
	_ =	sdelay $0x2  }
0x23e: {  	v54 =	vmin.f32 v63, v23  }
0x23f: {  	[tilespmem:v53+s18+$0x0] =	vst.idx.msk vm4, v54  }
0x240: {  	vm5 =	vge.f32 v22, $1.000000050e-03;
	v54 =	vld.idx.msk [tilespmem:v52+s0+$0x0], $0xffff  }
0x241: {  	v61 =	vadd.s32 $0x1, v51;
	_ =	sdelay $0x3  }
0x242: {  	v51 =	vld.idx.msk [tilespmem:v51+s2+$0x0], $0xffff;
	v54 =	vmax.f32 v54, v22  }
0x243: {  	vm6 =	vle.f32 v57, v21;
	v53 =	vld.idx.msk [tilespmem:v61+s2+$0x0], $0xffff;
	[tilespmem:v52+s0+$0x0] =	vst.idx.msk vm5, v54  }
0x244: {  	v62 =	vsel vm6, $0x1, v4;
	v63 =	vld.idx.msk [tilespmem:v52+s18+$0x0], $0xffff  }
0x245: {  	v41 =	vadd.s32 v62, v41  }
0x246: {  	v54 =	vadd.s32 v28, v41;
	_ =	sdelay $0x2  }
0x247: {  	v55 =	vmin.f32 v63, v22  }
0x248: {  	[tilespmem:v52+s18+$0x0] =	vst.idx.msk vm5, v55  }
0x249: {  	vm6 =	vge.f32 v21, $1.000000050e-03;
	v55 =	vld.idx.msk [tilespmem:v54+s0+$0x0], $0xffff  }
0x24a: {  	v57 =	vadd.s32 $0x1, v41;
	_ =	sdelay $0x3  }
0x24b: {  	v41 =	vld.idx.msk [tilespmem:v41+s2+$0x0], $0xffff;
	v55 =	vmax.f32 v55, v21  }
0x24c: {  	vm7 =	vle.f32 v58, v20;
	v52 =	vld.idx.msk [tilespmem:v57+s2+$0x0], $0xffff;
	[tilespmem:v54+s0+$0x0] =	vst.idx.msk vm6, v55  }
0x24d: {  	v61 =	vsel vm7, $0x1, v4;
	v62 =	vld.idx.msk [tilespmem:v54+s18+$0x0], $0xffff  }
0x24e: {  	v39 =	vadd.s32 v61, v39  }
0x24f: {  	v55 =	vadd.s32 v28, v39;
	_ =	sdelay $0x2  }
0x250: {  	v56 =	vmin.f32 v62, v21  }
0x251: {  	[tilespmem:v54+s18+$0x0] =	vst.idx.msk vm6, v56  }
0x252: {  	vm7 =	vge.f32 v20, $1.000000050e-03;
	v56 =	vld.idx.msk [tilespmem:v55+s0+$0x0], $0xffff  }
0x253: {  	v63 =	vadd.s32 $0x1, v39;
	_ =	sdelay $0x3  }
0x254: {  	v39 =	vld.idx.msk [tilespmem:v39+s2+$0x0], $0xffff;
	v56 =	vmax.f32 v56, v20  }
0x255: {  	vm8 =	vle.f32 v59, v19;
	v54 =	vld.idx.msk [tilespmem:v63+s2+$0x0], $0xffff;
	[tilespmem:v55+s0+$0x0] =	vst.idx.msk vm7, v56  }
0x256: {  	v61 =	vsel vm8, $0x1, v4;
	v62 =	vld.idx.msk [tilespmem:v55+s18+$0x0], $0xffff  }
0x257: {  	v36 =	vadd.s32 v61, v36  }
0x258: {  	v56 =	vadd.s32 v28, v36;
	_ =	sdelay $0x2  }
0x259: {  	v57 =	vmin.f32 v62, v20  }
0x25a: {  	[tilespmem:v55+s18+$0x0] =	vst.idx.msk vm7, v57  }
0x25b: {  	vm8 =	vge.f32 v19, $1.000000050e-03;
	v57 =	vld.idx.msk [tilespmem:v56+s0+$0x0], $0xffff  }
0x25c: {  	v63 =	vadd.s32 $0x1, v36;
	_ =	sdelay $0x3  }
0x25d: {  	v36 =	vld.idx.msk [tilespmem:v36+s2+$0x0], $0xffff;
	v57 =	vmax.f32 v57, v19  }
0x25e: {  	vm9 =	vle.f32 v60, v18;
	v55 =	vld.idx.msk [tilespmem:v63+s2+$0x0], $0xffff;
	[tilespmem:v56+s0+$0x0] =	vst.idx.msk vm8, v57  }
0x25f: {  	v60 =	vsel vm9, $0x1, v4;
	v61 =	vld.idx.msk [tilespmem:v56+s18+$0x0], $0xffff  }
0x260: {  	v33 =	vadd.s32 v60, v33  }
0x261: {  	v57 =	vadd.s32 v28, v33;
	_ =	sdelay $0x2  }
0x262: {  	v58 =	vmin.f32 v61, v19  }
0x263: {  	[tilespmem:v56+s18+$0x0] =	vst.idx.msk vm8, v58  }
0x264: {  	vm9 =	vge.f32 v18, $1.000000050e-03;
	v58 =	vld.idx.msk [tilespmem:v57+s0+$0x0], $0xffff  }
0x265: {  	v62 =	vadd.s32 $0x1, v33;
	_ =	sdelay $0x3  }
0x266: {  	v33 =	vld.idx.msk [tilespmem:v33+s2+$0x0], $0xffff;
	v58 =	vmax.f32 v58, v18  }
0x267: {  	vm10 =	vle.f32 v42, v17;
	v56 =	vld.idx.msk [tilespmem:v62+s2+$0x0], $0xffff;
	[tilespmem:v57+s0+$0x0] =	vst.idx.msk vm9, v58  }
0x268: {  	v42 =	vsel vm10, $0x1, v4;
	v58 =	vld.idx.msk [tilespmem:v57+s18+$0x0], $0xffff  }
0x269: {  	v32 =	vadd.s32 v42, v32  }
0x26a: {  	v42 =	vadd.s32 v28, v32;
	_ =	sdelay $0x2  }
0x26b: {  	v58 =	vmin.f32 v58, v18  }
0x26c: {  	[tilespmem:v57+s18+$0x0] =	vst.idx.msk vm9, v58  }
0x26d: {  	vm10 =	vge.f32 v17, $1.000000050e-03;
	v58 =	vld.idx.msk [tilespmem:v42+s0+$0x0], $0xffff  }
0x26e: {  	v63 =	vadd.s32 $0x1, v32;
	_ =	sdelay $0x3  }
0x26f: {  	v32 =	vld.idx.msk [tilespmem:v32+s2+$0x0], $0xffff;
	v58 =	vmax.f32 v58, v17  }
0x270: {  	vm11 =	vle.f32 v40, v16;
	v57 =	vld.idx.msk [tilespmem:v63+s2+$0x0], $0xffff;
	[tilespmem:v42+s0+$0x0] =	vst.idx.msk vm10, v58  }
0x271: {  	v40 =	vsel vm11, $0x1, v4;
	v58 =	vld.idx.msk [tilespmem:v42+s18+$0x0], $0xffff  }
0x272: {  	v31 =	vadd.s32 v40, v31  }
0x273: {  	v37 =	vsub.f32 v27, v37;
	v40 =	vadd.s32 v28, v31;
	v59 =	vsub.f32 v38, v27  }
0x274: {  	vm14 =	vge.f32 v15, $1.000000050e-03  }
0x275: {  	vm15 =	vge.f32 v14, $1.000000050e-03;
	vm11 =	vge.f32 v16, $1.000000050e-03;
	v27 =	vmin.f32 v37, v59  }
0x276: {  	vm12 =	vle.f32 v34, v15;
	v27 =	vmul.f32 v27, v27;
	v62 =	vmin.f32 v58, v17  }
0x277: {  	v59 =	vsel vm12, $0x1, v4;
	v60 =	vsub.f32 v26, v43;
	v61 =	vsub.f32 v44, v26;
	[tilespmem:v42+s18+$0x0] =	vst.idx.msk vm10, v62  }
0x278: {  	vm13 =	vle.f32 v35, v14;
	v30 =	vadd.s32 v59, v30;
	v27 =	vnsel vm0, $0x0, v27;
	v58 =	vld.idx.msk [tilespmem:v40+s0+$0x0], $0xffff  }
0x279: {  	v26 =	vmin.f32 v60, v61;
	v63 =	vsub.f32 v25, v48;
	v48 =	vadd.s32 $0x1, v31  }
0x27a: {  	v13 =	vadd.f32 v27, v13;
	v60 =	vsel vm0, $0x3F800000, v11;
	v26 =	vmul.f32 v26, v26  }
0x27b: {  	v47 =	vsub.f32 v47, v25;
	v59 =	vsel vm4, $0x3F800000, v11;
	v12 =	vadd.f32 v60, v12  }
0x27c: {  	v44 =	vsel vm3, $0x3F800000, v11;
	v61 =	vsel vm1, $0x3F800000, v11;
	v26 =	vnsel vm1, $0x0, v26  }
0x27d: {  	v12 =	vadd.f32 v61, v12;
	v61 =	vsub.f32 v20, v39;
	v31 =	vld.idx.msk [tilespmem:v31+s2+$0x0], $0xffff;
	v37 =	vmax.f32 v58, v16  }
0x27e: {  	v13 =	vadd.f32 v26, v13;
	v25 =	vmin.f32 v63, v47;
	v34 =	vld.idx.msk [tilespmem:v48+s2+$0x0], $0xffff;
	[tilespmem:v40+s0+$0x0] =	vst.idx.msk vm11, v37  }
0x27f: {  	v12 =	vadd.f32 v44, v12;
	v44 =	vsub.f32 v18, v33;
	v25 =	vmul.f32 v25, v25;
	v47 =	vld.idx.msk [tilespmem:v40+s18+$0x0], $0xffff  }
0x280: {  	v26 =	vadd.s32 v28, v30;
	v63 =	vsub.f32 v45, v24;
	v45 =	vsub.f32 v23, v49  }
0x281: {  	v49 =	vsub.f32 v53, v22;
	v53 =	vsub.f32 v21, v41;
	v25 =	vnsel vm3, $0x0, v25  }
0x282: {  	v41 =	vsub.f32 v19, v36;
	v13 =	vadd.f32 v25, v13;
	v42 =	vsel vm13, $0x1, v4  }
0x283: {  	v62 =	vsub.f32 v24, v46;
	v46 =	vsub.f32 v50, v23;
	v50 =	vsel vm2, $0x3F800000, v11  }
0x284: {  	v48 =	vsub.f32 v22, v51;
	v12 =	vadd.f32 v50, v12;
	v51 =	vmin.f32 v47, v16  }
0x285: {  	v60 =	vadd.s32 $0x1, v30;
	v29 =	vadd.s32 v42, v29;
	v42 =	vsub.f32 v55, v19;
	[tilespmem:v40+s18+$0x0] =	vst.idx.msk vm11, v51  }
0x286: {  	v50 =	vsel vm8, $0x3F800000, v11;
	v55 =	vsel vm10, $0x3F800000, v11;
	v24 =	vmin.f32 v62, v63;
	v37 =	vld.idx.msk [tilespmem:v26+s0+$0x0], $0xffff  }
0x287: {  	v23 =	vmin.f32 v45, v46;
	v62 =	vsub.f32 v54, v20;
	v63 =	vsel vm5, $0x3F800000, v11  }
0x288: {  	v45 =	vsub.f32 v56, v18;
	v46 =	vsel vm7, $0x3F800000, v11;
	v28 =	vadd.s32 v28, v29  }
0x289: {  	v24 =	vmul.f32 v24, v24;
	v23 =	vmul.f32 v23, v23;
	v22 =	vmin.f32 v48, v49  }
0x28a: {  	v12 =	vadd.f32 v59, v12;
	v19 =	vmin.f32 v41, v42;
	v48 =	vsub.f32 v17, v32  }
0x28b: {  	v49 =	vsub.f32 v57, v17;
	v24 =	vnsel vm2, $0x0, v24;
	v35 =	vld.idx.msk [tilespmem:v30+s2+$0x0], $0xffff;
	v39 =	vmax.f32 v37, v15  }
0x28c: {  	v13 =	vadd.f32 v24, v13;
	v58 =	vsub.f32 v52, v21;
	v38 =	vld.idx.msk [tilespmem:v60+s2+$0x0], $0xffff;
	[tilespmem:v26+s0+$0x0] =	vst.idx.msk vm14, v39  }
0x28d: {  	v22 =	vmul.f32 v22, v22;
	v20 =	vmin.f32 v61, v62;
	v23 =	vnsel vm4, $0x0, v23;
	v43 =	vld.idx.msk [tilespmem:v26+s18+$0x0], $0xffff  }
0x28e: {  	v19 =	vmul.f32 v19, v19;
	v13 =	vadd.f32 v23, v13;
	v21 =	vmin.f32 v53, v58  }
0x28f: {  	v18 =	vmin.f32 v44, v45;
	v22 =	vnsel vm5, $0x0, v22;
	v21 =	vmul.f32 v21, v21  }
0x290: {  	v20 =	vmul.f32 v20, v20;
	v12 =	vadd.f32 v63, v12;
	v13 =	vadd.f32 v22, v13  }
0x291: {  	v21 =	vnsel vm6, $0x0, v21;
	v47 =	vadd.s32 $0x1, v29;
	v40 =	vsel vm6, $0x3F800000, v11  }
0x292: {  	v13 =	vadd.f32 v21, v13;
	v12 =	vadd.f32 v40, v12;
	v21 =	vmin.f32 v43, v15  }
0x293: {  	v18 =	vmul.f32 v18, v18;
	v17 =	vmin.f32 v48, v49;
	v20 =	vnsel vm7, $0x0, v20;
	[tilespmem:v26+s18+$0x0] =	vst.idx.msk vm14, v21  }
0x294: {  	v19 =	vnsel vm8, $0x0, v19;
	v13 =	vadd.f32 v20, v13;
	v12 =	vadd.f32 v46, v12;
	v21 =	vld.idx.msk [tilespmem:v28+s0+$0x0], $0xffff  }
0x295: {  	v17 =	vmul.f32 v17, v17;
	v52 =	vsub.f32 v16, v31;
	v53 =	vsub.f32 v34, v16;
	v51 =	vld.idx.msk [tilespmem:v29+s2+$0x0], $0xffff  }
0x296: {  	v54 =	vsel vm9, $0x3F800000, v11;
	v13 =	vadd.f32 v19, v13;
	v12 =	vadd.f32 v50, v12;
	v20 =	vld.idx.msk [tilespmem:v47+s2+$0x0], $0xffff  }
0x297: {  	v18 =	vnsel vm9, $0x0, v18;
	v17 =	vnsel vm10, $0x0, v17;
	v16 =	vmin.f32 v52, v53  }
0x298: {  	v16 =	vmul.f32 v16, v16;
	v13 =	vadd.f32 v18, v13;
	v12 =	vadd.f32 v54, v12  }
0x299: {  	v56 =	vsub.f32 v15, v35;
	v15 =	vsub.f32 v38, v15;
	v57 =	vmax.f32 v21, v14  }
0x29a: {  	v13 =	vadd.f32 v17, v13;
	v12 =	vadd.f32 v55, v12;
	[tilespmem:v28+s0+$0x0] =	vst.idx.msk vm15, v57  }
0x29b: {  	s22 =	sadd.s32 $0x1, s22;
	v15 =	vmin.f32 v56, v15;
	v58 =	vsub.f32 v14, v51;
	v59 =	vsub.f32 v20, v14;
	v19 =	vld.idx.msk [tilespmem:v28+s18+$0x0], $0xffff  }
0x29c: {  	p2 =	sne.s32 s22, $0x1C;
	v60 =	vsel vm11, $0x3F800000, v11;
	v16 =	vnsel vm11, $0x0, v16;
	v15 =	vmul.f32 v15, v15  }
.Ltmp10:
0x29d: {  	v13 =	vadd.f32 v16, v13;
	v12 =	vadd.f32 v60, v12;
	v61 =	vmin.f32 v58, v59;
	(pc) =	sbr.rel @!p2 .LBB2_17-.Ltmp10, $4  }
0x29e: {  	v62 =	vsel vm14, $0x3F800000, v11;
	v15 =	vnsel vm14, $0x0, v15;
	v16 =	vmul.f32 v61, v61  }
0x29f: {  	v12 =	vadd.f32 v62, v12;
	v13 =	vadd.f32 v15, v13  }
0x2a0: {  	v63 =	vsel vm15, $0x3F800000, v11;
	v15 =	vnsel vm15, $0x0, v16;
	v14 =	vmin.f32 v19, v14  }
0x2a1: {  	v12 =	vadd.f32 v63, v12;
	v13 =	vadd.f32 v15, v13;
	[tilespmem:v28+s18+$0x0] =	vst.idx.msk vm15, v14  }
.LBB2_14:
0x2a2: {  	p2 =	sgt.u32 s22, $0x17;
	s1 =	simm.s32 $0x4  }
0x2a3: {  	s1 =	simm.s32 @!p2 $0x0  }
0x2a4: {  	s1 =	simm.s32 @!p0 $0x0  }
0x2a5: {  	s1 =	sadd.s32 s22, s1  }
0x2a6: {  	s19 =	sshll.u32 s1, $0x8;
	s1 =	sshll.u32 s1, $0x7  }
0x2a7: {  	s19 =	sand.u32 $0x3800, s19;
	s1 =	sand.u32 $0x380, s1  }
0x2a8: {  	s1 =	sor.u32 s1, s19  }
0x2a9: {  	v27 =	vld [tilespmem:s1+$0x3C80]  }
0x2aa: {  	v26 =	vld [tilespmem:s1+$0x3C90]  }
0x2ab: {  	v25 =	vld [tilespmem:s1+$0x3CA0]  }
0x2ac: {  	v20 =	vld [tilespmem:s1+$0x3CF0]  }
0x2ad: {  	v19 =	vld [tilespmem:s1+$0x4080]  }
0x2ae: {  	v18 =	vld [tilespmem:s1+$0x4090];
	_ =	sdelay $0x1  }
0x2af: {  	v14 =	vmul.f32 $1.024000000e+03, v27  }
0x2b0: {  	v24 =	vld [tilespmem:s1+$0x3CB0];
	v15 =	vmul.f32 $1.024000000e+03, v26;
	v16 =	vmul.f32 $1.024000000e+03, v25  }
0x2b1: {  	v22 =	vld [tilespmem:s1+$0x3CD0];
	v34 =	vmul.f32 $1.024000000e+03, v20;
	v36 =	vmul.f32 $1.024000000e+03, v19  }
0x2b2: {  	v37 =	vmul.f32 $1.024000000e+03, v18;
	v14 =	vtrunc.f32 v14  }
0x2b3: {  	v23 =	vld [tilespmem:s1+$0x3CC0];
	v15 =	vtrunc.f32 v15;
	v34 =	vtrunc.f32 v34  }
0x2b4: {  	v21 =	vld [tilespmem:s1+$0x3CE0];
	v28 =	vcvt.f32.s32 v14;
	v29 =	vcvt.f32.s32 v15  }
0x2b5: {  	v14 =	vtrunc.f32 v16;
	v15 =	vmul.f32 $1.024000000e+03, v24  }
0x2b6: {  	v16 =	vmul.f32 $1.024000000e+03, v22;
	v34 =	vcvt.f32.s32 v34  }
0x2b7: {  	v17 =	vld [tilespmem:s1+$0x40A0];
	v30 =	vcvt.f32.s32 v14;
	v15 =	vtrunc.f32 v15  }
0x2b8: {  	v14 =	vmul.f32 $1.024000000e+03, v23;
	v31 =	vcvt.f32.s32 v15  }
0x2b9: {  	v15 =	vtrunc.f32 v16;
	v16 =	vmul.f32 $1.024000000e+03, v21  }
0x2ba: {  	v14 =	vtrunc.f32 v14;
	v33 =	vcvt.f32.s32 v15;
	v15 =	vld [tilespmem:s1+$0x40C0]  }
0x2bb: {  	v32 =	vcvt.f32.s32 v14;
	v14 =	vtrunc.f32 v16;
	v16 =	vld [tilespmem:s1+$0x40B0]  }
0x2bc: {  	v39 =	vmul.f32 $1.024000000e+03, v17;
	v35 =	vcvt.f32.s32 v14;
	v14 =	vld [tilespmem:s1+$0x40D0]  }
0x2bd: {  	v36 =	vtrunc.f32 v36;
	v37 =	vtrunc.f32 v37;
	v41 =	vld.idx.msk [tilespmem:v28+s30+$0x0], $0xffff  }
0x2be: {  	v42 =	vcvt.f32.s32 v37;
	v28 =	vcvt.f32.s32 v36;
	v38 =	vld.idx.msk [tilespmem:v29+s30+$0x0], $0xffff  }
0x2bf: {  	v29 =	vtrunc.f32 v39;
	v40 =	vld.idx.msk [tilespmem:v30+s30+$0x0], $0xffff;
	v30 =	vmul.f32 $1.024000000e+03, v15  }
0x2c0: {  	v34 =	vld.idx.msk [tilespmem:v34+s30+$0x0], $0xffff;
	v29 =	vcvt.f32.s32 v29;
	v63 =	vmul.f32 $1.024000000e+03, v16  }
0x2c1: {  	v39 =	vld.idx.msk [tilespmem:v31+s30+$0x0], $0xffff;
	v43 =	vmul.f32 $1.024000000e+03, v14;
	v30 =	vtrunc.f32 v30  }
0x2c2: {  	v37 =	vld.idx.msk [tilespmem:v32+s30+$0x0], $0xffff;
	v31 =	vtrunc.f32 v63;
	v45 =	vcvt.f32.s32 v30  }
0x2c3: {  	v36 =	vld.idx.msk [tilespmem:v33+s30+$0x0], $0xffff;
	v44 =	vcvt.f32.s32 v31;
	v30 =	vtrunc.f32 v43  }
0x2c4: {  	v32 =	vld.idx.msk [tilespmem:v42+s30+$0x0], $0xffff;
	v43 =	vcvt.f32.s32 v30  }
0x2c5: {  	v35 =	vld.idx.msk [tilespmem:v35+s30+$0x0], $0xffff  }
.Ltmp11:
0x2c6: {  	v33 =	vld.idx.msk [tilespmem:v28+s30+$0x0], $0xffff;
	(pc) =	sbr.rel @p1 .LBB2_16-.Ltmp11, $4  }
0x2c7: {  	v31 =	vld.idx.msk [tilespmem:v29+s30+$0x0], $0xffff  }
0x2c8: {  	v29 =	vld.idx.msk [tilespmem:v45+s30+$0x0], $0xffff  }
0x2c9: {  	v30 =	vld.idx.msk [tilespmem:v44+s30+$0x0], $0xffff  }
0x2ca: {  	s19 =	smov.u32 s21;
	v28 =	vld.idx.msk [tilespmem:v43+s30+$0x0], $0xffff  }
.LBB2_15:
0x2cb: {  	v42 =	vadd.s32 s19, v41  }
0x2cc: {  	v43 =	vadd.s32 s19, v38  }
0x2cd: {  	v44 =	vadd.s32 s19, v40  }
0x2ce: {  	v45 =	vadd.s32 s19, v39  }
0x2cf: {  	v46 =	vadd.s32 s19, v37  }
0x2d0: {  	v47 =	vadd.s32 s19, v36;
	v42 =	vld.idx.msk [tilespmem:v42+s2+$0x0], $0xffff  }
0x2d1: {  	v49 =	vadd.s32 s19, v34;
	v43 =	vld.idx.msk [tilespmem:v43+s2+$0x0], $0xffff  }
0x2d2: {  	v53 =	vadd.s32 s19, v31;
	v44 =	vld.idx.msk [tilespmem:v44+s2+$0x0], $0xffff  }
0x2d3: {  	v55 =	vadd.s32 s19, v29;
	v45 =	vld.idx.msk [tilespmem:v45+s2+$0x0], $0xffff  }
0x2d4: {  	v46 =	vld.idx.msk [tilespmem:v46+s2+$0x0], $0xffff  }
0x2d5: {  	v47 =	vld.idx.msk [tilespmem:v47+s2+$0x0], $0xffff  }
0x2d6: {  	v49 =	vld.idx.msk [tilespmem:v49+s2+$0x0], $0xffff  }
0x2d7: {  	v62 =	vld.idx.msk [tilespmem:v53+s2+$0x0], $0xffff  }
0x2d8: {  	v48 =	vadd.s32 s19, v35;
	v57 =	vld.idx.msk [tilespmem:v55+s2+$0x0], $0xffff  }
0x2d9: {  	v50 =	vadd.s32 s19, v33;
	v51 =	vadd.s32 s19, v32  }
0x2da: {  	v52 =	vmov s19;
	vm0 =	vle.f32 v42, v27;
	vm1 =	vle.f32 v43, v26  }
0x2db: {  	v43 =	vadd.s32 s19, v30;
	vm4 =	vle.f32 v44, v25;
	vm5 =	vle.f32 v45, v24  }
0x2dc: {  	v45 =	vadd.s32 s19, v28;
	vm6 =	vle.f32 v46, v23;
	vm7 =	vle.f32 v47, v22  }
0x2dd: {  	v42 =	vld.idx.msk [tilespmem:v48+s2+$0x0], $0xffff;
	vm9 =	vle.f32 v49, v20;
	vm12 =	vle.f32 v62, v17;
	vm14 =	vle.f32 v57, v15  }
0x2de: {  	v44 =	vld.idx.msk [tilespmem:v50+s2+$0x0], $0xffff;
	v63 =	vnsel vm0, $0x0, v52;
	v54 =	vnsel vm1, $0x0, v52;
	v60 =	vnsel vm4, $0x0, v52  }
0x2df: {  	v46 =	vld.idx.msk [tilespmem:v51+s2+$0x0], $0xffff;
	v56 =	vnsel vm5, $0x0, v52;
	v61 =	vnsel vm6, $0x0, v52;
	v58 =	vnsel vm9, $0x0, v52  }
0x2e0: {  	v62 =	vnsel vm14, $0x0, v52;
	v41 =	vadd.s32 v41, v63;
	v38 =	vadd.s32 v38, v54;
	v53 =	vld.idx.msk [tilespmem:v43+s2+$0x0], $0xffff  }
0x2e1: {  	v63 =	vnsel vm7, $0x0, v52;
	v40 =	vadd.s32 v40, v60;
	v39 =	vadd.s32 v39, v56;
	v59 =	vld.idx.msk [tilespmem:v45+s2+$0x0], $0xffff  }
0x2e2: {  	v37 =	vadd.s32 v37, v61;
	v61 =	vnsel vm12, $0x0, v52;
	v34 =	vadd.s32 v34, v58  }
0x2e3: {  	p2 =	sgt.u32 s19, $0xF;
	v29 =	vadd.s32 v29, v62;
	v36 =	vadd.s32 v36, v63;
	v31 =	vadd.s32 v31, v61  }
.Ltmp12:
0x2e4: {  	vm8 =	vle.f32 v42, v21;
	vm10 =	vle.f32 v44, v19;
	vm11 =	vle.f32 v46, v18;
	(pc) =	sbr.rel @p2 .LBB2_15-.Ltmp12, $4  }
0x2e5: {  	v54 =	vnsel vm8, $0x0, v52;
	v60 =	vnsel vm10, $0x0, v52;
	v46 =	vnsel vm11, $0x0, v52  }
0x2e6: {  	v35 =	vadd.s32 v35, v54;
	vm13 =	vle.f32 v53, v16;
	vm15 =	vle.f32 v59, v14  }
0x2e7: {  	s1 =	sshrl.u32 s19, $0x1;
	v33 =	vadd.s32 v33, v60;
	v42 =	vnsel vm13, $0x0, v52;
	v63 =	vnsel vm15, $0x0, v52  }
0x2e8: {  	s19 =	smov.u32 s1;
	v32 =	vadd.s32 v32, v46;
	v30 =	vadd.s32 v30, v42;
	v28 =	vadd.s32 v28, v63  }
.Ltmp13:
0x2e9: {  	_ = 	snop;
	(pc) =	sbr.rel .LBB2_16-.Ltmp13, $1  }
0x2ea: {  	_ =	sdelay $0x3  }
.LBB2_17:
0x2eb: {  	s21 =	simm.s32 $0x0  }
0x2ec: {  	v14 =	vld [tilespmem:s21+$0x3510]  }
0x2ed: {  	v15 =	vld [tilespmem:s21+$0x3400]  }
0x2ee: {  	v16 =	vld [tilespmem:s21+$0x32F0]  }
0x2ef: {  	v17 =	vld [tilespmem:s21+$0x2630]  }
0x2f0: {  	v18 =	vld [tilespmem:s21+$0x2520]  }
0x2f1: {  	v19 =	vld [tilespmem:s21+$0x2740]  }
0x2f2: {  	v20 =	vld [tilespmem:s21+$0x2850]  }
0x2f3: {  	v21 =	vld [tilespmem:s21+$0x2960]  }
0x2f4: {  	v22 =	vld [tilespmem:s21+$0x2A70]  }
0x2f5: {  	v23 =	vld [tilespmem:s21+$0x2B80]  }
0x2f6: {  	s22 =	simm.s32 $0x0;
	v57 =	vld [tilespmem:s21+$0x2FC0];
	v17 =	vmin.f32 v18, v17  }
0x2f7: {  	s1 =	sand.u32 $0x1F0, s22;
	v18 =	vld [tilespmem:s21+$0x2C90];
	v17 =	vmin.f32 v17, v19  }
0x2f8: {  	v19 =	vld [tilespmem:s1+$0x2DA0];
	v17 =	vmin.f32 v17, v20  }
0x2f9: {  	v20 =	vld [tilespmem:s21+$0x2EB0];
	v17 =	vmin.f32 v17, v21  }
0x2fa: {  	v58 =	vld [tilespmem:s21+$0x30D0];
	v17 =	vmin.f32 v17, v22  }
0x2fb: {  	v59 =	vld [tilespmem:s21+$0x31E0];
	v17 =	vmin.f32 v17, v23  }
0x2fc: {  	v17 =	vmin.f32 v17, v18;
	v18 =	vld [tilespmem:s21+$0x1420]  }
0x2fd: {  	v17 =	vmin.f32 v17, v19;
	v19 =	vld [tilespmem:s21+$0x1310]  }
0x2fe: {  	v17 =	vmin.f32 v17, v20;
	v20 =	vld [tilespmem:s21+$0x1530]  }
0x2ff: {  	v60 =	vld [tilespmem:s21+$0x1640];
	v17 =	vmin.f32 v17, v57  }
0x300: {  	v61 =	vld [tilespmem:s21+$0x1750];
	v17 =	vmin.f32 v17, v58  }
0x301: {  	v62 =	vld [tilespmem:s21+$0x1860];
	v17 =	vmin.f32 v17, v59  }
0x302: {  	v16 =	vmin.f32 v17, v16;
	v17 =	vld [tilespmem:s21+$0x1970];
	v18 =	vmax.f32 v19, v18  }
0x303: {  	v15 =	vmin.f32 v16, v15;
	v16 =	vld [tilespmem:s21+$0x1A80];
	v18 =	vmax.f32 v18, v20  }
0x304: {  	v14 =	vmin.f32 v15, v14;
	v15 =	vld [tilespmem:s1+$0x1B90];
	v18 =	vmax.f32 v18, v60  }
0x305: {  	[tilespmem:s21+$0x2520] =	vst v14;
	v14 =	vmax.f32 v18, v61;
	v18 =	vld [tilespmem:s21+$0x1CA0]  }
0x306: {  	v19 =	vld [tilespmem:s21+$0x1DB0];
	v14 =	vmax.f32 v14, v62  }
0x307: {  	v14 =	vmax.f32 v14, v17;
	v17 =	vld [tilespmem:s21+$0x1EC0]  }
0x308: {  	v14 =	vmax.f32 v14, v16;
	v16 =	vld [tilespmem:s21+$0x1FD0]  }
0x309: {  	v20 =	vld [tilespmem:s21+$0x20E0];
	v14 =	vmax.f32 v14, v15  }
0x30a: {  	v63 =	vld [tilespmem:s21+$0x21F0];
	v14 =	vmax.f32 v14, v18  }
0x30b: {  	s19 =	simm.s32 $0x10;
	v18 =	vld [tilespmem:s21+$0x2300];
	v15 =	vmax.f32 v14, v19  }
0x30c: {  	v14 =	vld [tilespmem:s19+$0x3510];
	v17 =	vmax.f32 v15, v17  }
0x30d: {  	v15 =	vld [tilespmem:s19+$0x3400];
	v17 =	vmax.f32 v17, v16  }
0x30e: {  	v16 =	vld [tilespmem:s19+$0x32F0];
	v19 =	vmax.f32 v17, v20  }
0x30f: {  	s28 =	simm.s32 $0x80;
	v17 =	vld [tilespmem:s19+$0x2630];
	v19 =	vmax.f32 v19, v63  }
.LBB2_18:
0x310: {  	p1 =	sne.s32 s28, $0x400;
	v20 =	vld [tilespmem:s19+$0x2520];
	v18 =	vmax.f32 v19, v18  }
0x311: {  	v19 =	vld [tilespmem:s19+$0x2740];
	[tilespmem:s21+$0x1310] =	vst v18;
	s21 =	smov.u32 s19  }
0x312: {  	v18 =	vld [tilespmem:s21+$0x2850]  }
0x313: {  	v21 =	vld [tilespmem:s21+$0x2960]  }
0x314: {  	v22 =	vld [tilespmem:s21+$0x2A70]  }
0x315: {  	s22 =	sadd.s32 $0x10, s22;
	v17 =	vmin.f32 v20, v17;
	v20 =	vld [tilespmem:s21+$0x2B80]  }
0x316: {  	s1 =	sand.u32 $0x1F0, s22;
	v17 =	vmin.f32 v17, v19;
	v19 =	vld [tilespmem:s21+$0x2C90]  }
0x317: {  	v17 =	vmin.f32 v17, v18;
	v18 =	vld [tilespmem:s1+$0x2DA0]  }
0x318: {  	v17 =	vmin.f32 v17, v21;
	v21 =	vld [tilespmem:s21+$0x2EB0]  }
0x319: {  	v17 =	vmin.f32 v17, v22;
	v22 =	vld [tilespmem:s21+$0x2FC0]  }
0x31a: {  	v17 =	vmin.f32 v17, v20;
	v20 =	vld [tilespmem:s21+$0x30D0]  }
0x31b: {  	v17 =	vmin.f32 v17, v19;
	v19 =	vld [tilespmem:s21+$0x31E0]  }
0x31c: {  	v23 =	vld [tilespmem:s21+$0x1420];
	v17 =	vmin.f32 v17, v18  }
0x31d: {  	v18 =	vld [tilespmem:s21+$0x1310];
	v17 =	vmin.f32 v17, v21  }
0x31e: {  	v21 =	vld [tilespmem:s21+$0x1530];
	v17 =	vmin.f32 v17, v22  }
0x31f: {  	v22 =	vld [tilespmem:s21+$0x1640];
	v17 =	vmin.f32 v17, v20  }
0x320: {  	v20 =	vld [tilespmem:s21+$0x1750];
	v17 =	vmin.f32 v17, v19  }
0x321: {  	v19 =	vld [tilespmem:s21+$0x1860];
	v16 =	vmin.f32 v17, v16  }
0x322: {  	v17 =	vmax.f32 v18, v23;
	v18 =	vld [tilespmem:s21+$0x1970];
	v15 =	vmin.f32 v16, v15  }
0x323: {  	v16 =	vmax.f32 v17, v21;
	v17 =	vld [tilespmem:s21+$0x1A80];
	v14 =	vmin.f32 v15, v14  }
0x324: {  	v15 =	vmax.f32 v16, v22;
	v16 =	vld [tilespmem:s1+$0x1B90];
	[tilespmem:s21+$0x2520] =	vst v14  }
0x325: {  	v14 =	vmax.f32 v15, v20;
	v15 =	vld [tilespmem:s21+$0x1CA0]  }
0x326: {  	v14 =	vmax.f32 v14, v19;
	v19 =	vld [tilespmem:s21+$0x1DB0]  }
0x327: {  	v14 =	vmax.f32 v14, v18;
	v20 =	vld [tilespmem:s21+$0x1EC0]  }
0x328: {  	v14 =	vmax.f32 v14, v17;
	v17 =	vld [tilespmem:s21+$0x1FD0]  }
0x329: {  	v14 =	vmax.f32 v14, v16;
	v21 =	vld [tilespmem:s21+$0x20E0]  }
0x32a: {  	v14 =	vmax.f32 v14, v15;
	v22 =	vld [tilespmem:s21+$0x21F0]  }
.Ltmp14:
0x32b: {  	s19 =	sshra.s32 s28, $0x2;
	v15 =	vmax.f32 v14, v19;
	v18 =	vld [tilespmem:s21+$0x2300];
	(pc) =	sbr.rel @p1 .LBB2_18-.Ltmp14, $4  }
0x32c: {  	v14 =	vld [tilespmem:s19+$0x3510];
	v16 =	vmax.f32 v15, v20  }
0x32d: {  	v15 =	vld [tilespmem:s19+$0x3400];
	v17 =	vmax.f32 v16, v17  }
0x32e: {  	v16 =	vld [tilespmem:s19+$0x32F0];
	v19 =	vmax.f32 v17, v21  }
0x32f: {  	s28 =	sadd.s32 $0x40, s28;
	v17 =	vld [tilespmem:s19+$0x2630];
	v19 =	vmax.f32 v19, v22  }
0x330: {  	v20 =	vld [tilespmem:s19+$0x2520];
	v18 =	vmax.f32 v19, v18  }
0x331: {  	v40 =	vld [tilespmem:s19+$0x2740];
	[tilespmem:s21+$0x1310] =	vst v18  }
0x332: {  	v18 =	vld [tilespmem:s19+$0x2850]  }
0x333: {  	v21 =	vld [tilespmem:s19+$0x2960]  }
0x334: {  	v22 =	vld [tilespmem:s19+$0x2A70]  }
0x335: {  	s1 =	sadd.s32 $0x10, s22;
	v23 =	vld [tilespmem:s19+$0x2B80]  }
0x336: {  	s1 =	sand.u32 $0x1F0, s1;
	v41 =	vld [tilespmem:s19+$0x2C90]  }
0x337: {  	v42 =	vld [tilespmem:s1+$0x2DA0];
	v17 =	vmin.f32 v20, v17  }
0x338: {  	v43 =	vld [tilespmem:s19+$0x2EB0];
	v17 =	vmin.f32 v17, v40  }
0x339: {  	v44 =	vld [tilespmem:s19+$0x2FC0];
	v17 =	vmin.f32 v17, v18  }
0x33a: {  	v45 =	vld [tilespmem:s19+$0x30D0];
	v17 =	vmin.f32 v17, v21  }
0x33b: {  	v46 =	vld [tilespmem:s19+$0x31E0];
	v17 =	vmin.f32 v17, v22  }
0x33c: {  	v47 =	vld [tilespmem:s19+$0x1420];
	v17 =	vmin.f32 v17, v23  }
0x33d: {  	v48 =	vld [tilespmem:s19+$0x1310];
	v17 =	vmin.f32 v17, v41  }
0x33e: {  	v49 =	vld [tilespmem:s19+$0x1530];
	v17 =	vmin.f32 v17, v42  }
0x33f: {  	v50 =	vld [tilespmem:s19+$0x1640];
	v17 =	vmin.f32 v17, v43  }
0x340: {  	v51 =	vld [tilespmem:s19+$0x1750];
	v17 =	vmin.f32 v17, v44  }
0x341: {  	v52 =	vld [tilespmem:s19+$0x1860];
	v17 =	vmin.f32 v17, v45  }
0x342: {  	v53 =	vld [tilespmem:s19+$0x1970];
	v19 =	vmax.f32 v48, v47;
	v17 =	vmin.f32 v17, v46  }
0x343: {  	v54 =	vld [tilespmem:s19+$0x1A80];
	v18 =	vmax.f32 v19, v49;
	v16 =	vmin.f32 v17, v16  }
0x344: {  	v55 =	vld [tilespmem:s1+$0x1B90];
	v18 =	vmax.f32 v18, v50;
	v15 =	vmin.f32 v16, v15  }
0x345: {  	v57 =	vld [tilespmem:s19+$0x1CA0];
	v56 =	vmax.f32 v18, v51;
	v14 =	vmin.f32 v15, v14  }
0x346: {  	v58 =	vld [tilespmem:s19+$0x1DB0];
	[tilespmem:s19+$0x2520] =	vst v14;
	v14 =	vmax.f32 v56, v52  }
0x347: {  	v59 =	vld [tilespmem:s19+$0x1EC0];
	v14 =	vmax.f32 v14, v53  }
0x348: {  	v60 =	vld [tilespmem:s19+$0x1FD0];
	v14 =	vmax.f32 v14, v54  }
0x349: {  	v61 =	vld [tilespmem:s19+$0x20E0];
	v14 =	vmax.f32 v14, v55  }
0x34a: {  	v62 =	vld [tilespmem:s19+$0x21F0];
	v14 =	vmax.f32 v14, v57  }
0x34b: {  	v63 =	vld [tilespmem:s19+$0x2300];
	v14 =	vmax.f32 v14, v58  }
0x34c: {  	v14 =	vmax.f32 v14, v59  }
0x34d: {  	v14 =	vmax.f32 v14, v60  }
0x34e: {  	v14 =	vmax.f32 v14, v61  }
0x34f: {  	v14 =	vmax.f32 v14, v62  }
0x350: {  	v14 =	vmax.f32 v14, v63  }
0x351: {  	[tilespmem:s19+$0x1310] =	vst v14  }
0x352: {  	[tilespmem:$0x3BE0] =	vst v13  }
0x353: {  	[tilespmem:$0x3BF0] =	vst v12  }
0x354: {  	[spmem:s13] =	stream.linear.scatter [tilespmem:s0], [sflag:$0x2], $0x110, $0x38;
	[tilespmem:$0x5C80] =	vst v63  }
0x355: {  	_ =	swait.ge [sflag:s23], $0x110  }
0x356: {  	[sflag:s23] =	ssyncset.done $0x0  }
0x357: {  	[sflag:s23] =	ssyncadd.s32 $0xFFFFFEF0  }
0x358: {  	[spmem:s14] =	stream.linear.scatter [tilespmem:s18], [sflag:$0x2], $0x110, $0x38;
	[tilespmem:$0x5C80] =	vst v63  }
0x359: {  	s28 =	stileid.u32;
	_ =	swait.ge [sflag:s23], $0x110  }
0x35a: {  	s1 =	sor.u32 $0x8, s28;
	[sflag:s23] =	ssyncset.done $0x0  }
0x35b: {  	s22 =	simm.s32 $0x3BE0;
	p1 =	seq.s32 s1, $0x8;
	[sflag:s23] =	ssyncadd.s32 $0xFFFFFEF0  }
0x35c: {  	[spmem:s15] =	stream.linear.scatter [tilespmem:s22], [sflag:$0x2], $0x20, $0x38;
	[tilespmem:$0x5C80] =	vst v63  }
.Ltmp15:
0x35d: {  	_ =	swait.ge [sflag:s23], $0x20;
	(pc) =	sbr.rel @!p1 .LBB2_29-.Ltmp15, $3  }
0x35e: {  	[sflag:s23] =	ssyncset.done $0x0  }
0x35f: {  	[sflag:s23] =	ssyncadd.s32 $0xFFFFFFE0  }
0x360: {  	[bflag:$0x0] =	sbarrier.arrive $0xFFFF;
	_ =	sdelay $0x1  }
0x361: {  	[tilespmem:s26], [sflag:$0x2] =	stream.linear.gather [spmem:s13], $0x880, $0x38;
	[tilespmem:$0x5C80] =	vst v63  }
0x362: {  	_ =	swait.ge [sflag:s23], $0x880  }
0x363: {  	[sflag:s23] =	ssyncset.done $0x0  }
0x364: {  	s19 =	simm.s32 $0x0;
	[sflag:s23] =	ssyncadd.s32 $0xFFFFF780  }
0x365: {  	v12 =	vld [tilespmem:s19+$0x100]  }
0x366: {  	v15 =	vld [tilespmem:s19+$0x210]  }
0x367: {  	v16 =	vld [tilespmem:s19+$0x320]  }
0x368: {  	v17 =	vld [tilespmem:s19+$0x430]  }
0x369: {  	v14 =	vld [tilespmem:s19+$0x540]  }
0x36a: {  	v13 =	vld [tilespmem:s19+$0x650]  }
0x36b: {  	v12 =	vmax.f32 v12, v15;
	v15 =	vld [tilespmem:s19+$0x760]  }
0x36c: {  	s21 =	simm.s32 $0x10;
	v18 =	vmax.f32 v12, v16;
	v16 =	vld [tilespmem:s19+$0x870]  }
0x36d: {  	s22 =	simm.s32 $0x80;
	v12 =	vld [tilespmem:s21+$0x100];
	v17 =	vmax.f32 v18, v17  }
.LBB2_21:
0x36e: {  	p1 =	sne.s32 s22, $0x400;
	v18 =	vld [tilespmem:s21+$0x210];
	v14 =	vmax.f32 v17, v14  }
0x36f: {  	v17 =	vld [tilespmem:s21+$0x320];
	v13 =	vmax.f32 v14, v13  }
0x370: {  	v19 =	vld [tilespmem:s21+$0x430];
	v13 =	vmax.f32 v13, v15  }
.Ltmp16:
0x371: {  	v14 =	vld [tilespmem:s21+$0x540];
	v15 =	vmax.f32 v13, v16;
	(pc) =	sbr.rel @p1 .LBB2_21-.Ltmp16, $4  }
0x372: {  	v13 =	vld [tilespmem:s21+$0x650];
	[tilespmem:s19+$0x1310] =	vst v15;
	s19 =	smov.u32 s21  }
0x373: {  	v12 =	vmax.f32 v12, v18;
	v15 =	vld [tilespmem:s19+$0x760]  }
0x374: {  	s21 =	sshra.s32 s22, $0x2;
	v17 =	vmax.f32 v12, v17;
	v16 =	vld [tilespmem:s19+$0x870]  }
0x375: {  	s22 =	sadd.s32 $0x40, s22;
	v12 =	vld [tilespmem:s21+$0x100];
	v17 =	vmax.f32 v17, v19  }
0x376: {  	v18 =	vld [tilespmem:s21+$0x210];
	v14 =	vmax.f32 v17, v14  }
0x377: {  	v17 =	vld [tilespmem:s21+$0x320];
	v13 =	vmax.f32 v14, v13  }
0x378: {  	v14 =	vld [tilespmem:s21+$0x430];
	v13 =	vmax.f32 v13, v15  }
0x379: {  	v15 =	vld [tilespmem:s21+$0x540];
	v13 =	vmax.f32 v13, v16  }
0x37a: {  	v16 =	vld [tilespmem:s21+$0x650];
	[tilespmem:s19+$0x1310] =	vst v13  }
0x37b: {  	v12 =	vmax.f32 v12, v18;
	v13 =	vld [tilespmem:s21+$0x760]  }
0x37c: {  	v12 =	vmax.f32 v12, v17;
	v17 =	vld [tilespmem:s21+$0x870]  }
0x37d: {  	v12 =	vmax.f32 v12, v14  }
0x37e: {  	v12 =	vmax.f32 v12, v15  }
0x37f: {  	v12 =	vmax.f32 v12, v16  }
0x380: {  	v12 =	vmax.f32 v12, v13  }
0x381: {  	v12 =	vmax.f32 v12, v17  }
0x382: {  	[tilespmem:s21+$0x1310] =	vst v12  }
0x383: {  	[tilespmem:s26], [sflag:$0x2] =	stream.linear.gather [spmem:s14], $0x880, $0x38;
	[tilespmem:$0x5C80] =	vst v63  }
0x384: {  	_ =	swait.ge [sflag:s23], $0x880  }
0x385: {  	[sflag:s23] =	ssyncset.done $0x0  }
0x386: {  	s19 =	simm.s32 $0x0;
	[sflag:s23] =	ssyncadd.s32 $0xFFFFF780  }
0x387: {  	v12 =	vld [tilespmem:s19+$0x100]  }
0x388: {  	v15 =	vld [tilespmem:s19+$0x210]  }
0x389: {  	v16 =	vld [tilespmem:s19+$0x320]  }
0x38a: {  	v17 =	vld [tilespmem:s19+$0x430]  }
0x38b: {  	v14 =	vld [tilespmem:s19+$0x540]  }
0x38c: {  	v13 =	vld [tilespmem:s19+$0x650]  }
0x38d: {  	v12 =	vmin.f32 v12, v15;
	v15 =	vld [tilespmem:s19+$0x760]  }
0x38e: {  	s21 =	simm.s32 $0x10;
	v18 =	vmin.f32 v12, v16;
	v16 =	vld [tilespmem:s19+$0x870]  }
0x38f: {  	s22 =	simm.s32 $0x80;
	v12 =	vld [tilespmem:s21+$0x100];
	v17 =	vmin.f32 v18, v17  }
.LBB2_23:
0x390: {  	p1 =	sne.s32 s22, $0x400;
	v18 =	vld [tilespmem:s21+$0x210];
	v14 =	vmin.f32 v17, v14  }
0x391: {  	v17 =	vld [tilespmem:s21+$0x320];
	v13 =	vmin.f32 v14, v13  }
0x392: {  	v19 =	vld [tilespmem:s21+$0x430];
	v13 =	vmin.f32 v13, v15  }
.Ltmp17:
0x393: {  	v14 =	vld [tilespmem:s21+$0x540];
	v15 =	vmin.f32 v13, v16;
	(pc) =	sbr.rel @p1 .LBB2_23-.Ltmp17, $4  }
0x394: {  	v13 =	vld [tilespmem:s21+$0x650];
	[tilespmem:s19+$0x2520] =	vst v15;
	s19 =	smov.u32 s21  }
0x395: {  	v12 =	vmin.f32 v12, v18;
	v15 =	vld [tilespmem:s19+$0x760]  }
0x396: {  	s21 =	sshra.s32 s22, $0x2;
	v17 =	vmin.f32 v12, v17;
	v16 =	vld [tilespmem:s19+$0x870]  }
0x397: {  	s22 =	sadd.s32 $0x40, s22;
	v12 =	vld [tilespmem:s21+$0x100];
	v17 =	vmin.f32 v17, v19  }
0x398: {  	v18 =	vld [tilespmem:s21+$0x210];
	v14 =	vmin.f32 v17, v14  }
0x399: {  	v17 =	vld [tilespmem:s21+$0x320];
	v13 =	vmin.f32 v14, v13  }
0x39a: {  	v14 =	vld [tilespmem:s21+$0x430];
	v13 =	vmin.f32 v13, v15  }
0x39b: {  	v15 =	vld [tilespmem:s21+$0x540];
	v13 =	vmin.f32 v13, v16  }
0x39c: {  	v16 =	vld [tilespmem:s21+$0x650];
	[tilespmem:s19+$0x2520] =	vst v13  }
0x39d: {  	v12 =	vmin.f32 v12, v18;
	v13 =	vld [tilespmem:s21+$0x760]  }
0x39e: {  	v12 =	vmin.f32 v12, v17;
	v17 =	vld [tilespmem:s21+$0x870]  }
0x39f: {  	v12 =	vmin.f32 v12, v14  }
0x3a0: {  	v12 =	vmin.f32 v12, v15  }
0x3a1: {  	v12 =	vmin.f32 v12, v16  }
0x3a2: {  	v12 =	vmin.f32 v12, v13  }
0x3a3: {  	v12 =	vmin.f32 v12, v17  }
0x3a4: {  	[tilespmem:s21+$0x2520] =	vst v12  }
0x3a5: {  	[tilespmem:s26], [sflag:$0x2] =	stream.linear.gather [spmem:s15], $0x100, $0x38;
	[tilespmem:$0x5C80] =	vst v63  }
0x3a6: {  	_ =	swait.ge [sflag:s23], $0x100  }
0x3a7: {  	[sflag:s23] =	ssyncset.done $0x0  }
0x3a8: {  	s19 =	simm.s32 $0x0;
	[sflag:s23] =	ssyncadd.s32 $0xFFFFFF00  }
0x3a9: {  	v12 =	vld [tilespmem:s19+$0x1310];
	_ =	sdelay $0x2  }
0x3aa: {  	v24 =	vld [tilespmem:$0x100]  }
0x3ab: {  	v23 =	vld [tilespmem:$0x110]  }
0x3ac: {  	v27 =	vld [tilespmem:$0x120];
	(xrf0) =	vmax.scan.msk.f32 $0xffff, v12  }
0x3ad: {  	v26 =	vld [tilespmem:$0x130]  }
0x3ae: {  	v25 =	vld [tilespmem:$0x140]  }
0x3af: {  	v22 =	vld [tilespmem:$0x150]  }
0x3b0: {  	s21 =	simm.s32 $0x10;
	v21 =	vld [tilespmem:$0x160]  }
0x3b1: {  	v29 =	vld [tilespmem:s21+$0x1310]  }
0x3b2: {  	v13 =	vimm.f32 $-3.000000010e+38;
	v20 =	vld [tilespmem:$0x170];
	v16, _, _ =	vpop (xrf0)  }
0x3b3: {  	v15 =	vld [tilespmem:$0x180];
	v28 =	vmax.f32 v16, v13  }
0x3b4: {  	v14 =	vld [tilespmem:$0x1A0];
	(xrf0) =	vmax.scan.msk.f32 $0xffff, v28  }
0x3b5: {  	v19 =	vld [tilespmem:$0x1C0]  }
0x3b6: {  	v17 =	vld [tilespmem:$0x1E0];
	(xrf0) =	vmax.scan.msk.f32 $0xffff, v29  }
0x3b7: {  	v18 =	vld [tilespmem:$0x1F0]  }
0x3b8: {  	v12 =	vld [tilespmem:$0x190]  }
0x3b9: {  	v13 =	vld [tilespmem:$0x1B0]  }
0x3ba: {  	s22 =	simm.s32 $0x20;
	s28 =	simm.s32 $0xC0;
	v16 =	vld [tilespmem:$0x1D0];
	[tilespmem:s19+$0x0] =	vst v28;
	v28, _, _ =	vpop (xrf0)  }
.LBB2_25:
0x3bb: {  	p1 =	sne.s32 s28, $0x3C0;
	v29 =	vld [tilespmem:s22+$0x1310];
	v28 =	vbroadcast v28, $0xF  }
0x3bc: {  	v30, _, _ =	vpop (xrf0)  }
0x3bd: {  	v28 =	vmax.f32 v30, v28  }
0x3be: {  	[tilespmem:s21+$0x0] =	vst v28;
	(xrf0) =	vmax.scan.msk.f32 $0xffff, v28;
	s21 =	smov.u32 s22;
	_ =	sdelay $0x1  }
.Ltmp18:
0x3bf: {  	(xrf0) =	vmax.scan.msk.f32 $0xffff, v29;
	(pc) =	sbr.rel @p1 .LBB2_25-.Ltmp18, $2  }
0x3c0: {  	_ =	sdelay $0x2  }
0x3c1: {  	s22 =	sshra.s32 s28, $0x2;
	s28 =	sadd.s32 $0x40, s28;
	v28, _, _ =	vpop (xrf0)  }
0x3c2: {  	v29 =	vld [tilespmem:s22+$0x1310];
	v28 =	vbroadcast v28, $0xF  }
0x3c3: {  	v30, _, _ =	vpop (xrf0)  }
0x3c4: {  	v28 =	vmax.f32 v30, v28  }
0x3c5: {  	(xrf0) =	vmax.scan.msk.f32 $0xffff, v28;
	_ =	sdelay $0x1  }
0x3c6: {  	(xrf0) =	vmax.scan.msk.f32 $0xffff, v29;
	_ =	sdelay $0x3  }
0x3c7: {  	v29, _, _ =	vpop (xrf0)  }
0x3c8: {  	v29 =	vbroadcast v29, $0xF  }
0x3c9: {  	v30, _, _ =	vpop (xrf0)  }
0x3ca: {  	[tilespmem:s21+$0x0] =	vst v28;
	v28 =	vmax.f32 v30, v29  }
0x3cb: {  	[tilespmem:s22+$0x0] =	vst v28  }
0x3cc: {  	v30 =	vld [tilespmem:s19+$0x2611];
	_ =	sdelay $0x3  }
0x3cd: {  	v29 =	vadd.s32 $0xF, v2  }
0x3ce: {  	v30 =	vperm.xlane v30, v29;
	_ =	sdelay $0x1  }
0x3cf: {  	v30 =	vsub.f32 $0.0e+00, v30  }
0x3d0: {  	(xrf0) =	vmax.scan.msk.f32 $0xffff, v28  }
0x3d1: {  	(xrf0) =	vmax.scan.msk.f32 $0xffff, v30  }
0x3d2: {  	s1 =	simm.s32 $0xFFFFFFF0  }
0x3d3: {  	v28 =	vld [tilespmem:s1+$0x2611]  }
0x3d4: {  	v31 =	vld [tilespmem:s19+$0xCF0]  }
0x3d5: {  	v32 =	vld [tilespmem:s19+$0xF0]  }
0x3d6: {  	v33 =	vld [tilespmem:s1+$0xF0];
	v34, _, _ =	vpop (xrf0)  }
0x3d7: {  	v30 =	vld [tilespmem:s1+$0xCF0];
	v34, _, _ =	vpop (xrf0)  }
0x3d8: {  	v28 =	vperm.xlane v28, v29;
	v34 =	vperm.xlane v34, v29;
	_ =	sdelay $0x1  }
0x3d9: {  	v37 =	vsub.f32 $0.0e+00, v28  }
0x3da: {  	v35 =	vimm.f32 $3.000000010e+38;
	v36 =	vsub.f32 $0.0e+00, v34  }
0x3db: {  	s21 =	simm.s32 $0xFFFFFFE0;
	s19 =	simm.s32 $0xFFFFFF40;
	v32 =	vsub.f32 v31, v32;
	v28 =	vimm.f32 $0.0e+00;
	(xrf0) =	vmax.scan.msk.f32 $0xffff, v37;
	v33 =	vsub.f32 v30, v33;
	v34 =	vmovc v29  }
.LBB2_27:
0x3dc: {  	p1 =	sne.s32 s19, $0xFFFFFC40;
	v37 =	vld [tilespmem:s21+$0x2611];
	v35 =	vmin.f32 v36, v35  }
0x3dd: {  	v36 =	vsub.f32 v35, v31;
	(xrf0) =	vmin.scan.msk.f32 $0xffff, v35;
	v31 =	vmov v30;
	v30 =	vld [tilespmem:s21+$0xCF0]  }
0x3de: {  	v35 =	vld [tilespmem:s21+$0xF0]  }
0x3df: {  	v36 =	vmin.f32 v32, v36;
	v32 =	vmov v33  }
0x3e0: {  	v33 =	vmul.f32 v36, v36  }
.Ltmp19:
0x3e1: {  	v36 =	vperm.xlane v37, v29;
	v37, _, _ =	vpop (xrf0);
	(pc) =	sbr.rel @p1 .LBB2_27-.Ltmp19, $4  }
0x3e2: {  	v37 =	vperm.xlane v37, v34;
	v28 =	vadd.f32 v33, v28;
	v34 =	vmov v29  }
0x3e3: {  	v38 =	vsub.f32 $0.0e+00, v36;
	v33 =	vsub.f32 v30, v35;
	v35, _, _ =	vpop (xrf0)  }
0x3e4: {  	v36 =	vsub.f32 $0.0e+00, v37;
	v35 =	vbroadcast v35, $0xF  }
0x3e5: {  	s21 =	sshra.s32 s19, $0x2;
	s19 =	sadd.s32 $0xFFFFFFC0, s19;
	(xrf0) =	vmax.scan.msk.f32 $0xffff, v38  }
0x3e6: {  	v37 =	vld [tilespmem:s21+$0x2611];
	v35 =	vmin.f32 v36, v35  }
0x3e7: {  	(xrf0) =	vmin.scan.msk.f32 $0xffff, v35;
	_ =	sdelay $0x3  }
0x3e8: {  	v40 =	vperm.xlane v37, v29;
	v41, _, _ =	vpop (xrf0)  }
0x3e9: {  	v34 =	vperm.xlane v41, v34  }
0x3ea: {  	v36 =	vsub.f32 $0.0e+00, v40;
	v42, _, _ =	vpop (xrf0)  }
0x3eb: {  	v34 =	vsub.f32 $0.0e+00, v34;
	v37 =	vbroadcast v42, $0xF  }
0x3ec: {  	(xrf0) =	vmax.scan.msk.f32 $0xffff, v36  }
0x3ed: {  	v34 =	vmin.f32 v34, v37  }
0x3ee: {  	(xrf0) =	vmin.scan.msk.f32 $0xffff, v34;
	_ =	sdelay $0x2  }
0x3ef: {  	v43 =	vld [tilespmem:s21+$0xCF0]  }
0x3f0: {  	v44 =	vld [tilespmem:s21+$0xF0];
	v24 =	vadd.f32 v27, v24;
	v23 =	vadd.f32 v26, v23;
	v45, _, _ =	vpop (xrf0)  }
0x3f1: {  	v31 =	vsub.f32 v35, v31;
	v46 =	vperm.xlane v45, v29  }
0x3f2: {  	v24 =	vadd.f32 v25, v24;
	v22 =	vadd.f32 v22, v23;
	v48, _, _ =	vpop (xrf0)  }
0x3f3: {  	v47 =	vmin.f32 v32, v31;
	v49 =	vsub.f32 $0.0e+00, v46;
	v50 =	vbroadcast v48, $0xF  }
0x3f4: {  	v51 =	vmul.f32 v47, v47;
	v21 =	vadd.f32 v21, v24;
	v52 =	vsub.f32 v34, v30  }
0x3f5: {  	v20 =	vadd.f32 v20, v22;
	v53 =	vsub.f32 v43, v44;
	v25 =	vmin.f32 v49, v50  }
0x3f6: {  	v15 =	vadd.f32 v15, v21;
	v54 =	vmin.f32 v33, v52;
	v55 =	vsub.f32 v25, v43  }
0x3f7: {  	v56 =	vadd.f32 v51, v28;
	v12 =	vadd.f32 v12, v20;
	v22 =	vmul.f32 v54, v54  }
0x3f8: {  	v14 =	vadd.f32 v14, v15;
	v57 =	vmin.f32 v53, v55  }
0x3f9: {  	v12 =	vadd.f32 v13, v12;
	v58 =	vadd.f32 v22, v56;
	v20 =	vmul.f32 v57, v57  }
0x3fa: {  	v59 =	vadd.f32 v19, v14  }
0x3fb: {  	v12 =	vadd.f32 v16, v12;
	v60 =	vadd.f32 v20, v58  }
0x3fc: {  	v13 =	vadd.f32 v17, v59  }
0x3fd: {  	v12 =	vadd.f32 v18, v12;
	(xrf2) =	vadd.scan.msk.f32 $0xffff, v60  }
0x3fe: {  	(xrf2) =	vadd.scan.msk.f32 $0xffff, v13  }
0x3ff: {  	(xrf2) =	vadd.scan.msk.f32 $0xffff, v12;
	_ =	sdelay $0x7  }
0x400: {  	v61, _, _ =	vpop (xrf2)  }
0x401: {  	v13, _, _ =	vpop (xrf2)  }
0x402: {  	v62, _, _ =	vpop (xrf2)  }
0x403: {  	v14 =	vbroadcast v62, $0xF;
	_ =	sdelay $0x1  }
0x404: {  	(erf) = vrcp.f32 v14;
	_ =	sdelay $0x7  }
0x405: {  	v12 =	vmul.f32 $3.906250000e-03, v61;
	v13 =	vbroadcast v13, $0xF  }
0x406: {  	v14 =	vpop (erf)  }
0x407: {  	v12 =	vbroadcast v12, $0xF;
	v13 =	vmul.f32 v14, v13;
	_ =	sdelay $0x1  }
0x408: {  	(xrf0) =	vmin.scan.msk.f32 $0xffff, v25;
	v12 =	vadd.f32 v12, v13;
	_ =	sdelay $0x1  }
0x409: {  	v12 =	vmul.f32 $2.500000000e-01, v12  }
0x40a: {  	vm0 =	vmmov $0x1  }
0x40b: {  	v12 =	vnsel vm0, $0x0, v12  }
.Ltmp20:
0x40c: {  	s1 =	simm.s32 $0x3620;
	[tilespmem:$0x3620] =	vst v12;
	(pc) =	sbr.rel .LBB2_29-.Ltmp20, $4  }
0x40d: {  	v63, _, _ =	vpop (xrf0);
	[hbm4b:s16+s3] =	stream.linear.scatter [tilespmem:s1], [sflag:$0x2], $0x10, $0x38;
	[tilespmem:$0x5C80] =	vst v63  }
0x40e: {  	_ =	swait.ge [sflag:s23], $0x10  }
0x40f: {  	[sflag:s23] =	ssyncset.done $0x0  }
0x410: {  	[sflag:s23] =	ssyncadd.s32 $0xFFFFFFF0  }
.LBB2_30:
0x411: {  	_ =	sfence.sel $0x180000  }
0x412: {  	[bflag:$0x0] =	sbarrier.arrive $0xFFFF  }
0x413: {  	_ =	strace $0x90000047  }
0x414: {  	s0 =	stileid.u32;
	[bflag:$0x2] =	sbarrier.arrive $0xFFFF  }
0x415: {  	p0 =	sne.s32 s0, $0x0;
	s0 =	rddreg [dreg:$0x8]  }
0x416: {  	s0 =	sadd.s32 @!p0 $0x100000, s0  }
0x417: {  	[sflag:s0] =	ssyncadd.tile.s32 @!p0 $0x1;
	_ =	shalt  }
.Lfunc_end2:
_tile_overlayer_lowered:
.L_overlay_start_2:
0x418: {  	(tag) =	ssettag $0x2  }
0x419: {  	s0 =	rddreg [dreg:$0x0];
	s2 =	stileid.u32  }
0x41a: {  	s1 =	rddreg [dreg:$0x1];
	p0 =	sne.s32 s2, $0x0  }
0x41b: {  	s3 =	rddreg [dreg:$0x2];
	[bflag:$0x3] =	sbarrier.arrive $0xFFFF;
	s2 =	simm.s32 @!p0 $0x1C02  }
0x41c: {  	[timem:s3], [sflag:s2] =	dma.local @!p0 [hbm:s0], s1  }
0x41d: {  	s0 =	simm.s32 @!p0 $0x2  }
0x41e: {  	_ =	swait.ge @!p0 [sflag:s0], s1  }
0x41f: {  	s1 =	ssub.s32 @!p0 $0x0, s1;
	[sflag:s0] =	ssyncset.done @!p0 $0x0  }
0x420: {  	[sflag:s0] =	ssyncadd.s32 @!p0 s1  }
0x421: {  	[bflag:$0x3] =	sbarrier.arrive $0xFFFF  }
0x422: {  	_ =	shalt  }

</sc_bundles>
